<compile_context>
chip_gen: v7x
topology: tpu7x:2x2x1
jax: 0.10.2.dev20260603
libtpu: 0.0.44.dev20260713+nightly
codegen_flags: <defaults>
</compile_context>

<pallas_src>
import functools

import jax
import jax.numpy as jnp
from jax import lax
from jax.experimental import pallas as pl
from jax.experimental.pallas import tpu as pltpu
from jax.experimental.pallas import tpu_sc as plsc

_NC = 2
_NS = 16
_NW = _NC * _NS

_TC = 256
_IDX_MINOR = 128


def _sc_embed_lora(x1d, w128, a_t, bt1d, n_tokens, embed_dim, rank):
  tokens_per_worker = n_tokens // _NW
  chunks = tokens_per_worker // _TC
  groups = _TC // _IDX_MINOR
  jblocks = embed_dim // 16
  tgroups = _TC // 16

  mesh = plsc.VectorSubcoreMesh(
      core_axis_name="c", subcore_axis_name="s",
      num_cores=_NC, num_subcores=_NS)

  @functools.partial(
      pl.kernel,
      out_type=jax.ShapeDtypeStruct((n_tokens, embed_dim), jnp.float32),
      mesh=mesh,
      compiler_params=pltpu.CompilerParams(use_tc_tiling_on_sc=False,
                                           needs_layout_passes=False),
      scratch_types=[
          pltpu.VMEM((2, _TC), jnp.int32),
          pltpu.VMEM((2, _TC), jnp.int32),
          pltpu.VMEM((2, _TC, 2 * embed_dim), jnp.float32),
          pltpu.VMEM((2, _TC, rank), jnp.float32),
          pltpu.VMEM((2, _TC, embed_dim), jnp.float32),
          pltpu.VMEM((rank * embed_dim,), jnp.bfloat16),
          pltpu.SemaphoreType.DMA((2,)),
          pltpu.SemaphoreType.DMA((2,)),
      ],
  )
  def k(x_hbm, w_hbm, at_hbm, bt_hbm, out_hbm,
        idx_v, idxw_v, base_v, a_v, out_v, bt_v, gsem, osem):
    wid = lax.axis_index("s") * _NC + lax.axis_index("c")
    pltpu.sync_copy(bt_hbm, bt_v)
    worker_tok0 = wid * tokens_per_worker

    def gather_parts(c, b):
      tok0 = pl.multiple_of(worker_tok0 + c * _TC, _TC)
      parts = []
      for g in range(groups):
        sl = pl.ds(g * _IDX_MINOR, _IDX_MINOR)
        parts.append((w_hbm.at[idxw_v.at[b].at[sl]],
                      base_v.at[b].at[sl], gsem.at[b]))
        parts.append((at_hbm.at[idx_v.at[b].at[sl]],
                      a_v.at[b].at[sl], gsem.at[b]))
      return tok0, parts

    def fire(c, b):
      tok0 = pl.multiple_of(worker_tok0 + c * _TC, _TC)
      pltpu.sync_copy(x_hbm.at[pl.ds(tok0, _TC)], idx_v.at[b])
      for i in range(_TC // 16):
        v = idx_v[b, pl.ds(i * 16, 16)]
        idxw_v[b, pl.ds(i * 16, 16)] = v >> 1
      _, parts = gather_parts(c, b)
      for src, dst, sem in parts:
        pltpu.async_copy(src, dst, sem)

    def wait_gathers(c, b):
      _, parts = gather_parts(c, b)
      for src, dst, sem in parts:
        pltpu.make_async_copy(src, dst, sem).wait()

    hblocks = embed_dim // 32
    btv = [[bt_v[pl.ds((r * hblocks + h) * 32, 32)] for h in range(hblocks)]
           for r in range(rank)]

    def compute(b):
      def grp(g, carry):
        parg = (idx_v[b, pl.ds(g * 16, 16)] & 1) * embed_dim
        for kk in range(16):
          t = g * 16 + kk
          paroff = parg[kk]
          av = a_v[b, t, :]

          def bf_splat(s):
            v16 = jnp.full((16,), s, dtype=jnp.float32)
            return plsc.pack(v16, v16, format=plsc.PackFormat.INTERLEAVED)

          acc = [bf_splat(av[0]) * btv[0][h] for h in range(hblocks)]
          for r in range(1, rank):
            a = bf_splat(av[r])
            for h in range(hblocks):
              acc[h] = acc[h] + a * btv[r][h]
          for h in range(hblocks):
            lo, hi = plsc.unpack(acc[h], format=plsc.PackFormat.INTERLEAVED)
            j0 = 2 * h
            out_v[b, t, pl.ds(j0 * 16, 16)] = (
                base_v[b, t, pl.ds(paroff + j0 * 16, 16)] + lo)
            out_v[b, t, pl.ds((j0 + 1) * 16, 16)] = (
                base_v[b, t, pl.ds(paroff + (j0 + 1) * 16, 16)] + hi)
        return carry

      lax.fori_loop(0, tgroups, grp, 0, unroll=False)

    def out_slice(c):
      tok0 = pl.multiple_of(worker_tok0 + c * _TC, _TC)
      return out_hbm.at[pl.ds(tok0, _TC)]

    fire(0, 0)

    def chunk_body(c, carry):
      b = lax.rem(c, 2)
      nb = 1 - b
      nc = jnp.minimum(c + 1, chunks - 1)
      fire(nc, nb)
      wait_gathers(c, b)

      @pl.when(c >= 2)
      def _():
        pltpu.make_async_copy(out_v.at[b], out_slice(c - 2), osem.at[b]).wait()

      compute(b)
      pltpu.async_copy(out_v.at[b], out_slice(c), osem.at[b])
      return carry

    lax.fori_loop(0, chunks, chunk_body, 0, unroll=False)

    wait_gathers(chunks - 1, chunks % 2)
    pltpu.make_async_copy(
        out_v.at[(chunks - 2) % 2], out_slice(chunks - 2),
        osem.at[(chunks - 2) % 2]).wait()
    pltpu.make_async_copy(
        out_v.at[(chunks - 1) % 2], out_slice(chunks - 1),
        osem.at[(chunks - 1) % 2]).wait()

  return k(x1d, w128, a_t, bt1d)


def kernel(x, W_base, A, B):
  batch, seq = x.shape
  vocab, embed_dim = W_base.shape
  rank = A.shape[0]
  n_tokens = batch * seq

  x1d = x.reshape(n_tokens).astype(jnp.int32)
  w128 = W_base.reshape(vocab // 2, 2 * embed_dim)
  a_t = A.T
  bt1d = (B.T.reshape(rank, embed_dim // 32, 2, 16)
          .transpose(0, 1, 3, 2)
          .reshape(rank * embed_dim)
          .astype(jnp.bfloat16))

  out = _sc_embed_lora(x1d, w128, a_t, bt1d, n_tokens, embed_dim, rank)
  return out.reshape(batch, seq, embed_dim)

# --- scband reference (transcript-rebuilt; emitter-appended) ---
"""Pipeline reference for scband-vocab-embedding-with-lo-ra-45260365365950 (READ-ONLY COPY).

The authoritative reference and input builder live on the scoring server;
editing this copy changes nothing except your own understanding.
"""

import jax, jax.numpy as jnp
import numpy as np

VOCAB = 1000000
EMBED_DIM = 64
RANK = 16
BATCH = 16384
SEQ = 20

def setup_inputs(seed: int = 0) -> dict:
    key = jax.random.key(seed)
    k1, k2, k3, k4 = jax.random.split(key, 4)
    x = jax.random.randint(k1, (BATCH, SEQ), 0, VOCAB, dtype=jnp.int64 if jax.config.jax_enable_x64 else jnp.int32)
    W_base = jax.random.normal(k2, (VOCAB, EMBED_DIM), dtype=jnp.float32) * 0.02
    A = jax.random.normal(k3, (RANK, VOCAB), dtype=jnp.float32) * 0.02
    B = jax.random.normal(k4, (EMBED_DIM, RANK), dtype=jnp.float32) * 0.02
    return {"x": x, "W_base": W_base, "A": A, "B": B}

def reference(x, W_base, A, B):
    # base embedding lookup: gather rows of W_base
    base_out = jnp.take(W_base, x, axis=0)                 # [B, S, EMBED_DIM]
    # LoRA path: F.embedding(x, A.T) == gather rows of A.T -> [B, S, RANK]
    lora_A_out = jnp.take(A.T, x, axis=0)                  # [B, S, RANK]
    # F.linear(lora_A_out, B) == lora_A_out @ B.T -> [B, S, EMBED_DIM]
    lora_out = lora_A_out @ B.T
    final_output = base_out + lora_out
    return final_output

if __name__ == "__main__":
    import jax
    _d = setup_inputs()
    print(jax.jit(kernel)(*tuple(_d.values())))

</pallas_src>

<mosaic_0001>
#map = affine_map<(d0, d1) -> (0)>
#map1 = affine_map<(d0, d1) -> (0, 0)>
module attributes {stable_mosaic.version = 14 : i64} {
  func.func @k(%arg0: i32, %arg1: i32, %arg2: memref<327680xi32, #tpu.memory_space<hbm>>, %arg3: memref<500000x128xf32, #tpu.memory_space<hbm>>, %arg4: memref<1000000x16xf32, #tpu.memory_space<hbm>>, %arg5: memref<1024xbf16, #tpu.memory_space<hbm>>, %arg6: memref<327680x64xf32, #tpu.memory_space<hbm>>, %arg7: memref<2x256xi32, #tpu.memory_space<vmem>>, %arg8: memref<2x256xi32, #tpu.memory_space<vmem>>, %arg9: memref<2x256x128xf32, #tpu.memory_space<vmem>>, %arg10: memref<2x256x16xf32, #tpu.memory_space<vmem>>, %arg11: memref<2x256x64xf32, #tpu.memory_space<vmem>>, %arg12: memref<1024xbf16, #tpu.memory_space<vmem>>, %arg13: memref<2x!tpu.dma_semaphore, #tpu.memory_space<semaphore_mem>>, %arg14: memref<2x!tpu.dma_semaphore, #tpu.memory_space<semaphore_mem>>) attributes {dimension_semantics = [#tpu.dimension_semantics<core_parallel>, #tpu.dimension_semantics<subcore_parallel>], iteration_bounds = array<i64: 2, 16>, scalar_prefetch = 0 : i64, scratch_operands = 8 : i64, tpu.core_type = #tpu.core_type<sc_vector_subcore>, window_params = [{transform_indices = #map}, {transform_indices = #map1}, {transform_indices = #map1}, {transform_indices = #map}, {transform_indices = #map1}]} {
    %mul3A = arith.constant 2 : i32
    %mul3A_0 = arith.muli %arg1, %mul3A : i32
    %add3A = arith.addi %mul3A_0, %arg0 : i32
    "tpu.region"() ({
      %run_scoped3A_449 = tpu.sem_alloc : memref<!tpu.dma_semaphore, #tpu.memory_space<semaphore_mem>>
      tpu.enqueue_dma source(%arg5 : memref<1024xbf16, #tpu.memory_space<hbm>>) target(%arg12 : memref<1024xbf16, #tpu.memory_space<vmem>>) target_semaphore(%run_scoped3A_449 : memref<!tpu.dma_semaphore, #tpu.memory_space<semaphore_mem>>)
      tpu.wait_dma2 semaphore(%run_scoped3A_449 : memref<!tpu.dma_semaphore, #tpu.memory_space<semaphore_mem>>) src(%arg5 : memref<1024xbf16, #tpu.memory_space<hbm>>) dst(%arg12 : memref<1024xbf16, #tpu.memory_space<vmem>>)
      tpu.yield
    }) : () -> ()
    %mul3A_1 = arith.constant 10240 : i32
    %mul3A_2 = arith.muli %add3A, %mul3A_1 : i32
    %get3A = arith.constant 0 : index
    %get3A_3 = tpu.vector_load %arg12[%get3A] {strides = array<i32>} : memref<1024xbf16, #tpu.memory_space<vmem>>, vector<32xbf16>,
    %get3A_4 = arith.constant 32 : index
    %get3A_5 = tpu.vector_load %arg12[%get3A_4] {strides = array<i32>} : memref<1024xbf16, #tpu.memory_space<vmem>>, vector<32xbf16>,
    %get3A_6 = arith.constant 64 : index
    %get3A_7 = tpu.vector_load %arg12[%get3A_6] {strides = array<i32>} : memref<1024xbf16, #tpu.memory_space<vmem>>, vector<32xbf16>,
    %get3A_8 = arith.constant 96 : index
    %get3A_9 = tpu.vector_load %arg12[%get3A_8] {strides = array<i32>} : memref<1024xbf16, #tpu.memory_space<vmem>>, vector<32xbf16>,
    %get3A_10 = arith.constant 128 : index
    %get3A_11 = tpu.vector_load %arg12[%get3A_10] {strides = array<i32>} : memref<1024xbf16, #tpu.memory_space<vmem>>, vector<32xbf16>,
    %get3A_12 = arith.constant 160 : index
    %get3A_13 = tpu.vector_load %arg12[%get3A_12] {strides = array<i32>} : memref<1024xbf16, #tpu.memory_space<vmem>>, vector<32xbf16>,
    %get3A_14 = arith.constant 192 : index
    %get3A_15 = tpu.vector_load %arg12[%get3A_14] {strides = array<i32>} : memref<1024xbf16, #tpu.memory_space<vmem>>, vector<32xbf16>,
    %get3A_16 = arith.constant 224 : index
    %get3A_17 = tpu.vector_load %arg12[%get3A_16] {strides = array<i32>} : memref<1024xbf16, #tpu.memory_space<vmem>>, vector<32xbf16>,
    %get3A_18 = arith.constant 256 : index
    %get3A_19 = tpu.vector_load %arg12[%get3A_18] {strides = array<i32>} : memref<1024xbf16, #tpu.memory_space<vmem>>, vector<32xbf16>,
    %get3A_20 = arith.constant 288 : index
    %get3A_21 = tpu.vector_load %arg12[%get3A_20] {strides = array<i32>} : memref<1024xbf16, #tpu.memory_space<vmem>>, vector<32xbf16>,
    %get3A_22 = arith.constant 320 : index
    %get3A_23 = tpu.vector_load %arg12[%get3A_22] {strides = array<i32>} : memref<1024xbf16, #tpu.memory_space<vmem>>, vector<32xbf16>,
    %get3A_24 = arith.constant 352 : index
    %get3A_25 = tpu.vector_load %arg12[%get3A_24] {strides = array<i32>} : memref<1024xbf16, #tpu.memory_space<vmem>>, vector<32xbf16>,
    %get3A_26 = arith.constant 384 : index
    %get3A_27 = tpu.vector_load %arg12[%get3A_26] {strides = array<i32>} : memref<1024xbf16, #tpu.memory_space<vmem>>, vector<32xbf16>,
    %get3A_28 = arith.constant 416 : index
    %get3A_29 = tpu.vector_load %arg12[%get3A_28] {strides = array<i32>} : memref<1024xbf16, #tpu.memory_space<vmem>>, vector<32xbf16>,
    %get3A_30 = arith.constant 448 : index
    %get3A_31 = tpu.vector_load %arg12[%get3A_30] {strides = array<i32>} : memref<1024xbf16, #tpu.memory_space<vmem>>, vector<32xbf16>,
    %get3A_32 = arith.constant 480 : index
    %get3A_33 = tpu.vector_load %arg12[%get3A_32] {strides = array<i32>} : memref<1024xbf16, #tpu.memory_space<vmem>>, vector<32xbf16>,
    %get3A_34 = arith.constant 512 : index
    %get3A_35 = tpu.vector_load %arg12[%get3A_34] {strides = array<i32>} : memref<1024xbf16, #tpu.memory_space<vmem>>, vector<32xbf16>,
    %get3A_36 = arith.constant 544 : index
    %get3A_37 = tpu.vector_load %arg12[%get3A_36] {strides = array<i32>} : memref<1024xbf16, #tpu.memory_space<vmem>>, vector<32xbf16>,
    %get3A_38 = arith.constant 576 : index
    %get3A_39 = tpu.vector_load %arg12[%get3A_38] {strides = array<i32>} : memref<1024xbf16, #tpu.memory_space<vmem>>, vector<32xbf16>,
    %get3A_40 = arith.constant 608 : index
    %get3A_41 = tpu.vector_load %arg12[%get3A_40] {strides = array<i32>} : memref<1024xbf16, #tpu.memory_space<vmem>>, vector<32xbf16>,
    %get3A_42 = arith.constant 640 : index
    %get3A_43 = tpu.vector_load %arg12[%get3A_42] {strides = array<i32>} : memref<1024xbf16, #tpu.memory_space<vmem>>, vector<32xbf16>,
    %get3A_44 = arith.constant 672 : index
    %get3A_45 = tpu.vector_load %arg12[%get3A_44] {strides = array<i32>} : memref<1024xbf16, #tpu.memory_space<vmem>>, vector<32xbf16>,
    %get3A_46 = arith.constant 704 : index
    %get3A_47 = tpu.vector_load %arg12[%get3A_46] {strides = array<i32>} : memref<1024xbf16, #tpu.memory_space<vmem>>, vector<32xbf16>,
    %get3A_48 = arith.constant 736 : index
    %get3A_49 = tpu.vector_load %arg12[%get3A_48] {strides = array<i32>} : memref<1024xbf16, #tpu.memory_space<vmem>>, vector<32xbf16>,
    %get3A_50 = arith.constant 768 : index
    %get3A_51 = tpu.vector_load %arg12[%get3A_50] {strides = array<i32>} : memref<1024xbf16, #tpu.memory_space<vmem>>, vector<32xbf16>,
    %get3A_52 = arith.constant 800 : index
    %get3A_53 = tpu.vector_load %arg12[%get3A_52] {strides = array<i32>} : memref<1024xbf16, #tpu.memory_space<vmem>>, vector<32xbf16>,
    %get3A_54 = arith.constant 832 : index
    %get3A_55 = tpu.vector_load %arg12[%get3A_54] {strides = array<i32>} : memref<1024xbf16, #tpu.memory_space<vmem>>, vector<32xbf16>,
    %get3A_56 = arith.constant 864 : index
    %get3A_57 = tpu.vector_load %arg12[%get3A_56] {strides = array<i32>} : memref<1024xbf16, #tpu.memory_space<vmem>>, vector<32xbf16>,
    %get3A_58 = arith.constant 896 : index
    %get3A_59 = tpu.vector_load %arg12[%get3A_58] {strides = array<i32>} : memref<1024xbf16, #tpu.memory_space<vmem>>, vector<32xbf16>,
    %get3A_60 = arith.constant 928 : index
    %get3A_61 = tpu.vector_load %arg12[%get3A_60] {strides = array<i32>} : memref<1024xbf16, #tpu.memory_space<vmem>>, vector<32xbf16>,
    %get3A_62 = arith.constant 960 : index
    %get3A_63 = tpu.vector_load %arg12[%get3A_62] {strides = array<i32>} : memref<1024xbf16, #tpu.memory_space<vmem>>, vector<32xbf16>,
    %get3A_64 = arith.constant 992 : index
    %get3A_65 = tpu.vector_load %arg12[%get3A_64] {strides = array<i32>} : memref<1024xbf16, #tpu.memory_space<vmem>>, vector<32xbf16>,
    %add3A_66 = arith.constant 0 : i32
    %add3A_67 = arith.addi %mul3A_2, %add3A_66 : i32
    %multiple_of3A = tpu.assume_multiple %add3A_67, 256 : i32
    %run_scoped3A = arith.constant 0 : i32
    "tpu.region"() ({
      %run_scoped3A_449 = tpu.sem_alloc : memref<!tpu.dma_semaphore, #tpu.memory_space<semaphore_mem>>
      %dma_start3A_450 = arith.constant 0 : i32
      %dma_start3A_451 = tpu.memref_slice %arg7[%run_scoped3A, %dma_start3A_450] : memref<2x256xi32, #tpu.memory_space<vmem>> -> memref<1x256xi32, #tpu.memory_space<vmem>>
      %dma_start3A_452 = tpu.memref_squeeze %dma_start3A_451 : memref<1x256xi32, #tpu.memory_space<vmem>> -> memref<256xi32, #tpu.memory_space<vmem>>
      %dma_start3A_453 = tpu.memref_slice %arg2[%multiple_of3A] : memref<327680xi32, #tpu.memory_space<hbm>> -> memref<256xi32, #tpu.memory_space<hbm>>
      %dma_start3A_454 = arith.constant 0 : i32
      %dma_start3A_455 = tpu.memref_slice %arg7[%run_scoped3A, %dma_start3A_454] : memref<2x256xi32, #tpu.memory_space<vmem>> -> memref<1x256xi32, #tpu.memory_space<vmem>>
      %dma_start3A_456 = tpu.memref_squeeze %dma_start3A_455 : memref<1x256xi32, #tpu.memory_space<vmem>> -> memref<256xi32, #tpu.memory_space<vmem>>
      %dma_start3A_457 = tpu.memref_slice %arg2[%multiple_of3A] : memref<327680xi32, #tpu.memory_space<hbm>> -> memref<256xi32, #tpu.memory_space<hbm>>
      tpu.enqueue_dma source(%dma_start3A_457 : memref<256xi32, #tpu.memory_space<hbm>>) target(%dma_start3A_456 : memref<256xi32, #tpu.memory_space<vmem>>) target_semaphore(%run_scoped3A_449 : memref<!tpu.dma_semaphore, #tpu.memory_space<semaphore_mem>>)
      %dma_wait3A_458 = arith.constant 0 : i32
      %dma_wait3A_459 = tpu.memref_slice %arg7[%run_scoped3A, %dma_wait3A_458] : memref<2x256xi32, #tpu.memory_space<vmem>> -> memref<1x256xi32, #tpu.memory_space<vmem>>
      %dma_wait3A_460 = tpu.memref_squeeze %dma_wait3A_459 : memref<1x256xi32, #tpu.memory_space<vmem>> -> memref<256xi32, #tpu.memory_space<vmem>>
      %dma_wait3A_461 = tpu.memref_slice %arg2[%multiple_of3A] : memref<327680xi32, #tpu.memory_space<hbm>> -> memref<256xi32, #tpu.memory_space<hbm>>
      %dma_wait3A_462 = arith.constant 0 : i32
      %dma_wait3A_463 = tpu.memref_slice %arg7[%run_scoped3A, %dma_wait3A_462] : memref<2x256xi32, #tpu.memory_space<vmem>> -> memref<1x256xi32, #tpu.memory_space<vmem>>
      %dma_wait3A_464 = tpu.memref_squeeze %dma_wait3A_463 : memref<1x256xi32, #tpu.memory_space<vmem>> -> memref<256xi32, #tpu.memory_space<vmem>>
      %dma_wait3A_465 = tpu.memref_slice %arg2[%multiple_of3A] : memref<327680xi32, #tpu.memory_space<hbm>> -> memref<256xi32, #tpu.memory_space<hbm>>
      tpu.wait_dma2 semaphore(%run_scoped3A_449 : memref<!tpu.dma_semaphore, #tpu.memory_space<semaphore_mem>>) src(%dma_wait3A_465 : memref<256xi32, #tpu.memory_space<hbm>>) dst(%dma_wait3A_464 : memref<256xi32, #tpu.memory_space<vmem>>)
      tpu.yield
    }) : () -> ()
    %get3A_68 = arith.constant 0 : i32
    %get3A_69 = arith.index_cast %get3A_68 : i32 to index
    %get3A_70 = arith.constant 0 : index
    %get3A_71 = tpu.vector_load %arg7[%get3A_69, %get3A_70] {strides = array<i32>} : memref<2x256xi32, #tpu.memory_space<vmem>>, vector<16xi32>,
    %shift_right_arithmetic3A = arith.constant 1 : i32
    %shift_right_arithmetic3A_72 = vector.broadcast %shift_right_arithmetic3A : i32 to vector<16xi32>
    %shift_right_arithmetic3A_73 = arith.shrsi %get3A_71, %shift_right_arithmetic3A_72 : vector<16xi32>
    %swap3A = arith.constant 0 : i32
    %swap3A_74 = arith.index_cast %swap3A : i32 to index
    %swap3A_75 = arith.constant 0 : index
    %swap3A_76 = tpu.vector_load %arg8[%swap3A_74, %swap3A_75] {strides = array<i32>} : memref<2x256xi32, #tpu.memory_space<vmem>>, vector<16xi32>,
    tpu.vector_store %arg8[%swap3A_74, %swap3A_75], %shift_right_arithmetic3A_73 {strides = array<i32>} : memref<2x256xi32, #tpu.memory_space<vmem>>, vector<16xi32>,
    %get3A_77 = arith.constant 0 : i32
    %get3A_78 = arith.index_cast %get3A_77 : i32 to index
    %get3A_79 = arith.constant 16 : index
    %get3A_80 = tpu.vector_load %arg7[%get3A_78, %get3A_79] {strides = array<i32>} : memref<2x256xi32, #tpu.memory_space<vmem>>, vector<16xi32>,
    %shift_right_arithmetic3A_81 = arith.constant 1 : i32
    %shift_right_arithmetic3A_82 = vector.broadcast %shift_right_arithmetic3A_81 : i32 to vector<16xi32>
    %shift_right_arithmetic3A_83 = arith.shrsi %get3A_80, %shift_right_arithmetic3A_82 : vector<16xi32>
    %swap3A_84 = arith.constant 0 : i32
    %swap3A_85 = arith.index_cast %swap3A_84 : i32 to index
    %swap3A_86 = arith.constant 16 : index
    %swap3A_87 = tpu.vector_load %arg8[%swap3A_85, %swap3A_86] {strides = array<i32>} : memref<2x256xi32, #tpu.memory_space<vmem>>, vector<16xi32>,
    tpu.vector_store %arg8[%swap3A_85, %swap3A_86], %shift_right_arithmetic3A_83 {strides = array<i32>} : memref<2x256xi32, #tpu.memory_space<vmem>>, vector<16xi32>,
    %get3A_88 = arith.constant 0 : i32
    %get3A_89 = arith.index_cast %get3A_88 : i32 to index
    %get3A_90 = arith.constant 32 : index
    %get3A_91 = tpu.vector_load %arg7[%get3A_89, %get3A_90] {strides = array<i32>} : memref<2x256xi32, #tpu.memory_space<vmem>>, vector<16xi32>,
    %shift_right_arithmetic3A_92 = arith.constant 1 : i32
    %shift_right_arithmetic3A_93 = vector.broadcast %shift_right_arithmetic3A_92 : i32 to vector<16xi32>
    %shift_right_arithmetic3A_94 = arith.shrsi %get3A_91, %shift_right_arithmetic3A_93 : vector<16xi32>
    %swap3A_95 = arith.constant 0 : i32
    %swap3A_96 = arith.index_cast %swap3A_95 : i32 to index
    %swap3A_97 = arith.constant 32 : index
    %swap3A_98 = tpu.vector_load %arg8[%swap3A_96, %swap3A_97] {strides = array<i32>} : memref<2x256xi32, #tpu.memory_space<vmem>>, vector<16xi32>,
    tpu.vector_store %arg8[%swap3A_96, %swap3A_97], %shift_right_arithmetic3A_94 {strides = array<i32>} : memref<2x256xi32, #tpu.memory_space<vmem>>, vector<16xi32>,
    %get3A_99 = arith.constant 0 : i32
    %get3A_100 = arith.index_cast %get3A_99 : i32 to index
    %get3A_101 = arith.constant 48 : index
    %get3A_102 = tpu.vector_load %arg7[%get3A_100, %get3A_101] {strides = array<i32>} : memref<2x256xi32, #tpu.memory_space<vmem>>, vector<16xi32>,
    %shift_right_arithmetic3A_103 = arith.constant 1 : i32
    %shift_right_arithmetic3A_104 = vector.broadcast %shift_right_arithmetic3A_103 : i32 to vector<16xi32>
    %shift_right_arithmetic3A_105 = arith.shrsi %get3A_102, %shift_right_arithmetic3A_104 : vector<16xi32>
    %swap3A_106 = arith.constant 0 : i32
    %swap3A_107 = arith.index_cast %swap3A_106 : i32 to index
    %swap3A_108 = arith.constant 48 : index
    %swap3A_109 = tpu.vector_load %arg8[%swap3A_107, %swap3A_108] {strides = array<i32>} : memref<2x256xi32, #tpu.memory_space<vmem>>, vector<16xi32>,
    tpu.vector_store %arg8[%swap3A_107, %swap3A_108], %shift_right_arithmetic3A_105 {strides = array<i32>} : memref<2x256xi32, #tpu.memory_space<vmem>>, vector<16xi32>,
    %get3A_110 = arith.constant 0 : i32
    %get3A_111 = arith.index_cast %get3A_110 : i32 to index
    %get3A_112 = arith.constant 64 : index
    %get3A_113 = tpu.vector_load %arg7[%get3A_111, %get3A_112] {strides = array<i32>} : memref<2x256xi32, #tpu.memory_space<vmem>>, vector<16xi32>,
    %shift_right_arithmetic3A_114 = arith.constant 1 : i32
    %shift_right_arithmetic3A_115 = vector.broadcast %shift_right_arithmetic3A_114 : i32 to vector<16xi32>
    %shift_right_arithmetic3A_116 = arith.shrsi %get3A_113, %shift_right_arithmetic3A_115 : vector<16xi32>
    %swap3A_117 = arith.constant 0 : i32
    %swap3A_118 = arith.index_cast %swap3A_117 : i32 to index
    %swap3A_119 = arith.constant 64 : index
    %swap3A_120 = tpu.vector_load %arg8[%swap3A_118, %swap3A_119] {strides = array<i32>} : memref<2x256xi32, #tpu.memory_space<vmem>>, vector<16xi32>,
    tpu.vector_store %arg8[%swap3A_118, %swap3A_119], %shift_right_arithmetic3A_116 {strides = array<i32>} : memref<2x256xi32, #tpu.memory_space<vmem>>, vector<16xi32>,
    %get3A_121 = arith.constant 0 : i32
    %get3A_122 = arith.index_cast %get3A_121 : i32 to index
    %get3A_123 = arith.constant 80 : index
    %get3A_124 = tpu.vector_load %arg7[%get3A_122, %get3A_123] {strides = array<i32>} : memref<2x256xi32, #tpu.memory_space<vmem>>, vector<16xi32>,
    %shift_right_arithmetic3A_125 = arith.constant 1 : i32
    %shift_right_arithmetic3A_126 = vector.broadcast %shift_right_arithmetic3A_125 : i32 to vector<16xi32>
    %shift_right_arithmetic3A_127 = arith.shrsi %get3A_124, %shift_right_arithmetic3A_126 : vector<16xi32>
    %swap3A_128 = arith.constant 0 : i32
    %swap3A_129 = arith.index_cast %swap3A_128 : i32 to index
    %swap3A_130 = arith.constant 80 : index
    %swap3A_131 = tpu.vector_load %arg8[%swap3A_129, %swap3A_130] {strides = array<i32>} : memref<2x256xi32, #tpu.memory_space<vmem>>, vector<16xi32>,
    tpu.vector_store %arg8[%swap3A_129, %swap3A_130], %shift_right_arithmetic3A_127 {strides = array<i32>} : memref<2x256xi32, #tpu.memory_space<vmem>>, vector<16xi32>,
    %get3A_132 = arith.constant 0 : i32
    %get3A_133 = arith.index_cast %get3A_132 : i32 to index
    %get3A_134 = arith.constant 96 : index
    %get3A_135 = tpu.vector_load %arg7[%get3A_133, %get3A_134] {strides = array<i32>} : memref<2x256xi32, #tpu.memory_space<vmem>>, vector<16xi32>,
    %shift_right_arithmetic3A_136 = arith.constant 1 : i32
    %shift_right_arithmetic3A_137 = vector.broadcast %shift_right_arithmetic3A_136 : i32 to vector<16xi32>
    %shift_right_arithmetic3A_138 = arith.shrsi %get3A_135, %shift_right_arithmetic3A_137 : vector<16xi32>
    %swap3A_139 = arith.constant 0 : i32
    %swap3A_140 = arith.index_cast %swap3A_139 : i32 to index
    %swap3A_141 = arith.constant 96 : index
    %swap3A_142 = tpu.vector_load %arg8[%swap3A_140, %swap3A_141] {strides = array<i32>} : memref<2x256xi32, #tpu.memory_space<vmem>>, vector<16xi32>,
    tpu.vector_store %arg8[%swap3A_140, %swap3A_141], %shift_right_arithmetic3A_138 {strides = array<i32>} : memref<2x256xi32, #tpu.memory_space<vmem>>, vector<16xi32>,
    %get3A_143 = arith.constant 0 : i32
    %get3A_144 = arith.index_cast %get3A_143 : i32 to index
    %get3A_145 = arith.constant 112 : index
    %get3A_146 = tpu.vector_load %arg7[%get3A_144, %get3A_145] {strides = array<i32>} : memref<2x256xi32, #tpu.memory_space<vmem>>, vector<16xi32>,
    %shift_right_arithmetic3A_147 = arith.constant 1 : i32
    %shift_right_arithmetic3A_148 = vector.broadcast %shift_right_arithmetic3A_147 : i32 to vector<16xi32>
    %shift_right_arithmetic3A_149 = arith.shrsi %get3A_146, %shift_right_arithmetic3A_148 : vector<16xi32>
    %swap3A_150 = arith.constant 0 : i32
    %swap3A_151 = arith.index_cast %swap3A_150 : i32 to index
    %swap3A_152 = arith.constant 112 : index
    %swap3A_153 = tpu.vector_load %arg8[%swap3A_151, %swap3A_152] {strides = array<i32>} : memref<2x256xi32, #tpu.memory_space<vmem>>, vector<16xi32>,
    tpu.vector_store %arg8[%swap3A_151, %swap3A_152], %shift_right_arithmetic3A_149 {strides = array<i32>} : memref<2x256xi32, #tpu.memory_space<vmem>>, vector<16xi32>,
    %get3A_154 = arith.constant 0 : i32
    %get3A_155 = arith.index_cast %get3A_154 : i32 to index
    %get3A_156 = arith.constant 128 : index
    %get3A_157 = tpu.vector_load %arg7[%get3A_155, %get3A_156] {strides = array<i32>} : memref<2x256xi32, #tpu.memory_space<vmem>>, vector<16xi32>,
    %shift_right_arithmetic3A_158 = arith.constant 1 : i32
    %shift_right_arithmetic3A_159 = vector.broadcast %shift_right_arithmetic3A_158 : i32 to vector<16xi32>
    %shift_right_arithmetic3A_160 = arith.shrsi %get3A_157, %shift_right_arithmetic3A_159 : vector<16xi32>
    %swap3A_161 = arith.constant 0 : i32
    %swap3A_162 = arith.index_cast %swap3A_161 : i32 to index
    %swap3A_163 = arith.constant 128 : index
    %swap3A_164 = tpu.vector_load %arg8[%swap3A_162, %swap3A_163] {strides = array<i32>} : memref<2x256xi32, #tpu.memory_space<vmem>>, vector<16xi32>,
    tpu.vector_store %arg8[%swap3A_162, %swap3A_163], %shift_right_arithmetic3A_160 {strides = array<i32>} : memref<2x256xi32, #tpu.memory_space<vmem>>, vector<16xi32>,
    %get3A_165 = arith.constant 0 : i32
    %get3A_166 = arith.index_cast %get3A_165 : i32 to index
    %get3A_167 = arith.constant 144 : index
    %get3A_168 = tpu.vector_load %arg7[%get3A_166, %get3A_167] {strides = array<i32>} : memref<2x256xi32, #tpu.memory_space<vmem>>, vector<16xi32>,
    %shift_right_arithmetic3A_169 = arith.constant 1 : i32
    %shift_right_arithmetic3A_170 = vector.broadcast %shift_right_arithmetic3A_169 : i32 to vector<16xi32>
    %shift_right_arithmetic3A_171 = arith.shrsi %get3A_168, %shift_right_arithmetic3A_170 : vector<16xi32>
    %swap3A_172 = arith.constant 0 : i32
    %swap3A_173 = arith.index_cast %swap3A_172 : i32 to index
    %swap3A_174 = arith.constant 144 : index
    %swap3A_175 = tpu.vector_load %arg8[%swap3A_173, %swap3A_174] {strides = array<i32>} : memref<2x256xi32, #tpu.memory_space<vmem>>, vector<16xi32>,
    tpu.vector_store %arg8[%swap3A_173, %swap3A_174], %shift_right_arithmetic3A_171 {strides = array<i32>} : memref<2x256xi32, #tpu.memory_space<vmem>>, vector<16xi32>,
    %get3A_176 = arith.constant 0 : i32
    %get3A_177 = arith.index_cast %get3A_176 : i32 to index
    %get3A_178 = arith.constant 160 : index
    %get3A_179 = tpu.vector_load %arg7[%get3A_177, %get3A_178] {strides = array<i32>} : memref<2x256xi32, #tpu.memory_space<vmem>>, vector<16xi32>,
    %shift_right_arithmetic3A_180 = arith.constant 1 : i32
    %shift_right_arithmetic3A_181 = vector.broadcast %shift_right_arithmetic3A_180 : i32 to vector<16xi32>
    %shift_right_arithmetic3A_182 = arith.shrsi %get3A_179, %shift_right_arithmetic3A_181 : vector<16xi32>
    %swap3A_183 = arith.constant 0 : i32
    %swap3A_184 = arith.index_cast %swap3A_183 : i32 to index
    %swap3A_185 = arith.constant 160 : index
    %swap3A_186 = tpu.vector_load %arg8[%swap3A_184, %swap3A_185] {strides = array<i32>} : memref<2x256xi32, #tpu.memory_space<vmem>>, vector<16xi32>,
    tpu.vector_store %arg8[%swap3A_184, %swap3A_185], %shift_right_arithmetic3A_182 {strides = array<i32>} : memref<2x256xi32, #tpu.memory_space<vmem>>, vector<16xi32>,
    %get3A_187 = arith.constant 0 : i32
    %get3A_188 = arith.index_cast %get3A_187 : i32 to index
    %get3A_189 = arith.constant 176 : index
    %get3A_190 = tpu.vector_load %arg7[%get3A_188, %get3A_189] {strides = array<i32>} : memref<2x256xi32, #tpu.memory_space<vmem>>, vector<16xi32>,
    %shift_right_arithmetic3A_191 = arith.constant 1 : i32
    %shift_right_arithmetic3A_192 = vector.broadcast %shift_right_arithmetic3A_191 : i32 to vector<16xi32>
    %shift_right_arithmetic3A_193 = arith.shrsi %get3A_190, %shift_right_arithmetic3A_192 : vector<16xi32>
    %swap3A_194 = arith.constant 0 : i32
    %swap3A_195 = arith.index_cast %swap3A_194 : i32 to index
    %swap3A_196 = arith.constant 176 : index
    %swap3A_197 = tpu.vector_load %arg8[%swap3A_195, %swap3A_196] {strides = array<i32>} : memref<2x256xi32, #tpu.memory_space<vmem>>, vector<16xi32>,
    tpu.vector_store %arg8[%swap3A_195, %swap3A_196], %shift_right_arithmetic3A_193 {strides = array<i32>} : memref<2x256xi32, #tpu.memory_space<vmem>>, vector<16xi32>,
    %get3A_198 = arith.constant 0 : i32
    %get3A_199 = arith.index_cast %get3A_198 : i32 to index
    %get3A_200 = arith.constant 192 : index
    %get3A_201 = tpu.vector_load %arg7[%get3A_199, %get3A_200] {strides = array<i32>} : memref<2x256xi32, #tpu.memory_space<vmem>>, vector<16xi32>,
    %shift_right_arithmetic3A_202 = arith.constant 1 : i32
    %shift_right_arithmetic3A_203 = vector.broadcast %shift_right_arithmetic3A_202 : i32 to vector<16xi32>
    %shift_right_arithmetic3A_204 = arith.shrsi %get3A_201, %shift_right_arithmetic3A_203 : vector<16xi32>
    %swap3A_205 = arith.constant 0 : i32
    %swap3A_206 = arith.index_cast %swap3A_205 : i32 to index
    %swap3A_207 = arith.constant 192 : index
    %swap3A_208 = tpu.vector_load %arg8[%swap3A_206, %swap3A_207] {strides = array<i32>} : memref<2x256xi32, #tpu.memory_space<vmem>>, vector<16xi32>,
    tpu.vector_store %arg8[%swap3A_206, %swap3A_207], %shift_right_arithmetic3A_204 {strides = array<i32>} : memref<2x256xi32, #tpu.memory_space<vmem>>, vector<16xi32>,
    %get3A_209 = arith.constant 0 : i32
    %get3A_210 = arith.index_cast %get3A_209 : i32 to index
    %get3A_211 = arith.constant 208 : index
    %get3A_212 = tpu.vector_load %arg7[%get3A_210, %get3A_211] {strides = array<i32>} : memref<2x256xi32, #tpu.memory_space<vmem>>, vector<16xi32>,
    %shift_right_arithmetic3A_213 = arith.constant 1 : i32
    %shift_right_arithmetic3A_214 = vector.broadcast %shift_right_arithmetic3A_213 : i32 to vector<16xi32>
    %shift_right_arithmetic3A_215 = arith.shrsi %get3A_212, %shift_right_arithmetic3A_214 : vector<16xi32>
    %swap3A_216 = arith.constant 0 : i32
    %swap3A_217 = arith.index_cast %swap3A_216 : i32 to index
    %swap3A_218 = arith.constant 208 : index
    %swap3A_219 = tpu.vector_load %arg8[%swap3A_217, %swap3A_218] {strides = array<i32>} : memref<2x256xi32, #tpu.memory_space<vmem>>, vector<16xi32>,
    tpu.vector_store %arg8[%swap3A_217, %swap3A_218], %shift_right_arithmetic3A_215 {strides = array<i32>} : memref<2x256xi32, #tpu.memory_space<vmem>>, vector<16xi32>,
    %get3A_220 = arith.constant 0 : i32
    %get3A_221 = arith.index_cast %get3A_220 : i32 to index
    %get3A_222 = arith.constant 224 : index
    %get3A_223 = tpu.vector_load %arg7[%get3A_221, %get3A_222] {strides = array<i32>} : memref<2x256xi32, #tpu.memory_space<vmem>>, vector<16xi32>,
    %shift_right_arithmetic3A_224 = arith.constant 1 : i32
    %shift_right_arithmetic3A_225 = vector.broadcast %shift_right_arithmetic3A_224 : i32 to vector<16xi32>
    %shift_right_arithmetic3A_226 = arith.shrsi %get3A_223, %shift_right_arithmetic3A_225 : vector<16xi32>
    %swap3A_227 = arith.constant 0 : i32
    %swap3A_228 = arith.index_cast %swap3A_227 : i32 to index
    %swap3A_229 = arith.constant 224 : index
    %swap3A_230 = tpu.vector_load %arg8[%swap3A_228, %swap3A_229] {strides = array<i32>} : memref<2x256xi32, #tpu.memory_space<vmem>>, vector<16xi32>,
    tpu.vector_store %arg8[%swap3A_228, %swap3A_229], %shift_right_arithmetic3A_226 {strides = array<i32>} : memref<2x256xi32, #tpu.memory_space<vmem>>, vector<16xi32>,
    %get3A_231 = arith.constant 0 : i32
    %get3A_232 = arith.index_cast %get3A_231 : i32 to index
    %get3A_233 = arith.constant 240 : index
    %get3A_234 = tpu.vector_load %arg7[%get3A_232, %get3A_233] {strides = array<i32>} : memref<2x256xi32, #tpu.memory_space<vmem>>, vector<16xi32>,
    %shift_right_arithmetic3A_235 = arith.constant 1 : i32
    %shift_right_arithmetic3A_236 = vector.broadcast %shift_right_arithmetic3A_235 : i32 to vector<16xi32>
    %shift_right_arithmetic3A_237 = arith.shrsi %get3A_234, %shift_right_arithmetic3A_236 : vector<16xi32>
    %swap3A_238 = arith.constant 0 : i32
    %swap3A_239 = arith.index_cast %swap3A_238 : i32 to index
    %swap3A_240 = arith.constant 240 : index
    %swap3A_241 = tpu.vector_load %arg8[%swap3A_239, %swap3A_240] {strides = array<i32>} : memref<2x256xi32, #tpu.memory_space<vmem>>, vector<16xi32>,
    tpu.vector_store %arg8[%swap3A_239, %swap3A_240], %shift_right_arithmetic3A_237 {strides = array<i32>} : memref<2x256xi32, #tpu.memory_space<vmem>>, vector<16xi32>,
    %add3A_242 = arith.constant 0 : i32
    %add3A_243 = arith.addi %mul3A_2, %add3A_242 : i32
    %multiple_of3A_244 = tpu.assume_multiple %add3A_243, 256 : i32
    %dma_start3A = arith.constant 0 : i32
    %dma_start3A_245 = arith.constant 0 : i32
    %dma_start3A_246 = arith.constant 0 : i32
    %dma_start3A_247 = arith.constant 0 : i32
    %dma_start3A_248 = arith.constant 0 : i32
    %dma_start3A_249 = tpu.memref_slice %arg9[%dma_start3A_245, %dma_start3A_247, %dma_start3A_248] : memref<2x256x128xf32, #tpu.memory_space<vmem>> -> memref<1x256x128xf32, #tpu.memory_space<vmem>>
    %dma_start3A_250 = tpu.memref_squeeze %dma_start3A_249 : memref<1x256x128xf32, #tpu.memory_space<vmem>> -> memref<256x128xf32, #tpu.memory_space<vmem>>
    %dma_start3A_251 = arith.constant 0 : i32
    %dma_start3A_252 = arith.constant 0 : i32
    %dma_start3A_253 = tpu.memref_slice %dma_start3A_250[%dma_start3A_251, %dma_start3A_252] : memref<256x128xf32, #tpu.memory_space<vmem>> -> memref<128x128xf32, #tpu.memory_space<vmem>>
    %dma_start3A_254 = arith.constant 0 : i32
    %dma_start3A_255 = tpu.memref_slice %arg8[%dma_start3A, %dma_start3A_254] : memref<2x256xi32, #tpu.memory_space<vmem>> -> memref<1x256xi32, #tpu.memory_space<vmem>>
    %dma_start3A_256 = tpu.memref_squeeze %dma_start3A_255 : memref<1x256xi32, #tpu.memory_space<vmem>> -> memref<256xi32, #tpu.memory_space<vmem>>
    %dma_start3A_257 = arith.constant 0 : i32
    %dma_start3A_258 = tpu.memref_slice %dma_start3A_256[%dma_start3A_257] : memref<256xi32, #tpu.memory_space<vmem>> -> memref<128xi32, #tpu.memory_space<vmem>>
    %dma_start3A_259 = arith.constant 0 : i32
    %dma_start3A_260 = arith.constant 0 : i32
    %dma_start3A_261 = tpu.memref_slice %arg3[%dma_start3A_259, %dma_start3A_260] : memref<500000x128xf32, #tpu.memory_space<hbm>> -> memref<500000x128xf32, #tpu.memory_space<hbm>>
    %dma_start3A_262 = tpu.memref_slice %arg13[%dma_start3A_246] : memref<2x!tpu.dma_semaphore, #tpu.memory_space<semaphore_mem>> -> memref<1x!tpu.dma_semaphore, #tpu.memory_space<semaphore_mem>>
    %dma_start3A_263 = tpu.memref_squeeze %dma_start3A_262 : memref<1x!tpu.dma_semaphore, #tpu.memory_space<semaphore_mem>> -> memref<!tpu.dma_semaphore, #tpu.memory_space<semaphore_mem>>
    tpu.enqueue_indirect_dma source(%dma_start3A_261 : memref<500000x128xf32, #tpu.memory_space<hbm>>) target(%dma_start3A_253 : memref<128x128xf32, #tpu.memory_space<vmem>>) offsets(%dma_start3A_258 : memref<128xi32, #tpu.memory_space<vmem>>) semaphore(%dma_start3A_263 : memref<!tpu.dma_semaphore, #tpu.memory_space<semaphore_mem>>)
    %dma_start3A_264 = arith.constant 0 : i32
    %dma_start3A_265 = arith.constant 0 : i32
    %dma_start3A_266 = arith.constant 0 : i32
    %dma_start3A_267 = arith.constant 0 : i32
    %dma_start3A_268 = arith.constant 0 : i32
    %dma_start3A_269 = tpu.memref_slice %arg10[%dma_start3A_265, %dma_start3A_267, %dma_start3A_268] : memref<2x256x16xf32, #tpu.memory_space<vmem>> -> memref<1x256x16xf32, #tpu.memory_space<vmem>>
    %dma_start3A_270 = tpu.memref_squeeze %dma_start3A_269 : memref<1x256x16xf32, #tpu.memory_space<vmem>> -> memref<256x16xf32, #tpu.memory_space<vmem>>
    %dma_start3A_271 = arith.constant 0 : i32
    %dma_start3A_272 = arith.constant 0 : i32
    %dma_start3A_273 = tpu.memref_slice %dma_start3A_270[%dma_start3A_271, %dma_start3A_272] : memref<256x16xf32, #tpu.memory_space<vmem>> -> memref<128x16xf32, #tpu.memory_space<vmem>>
    %dma_start3A_274 = arith.constant 0 : i32
    %dma_start3A_275 = tpu.memref_slice %arg7[%dma_start3A_264, %dma_start3A_274] : memref<2x256xi32, #tpu.memory_space<vmem>> -> memref<1x256xi32, #tpu.memory_space<vmem>>
    %dma_start3A_276 = tpu.memref_squeeze %dma_start3A_275 : memref<1x256xi32, #tpu.memory_space<vmem>> -> memref<256xi32, #tpu.memory_space<vmem>>
    %dma_start3A_277 = arith.constant 0 : i32
    %dma_start3A_278 = tpu.memref_slice %dma_start3A_276[%dma_start3A_277] : memref<256xi32, #tpu.memory_space<vmem>> -> memref<128xi32, #tpu.memory_space<vmem>>
    %dma_start3A_279 = arith.constant 0 : i32
    %dma_start3A_280 = arith.constant 0 : i32
    %dma_start3A_281 = tpu.memref_slice %arg4[%dma_start3A_279, %dma_start3A_280] : memref<1000000x16xf32, #tpu.memory_space<hbm>> -> memref<1000000x16xf32, #tpu.memory_space<hbm>>
    %dma_start3A_282 = tpu.memref_slice %arg13[%dma_start3A_266] : memref<2x!tpu.dma_semaphore, #tpu.memory_space<semaphore_mem>> -> memref<1x!tpu.dma_semaphore, #tpu.memory_space<semaphore_mem>>
    %dma_start3A_283 = tpu.memref_squeeze %dma_start3A_282 : memref<1x!tpu.dma_semaphore, #tpu.memory_space<semaphore_mem>> -> memref<!tpu.dma_semaphore, #tpu.memory_space<semaphore_mem>>
    tpu.enqueue_indirect_dma source(%dma_start3A_281 : memref<1000000x16xf32, #tpu.memory_space<hbm>>) target(%dma_start3A_273 : memref<128x16xf32, #tpu.memory_space<vmem>>) offsets(%dma_start3A_278 : memref<128xi32, #tpu.memory_space<vmem>>) semaphore(%dma_start3A_283 : memref<!tpu.dma_semaphore, #tpu.memory_space<semaphore_mem>>)
    %dma_start3A_284 = arith.constant 0 : i32
    %dma_start3A_285 = arith.constant 0 : i32
    %dma_start3A_286 = arith.constant 0 : i32
    %dma_start3A_287 = arith.constant 0 : i32
    %dma_start3A_288 = arith.constant 0 : i32
    %dma_start3A_289 = tpu.memref_slice %arg9[%dma_start3A_285, %dma_start3A_287, %dma_start3A_288] : memref<2x256x128xf32, #tpu.memory_space<vmem>> -> memref<1x256x128xf32, #tpu.memory_space<vmem>>
    %dma_start3A_290 = tpu.memref_squeeze %dma_start3A_289 : memref<1x256x128xf32, #tpu.memory_space<vmem>> -> memref<256x128xf32, #tpu.memory_space<vmem>>
    %dma_start3A_291 = arith.constant 128 : i32
    %dma_start3A_292 = arith.constant 0 : i32
    %dma_start3A_293 = tpu.memref_slice %dma_start3A_290[%dma_start3A_291, %dma_start3A_292] : memref<256x128xf32, #tpu.memory_space<vmem>> -> memref<128x128xf32, #tpu.memory_space<vmem>>
    %dma_start3A_294 = arith.constant 0 : i32
    %dma_start3A_295 = tpu.memref_slice %arg8[%dma_start3A_284, %dma_start3A_294] : memref<2x256xi32, #tpu.memory_space<vmem>> -> memref<1x256xi32, #tpu.memory_space<vmem>>
    %dma_start3A_296 = tpu.memref_squeeze %dma_start3A_295 : memref<1x256xi32, #tpu.memory_space<vmem>> -> memref<256xi32, #tpu.memory_space<vmem>>
    %dma_start3A_297 = arith.constant 128 : i32
    %dma_start3A_298 = tpu.memref_slice %dma_start3A_296[%dma_start3A_297] : memref<256xi32, #tpu.memory_space<vmem>> -> memref<128xi32, #tpu.memory_space<vmem>>
    %dma_start3A_299 = arith.constant 0 : i32
    %dma_start3A_300 = arith.constant 0 : i32
    %dma_start3A_301 = tpu.memref_slice %arg3[%dma_start3A_299, %dma_start3A_300] : memref<500000x128xf32, #tpu.memory_space<hbm>> -> memref<500000x128xf32, #tpu.memory_space<hbm>>
    %dma_start3A_302 = tpu.memref_slice %arg13[%dma_start3A_286] : memref<2x!tpu.dma_semaphore, #tpu.memory_space<semaphore_mem>> -> memref<1x!tpu.dma_semaphore, #tpu.memory_space<semaphore_mem>>
    %dma_start3A_303 = tpu.memref_squeeze %dma_start3A_302 : memref<1x!tpu.dma_semaphore, #tpu.memory_space<semaphore_mem>> -> memref<!tpu.dma_semaphore, #tpu.memory_space<semaphore_mem>>
    tpu.enqueue_indirect_dma source(%dma_start3A_301 : memref<500000x128xf32, #tpu.memory_space<hbm>>) target(%dma_start3A_293 : memref<128x128xf32, #tpu.memory_space<vmem>>) offsets(%dma_start3A_298 : memref<128xi32, #tpu.memory_space<vmem>>) semaphore(%dma_start3A_303 : memref<!tpu.dma_semaphore, #tpu.memory_space<semaphore_mem>>)
    %dma_start3A_304 = arith.constant 0 : i32
    %dma_start3A_305 = arith.constant 0 : i32
    %dma_start3A_306 = arith.constant 0 : i32
    %dma_start3A_307 = arith.constant 0 : i32
    %dma_start3A_308 = arith.constant 0 : i32
    %dma_start3A_309 = tpu.memref_slice %arg10[%dma_start3A_305, %dma_start3A_307, %dma_start3A_308] : memref<2x256x16xf32, #tpu.memory_space<vmem>> -> memref<1x256x16xf32, #tpu.memory_space<vmem>>
    %dma_start3A_310 = tpu.memref_squeeze %dma_start3A_309 : memref<1x256x16xf32, #tpu.memory_space<vmem>> -> memref<256x16xf32, #tpu.memory_space<vmem>>
    %dma_start3A_311 = arith.constant 128 : i32
    %dma_start3A_312 = arith.constant 0 : i32
    %dma_start3A_313 = tpu.memref_slice %dma_start3A_310[%dma_start3A_311, %dma_start3A_312] : memref<256x16xf32, #tpu.memory_space<vmem>> -> memref<128x16xf32, #tpu.memory_space<vmem>>
    %dma_start3A_314 = arith.constant 0 : i32
    %dma_start3A_315 = tpu.memref_slice %arg7[%dma_start3A_304, %dma_start3A_314] : memref<2x256xi32, #tpu.memory_space<vmem>> -> memref<1x256xi32, #tpu.memory_space<vmem>>
    %dma_start3A_316 = tpu.memref_squeeze %dma_start3A_315 : memref<1x256xi32, #tpu.memory_space<vmem>> -> memref<256xi32, #tpu.memory_space<vmem>>
    %dma_start3A_317 = arith.constant 128 : i32
    %dma_start3A_318 = tpu.memref_slice %dma_start3A_316[%dma_start3A_317] : memref<256xi32, #tpu.memory_space<vmem>> -> memref<128xi32, #tpu.memory_space<vmem>>
    %dma_start3A_319 = arith.constant 0 : i32
    %dma_start3A_320 = arith.constant 0 : i32
    %dma_start3A_321 = tpu.memref_slice %arg4[%dma_start3A_319, %dma_start3A_320] : memref<1000000x16xf32, #tpu.memory_space<hbm>> -> memref<1000000x16xf32, #tpu.memory_space<hbm>>
    %dma_start3A_322 = tpu.memref_slice %arg13[%dma_start3A_306] : memref<2x!tpu.dma_semaphore, #tpu.memory_space<semaphore_mem>> -> memref<1x!tpu.dma_semaphore, #tpu.memory_space<semaphore_mem>>
    %dma_start3A_323 = tpu.memref_squeeze %dma_start3A_322 : memref<1x!tpu.dma_semaphore, #tpu.memory_space<semaphore_mem>> -> memref<!tpu.dma_semaphore, #tpu.memory_space<semaphore_mem>>
    tpu.enqueue_indirect_dma source(%dma_start3A_321 : memref<1000000x16xf32, #tpu.memory_space<hbm>>) target(%dma_start3A_313 : memref<128x16xf32, #tpu.memory_space<vmem>>) offsets(%dma_start3A_318 : memref<128xi32, #tpu.memory_space<vmem>>) semaphore(%dma_start3A_323 : memref<!tpu.dma_semaphore, #tpu.memory_space<semaphore_mem>>)
    %scan3A = arith.constant 0 : i32
    %scan3A_324 = arith.constant 0 : i32
    %scan3A_325 = arith.constant 40 : i32
    %scan3A_326 = arith.addi %scan3A_324, %scan3A_325 : i32
    %scan3A_327 = arith.constant 1 : i32
    scf.for %scan3A_449 = %scan3A_324 to %scan3A_326 step %scan3A_327  : i32 {
      %rem3A = arith.constant 2 : i32
      %rem3A_450 = arith.remsi %scan3A_449, %rem3A : i32
      %sub3A = arith.constant 1 : i32
      %sub3A_451 = arith.subi %sub3A, %rem3A_450 : i32
      %add3A_452 = arith.constant 1 : i32
      %add3A_453 = arith.addi %scan3A_449, %add3A_452 : i32
      %min3A = arith.constant 39 : i32
      %min3A_454 = arith.minsi %add3A_453, %min3A : i32
      %mul3A_455 = arith.constant 256 : i32
      %mul3A_456 = arith.muli %min3A_454, %mul3A_455 : i32
      %add3A_457 = arith.addi %mul3A_2, %mul3A_456 : i32
      %multiple_of3A_458 = tpu.assume_multiple %add3A_457, 256 : i32
      "tpu.region"() ({
        %run_scoped3A_773 = tpu.sem_alloc : memref<!tpu.dma_semaphore, #tpu.memory_space<semaphore_mem>>
        %dma_start3A_774 = arith.constant 0 : i32
        %dma_start3A_775 = tpu.memref_slice %arg7[%sub3A_451, %dma_start3A_774] : memref<2x256xi32, #tpu.memory_space<vmem>> -> memref<1x256xi32, #tpu.memory_space<vmem>>
        %dma_start3A_776 = tpu.memref_squeeze %dma_start3A_775 : memref<1x256xi32, #tpu.memory_space<vmem>> -> memref<256xi32, #tpu.memory_space<vmem>>
        %dma_start3A_777 = tpu.memref_slice %arg2[%multiple_of3A_458] : memref<327680xi32, #tpu.memory_space<hbm>> -> memref<256xi32, #tpu.memory_space<hbm>>
        %dma_start3A_778 = arith.constant 0 : i32
        %dma_start3A_779 = tpu.memref_slice %arg7[%sub3A_451, %dma_start3A_778] : memref<2x256xi32, #tpu.memory_space<vmem>> -> memref<1x256xi32, #tpu.memory_space<vmem>>
        %dma_start3A_780 = tpu.memref_squeeze %dma_start3A_779 : memref<1x256xi32, #tpu.memory_space<vmem>> -> memref<256xi32, #tpu.memory_space<vmem>>
        %dma_start3A_781 = tpu.memref_slice %arg2[%multiple_of3A_458] : memref<327680xi32, #tpu.memory_space<hbm>> -> memref<256xi32, #tpu.memory_space<hbm>>
        tpu.enqueue_dma source(%dma_start3A_781 : memref<256xi32, #tpu.memory_space<hbm>>) target(%dma_start3A_780 : memref<256xi32, #tpu.memory_space<vmem>>) target_semaphore(%run_scoped3A_773 : memref<!tpu.dma_semaphore, #tpu.memory_space<semaphore_mem>>)
        %dma_wait3A_782 = arith.constant 0 : i32
        %dma_wait3A_783 = tpu.memref_slice %arg7[%sub3A_451, %dma_wait3A_782] : memref<2x256xi32, #tpu.memory_space<vmem>> -> memref<1x256xi32, #tpu.memory_space<vmem>>
        %dma_wait3A_784 = tpu.memref_squeeze %dma_wait3A_783 : memref<1x256xi32, #tpu.memory_space<vmem>> -> memref<256xi32, #tpu.memory_space<vmem>>
        %dma_wait3A_785 = tpu.memref_slice %arg2[%multiple_of3A_458] : memref<327680xi32, #tpu.memory_space<hbm>> -> memref<256xi32, #tpu.memory_space<hbm>>
        %dma_wait3A_786 = arith.constant 0 : i32
        %dma_wait3A_787 = tpu.memref_slice %arg7[%sub3A_451, %dma_wait3A_786] : memref<2x256xi32, #tpu.memory_space<vmem>> -> memref<1x256xi32, #tpu.memory_space<vmem>>
        %dma_wait3A_788 = tpu.memref_squeeze %dma_wait3A_787 : memref<1x256xi32, #tpu.memory_space<vmem>> -> memref<256xi32, #tpu.memory_space<vmem>>
        %dma_wait3A_789 = tpu.memref_slice %arg2[%multiple_of3A_458] : memref<327680xi32, #tpu.memory_space<hbm>> -> memref<256xi32, #tpu.memory_space<hbm>>
        tpu.wait_dma2 semaphore(%run_scoped3A_773 : memref<!tpu.dma_semaphore, #tpu.memory_space<semaphore_mem>>) src(%dma_wait3A_789 : memref<256xi32, #tpu.memory_space<hbm>>) dst(%dma_wait3A_788 : memref<256xi32, #tpu.memory_space<vmem>>)
        tpu.yield
      }) : () -> ()
      %get3A_459 = arith.index_cast %sub3A_451 : i32 to index
      %get3A_460 = arith.constant 0 : index
      %get3A_461 = tpu.vector_load %arg7[%get3A_459, %get3A_460] {strides = array<i32>} : memref<2x256xi32, #tpu.memory_space<vmem>>, vector<16xi32>,
      %shift_right_arithmetic3A_462 = arith.constant 1 : i32
      %shift_right_arithmetic3A_463 = vector.broadcast %shift_right_arithmetic3A_462 : i32 to vector<16xi32>
      %shift_right_arithmetic3A_464 = arith.shrsi %get3A_461, %shift_right_arithmetic3A_463 : vector<16xi32>
      %swap3A_465 = arith.index_cast %sub3A_451 : i32 to index
      %swap3A_466 = arith.constant 0 : index
      %swap3A_467 = tpu.vector_load %arg8[%swap3A_465, %swap3A_466] {strides = array<i32>} : memref<2x256xi32, #tpu.memory_space<vmem>>, vector<16xi32>,
      tpu.vector_store %arg8[%swap3A_465, %swap3A_466], %shift_right_arithmetic3A_464 {strides = array<i32>} : memref<2x256xi32, #tpu.memory_space<vmem>>, vector<16xi32>,
      %get3A_468 = arith.index_cast %sub3A_451 : i32 to index
      %get3A_469 = arith.constant 16 : index
      %get3A_470 = tpu.vector_load %arg7[%get3A_468, %get3A_469] {strides = array<i32>} : memref<2x256xi32, #tpu.memory_space<vmem>>, vector<16xi32>,
      %shift_right_arithmetic3A_471 = arith.constant 1 : i32
      %shift_right_arithmetic3A_472 = vector.broadcast %shift_right_arithmetic3A_471 : i32 to vector<16xi32>
      %shift_right_arithmetic3A_473 = arith.shrsi %get3A_470, %shift_right_arithmetic3A_472 : vector<16xi32>
      %swap3A_474 = arith.index_cast %sub3A_451 : i32 to index
      %swap3A_475 = arith.constant 16 : index
      %swap3A_476 = tpu.vector_load %arg8[%swap3A_474, %swap3A_475] {strides = array<i32>} : memref<2x256xi32, #tpu.memory_space<vmem>>, vector<16xi32>,
      tpu.vector_store %arg8[%swap3A_474, %swap3A_475], %shift_right_arithmetic3A_473 {strides = array<i32>} : memref<2x256xi32, #tpu.memory_space<vmem>>, vector<16xi32>,
      %get3A_477 = arith.index_cast %sub3A_451 : i32 to index
      %get3A_478 = arith.constant 32 : index
      %get3A_479 = tpu.vector_load %arg7[%get3A_477, %get3A_478] {strides = array<i32>} : memref<2x256xi32, #tpu.memory_space<vmem>>, vector<16xi32>,
      %shift_right_arithmetic3A_480 = arith.constant 1 : i32
      %shift_right_arithmetic3A_481 = vector.broadcast %shift_right_arithmetic3A_480 : i32 to vector<16xi32>
      %shift_right_arithmetic3A_482 = arith.shrsi %get3A_479, %shift_right_arithmetic3A_481 : vector<16xi32>
      %swap3A_483 = arith.index_cast %sub3A_451 : i32 to index
      %swap3A_484 = arith.constant 32 : index
      %swap3A_485 = tpu.vector_load %arg8[%swap3A_483, %swap3A_484] {strides = array<i32>} : memref<2x256xi32, #tpu.memory_space<vmem>>, vector<16xi32>,
      tpu.vector_store %arg8[%swap3A_483, %swap3A_484], %shift_right_arithmetic3A_482 {strides = array<i32>} : memref<2x256xi32, #tpu.memory_space<vmem>>, vector<16xi32>,
      %get3A_486 = arith.index_cast %sub3A_451 : i32 to index
      %get3A_487 = arith.constant 48 : index
      %get3A_488 = tpu.vector_load %arg7[%get3A_486, %get3A_487] {strides = array<i32>} : memref<2x256xi32, #tpu.memory_space<vmem>>, vector<16xi32>,
      %shift_right_arithmetic3A_489 = arith.constant 1 : i32
      %shift_right_arithmetic3A_490 = vector.broadcast %shift_right_arithmetic3A_489 : i32 to vector<16xi32>
      %shift_right_arithmetic3A_491 = arith.shrsi %get3A_488, %shift_right_arithmetic3A_490 : vector<16xi32>
      %swap3A_492 = arith.index_cast %sub3A_451 : i32 to index
      %swap3A_493 = arith.constant 48 : index
      %swap3A_494 = tpu.vector_load %arg8[%swap3A_492, %swap3A_493] {strides = array<i32>} : memref<2x256xi32, #tpu.memory_space<vmem>>, vector<16xi32>,
      tpu.vector_store %arg8[%swap3A_492, %swap3A_493], %shift_right_arithmetic3A_491 {strides = array<i32>} : memref<2x256xi32, #tpu.memory_space<vmem>>, vector<16xi32>,
      %get3A_495 = arith.index_cast %sub3A_451 : i32 to index
      %get3A_496 = arith.constant 64 : index
      %get3A_497 = tpu.vector_load %arg7[%get3A_495, %get3A_496] {strides = array<i32>} : memref<2x256xi32, #tpu.memory_space<vmem>>, vector<16xi32>,
      %shift_right_arithmetic3A_498 = arith.constant 1 : i32
      %shift_right_arithmetic3A_499 = vector.broadcast %shift_right_arithmetic3A_498 : i32 to vector<16xi32>
      %shift_right_arithmetic3A_500 = arith.shrsi %get3A_497, %shift_right_arithmetic3A_499 : vector<16xi32>
      %swap3A_501 = arith.index_cast %sub3A_451 : i32 to index
      %swap3A_502 = arith.constant 64 : index
      %swap3A_503 = tpu.vector_load %arg8[%swap3A_501, %swap3A_502] {strides = array<i32>} : memref<2x256xi32, #tpu.memory_space<vmem>>, vector<16xi32>,
      tpu.vector_store %arg8[%swap3A_501, %swap3A_502], %shift_right_arithmetic3A_500 {strides = array<i32>} : memref<2x256xi32, #tpu.memory_space<vmem>>, vector<16xi32>,
      %get3A_504 = arith.index_cast %sub3A_451 : i32 to index
      %get3A_505 = arith.constant 80 : index
      %get3A_506 = tpu.vector_load %arg7[%get3A_504, %get3A_505] {strides = array<i32>} : memref<2x256xi32, #tpu.memory_space<vmem>>, vector<16xi32>,
      %shift_right_arithmetic3A_507 = arith.constant 1 : i32
      %shift_right_arithmetic3A_508 = vector.broadcast %shift_right_arithmetic3A_507 : i32 to vector<16xi32>
      %shift_right_arithmetic3A_509 = arith.shrsi %get3A_506, %shift_right_arithmetic3A_508 : vector<16xi32>
      %swap3A_510 = arith.index_cast %sub3A_451 : i32 to index
      %swap3A_511 = arith.constant 80 : index
      %swap3A_512 = tpu.vector_load %arg8[%swap3A_510, %swap3A_511] {strides = array<i32>} : memref<2x256xi32, #tpu.memory_space<vmem>>, vector<16xi32>,
      tpu.vector_store %arg8[%swap3A_510, %swap3A_511], %shift_right_arithmetic3A_509 {strides = array<i32>} : memref<2x256xi32, #tpu.memory_space<vmem>>, vector<16xi32>,
      %get3A_513 = arith.index_cast %sub3A_451 : i32 to index
      %get3A_514 = arith.constant 96 : index
      %get3A_515 = tpu.vector_load %arg7[%get3A_513, %get3A_514] {strides = array<i32>} : memref<2x256xi32, #tpu.memory_space<vmem>>, vector<16xi32>,
      %shift_right_arithmetic3A_516 = arith.constant 1 : i32
      %shift_right_arithmetic3A_517 = vector.broadcast %shift_right_arithmetic3A_516 : i32 to vector<16xi32>
      %shift_right_arithmetic3A_518 = arith.shrsi %get3A_515, %shift_right_arithmetic3A_517 : vector<16xi32>
      %swap3A_519 = arith.index_cast %sub3A_451 : i32 to index
      %swap3A_520 = arith.constant 96 : index
      %swap3A_521 = tpu.vector_load %arg8[%swap3A_519, %swap3A_520] {strides = array<i32>} : memref<2x256xi32, #tpu.memory_space<vmem>>, vector<16xi32>,
      tpu.vector_store %arg8[%swap3A_519, %swap3A_520], %shift_right_arithmetic3A_518 {strides = array<i32>} : memref<2x256xi32, #tpu.memory_space<vmem>>, vector<16xi32>,
      %get3A_522 = arith.index_cast %sub3A_451 : i32 to index
      %get3A_523 = arith.constant 112 : index
      %get3A_524 = tpu.vector_load %arg7[%get3A_522, %get3A_523] {strides = array<i32>} : memref<2x256xi32, #tpu.memory_space<vmem>>, vector<16xi32>,
      %shift_right_arithmetic3A_525 = arith.constant 1 : i32
      %shift_right_arithmetic3A_526 = vector.broadcast %shift_right_arithmetic3A_525 : i32 to vector<16xi32>
      %shift_right_arithmetic3A_527 = arith.shrsi %get3A_524, %shift_right_arithmetic3A_526 : vector<16xi32>
      %swap3A_528 = arith.index_cast %sub3A_451 : i32 to index
      %swap3A_529 = arith.constant 112 : index
      %swap3A_530 = tpu.vector_load %arg8[%swap3A_528, %swap3A_529] {strides = array<i32>} : memref<2x256xi32, #tpu.memory_space<vmem>>, vector<16xi32>,
      tpu.vector_store %arg8[%swap3A_528, %swap3A_529], %shift_right_arithmetic3A_527 {strides = array<i32>} : memref<2x256xi32, #tpu.memory_space<vmem>>, vector<16xi32>,
      %get3A_531 = arith.index_cast %sub3A_451 : i32 to index
      %get3A_532 = arith.constant 128 : index
      %get3A_533 = tpu.vector_load %arg7[%get3A_531, %get3A_532] {strides = array<i32>} : memref<2x256xi32, #tpu.memory_space<vmem>>, vector<16xi32>,
      %shift_right_arithmetic3A_534 = arith.constant 1 : i32
      %shift_right_arithmetic3A_535 = vector.broadcast %shift_right_arithmetic3A_534 : i32 to vector<16xi32>
      %shift_right_arithmetic3A_536 = arith.shrsi %get3A_533, %shift_right_arithmetic3A_535 : vector<16xi32>
      %swap3A_537 = arith.index_cast %sub3A_451 : i32 to index
      %swap3A_538 = arith.constant 128 : index
      %swap3A_539 = tpu.vector_load %arg8[%swap3A_537, %swap3A_538] {strides = array<i32>} : memref<2x256xi32, #tpu.memory_space<vmem>>, vector<16xi32>,
      tpu.vector_store %arg8[%swap3A_537, %swap3A_538], %shift_right_arithmetic3A_536 {strides = array<i32>} : memref<2x256xi32, #tpu.memory_space<vmem>>, vector<16xi32>,
      %get3A_540 = arith.index_cast %sub3A_451 : i32 to index
      %get3A_541 = arith.constant 144 : index
      %get3A_542 = tpu.vector_load %arg7[%get3A_540, %get3A_541] {strides = array<i32>} : memref<2x256xi32, #tpu.memory_space<vmem>>, vector<16xi32>,
      %shift_right_arithmetic3A_543 = arith.constant 1 : i32
      %shift_right_arithmetic3A_544 = vector.broadcast %shift_right_arithmetic3A_543 : i32 to vector<16xi32>
      %shift_right_arithmetic3A_545 = arith.shrsi %get3A_542, %shift_right_arithmetic3A_544 : vector<16xi32>
      %swap3A_546 = arith.index_cast %sub3A_451 : i32 to index
      %swap3A_547 = arith.constant 144 : index
      %swap3A_548 = tpu.vector_load %arg8[%swap3A_546, %swap3A_547] {strides = array<i32>} : memref<2x256xi32, #tpu.memory_space<vmem>>, vector<16xi32>,
      tpu.vector_store %arg8[%swap3A_546, %swap3A_547], %shift_right_arithmetic3A_545 {strides = array<i32>} : memref<2x256xi32, #tpu.memory_space<vmem>>, vector<16xi32>,
      %get3A_549 = arith.index_cast %sub3A_451 : i32 to index
      %get3A_550 = arith.constant 160 : index
      %get3A_551 = tpu.vector_load %arg7[%get3A_549, %get3A_550] {strides = array<i32>} : memref<2x256xi32, #tpu.memory_space<vmem>>, vector<16xi32>,
      %shift_right_arithmetic3A_552 = arith.constant 1 : i32
      %shift_right_arithmetic3A_553 = vector.broadcast %shift_right_arithmetic3A_552 : i32 to vector<16xi32>
      %shift_right_arithmetic3A_554 = arith.shrsi %get3A_551, %shift_right_arithmetic3A_553 : vector<16xi32>
      %swap3A_555 = arith.index_cast %sub3A_451 : i32 to index
      %swap3A_556 = arith.constant 160 : index
      %swap3A_557 = tpu.vector_load %arg8[%swap3A_555, %swap3A_556] {strides = array<i32>} : memref<2x256xi32, #tpu.memory_space<vmem>>, vector<16xi32>,
      tpu.vector_store %arg8[%swap3A_555, %swap3A_556], %shift_right_arithmetic3A_554 {strides = array<i32>} : memref<2x256xi32, #tpu.memory_space<vmem>>, vector<16xi32>,
      %get3A_558 = arith.index_cast %sub3A_451 : i32 to index
      %get3A_559 = arith.constant 176 : index
      %get3A_560 = tpu.vector_load %arg7[%get3A_558, %get3A_559] {strides = array<i32>} : memref<2x256xi32, #tpu.memory_space<vmem>>, vector<16xi32>,
      %shift_right_arithmetic3A_561 = arith.constant 1 : i32
      %shift_right_arithmetic3A_562 = vector.broadcast %shift_right_arithmetic3A_561 : i32 to vector<16xi32>
      %shift_right_arithmetic3A_563 = arith.shrsi %get3A_560, %shift_right_arithmetic3A_562 : vector<16xi32>
      %swap3A_564 = arith.index_cast %sub3A_451 : i32 to index
      %swap3A_565 = arith.constant 176 : index
      %swap3A_566 = tpu.vector_load %arg8[%swap3A_564, %swap3A_565] {strides = array<i32>} : memref<2x256xi32, #tpu.memory_space<vmem>>, vector<16xi32>,
      tpu.vector_store %arg8[%swap3A_564, %swap3A_565], %shift_right_arithmetic3A_563 {strides = array<i32>} : memref<2x256xi32, #tpu.memory_space<vmem>>, vector<16xi32>,
      %get3A_567 = arith.index_cast %sub3A_451 : i32 to index
      %get3A_568 = arith.constant 192 : index
      %get3A_569 = tpu.vector_load %arg7[%get3A_567, %get3A_568] {strides = array<i32>} : memref<2x256xi32, #tpu.memory_space<vmem>>, vector<16xi32>,
      %shift_right_arithmetic3A_570 = arith.constant 1 : i32
      %shift_right_arithmetic3A_571 = vector.broadcast %shift_right_arithmetic3A_570 : i32 to vector<16xi32>
      %shift_right_arithmetic3A_572 = arith.shrsi %get3A_569, %shift_right_arithmetic3A_571 : vector<16xi32>
      %swap3A_573 = arith.index_cast %sub3A_451 : i32 to index
      %swap3A_574 = arith.constant 192 : index
      %swap3A_575 = tpu.vector_load %arg8[%swap3A_573, %swap3A_574] {strides = array<i32>} : memref<2x256xi32, #tpu.memory_space<vmem>>, vector<16xi32>,
      tpu.vector_store %arg8[%swap3A_573, %swap3A_574], %shift_right_arithmetic3A_572 {strides = array<i32>} : memref<2x256xi32, #tpu.memory_space<vmem>>, vector<16xi32>,
      %get3A_576 = arith.index_cast %sub3A_451 : i32 to index
      %get3A_577 = arith.constant 208 : index
      %get3A_578 = tpu.vector_load %arg7[%get3A_576, %get3A_577] {strides = array<i32>} : memref<2x256xi32, #tpu.memory_space<vmem>>, vector<16xi32>,
      %shift_right_arithmetic3A_579 = arith.constant 1 : i32
      %shift_right_arithmetic3A_580 = vector.broadcast %shift_right_arithmetic3A_579 : i32 to vector<16xi32>
      %shift_right_arithmetic3A_581 = arith.shrsi %get3A_578, %shift_right_arithmetic3A_580 : vector<16xi32>
      %swap3A_582 = arith.index_cast %sub3A_451 : i32 to index
      %swap3A_583 = arith.constant 208 : index
      %swap3A_584 = tpu.vector_load %arg8[%swap3A_582, %swap3A_583] {strides = array<i32>} : memref<2x256xi32, #tpu.memory_space<vmem>>, vector<16xi32>,
      tpu.vector_store %arg8[%swap3A_582, %swap3A_583], %shift_right_arithmetic3A_581 {strides = array<i32>} : memref<2x256xi32, #tpu.memory_space<vmem>>, vector<16xi32>,
      %get3A_585 = arith.index_cast %sub3A_451 : i32 to index
      %get3A_586 = arith.constant 224 : index
      %get3A_587 = tpu.vector_load %arg7[%get3A_585, %get3A_586] {strides = array<i32>} : memref<2x256xi32, #tpu.memory_space<vmem>>, vector<16xi32>,
      %shift_right_arithmetic3A_588 = arith.constant 1 : i32
      %shift_right_arithmetic3A_589 = vector.broadcast %shift_right_arithmetic3A_588 : i32 to vector<16xi32>
      %shift_right_arithmetic3A_590 = arith.shrsi %get3A_587, %shift_right_arithmetic3A_589 : vector<16xi32>
      %swap3A_591 = arith.index_cast %sub3A_451 : i32 to index
      %swap3A_592 = arith.constant 224 : index
      %swap3A_593 = tpu.vector_load %arg8[%swap3A_591, %swap3A_592] {strides = array<i32>} : memref<2x256xi32, #tpu.memory_space<vmem>>, vector<16xi32>,
      tpu.vector_store %arg8[%swap3A_591, %swap3A_592], %shift_right_arithmetic3A_590 {strides = array<i32>} : memref<2x256xi32, #tpu.memory_space<vmem>>, vector<16xi32>,
      %get3A_594 = arith.index_cast %sub3A_451 : i32 to index
      %get3A_595 = arith.constant 240 : index
      %get3A_596 = tpu.vector_load %arg7[%get3A_594, %get3A_595] {strides = array<i32>} : memref<2x256xi32, #tpu.memory_space<vmem>>, vector<16xi32>,
      %shift_right_arithmetic3A_597 = arith.constant 1 : i32
      %shift_right_arithmetic3A_598 = vector.broadcast %shift_right_arithmetic3A_597 : i32 to vector<16xi32>
      %shift_right_arithmetic3A_599 = arith.shrsi %get3A_596, %shift_right_arithmetic3A_598 : vector<16xi32>
      %swap3A_600 = arith.index_cast %sub3A_451 : i32 to index
      %swap3A_601 = arith.constant 240 : index
      %swap3A_602 = tpu.vector_load %arg8[%swap3A_600, %swap3A_601] {strides = array<i32>} : memref<2x256xi32, #tpu.memory_space<vmem>>, vector<16xi32>,
      tpu.vector_store %arg8[%swap3A_600, %swap3A_601], %shift_right_arithmetic3A_599 {strides = array<i32>} : memref<2x256xi32, #tpu.memory_space<vmem>>, vector<16xi32>,
      %mul3A_603 = arith.constant 256 : i32
      %mul3A_604 = arith.muli %min3A_454, %mul3A_603 : i32
      %add3A_605 = arith.addi %mul3A_2, %mul3A_604 : i32
      %multiple_of3A_606 = tpu.assume_multiple %add3A_605, 256 : i32
      %dma_start3A_607 = arith.constant 0 : i32
      %dma_start3A_608 = arith.constant 0 : i32
      %dma_start3A_609 = tpu.memref_slice %arg9[%sub3A_451, %dma_start3A_607, %dma_start3A_608] : memref<2x256x128xf32, #tpu.memory_space<vmem>> -> memref<1x256x128xf32, #tpu.memory_space<vmem>>
      %dma_start3A_610 = tpu.memref_squeeze %dma_start3A_609 : memref<1x256x128xf32, #tpu.memory_space<vmem>> -> memref<256x128xf32, #tpu.memory_space<vmem>>
      %dma_start3A_611 = arith.constant 0 : i32
      %dma_start3A_612 = arith.constant 0 : i32
      %dma_start3A_613 = tpu.memref_slice %dma_start3A_610[%dma_start3A_611, %dma_start3A_612] : memref<256x128xf32, #tpu.memory_space<vmem>> -> memref<128x128xf32, #tpu.memory_space<vmem>>
      %dma_start3A_614 = arith.constant 0 : i32
      %dma_start3A_615 = tpu.memref_slice %arg8[%sub3A_451, %dma_start3A_614] : memref<2x256xi32, #tpu.memory_space<vmem>> -> memref<1x256xi32, #tpu.memory_space<vmem>>
      %dma_start3A_616 = tpu.memref_squeeze %dma_start3A_615 : memref<1x256xi32, #tpu.memory_space<vmem>> -> memref<256xi32, #tpu.memory_space<vmem>>
      %dma_start3A_617 = arith.constant 0 : i32
      %dma_start3A_618 = tpu.memref_slice %dma_start3A_616[%dma_start3A_617] : memref<256xi32, #tpu.memory_space<vmem>> -> memref<128xi32, #tpu.memory_space<vmem>>
      %dma_start3A_619 = arith.constant 0 : i32
      %dma_start3A_620 = arith.constant 0 : i32
      %dma_start3A_621 = tpu.memref_slice %arg3[%dma_start3A_619, %dma_start3A_620] : memref<500000x128xf32, #tpu.memory_space<hbm>> -> memref<500000x128xf32, #tpu.memory_space<hbm>>
      %dma_start3A_622 = tpu.memref_slice %arg13[%sub3A_451] : memref<2x!tpu.dma_semaphore, #tpu.memory_space<semaphore_mem>> -> memref<1x!tpu.dma_semaphore, #tpu.memory_space<semaphore_mem>>
      %dma_start3A_623 = tpu.memref_squeeze %dma_start3A_622 : memref<1x!tpu.dma_semaphore, #tpu.memory_space<semaphore_mem>> -> memref<!tpu.dma_semaphore, #tpu.memory_space<semaphore_mem>>
      tpu.enqueue_indirect_dma source(%dma_start3A_621 : memref<500000x128xf32, #tpu.memory_space<hbm>>) target(%dma_start3A_613 : memref<128x128xf32, #tpu.memory_space<vmem>>) offsets(%dma_start3A_618 : memref<128xi32, #tpu.memory_space<vmem>>) semaphore(%dma_start3A_623 : memref<!tpu.dma_semaphore, #tpu.memory_space<semaphore_mem>>)
      %dma_start3A_624 = arith.constant 0 : i32
      %dma_start3A_625 = arith.constant 0 : i32
      %dma_start3A_626 = tpu.memref_slice %arg10[%sub3A_451, %dma_start3A_624, %dma_start3A_625] : memref<2x256x16xf32, #tpu.memory_space<vmem>> -> memref<1x256x16xf32, #tpu.memory_space<vmem>>
      %dma_start3A_627 = tpu.memref_squeeze %dma_start3A_626 : memref<1x256x16xf32, #tpu.memory_space<vmem>> -> memref<256x16xf32, #tpu.memory_space<vmem>>
      %dma_start3A_628 = arith.constant 0 : i32
      %dma_start3A_629 = arith.constant 0 : i32
      %dma_start3A_630 = tpu.memref_slice %dma_start3A_627[%dma_start3A_628, %dma_start3A_629] : memref<256x16xf32, #tpu.memory_space<vmem>> -> memref<128x16xf32, #tpu.memory_space<vmem>>
      %dma_start3A_631 = arith.constant 0 : i32
      %dma_start3A_632 = tpu.memref_slice %arg7[%sub3A_451, %dma_start3A_631] : memref<2x256xi32, #tpu.memory_space<vmem>> -> memref<1x256xi32, #tpu.memory_space<vmem>>
      %dma_start3A_633 = tpu.memref_squeeze %dma_start3A_632 : memref<1x256xi32, #tpu.memory_space<vmem>> -> memref<256xi32, #tpu.memory_space<vmem>>
      %dma_start3A_634 = arith.constant 0 : i32
      %dma_start3A_635 = tpu.memref_slice %dma_start3A_633[%dma_start3A_634] : memref<256xi32, #tpu.memory_space<vmem>> -> memref<128xi32, #tpu.memory_space<vmem>>
      %dma_start3A_636 = arith.constant 0 : i32
      %dma_start3A_637 = arith.constant 0 : i32
      %dma_start3A_638 = tpu.memref_slice %arg4[%dma_start3A_636, %dma_start3A_637] : memref<1000000x16xf32, #tpu.memory_space<hbm>> -> memref<1000000x16xf32, #tpu.memory_space<hbm>>
      %dma_start3A_639 = tpu.memref_slice %arg13[%sub3A_451] : memref<2x!tpu.dma_semaphore, #tpu.memory_space<semaphore_mem>> -> memref<1x!tpu.dma_semaphore, #tpu.memory_space<semaphore_mem>>
      %dma_start3A_640 = tpu.memref_squeeze %dma_start3A_639 : memref<1x!tpu.dma_semaphore, #tpu.memory_space<semaphore_mem>> -> memref<!tpu.dma_semaphore, #tpu.memory_space<semaphore_mem>>
      tpu.enqueue_indirect_dma source(%dma_start3A_638 : memref<1000000x16xf32, #tpu.memory_space<hbm>>) target(%dma_start3A_630 : memref<128x16xf32, #tpu.memory_space<vmem>>) offsets(%dma_start3A_635 : memref<128xi32, #tpu.memory_space<vmem>>) semaphore(%dma_start3A_640 : memref<!tpu.dma_semaphore, #tpu.memory_space<semaphore_mem>>)
      %dma_start3A_641 = arith.constant 0 : i32
      %dma_start3A_642 = arith.constant 0 : i32
      %dma_start3A_643 = tpu.memref_slice %arg9[%sub3A_451, %dma_start3A_641, %dma_start3A_642] : memref<2x256x128xf32, #tpu.memory_space<vmem>> -> memref<1x256x128xf32, #tpu.memory_space<vmem>>
      %dma_start3A_644 = tpu.memref_squeeze %dma_start3A_643 : memref<1x256x128xf32, #tpu.memory_space<vmem>> -> memref<256x128xf32, #tpu.memory_space<vmem>>
      %dma_start3A_645 = arith.constant 128 : i32
      %dma_start3A_646 = arith.constant 0 : i32
      %dma_start3A_647 = tpu.memref_slice %dma_start3A_644[%dma_start3A_645, %dma_start3A_646] : memref<256x128xf32, #tpu.memory_space<vmem>> -> memref<128x128xf32, #tpu.memory_space<vmem>>
      %dma_start3A_648 = arith.constant 0 : i32
      %dma_start3A_649 = tpu.memref_slice %arg8[%sub3A_451, %dma_start3A_648] : memref<2x256xi32, #tpu.memory_space<vmem>> -> memref<1x256xi32, #tpu.memory_space<vmem>>
      %dma_start3A_650 = tpu.memref_squeeze %dma_start3A_649 : memref<1x256xi32, #tpu.memory_space<vmem>> -> memref<256xi32, #tpu.memory_space<vmem>>
      %dma_start3A_651 = arith.constant 128 : i32
      %dma_start3A_652 = tpu.memref_slice %dma_start3A_650[%dma_start3A_651] : memref<256xi32, #tpu.memory_space<vmem>> -> memref<128xi32, #tpu.memory_space<vmem>>
      %dma_start3A_653 = arith.constant 0 : i32
      %dma_start3A_654 = arith.constant 0 : i32
      %dma_start3A_655 = tpu.memref_slice %arg3[%dma_start3A_653, %dma_start3A_654] : memref<500000x128xf32, #tpu.memory_space<hbm>> -> memref<500000x128xf32, #tpu.memory_space<hbm>>
      %dma_start3A_656 = tpu.memref_slice %arg13[%sub3A_451] : memref<2x!tpu.dma_semaphore, #tpu.memory_space<semaphore_mem>> -> memref<1x!tpu.dma_semaphore, #tpu.memory_space<semaphore_mem>>
      %dma_start3A_657 = tpu.memref_squeeze %dma_start3A_656 : memref<1x!tpu.dma_semaphore, #tpu.memory_space<semaphore_mem>> -> memref<!tpu.dma_semaphore, #tpu.memory_space<semaphore_mem>>
      tpu.enqueue_indirect_dma source(%dma_start3A_655 : memref<500000x128xf32, #tpu.memory_space<hbm>>) target(%dma_start3A_647 : memref<128x128xf32, #tpu.memory_space<vmem>>) offsets(%dma_start3A_652 : memref<128xi32, #tpu.memory_space<vmem>>) semaphore(%dma_start3A_657 : memref<!tpu.dma_semaphore, #tpu.memory_space<semaphore_mem>>)
      %dma_start3A_658 = arith.constant 0 : i32
      %dma_start3A_659 = arith.constant 0 : i32
      %dma_start3A_660 = tpu.memref_slice %arg10[%sub3A_451, %dma_start3A_658, %dma_start3A_659] : memref<2x256x16xf32, #tpu.memory_space<vmem>> -> memref<1x256x16xf32, #tpu.memory_space<vmem>>
      %dma_start3A_661 = tpu.memref_squeeze %dma_start3A_660 : memref<1x256x16xf32, #tpu.memory_space<vmem>> -> memref<256x16xf32, #tpu.memory_space<vmem>>
      %dma_start3A_662 = arith.constant 128 : i32
      %dma_start3A_663 = arith.constant 0 : i32
      %dma_start3A_664 = tpu.memref_slice %dma_start3A_661[%dma_start3A_662, %dma_start3A_663] : memref<256x16xf32, #tpu.memory_space<vmem>> -> memref<128x16xf32, #tpu.memory_space<vmem>>
      %dma_start3A_665 = arith.constant 0 : i32
      %dma_start3A_666 = tpu.memref_slice %arg7[%sub3A_451, %dma_start3A_665] : memref<2x256xi32, #tpu.memory_space<vmem>> -> memref<1x256xi32, #tpu.memory_space<vmem>>
      %dma_start3A_667 = tpu.memref_squeeze %dma_start3A_666 : memref<1x256xi32, #tpu.memory_space<vmem>> -> memref<256xi32, #tpu.memory_space<vmem>>
      %dma_start3A_668 = arith.constant 128 : i32
      %dma_start3A_669 = tpu.memref_slice %dma_start3A_667[%dma_start3A_668] : memref<256xi32, #tpu.memory_space<vmem>> -> memref<128xi32, #tpu.memory_space<vmem>>
      %dma_start3A_670 = arith.constant 0 : i32
      %dma_start3A_671 = arith.constant 0 : i32
      %dma_start3A_672 = tpu.memref_slice %arg4[%dma_start3A_670, %dma_start3A_671] : memref<1000000x16xf32, #tpu.memory_space<hbm>> -> memref<1000000x16xf32, #tpu.memory_space<hbm>>
      %dma_start3A_673 = tpu.memref_slice %arg13[%sub3A_451] : memref<2x!tpu.dma_semaphore, #tpu.memory_space<semaphore_mem>> -> memref<1x!tpu.dma_semaphore, #tpu.memory_space<semaphore_mem>>
      %dma_start3A_674 = tpu.memref_squeeze %dma_start3A_673 : memref<1x!tpu.dma_semaphore, #tpu.memory_space<semaphore_mem>> -> memref<!tpu.dma_semaphore, #tpu.memory_space<semaphore_mem>>
      tpu.enqueue_indirect_dma source(%dma_start3A_672 : memref<1000000x16xf32, #tpu.memory_space<hbm>>) target(%dma_start3A_664 : memref<128x16xf32, #tpu.memory_space<vmem>>) offsets(%dma_start3A_669 : memref<128xi32, #tpu.memory_space<vmem>>) semaphore(%dma_start3A_674 : memref<!tpu.dma_semaphore, #tpu.memory_space<semaphore_mem>>)
      %mul3A_675 = arith.constant 256 : i32
      %mul3A_676 = arith.muli %scan3A_449, %mul3A_675 : i32
      %add3A_677 = arith.addi %mul3A_2, %mul3A_676 : i32
      %multiple_of3A_678 = tpu.assume_multiple %add3A_677, 256 : i32
      %dma_wait3A_679 = arith.constant 0 : i32
      %dma_wait3A_680 = arith.constant 0 : i32
      %dma_wait3A_681 = tpu.memref_slice %arg9[%rem3A_450, %dma_wait3A_679, %dma_wait3A_680] : memref<2x256x128xf32, #tpu.memory_space<vmem>> -> memref<1x256x128xf32, #tpu.memory_space<vmem>>
      %dma_wait3A_682 = tpu.memref_squeeze %dma_wait3A_681 : memref<1x256x128xf32, #tpu.memory_space<vmem>> -> memref<256x128xf32, #tpu.memory_space<vmem>>
      %dma_wait3A_683 = arith.constant 0 : i32
      %dma_wait3A_684 = arith.constant 0 : i32
      %dma_wait3A_685 = tpu.memref_slice %dma_wait3A_682[%dma_wait3A_683, %dma_wait3A_684] : memref<256x128xf32, #tpu.memory_space<vmem>> -> memref<128x128xf32, #tpu.memory_space<vmem>>
      %dma_wait3A_686 = arith.constant 0 : i32
      %dma_wait3A_687 = tpu.memref_slice %arg8[%rem3A_450, %dma_wait3A_686] : memref<2x256xi32, #tpu.memory_space<vmem>> -> memref<1x256xi32, #tpu.memory_space<vmem>>
      %dma_wait3A_688 = tpu.memref_squeeze %dma_wait3A_687 : memref<1x256xi32, #tpu.memory_space<vmem>> -> memref<256xi32, #tpu.memory_space<vmem>>
      %dma_wait3A_689 = arith.constant 0 : i32
      %dma_wait3A_690 = tpu.memref_slice %dma_wait3A_688[%dma_wait3A_689] : memref<256xi32, #tpu.memory_space<vmem>> -> memref<128xi32, #tpu.memory_space<vmem>>
      %dma_wait3A_691 = arith.constant 0 : i32
      %dma_wait3A_692 = arith.constant 0 : i32
      %dma_wait3A_693 = tpu.memref_slice %arg3[%dma_wait3A_691, %dma_wait3A_692] : memref<500000x128xf32, #tpu.memory_space<hbm>> -> memref<500000x128xf32, #tpu.memory_space<hbm>>
      %dma_wait3A_694 = tpu.memref_slice %arg13[%rem3A_450] : memref<2x!tpu.dma_semaphore, #tpu.memory_space<semaphore_mem>> -> memref<1x!tpu.dma_semaphore, #tpu.memory_space<semaphore_mem>>
      %dma_wait3A_695 = tpu.memref_squeeze %dma_wait3A_694 : memref<1x!tpu.dma_semaphore, #tpu.memory_space<semaphore_mem>> -> memref<!tpu.dma_semaphore, #tpu.memory_space<semaphore_mem>>
      tpu.wait_indirect_dma semaphore(%dma_wait3A_695 : memref<!tpu.dma_semaphore, #tpu.memory_space<semaphore_mem>>) src(%dma_wait3A_693 : memref<500000x128xf32, #tpu.memory_space<hbm>>) dst(%dma_wait3A_685 : memref<128x128xf32, #tpu.memory_space<vmem>>)
      %dma_wait3A_696 = arith.constant 0 : i32
      %dma_wait3A_697 = arith.constant 0 : i32
      %dma_wait3A_698 = tpu.memref_slice %arg10[%rem3A_450, %dma_wait3A_696, %dma_wait3A_697] : memref<2x256x16xf32, #tpu.memory_space<vmem>> -> memref<1x256x16xf32, #tpu.memory_space<vmem>>
      %dma_wait3A_699 = tpu.memref_squeeze %dma_wait3A_698 : memref<1x256x16xf32, #tpu.memory_space<vmem>> -> memref<256x16xf32, #tpu.memory_space<vmem>>
      %dma_wait3A_700 = arith.constant 0 : i32
      %dma_wait3A_701 = arith.constant 0 : i32
      %dma_wait3A_702 = tpu.memref_slice %dma_wait3A_699[%dma_wait3A_700, %dma_wait3A_701] : memref<256x16xf32, #tpu.memory_space<vmem>> -> memref<128x16xf32, #tpu.memory_space<vmem>>
      %dma_wait3A_703 = arith.constant 0 : i32
      %dma_wait3A_704 = tpu.memref_slice %arg7[%rem3A_450, %dma_wait3A_703] : memref<2x256xi32, #tpu.memory_space<vmem>> -> memref<1x256xi32, #tpu.memory_space<vmem>>
      %dma_wait3A_705 = tpu.memref_squeeze %dma_wait3A_704 : memref<1x256xi32, #tpu.memory_space<vmem>> -> memref<256xi32, #tpu.memory_space<vmem>>
      %dma_wait3A_706 = arith.constant 0 : i32
      %dma_wait3A_707 = tpu.memref_slice %dma_wait3A_705[%dma_wait3A_706] : memref<256xi32, #tpu.memory_space<vmem>> -> memref<128xi32, #tpu.memory_space<vmem>>
      %dma_wait3A_708 = arith.constant 0 : i32
      %dma_wait3A_709 = arith.constant 0 : i32
      %dma_wait3A_710 = tpu.memref_slice %arg4[%dma_wait3A_708, %dma_wait3A_709] : memref<1000000x16xf32, #tpu.memory_space<hbm>> -> memref<1000000x16xf32, #tpu.memory_space<hbm>>
      %dma_wait3A_711 = tpu.memref_slice %arg13[%rem3A_450] : memref<2x!tpu.dma_semaphore, #tpu.memory_space<semaphore_mem>> -> memref<1x!tpu.dma_semaphore, #tpu.memory_space<semaphore_mem>>
      %dma_wait3A_712 = tpu.memref_squeeze %dma_wait3A_711 : memref<1x!tpu.dma_semaphore, #tpu.memory_space<semaphore_mem>> -> memref<!tpu.dma_semaphore, #tpu.memory_space<semaphore_mem>>
      tpu.wait_indirect_dma semaphore(%dma_wait3A_712 : memref<!tpu.dma_semaphore, #tpu.memory_space<semaphore_mem>>) src(%dma_wait3A_710 : memref<1000000x16xf32, #tpu.memory_space<hbm>>) dst(%dma_wait3A_702 : memref<128x16xf32, #tpu.memory_space<vmem>>)
      %dma_wait3A_713 = arith.constant 0 : i32
      %dma_wait3A_714 = arith.constant 0 : i32
      %dma_wait3A_715 = tpu.memref_slice %arg9[%rem3A_450, %dma_wait3A_713, %dma_wait3A_714] : memref<2x256x128xf32, #tpu.memory_space<vmem>> -> memref<1x256x128xf32, #tpu.memory_space<vmem>>
      %dma_wait3A_716 = tpu.memref_squeeze %dma_wait3A_715 : memref<1x256x128xf32, #tpu.memory_space<vmem>> -> memref<256x128xf32, #tpu.memory_space<vmem>>
      %dma_wait3A_717 = arith.constant 128 : i32
      %dma_wait3A_718 = arith.constant 0 : i32
      %dma_wait3A_719 = tpu.memref_slice %dma_wait3A_716[%dma_wait3A_717, %dma_wait3A_718] : memref<256x128xf32, #tpu.memory_space<vmem>> -> memref<128x128xf32, #tpu.memory_space<vmem>>
      %dma_wait3A_720 = arith.constant 0 : i32
      %dma_wait3A_721 = tpu.memref_slice %arg8[%rem3A_450, %dma_wait3A_720] : memref<2x256xi32, #tpu.memory_space<vmem>> -> memref<1x256xi32, #tpu.memory_space<vmem>>
      %dma_wait3A_722 = tpu.memref_squeeze %dma_wait3A_721 : memref<1x256xi32, #tpu.memory_space<vmem>> -> memref<256xi32, #tpu.memory_space<vmem>>
      %dma_wait3A_723 = arith.constant 128 : i32
      %dma_wait3A_724 = tpu.memref_slice %dma_wait3A_722[%dma_wait3A_723] : memref<256xi32, #tpu.memory_space<vmem>> -> memref<128xi32, #tpu.memory_space<vmem>>
      %dma_wait3A_725 = arith.constant 0 : i32
      %dma_wait3A_726 = arith.constant 0 : i32
      %dma_wait3A_727 = tpu.memref_slice %arg3[%dma_wait3A_725, %dma_wait3A_726] : memref<500000x128xf32, #tpu.memory_space<hbm>> -> memref<500000x128xf32, #tpu.memory_space<hbm>>
      %dma_wait3A_728 = tpu.memref_slice %arg13[%rem3A_450] : memref<2x!tpu.dma_semaphore, #tpu.memory_space<semaphore_mem>> -> memref<1x!tpu.dma_semaphore, #tpu.memory_space<semaphore_mem>>
      %dma_wait3A_729 = tpu.memref_squeeze %dma_wait3A_728 : memref<1x!tpu.dma_semaphore, #tpu.memory_space<semaphore_mem>> -> memref<!tpu.dma_semaphore, #tpu.memory_space<semaphore_mem>>
      tpu.wait_indirect_dma semaphore(%dma_wait3A_729 : memref<!tpu.dma_semaphore, #tpu.memory_space<semaphore_mem>>) src(%dma_wait3A_727 : memref<500000x128xf32, #tpu.memory_space<hbm>>) dst(%dma_wait3A_719 : memref<128x128xf32, #tpu.memory_space<vmem>>)
      %dma_wait3A_730 = arith.constant 0 : i32
      %dma_wait3A_731 = arith.constant 0 : i32
      %dma_wait3A_732 = tpu.memref_slice %arg10[%rem3A_450, %dma_wait3A_730, %dma_wait3A_731] : memref<2x256x16xf32, #tpu.memory_space<vmem>> -> memref<1x256x16xf32, #tpu.memory_space<vmem>>
      %dma_wait3A_733 = tpu.memref_squeeze %dma_wait3A_732 : memref<1x256x16xf32, #tpu.memory_space<vmem>> -> memref<256x16xf32, #tpu.memory_space<vmem>>
      %dma_wait3A_734 = arith.constant 128 : i32
      %dma_wait3A_735 = arith.constant 0 : i32
      %dma_wait3A_736 = tpu.memref_slice %dma_wait3A_733[%dma_wait3A_734, %dma_wait3A_735] : memref<256x16xf32, #tpu.memory_space<vmem>> -> memref<128x16xf32, #tpu.memory_space<vmem>>
      %dma_wait3A_737 = arith.constant 0 : i32
      %dma_wait3A_738 = tpu.memref_slice %arg7[%rem3A_450, %dma_wait3A_737] : memref<2x256xi32, #tpu.memory_space<vmem>> -> memref<1x256xi32, #tpu.memory_space<vmem>>
      %dma_wait3A_739 = tpu.memref_squeeze %dma_wait3A_738 : memref<1x256xi32, #tpu.memory_space<vmem>> -> memref<256xi32, #tpu.memory_space<vmem>>
      %dma_wait3A_740 = arith.constant 128 : i32
      %dma_wait3A_741 = tpu.memref_slice %dma_wait3A_739[%dma_wait3A_740] : memref<256xi32, #tpu.memory_space<vmem>> -> memref<128xi32, #tpu.memory_space<vmem>>
      %dma_wait3A_742 = arith.constant 0 : i32
      %dma_wait3A_743 = arith.constant 0 : i32
      %dma_wait3A_744 = tpu.memref_slice %arg4[%dma_wait3A_742, %dma_wait3A_743] : memref<1000000x16xf32, #tpu.memory_space<hbm>> -> memref<1000000x16xf32, #tpu.memory_space<hbm>>
      %dma_wait3A_745 = tpu.memref_slice %arg13[%rem3A_450] : memref<2x!tpu.dma_semaphore, #tpu.memory_space<semaphore_mem>> -> memref<1x!tpu.dma_semaphore, #tpu.memory_space<semaphore_mem>>
      %dma_wait3A_746 = tpu.memref_squeeze %dma_wait3A_745 : memref<1x!tpu.dma_semaphore, #tpu.memory_space<semaphore_mem>> -> memref<!tpu.dma_semaphore, #tpu.memory_space<semaphore_mem>>
      tpu.wait_indirect_dma semaphore(%dma_wait3A_746 : memref<!tpu.dma_semaphore, #tpu.memory_space<semaphore_mem>>) src(%dma_wait3A_744 : memref<1000000x16xf32, #tpu.memory_space<hbm>>) dst(%dma_wait3A_736 : memref<128x16xf32, #tpu.memory_space<vmem>>)
      %ge3A = arith.constant 2 : i32
      %ge3A_747 = arith.cmpi sge, %scan3A_449, %ge3A : i32
      %convert_element_type3A = arith.extui %ge3A_747 : i1 to i32
      %cond3A = arith.constant 0 : i32
      %cond3A_748 = arith.cmpi ne, %convert_element_type3A, %cond3A : i32
      scf.if %cond3A_748 {
        %sub3A_773 = arith.constant 2 : i32
        %sub3A_774 = arith.subi %scan3A_449, %sub3A_773 : i32
        %mul3A_775 = arith.constant 256 : i32
        %mul3A_776 = arith.muli %sub3A_774, %mul3A_775 : i32
        %add3A_777 = arith.addi %mul3A_2, %mul3A_776 : i32
        %multiple_of3A_778 = tpu.assume_multiple %add3A_777, 256 : i32
        %dma_wait3A_779 = arith.constant 0 : i32
        %dma_wait3A_780 = arith.constant 0 : i32
        %dma_wait3A_781 = tpu.memref_slice %arg11[%rem3A_450, %dma_wait3A_779, %dma_wait3A_780] : memref<2x256x64xf32, #tpu.memory_space<vmem>> -> memref<1x256x64xf32, #tpu.memory_space<vmem>>
        %dma_wait3A_782 = tpu.memref_squeeze %dma_wait3A_781 : memref<1x256x64xf32, #tpu.memory_space<vmem>> -> memref<256x64xf32, #tpu.memory_space<vmem>>
        %dma_wait3A_783 = arith.constant 0 : i32
        %dma_wait3A_784 = tpu.memref_slice %arg6[%multiple_of3A_778, %dma_wait3A_783] : memref<327680x64xf32, #tpu.memory_space<hbm>> -> memref<256x64xf32, #tpu.memory_space<hbm>>
        %dma_wait3A_785 = tpu.memref_slice %arg14[%rem3A_450] : memref<2x!tpu.dma_semaphore, #tpu.memory_space<semaphore_mem>> -> memref<1x!tpu.dma_semaphore, #tpu.memory_space<semaphore_mem>>
        %dma_wait3A_786 = tpu.memref_squeeze %dma_wait3A_785 : memref<1x!tpu.dma_semaphore, #tpu.memory_space<semaphore_mem>> -> memref<!tpu.dma_semaphore, #tpu.memory_space<semaphore_mem>>
        %dma_wait3A_787 = arith.constant 0 : i32
        %dma_wait3A_788 = tpu.memref_slice %arg6[%multiple_of3A_778, %dma_wait3A_787] : memref<327680x64xf32, #tpu.memory_space<hbm>> -> memref<256x64xf32, #tpu.memory_space<hbm>>
        %dma_wait3A_789 = arith.constant 0 : i32
        %dma_wait3A_790 = arith.constant 0 : i32
        %dma_wait3A_791 = tpu.memref_slice %arg11[%rem3A_450, %dma_wait3A_789, %dma_wait3A_790] : memref<2x256x64xf32, #tpu.memory_space<vmem>> -> memref<1x256x64xf32, #tpu.memory_space<vmem>>
        %dma_wait3A_792 = tpu.memref_squeeze %dma_wait3A_791 : memref<1x256x64xf32, #tpu.memory_space<vmem>> -> memref<256x64xf32, #tpu.memory_space<vmem>>
        tpu.wait_dma2 semaphore(%dma_wait3A_786 : memref<!tpu.dma_semaphore, #tpu.memory_space<semaphore_mem>>) src(%dma_wait3A_792 : memref<256x64xf32, #tpu.memory_space<vmem>>) dst(%dma_wait3A_788 : memref<256x64xf32, #tpu.memory_space<hbm>>)
      } else {
      }
      %scan3A_749 = arith.constant 0 : i32
      %scan3A_750 = arith.constant 0 : i32
      %scan3A_751 = arith.constant 16 : i32
      %scan3A_752 = arith.addi %scan3A_750, %scan3A_751 : i32
      %scan3A_753 = arith.constant 1 : i32
      scf.for %scan3A_773 = %scan3A_750 to %scan3A_752 step %scan3A_753  : i32 {
        %mul3A_774 = arith.constant 16 : i32
        %mul3A_775 = arith.muli %scan3A_773, %mul3A_774 : i32
        %get3A_776 = arith.index_cast %rem3A_450 : i32 to index
        %get3A_777 = arith.index_cast %mul3A_775 : i32 to index
        %get3A_778 = tpu.vector_load %arg7[%get3A_776, %get3A_777] {strides = array<i32>} : memref<2x256xi32, #tpu.memory_space<vmem>>, vector<16xi32>,
        %and3A = arith.constant 1 : i32
        %and3A_779 = vector.broadcast %and3A : i32 to vector<16xi32>
        %and3A_780 = arith.andi %get3A_778, %and3A_779 : vector<16xi32>
        %mul3A_781 = arith.constant 64 : i32
        %mul3A_782 = vector.broadcast %mul3A_781 : i32 to vector<16xi32>
        %mul3A_783 = arith.muli %and3A_780, %mul3A_782 : vector<16xi32>
        %mul3A_784 = arith.constant 16 : i32
        %mul3A_785 = arith.muli %scan3A_773, %mul3A_784 : i32
        %add3A_786 = arith.constant 0 : i32
        %add3A_787 = arith.addi %mul3A_785, %add3A_786 : i32
        %slice3A = vector.extract_strided_slice %mul3A_783 {offsets = [0], sizes = [1], strides = [1]} : vector<16xi32> to vector<1xi32>
        %squeeze3A = vector.extract %slice3A[0] : i32 from vector<1xi32>
        %get3A_788 = arith.index_cast %rem3A_450 : i32 to index
        %get3A_789 = arith.index_cast %add3A_787 : i32 to index
        %get3A_790 = arith.constant 0 : index
        %get3A_791 = tpu.vector_load %arg10[%get3A_788, %get3A_789, %get3A_790] {strides = array<i32>} : memref<2x256x16xf32, #tpu.memory_space<vmem>>, vector<16xf32>,
        %slice3A_792 = vector.extract_strided_slice %get3A_791 {offsets = [0], sizes = [1], strides = [1]} : vector<16xf32> to vector<1xf32>
        %squeeze3A_793 = vector.extract %slice3A_792[0] : f32 from vector<1xf32>
        %broadcast_in_dim3A = vector.broadcast %squeeze3A_793 : f32 to vector<16xf32>
        %pack3A = tpu.pack_subelements %broadcast_in_dim3A, %broadcast_in_dim3A {pack_format = #tpu.pack_format<interleaved>, positions = array<i32: 0, 1>} : vector<16xf32>, vector<16xf32> -> vector<32xbf16>
        %mul3A_794 = arith.mulf %pack3A, %get3A_3 : vector<32xbf16>
        %slice3A_795 = vector.extract_strided_slice %get3A_791 {offsets = [0], sizes = [1], strides = [1]} : vector<16xf32> to vector<1xf32>
        %squeeze3A_796 = vector.extract %slice3A_795[0] : f32 from vector<1xf32>
        %broadcast_in_dim3A_797 = vector.broadcast %squeeze3A_796 : f32 to vector<16xf32>
        %pack3A_798 = tpu.pack_subelements %broadcast_in_dim3A_797, %broadcast_in_dim3A_797 {pack_format = #tpu.pack_format<interleaved>, positions = array<i32: 0, 1>} : vector<16xf32>, vector<16xf32> -> vector<32xbf16>
        %mul3A_799 = arith.mulf %pack3A_798, %get3A_5 : vector<32xbf16>
        %slice3A_800 = vector.extract_strided_slice %get3A_791 {offsets = [1], sizes = [1], strides = [1]} : vector<16xf32> to vector<1xf32>
        %squeeze3A_801 = vector.extract %slice3A_800[0] : f32 from vector<1xf32>
        %broadcast_in_dim3A_802 = vector.broadcast %squeeze3A_801 : f32 to vector<16xf32>
        %pack3A_803 = tpu.pack_subelements %broadcast_in_dim3A_802, %broadcast_in_dim3A_802 {pack_format = #tpu.pack_format<interleaved>, positions = array<i32: 0, 1>} : vector<16xf32>, vector<16xf32> -> vector<32xbf16>
        %mul3A_804 = arith.mulf %pack3A_803, %get3A_7 : vector<32xbf16>
        %add3A_805 = arith.addf %mul3A_794, %mul3A_804 : vector<32xbf16>
        %mul3A_806 = arith.mulf %pack3A_803, %get3A_9 : vector<32xbf16>
        %add3A_807 = arith.addf %mul3A_799, %mul3A_806 : vector<32xbf16>
        %slice3A_808 = vector.extract_strided_slice %get3A_791 {offsets = [2], sizes = [1], strides = [1]} : vector<16xf32> to vector<1xf32>
        %squeeze3A_809 = vector.extract %slice3A_808[0] : f32 from vector<1xf32>
        %broadcast_in_dim3A_810 = vector.broadcast %squeeze3A_809 : f32 to vector<16xf32>
        %pack3A_811 = tpu.pack_subelements %broadcast_in_dim3A_810, %broadcast_in_dim3A_810 {pack_format = #tpu.pack_format<interleaved>, positions = array<i32: 0, 1>} : vector<16xf32>, vector<16xf32> -> vector<32xbf16>
        %mul3A_812 = arith.mulf %pack3A_811, %get3A_11 : vector<32xbf16>
        %add3A_813 = arith.addf %add3A_805, %mul3A_812 : vector<32xbf16>
        %mul3A_814 = arith.mulf %pack3A_811, %get3A_13 : vector<32xbf16>
        %add3A_815 = arith.addf %add3A_807, %mul3A_814 : vector<32xbf16>
        %slice3A_816 = vector.extract_strided_slice %get3A_791 {offsets = [3], sizes = [1], strides = [1]} : vector<16xf32> to vector<1xf32>
        %squeeze3A_817 = vector.extract %slice3A_816[0] : f32 from vector<1xf32>
        %broadcast_in_dim3A_818 = vector.broadcast %squeeze3A_817 : f32 to vector<16xf32>
        %pack3A_819 = tpu.pack_subelements %broadcast_in_dim3A_818, %broadcast_in_dim3A_818 {pack_format = #tpu.pack_format<interleaved>, positions = array<i32: 0, 1>} : vector<16xf32>, vector<16xf32> -> vector<32xbf16>
        %mul3A_820 = arith.mulf %pack3A_819, %get3A_15 : vector<32xbf16>
        %add3A_821 = arith.addf %add3A_813, %mul3A_820 : vector<32xbf16>
        %mul3A_822 = arith.mulf %pack3A_819, %get3A_17 : vector<32xbf16>
        %add3A_823 = arith.addf %add3A_815, %mul3A_822 : vector<32xbf16>
        %slice3A_824 = vector.extract_strided_slice %get3A_791 {offsets = [4], sizes = [1], strides = [1]} : vector<16xf32> to vector<1xf32>
        %squeeze3A_825 = vector.extract %slice3A_824[0] : f32 from vector<1xf32>
        %broadcast_in_dim3A_826 = vector.broadcast %squeeze3A_825 : f32 to vector<16xf32>
        %pack3A_827 = tpu.pack_subelements %broadcast_in_dim3A_826, %broadcast_in_dim3A_826 {pack_format = #tpu.pack_format<interleaved>, positions = array<i32: 0, 1>} : vector<16xf32>, vector<16xf32> -> vector<32xbf16>
        %mul3A_828 = arith.mulf %pack3A_827, %get3A_19 : vector<32xbf16>
        %add3A_829 = arith.addf %add3A_821, %mul3A_828 : vector<32xbf16>
        %mul3A_830 = arith.mulf %pack3A_827, %get3A_21 : vector<32xbf16>
        %add3A_831 = arith.addf %add3A_823, %mul3A_830 : vector<32xbf16>
        %slice3A_832 = vector.extract_strided_slice %get3A_791 {offsets = [5], sizes = [1], strides = [1]} : vector<16xf32> to vector<1xf32>
        %squeeze3A_833 = vector.extract %slice3A_832[0] : f32 from vector<1xf32>
        %broadcast_in_dim3A_834 = vector.broadcast %squeeze3A_833 : f32 to vector<16xf32>
        %pack3A_835 = tpu.pack_subelements %broadcast_in_dim3A_834, %broadcast_in_dim3A_834 {pack_format = #tpu.pack_format<interleaved>, positions = array<i32: 0, 1>} : vector<16xf32>, vector<16xf32> -> vector<32xbf16>
        %mul3A_836 = arith.mulf %pack3A_835, %get3A_23 : vector<32xbf16>
        %add3A_837 = arith.addf %add3A_829, %mul3A_836 : vector<32xbf16>
        %mul3A_838 = arith.mulf %pack3A_835, %get3A_25 : vector<32xbf16>
        %add3A_839 = arith.addf %add3A_831, %mul3A_838 : vector<32xbf16>
        %slice3A_840 = vector.extract_strided_slice %get3A_791 {offsets = [6], sizes = [1], strides = [1]} : vector<16xf32> to vector<1xf32>
        %squeeze3A_841 = vector.extract %slice3A_840[0] : f32 from vector<1xf32>
        %broadcast_in_dim3A_842 = vector.broadcast %squeeze3A_841 : f32 to vector<16xf32>
        %pack3A_843 = tpu.pack_subelements %broadcast_in_dim3A_842, %broadcast_in_dim3A_842 {pack_format = #tpu.pack_format<interleaved>, positions = array<i32: 0, 1>} : vector<16xf32>, vector<16xf32> -> vector<32xbf16>
        %mul3A_844 = arith.mulf %pack3A_843, %get3A_27 : vector<32xbf16>
        %add3A_845 = arith.addf %add3A_837, %mul3A_844 : vector<32xbf16>
        %mul3A_846 = arith.mulf %pack3A_843, %get3A_29 : vector<32xbf16>
        %add3A_847 = arith.addf %add3A_839, %mul3A_846 : vector<32xbf16>
        %slice3A_848 = vector.extract_strided_slice %get3A_791 {offsets = [7], sizes = [1], strides = [1]} : vector<16xf32> to vector<1xf32>
        %squeeze3A_849 = vector.extract %slice3A_848[0] : f32 from vector<1xf32>
        %broadcast_in_dim3A_850 = vector.broadcast %squeeze3A_849 : f32 to vector<16xf32>
        %pack3A_851 = tpu.pack_subelements %broadcast_in_dim3A_850, %broadcast_in_dim3A_850 {pack_format = #tpu.pack_format<interleaved>, positions = array<i32: 0, 1>} : vector<16xf32>, vector<16xf32> -> vector<32xbf16>
        %mul3A_852 = arith.mulf %pack3A_851, %get3A_31 : vector<32xbf16>
        %add3A_853 = arith.addf %add3A_845, %mul3A_852 : vector<32xbf16>
        %mul3A_854 = arith.mulf %pack3A_851, %get3A_33 : vector<32xbf16>
        %add3A_855 = arith.addf %add3A_847, %mul3A_854 : vector<32xbf16>
        %slice3A_856 = vector.extract_strided_slice %get3A_791 {offsets = [8], sizes = [1], strides = [1]} : vector<16xf32> to vector<1xf32>
        %squeeze3A_857 = vector.extract %slice3A_856[0] : f32 from vector<1xf32>
        %broadcast_in_dim3A_858 = vector.broadcast %squeeze3A_857 : f32 to vector<16xf32>
        %pack3A_859 = tpu.pack_subelements %broadcast_in_dim3A_858, %broadcast_in_dim3A_858 {pack_format = #tpu.pack_format<interleaved>, positions = array<i32: 0, 1>} : vector<16xf32>, vector<16xf32> -> vector<32xbf16>
        %mul3A_860 = arith.mulf %pack3A_859, %get3A_35 : vector<32xbf16>
        %add3A_861 = arith.addf %add3A_853, %mul3A_860 : vector<32xbf16>
        %mul3A_862 = arith.mulf %pack3A_859, %get3A_37 : vector<32xbf16>
        %add3A_863 = arith.addf %add3A_855, %mul3A_862 : vector<32xbf16>
        %slice3A_864 = vector.extract_strided_slice %get3A_791 {offsets = [9], sizes = [1], strides = [1]} : vector<16xf32> to vector<1xf32>
        %squeeze3A_865 = vector.extract %slice3A_864[0] : f32 from vector<1xf32>
        %broadcast_in_dim3A_866 = vector.broadcast %squeeze3A_865 : f32 to vector<16xf32>
        %pack3A_867 = tpu.pack_subelements %broadcast_in_dim3A_866, %broadcast_in_dim3A_866 {pack_format = #tpu.pack_format<interleaved>, positions = array<i32: 0, 1>} : vector<16xf32>, vector<16xf32> -> vector<32xbf16>
        %mul3A_868 = arith.mulf %pack3A_867, %get3A_39 : vector<32xbf16>
        %add3A_869 = arith.addf %add3A_861, %mul3A_868 : vector<32xbf16>
        %mul3A_870 = arith.mulf %pack3A_867, %get3A_41 : vector<32xbf16>
        %add3A_871 = arith.addf %add3A_863, %mul3A_870 : vector<32xbf16>
        %slice3A_872 = vector.extract_strided_slice %get3A_791 {offsets = [10], sizes = [1], strides = [1]} : vector<16xf32> to vector<1xf32>
        %squeeze3A_873 = vector.extract %slice3A_872[0] : f32 from vector<1xf32>
        %broadcast_in_dim3A_874 = vector.broadcast %squeeze3A_873 : f32 to vector<16xf32>
        %pack3A_875 = tpu.pack_subelements %broadcast_in_dim3A_874, %broadcast_in_dim3A_874 {pack_format = #tpu.pack_format<interleaved>, positions = array<i32: 0, 1>} : vector<16xf32>, vector<16xf32> -> vector<32xbf16>
        %mul3A_876 = arith.mulf %pack3A_875, %get3A_43 : vector<32xbf16>
        %add3A_877 = arith.addf %add3A_869, %mul3A_876 : vector<32xbf16>
        %mul3A_878 = arith.mulf %pack3A_875, %get3A_45 : vector<32xbf16>
        %add3A_879 = arith.addf %add3A_871, %mul3A_878 : vector<32xbf16>
        %slice3A_880 = vector.extract_strided_slice %get3A_791 {offsets = [11], sizes = [1], strides = [1]} : vector<16xf32> to vector<1xf32>
        %squeeze3A_881 = vector.extract %slice3A_880[0] : f32 from vector<1xf32>
        %broadcast_in_dim3A_882 = vector.broadcast %squeeze3A_881 : f32 to vector<16xf32>
        %pack3A_883 = tpu.pack_subelements %broadcast_in_dim3A_882, %broadcast_in_dim3A_882 {pack_format = #tpu.pack_format<interleaved>, positions = array<i32: 0, 1>} : vector<16xf32>, vector<16xf32> -> vector<32xbf16>
        %mul3A_884 = arith.mulf %pack3A_883, %get3A_47 : vector<32xbf16>
        %add3A_885 = arith.addf %add3A_877, %mul3A_884 : vector<32xbf16>
        %mul3A_886 = arith.mulf %pack3A_883, %get3A_49 : vector<32xbf16>
        %add3A_887 = arith.addf %add3A_879, %mul3A_886 : vector<32xbf16>
        %slice3A_888 = vector.extract_strided_slice %get3A_791 {offsets = [12], sizes = [1], strides = [1]} : vector<16xf32> to vector<1xf32>
        %squeeze3A_889 = vector.extract %slice3A_888[0] : f32 from vector<1xf32>
        %broadcast_in_dim3A_890 = vector.broadcast %squeeze3A_889 : f32 to vector<16xf32>
        %pack3A_891 = tpu.pack_subelements %broadcast_in_dim3A_890, %broadcast_in_dim3A_890 {pack_format = #tpu.pack_format<interleaved>, positions = array<i32: 0, 1>} : vector<16xf32>, vector<16xf32> -> vector<32xbf16>
        %mul3A_892 = arith.mulf %pack3A_891, %get3A_51 : vector<32xbf16>
        %add3A_893 = arith.addf %add3A_885, %mul3A_892 : vector<32xbf16>
        %mul3A_894 = arith.mulf %pack3A_891, %get3A_53 : vector<32xbf16>
        %add3A_895 = arith.addf %add3A_887, %mul3A_894 : vector<32xbf16>
        %slice3A_896 = vector.extract_strided_slice %get3A_791 {offsets = [13], sizes = [1], strides = [1]} : vector<16xf32> to vector<1xf32>
        %squeeze3A_897 = vector.extract %slice3A_896[0] : f32 from vector<1xf32>
        %broadcast_in_dim3A_898 = vector.broadcast %squeeze3A_897 : f32 to vector<16xf32>
        %pack3A_899 = tpu.pack_subelements %broadcast_in_dim3A_898, %broadcast_in_dim3A_898 {pack_format = #tpu.pack_format<interleaved>, positions = array<i32: 0, 1>} : vector<16xf32>, vector<16xf32> -> vector<32xbf16>
        %mul3A_900 = arith.mulf %pack3A_899, %get3A_55 : vector<32xbf16>
        %add3A_901 = arith.addf %add3A_893, %mul3A_900 : vector<32xbf16>
        %mul3A_902 = arith.mulf %pack3A_899, %get3A_57 : vector<32xbf16>
        %add3A_903 = arith.addf %add3A_895, %mul3A_902 : vector<32xbf16>
        %slice3A_904 = vector.extract_strided_slice %get3A_791 {offsets = [14], sizes = [1], strides = [1]} : vector<16xf32> to vector<1xf32>
        %squeeze3A_905 = vector.extract %slice3A_904[0] : f32 from vector<1xf32>
        %broadcast_in_dim3A_906 = vector.broadcast %squeeze3A_905 : f32 to vector<16xf32>
        %pack3A_907 = tpu.pack_subelements %broadcast_in_dim3A_906, %broadcast_in_dim3A_906 {pack_format = #tpu.pack_format<interleaved>, positions = array<i32: 0, 1>} : vector<16xf32>, vector<16xf32> -> vector<32xbf16>
        %mul3A_908 = arith.mulf %pack3A_907, %get3A_59 : vector<32xbf16>
        %add3A_909 = arith.addf %add3A_901, %mul3A_908 : vector<32xbf16>
        %mul3A_910 = arith.mulf %pack3A_907, %get3A_61 : vector<32xbf16>
        %add3A_911 = arith.addf %add3A_903, %mul3A_910 : vector<32xbf16>
        %slice3A_912 = vector.extract_strided_slice %get3A_791 {offsets = [15], sizes = [1], strides = [1]} : vector<16xf32> to vector<1xf32>
        %squeeze3A_913 = vector.extract %slice3A_912[0] : f32 from vector<1xf32>
        %broadcast_in_dim3A_914 = vector.broadcast %squeeze3A_913 : f32 to vector<16xf32>
        %pack3A_915 = tpu.pack_subelements %broadcast_in_dim3A_914, %broadcast_in_dim3A_914 {pack_format = #tpu.pack_format<interleaved>, positions = array<i32: 0, 1>} : vector<16xf32>, vector<16xf32> -> vector<32xbf16>
        %mul3A_916 = arith.mulf %pack3A_915, %get3A_63 : vector<32xbf16>
        %add3A_917 = arith.addf %add3A_909, %mul3A_916 : vector<32xbf16>
        %mul3A_918 = arith.mulf %pack3A_915, %get3A_65 : vector<32xbf16>
        %add3A_919 = arith.addf %add3A_911, %mul3A_918 : vector<32xbf16>
        %unpack3A = tpu.unpack_subelements %add3A_917, 0 {pack_format = #tpu.pack_format<interleaved>} : vector<32xbf16> -> vector<16xf32>
        %unpack3A_920 = tpu.unpack_subelements %add3A_917, 1 {pack_format = #tpu.pack_format<interleaved>} : vector<32xbf16> -> vector<16xf32>
        %add3A_921 = arith.constant 0 : i32
        %add3A_922 = arith.addi %squeeze3A, %add3A_921 : i32
        %get3A_923 = arith.index_cast %rem3A_450 : i32 to index
        %get3A_924 = arith.index_cast %add3A_787 : i32 to index
        %get3A_925 = arith.index_cast %add3A_922 : i32 to index
        %get3A_926 = tpu.vector_load %arg9[%get3A_923, %get3A_924, %get3A_925] {strides = array<i32>} : memref<2x256x128xf32, #tpu.memory_space<vmem>>, vector<16xf32>,
        %add3A_927 = arith.addf %get3A_926, %unpack3A : vector<16xf32>
        %swap3A_928 = arith.index_cast %rem3A_450 : i32 to index
        %swap3A_929 = arith.index_cast %add3A_787 : i32 to index
        %swap3A_930 = arith.constant 0 : index
        %swap3A_931 = tpu.vector_load %arg11[%swap3A_928, %swap3A_929, %swap3A_930] {strides = array<i32>} : memref<2x256x64xf32, #tpu.memory_space<vmem>>, vector<16xf32>,
        tpu.vector_store %arg11[%swap3A_928, %swap3A_929, %swap3A_930], %add3A_927 {strides = array<i32>} : memref<2x256x64xf32, #tpu.memory_space<vmem>>, vector<16xf32>,
        %add3A_932 = arith.constant 16 : i32
        %add3A_933 = arith.addi %squeeze3A, %add3A_932 : i32
        %get3A_934 = arith.index_cast %rem3A_450 : i32 to index
        %get3A_935 = arith.index_cast %add3A_787 : i32 to index
        %get3A_936 = arith.index_cast %add3A_933 : i32 to index
        %get3A_937 = tpu.vector_load %arg9[%get3A_934, %get3A_935, %get3A_936] {strides = array<i32>} : memref<2x256x128xf32, #tpu.memory_space<vmem>>, vector<16xf32>,
        %add3A_938 = arith.addf %get3A_937, %unpack3A_920 : vector<16xf32>
        %swap3A_939 = arith.index_cast %rem3A_450 : i32 to index
        %swap3A_940 = arith.index_cast %add3A_787 : i32 to index
        %swap3A_941 = arith.constant 16 : index
        %swap3A_942 = tpu.vector_load %arg11[%swap3A_939, %swap3A_940, %swap3A_941] {strides = array<i32>} : memref<2x256x64xf32, #tpu.memory_space<vmem>>, vector<16xf32>,
        tpu.vector_store %arg11[%swap3A_939, %swap3A_940, %swap3A_941], %add3A_938 {strides = array<i32>} : memref<2x256x64xf32, #tpu.memory_space<vmem>>, vector<16xf32>,
        %unpack3A_943 = tpu.unpack_subelements %add3A_919, 0 {pack_format = #tpu.pack_format<interleaved>} : vector<32xbf16> -> vector<16xf32>
        %unpack3A_944 = tpu.unpack_subelements %add3A_919, 1 {pack_format = #tpu.pack_format<interleaved>} : vector<32xbf16> -> vector<16xf32>
        %add3A_945 = arith.constant 32 : i32
        %add3A_946 = arith.addi %squeeze3A, %add3A_945 : i32
        %get3A_947 = arith.index_cast %rem3A_450 : i32 to index
        %get3A_948 = arith.index_cast %add3A_787 : i32 to index
        %get3A_949 = arith.index_cast %add3A_946 : i32 to index
        %get3A_950 = tpu.vector_load %arg9[%get3A_947, %get3A_948, %get3A_949] {strides = array<i32>} : memref<2x256x128xf32, #tpu.memory_space<vmem>>, vector<16xf32>,
        %add3A_951 = arith.addf %get3A_950, %unpack3A_943 : vector<16xf32>
        %swap3A_952 = arith.index_cast %rem3A_450 : i32 to index
        %swap3A_953 = arith.index_cast %add3A_787 : i32 to index
        %swap3A_954 = arith.constant 32 : index
        %swap3A_955 = tpu.vector_load %arg11[%swap3A_952, %swap3A_953, %swap3A_954] {strides = array<i32>} : memref<2x256x64xf32, #tpu.memory_space<vmem>>, vector<16xf32>,
        tpu.vector_store %arg11[%swap3A_952, %swap3A_953, %swap3A_954], %add3A_951 {strides = array<i32>} : memref<2x256x64xf32, #tpu.memory_space<vmem>>, vector<16xf32>,
        %add3A_956 = arith.constant 48 : i32
        %add3A_957 = arith.addi %squeeze3A, %add3A_956 : i32
        %get3A_958 = arith.index_cast %rem3A_450 : i32 to index
        %get3A_959 = arith.index_cast %add3A_787 : i32 to index
        %get3A_960 = arith.index_cast %add3A_957 : i32 to index
        %get3A_961 = tpu.vector_load %arg9[%get3A_958, %get3A_959, %get3A_960] {strides = array<i32>} : memref<2x256x128xf32, #tpu.memory_space<vmem>>, vector<16xf32>,
        %add3A_962 = arith.addf %get3A_961, %unpack3A_944 : vector<16xf32>
        %swap3A_963 = arith.index_cast %rem3A_450 : i32 to index
        %swap3A_964 = arith.index_cast %add3A_787 : i32 to index
        %swap3A_965 = arith.constant 48 : index
        %swap3A_966 = tpu.vector_load %arg11[%swap3A_963, %swap3A_964, %swap3A_965] {strides = array<i32>} : memref<2x256x64xf32, #tpu.memory_space<vmem>>, vector<16xf32>,
        tpu.vector_store %arg11[%swap3A_963, %swap3A_964, %swap3A_965], %add3A_962 {strides = array<i32>} : memref<2x256x64xf32, #tpu.memory_space<vmem>>, vector<16xf32>,
        %mul3A_967 = arith.constant 16 : i32
        %mul3A_968 = arith.muli %scan3A_773, %mul3A_967 : i32
        %add3A_969 = arith.constant 1 : i32
        %add3A_970 = arith.addi %mul3A_968, %add3A_969 : i32
        %slice3A_971 = vector.extract_strided_slice %mul3A_783 {offsets = [1], sizes = [1], strides = [1]} : vector<16xi32> to vector<1xi32>
        %squeeze3A_972 = vector.extract %slice3A_971[0] : i32 from vector<1xi32>
        %get3A_973 = arith.index_cast %rem3A_450 : i32 to index
        %get3A_974 = arith.index_cast %add3A_970 : i32 to index
        %get3A_975 = arith.constant 0 : index
        %get3A_976 = tpu.vector_load %arg10[%get3A_973, %get3A_974, %get3A_975] {strides = array<i32>} : memref<2x256x16xf32, #tpu.memory_space<vmem>>, vector<16xf32>,
        %slice3A_977 = vector.extract_strided_slice %get3A_976 {offsets = [0], sizes = [1], strides = [1]} : vector<16xf32> to vector<1xf32>
        %squeeze3A_978 = vector.extract %slice3A_977[0] : f32 from vector<1xf32>
        %broadcast_in_dim3A_979 = vector.broadcast %squeeze3A_978 : f32 to vector<16xf32>
        %pack3A_980 = tpu.pack_subelements %broadcast_in_dim3A_979, %broadcast_in_dim3A_979 {pack_format = #tpu.pack_format<interleaved>, positions = array<i32: 0, 1>} : vector<16xf32>, vector<16xf32> -> vector<32xbf16>
        %mul3A_981 = arith.mulf %pack3A_980, %get3A_3 : vector<32xbf16>
        %slice3A_982 = vector.extract_strided_slice %get3A_976 {offsets = [0], sizes = [1], strides = [1]} : vector<16xf32> to vector<1xf32>
        %squeeze3A_983 = vector.extract %slice3A_982[0] : f32 from vector<1xf32>
        %broadcast_in_dim3A_984 = vector.broadcast %squeeze3A_983 : f32 to vector<16xf32>
        %pack3A_985 = tpu.pack_subelements %broadcast_in_dim3A_984, %broadcast_in_dim3A_984 {pack_format = #tpu.pack_format<interleaved>, positions = array<i32: 0, 1>} : vector<16xf32>, vector<16xf32> -> vector<32xbf16>
        %mul3A_986 = arith.mulf %pack3A_985, %get3A_5 : vector<32xbf16>
        %slice3A_987 = vector.extract_strided_slice %get3A_976 {offsets = [1], sizes = [1], strides = [1]} : vector<16xf32> to vector<1xf32>
        %squeeze3A_988 = vector.extract %slice3A_987[0] : f32 from vector<1xf32>
        %broadcast_in_dim3A_989 = vector.broadcast %squeeze3A_988 : f32 to vector<16xf32>
        %pack3A_990 = tpu.pack_subelements %broadcast_in_dim3A_989, %broadcast_in_dim3A_989 {pack_format = #tpu.pack_format<interleaved>, positions = array<i32: 0, 1>} : vector<16xf32>, vector<16xf32> -> vector<32xbf16>
        %mul3A_991 = arith.mulf %pack3A_990, %get3A_7 : vector<32xbf16>
        %add3A_992 = arith.addf %mul3A_981, %mul3A_991 : vector<32xbf16>
        %mul3A_993 = arith.mulf %pack3A_990, %get3A_9 : vector<32xbf16>
        %add3A_994 = arith.addf %mul3A_986, %mul3A_993 : vector<32xbf16>
        %slice3A_995 = vector.extract_strided_slice %get3A_976 {offsets = [2], sizes = [1], strides = [1]} : vector<16xf32> to vector<1xf32>
        %squeeze3A_996 = vector.extract %slice3A_995[0] : f32 from vector<1xf32>
        %broadcast_in_dim3A_997 = vector.broadcast %squeeze3A_996 : f32 to vector<16xf32>
        %pack3A_998 = tpu.pack_subelements %broadcast_in_dim3A_997, %broadcast_in_dim3A_997 {pack_format = #tpu.pack_format<interleaved>, positions = array<i32: 0, 1>} : vector<16xf32>, vector<16xf32> -> vector<32xbf16>
        %mul3A_999 = arith.mulf %pack3A_998, %get3A_11 : vector<32xbf16>
        %add3A_1000 = arith.addf %add3A_992, %mul3A_999 : vector<32xbf16>
        %mul3A_1001 = arith.mulf %pack3A_998, %get3A_13 : vector<32xbf16>
        %add3A_1002 = arith.addf %add3A_994, %mul3A_1001 : vector<32xbf16>
        %slice3A_1003 = vector.extract_strided_slice %get3A_976 {offsets = [3], sizes = [1], strides = [1]} : vector<16xf32> to vector<1xf32>
        %squeeze3A_1004 = vector.extract %slice3A_1003[0] : f32 from vector<1xf32>
        %broadcast_in_dim3A_1005 = vector.broadcast %squeeze3A_1004 : f32 to vector<16xf32>
        %pack3A_1006 = tpu.pack_subelements %broadcast_in_dim3A_1005, %broadcast_in_dim3A_1005 {pack_format = #tpu.pack_format<interleaved>, positions = array<i32: 0, 1>} : vector<16xf32>, vector<16xf32> -> vector<32xbf16>
        %mul3A_1007 = arith.mulf %pack3A_1006, %get3A_15 : vector<32xbf16>
        %add3A_1008 = arith.addf %add3A_1000, %mul3A_1007 : vector<32xbf16>
        %mul3A_1009 = arith.mulf %pack3A_1006, %get3A_17 : vector<32xbf16>
        %add3A_1010 = arith.addf %add3A_1002, %mul3A_1009 : vector<32xbf16>
        %slice3A_1011 = vector.extract_strided_slice %get3A_976 {offsets = [4], sizes = [1], strides = [1]} : vector<16xf32> to vector<1xf32>
        %squeeze3A_1012 = vector.extract %slice3A_1011[0] : f32 from vector<1xf32>
        %broadcast_in_dim3A_1013 = vector.broadcast %squeeze3A_1012 : f32 to vector<16xf32>
        %pack3A_1014 = tpu.pack_subelements %broadcast_in_dim3A_1013, %broadcast_in_dim3A_1013 {pack_format = #tpu.pack_format<interleaved>, positions = array<i32: 0, 1>} : vector<16xf32>, vector<16xf32> -> vector<32xbf16>
        %mul3A_1015 = arith.mulf %pack3A_1014, %get3A_19 : vector<32xbf16>
        %add3A_1016 = arith.addf %add3A_1008, %mul3A_1015 : vector<32xbf16>
        %mul3A_1017 = arith.mulf %pack3A_1014, %get3A_21 : vector<32xbf16>
        %add3A_1018 = arith.addf %add3A_1010, %mul3A_1017 : vector<32xbf16>
        %slice3A_1019 = vector.extract_strided_slice %get3A_976 {offsets = [5], sizes = [1], strides = [1]} : vector<16xf32> to vector<1xf32>
        %squeeze3A_1020 = vector.extract %slice3A_1019[0] : f32 from vector<1xf32>
        %broadcast_in_dim3A_1021 = vector.broadcast %squeeze3A_1020 : f32 to vector<16xf32>
        %pack3A_1022 = tpu.pack_subelements %broadcast_in_dim3A_1021, %broadcast_in_dim3A_1021 {pack_format = #tpu.pack_format<interleaved>, positions = array<i32: 0, 1>} : vector<16xf32>, vector<16xf32> -> vector<32xbf16>
        %mul3A_1023 = arith.mulf %pack3A_1022, %get3A_23 : vector<32xbf16>
        %add3A_1024 = arith.addf %add3A_1016, %mul3A_1023 : vector<32xbf16>
        %mul3A_1025 = arith.mulf %pack3A_1022, %get3A_25 : vector<32xbf16>
        %add3A_1026 = arith.addf %add3A_1018, %mul3A_1025 : vector<32xbf16>
        %slice3A_1027 = vector.extract_strided_slice %get3A_976 {offsets = [6], sizes = [1], strides = [1]} : vector<16xf32> to vector<1xf32>
        %squeeze3A_1028 = vector.extract %slice3A_1027[0] : f32 from vector<1xf32>
        %broadcast_in_dim3A_1029 = vector.broadcast %squeeze3A_1028 : f32 to vector<16xf32>
        %pack3A_1030 = tpu.pack_subelements %broadcast_in_dim3A_1029, %broadcast_in_dim3A_1029 {pack_format = #tpu.pack_format<interleaved>, positions = array<i32: 0, 1>} : vector<16xf32>, vector<16xf32> -> vector<32xbf16>
        %mul3A_1031 = arith.mulf %pack3A_1030, %get3A_27 : vector<32xbf16>
        %add3A_1032 = arith.addf %add3A_1024, %mul3A_1031 : vector<32xbf16>
        %mul3A_1033 = arith.mulf %pack3A_1030, %get3A_29 : vector<32xbf16>
        %add3A_1034 = arith.addf %add3A_1026, %mul3A_1033 : vector<32xbf16>
        %slice3A_1035 = vector.extract_strided_slice %get3A_976 {offsets = [7], sizes = [1], strides = [1]} : vector<16xf32> to vector<1xf32>
        %squeeze3A_1036 = vector.extract %slice3A_1035[0] : f32 from vector<1xf32>
        %broadcast_in_dim3A_1037 = vector.broadcast %squeeze3A_1036 : f32 to vector<16xf32>
        %pack3A_1038 = tpu.pack_subelements %broadcast_in_dim3A_1037, %broadcast_in_dim3A_1037 {pack_format = #tpu.pack_format<interleaved>, positions = array<i32: 0, 1>} : vector<16xf32>, vector<16xf32> -> vector<32xbf16>
        %mul3A_1039 = arith.mulf %pack3A_1038, %get3A_31 : vector<32xbf16>
        %add3A_1040 = arith.addf %add3A_1032, %mul3A_1039 : vector<32xbf16>
        %mul3A_1041 = arith.mulf %pack3A_1038, %get3A_33 : vector<32xbf16>
        %add3A_1042 = arith.addf %add3A_1034, %mul3A_1041 : vector<32xbf16>
        %slice3A_1043 = vector.extract_strided_slice %get3A_976 {offsets = [8], sizes = [1], strides = [1]} : vector<16xf32> to vector<1xf32>
        %squeeze3A_1044 = vector.extract %slice3A_1043[0] : f32 from vector<1xf32>
        %broadcast_in_dim3A_1045 = vector.broadcast %squeeze3A_1044 : f32 to vector<16xf32>
        %pack3A_1046 = tpu.pack_subelements %broadcast_in_dim3A_1045, %broadcast_in_dim3A_1045 {pack_format = #tpu.pack_format<interleaved>, positions = array<i32: 0, 1>} : vector<16xf32>, vector<16xf32> -> vector<32xbf16>
        %mul3A_1047 = arith.mulf %pack3A_1046, %get3A_35 : vector<32xbf16>
        %add3A_1048 = arith.addf %add3A_1040, %mul3A_1047 : vector<32xbf16>
        %mul3A_1049 = arith.mulf %pack3A_1046, %get3A_37 : vector<32xbf16>
        %add3A_1050 = arith.addf %add3A_1042, %mul3A_1049 : vector<32xbf16>
        %slice3A_1051 = vector.extract_strided_slice %get3A_976 {offsets = [9], sizes = [1], strides = [1]} : vector<16xf32> to vector<1xf32>
        %squeeze3A_1052 = vector.extract %slice3A_1051[0] : f32 from vector<1xf32>
        %broadcast_in_dim3A_1053 = vector.broadcast %squeeze3A_1052 : f32 to vector<16xf32>
        %pack3A_1054 = tpu.pack_subelements %broadcast_in_dim3A_1053, %broadcast_in_dim3A_1053 {pack_format = #tpu.pack_format<interleaved>, positions = array<i32: 0, 1>} : vector<16xf32>, vector<16xf32> -> vector<32xbf16>
        %mul3A_1055 = arith.mulf %pack3A_1054, %get3A_39 : vector<32xbf16>
        %add3A_1056 = arith.addf %add3A_1048, %mul3A_1055 : vector<32xbf16>
        %mul3A_1057 = arith.mulf %pack3A_1054, %get3A_41 : vector<32xbf16>
        %add3A_1058 = arith.addf %add3A_1050, %mul3A_1057 : vector<32xbf16>
        %slice3A_1059 = vector.extract_strided_slice %get3A_976 {offsets = [10], sizes = [1], strides = [1]} : vector<16xf32> to vector<1xf32>
        %squeeze3A_1060 = vector.extract %slice3A_1059[0] : f32 from vector<1xf32>
        %broadcast_in_dim3A_1061 = vector.broadcast %squeeze3A_1060 : f32 to vector<16xf32>
        %pack3A_1062 = tpu.pack_subelements %broadcast_in_dim3A_1061, %broadcast_in_dim3A_1061 {pack_format = #tpu.pack_format<interleaved>, positions = array<i32: 0, 1>} : vector<16xf32>, vector<16xf32> -> vector<32xbf16>
        %mul3A_1063 = arith.mulf %pack3A_1062, %get3A_43 : vector<32xbf16>
        %add3A_1064 = arith.addf %add3A_1056, %mul3A_1063 : vector<32xbf16>
        %mul3A_1065 = arith.mulf %pack3A_1062, %get3A_45 : vector<32xbf16>
        %add3A_1066 = arith.addf %add3A_1058, %mul3A_1065 : vector<32xbf16>
        %slice3A_1067 = vector.extract_strided_slice %get3A_976 {offsets = [11], sizes = [1], strides = [1]} : vector<16xf32> to vector<1xf32>
        %squeeze3A_1068 = vector.extract %slice3A_1067[0] : f32 from vector<1xf32>
        %broadcast_in_dim3A_1069 = vector.broadcast %squeeze3A_1068 : f32 to vector<16xf32>
        %pack3A_1070 = tpu.pack_subelements %broadcast_in_dim3A_1069, %broadcast_in_dim3A_1069 {pack_format = #tpu.pack_format<interleaved>, positions = array<i32: 0, 1>} : vector<16xf32>, vector<16xf32> -> vector<32xbf16>
        %mul3A_1071 = arith.mulf %pack3A_1070, %get3A_47 : vector<32xbf16>
        %add3A_1072 = arith.addf %add3A_1064, %mul3A_1071 : vector<32xbf16>
        %mul3A_1073 = arith.mulf %pack3A_1070, %get3A_49 : vector<32xbf16>
        %add3A_1074 = arith.addf %add3A_1066, %mul3A_1073 : vector<32xbf16>
        %slice3A_1075 = vector.extract_strided_slice %get3A_976 {offsets = [12], sizes = [1], strides = [1]} : vector<16xf32> to vector<1xf32>
        %squeeze3A_1076 = vector.extract %slice3A_1075[0] : f32 from vector<1xf32>
        %broadcast_in_dim3A_1077 = vector.broadcast %squeeze3A_1076 : f32 to vector<16xf32>
        %pack3A_1078 = tpu.pack_subelements %broadcast_in_dim3A_1077, %broadcast_in_dim3A_1077 {pack_format = #tpu.pack_format<interleaved>, positions = array<i32: 0, 1>} : vector<16xf32>, vector<16xf32> -> vector<32xbf16>
        %mul3A_1079 = arith.mulf %pack3A_1078, %get3A_51 : vector<32xbf16>
        %add3A_1080 = arith.addf %add3A_1072, %mul3A_1079 : vector<32xbf16>
        %mul3A_1081 = arith.mulf %pack3A_1078, %get3A_53 : vector<32xbf16>
        %add3A_1082 = arith.addf %add3A_1074, %mul3A_1081 : vector<32xbf16>
        %slice3A_1083 = vector.extract_strided_slice %get3A_976 {offsets = [13], sizes = [1], strides = [1]} : vector<16xf32> to vector<1xf32>
        %squeeze3A_1084 = vector.extract %slice3A_1083[0] : f32 from vector<1xf32>
        %broadcast_in_dim3A_1085 = vector.broadcast %squeeze3A_1084 : f32 to vector<16xf32>
        %pack3A_1086 = tpu.pack_subelements %broadcast_in_dim3A_1085, %broadcast_in_dim3A_1085 {pack_format = #tpu.pack_format<interleaved>, positions = array<i32: 0, 1>} : vector<16xf32>, vector<16xf32> -> vector<32xbf16>
        %mul3A_1087 = arith.mulf %pack3A_1086, %get3A_55 : vector<32xbf16>
        %add3A_1088 = arith.addf %add3A_1080, %mul3A_1087 : vector<32xbf16>
        %mul3A_1089 = arith.mulf %pack3A_1086, %get3A_57 : vector<32xbf16>
        %add3A_1090 = arith.addf %add3A_1082, %mul3A_1089 : vector<32xbf16>
        %slice3A_1091 = vector.extract_strided_slice %get3A_976 {offsets = [14], sizes = [1], strides = [1]} : vector<16xf32> to vector<1xf32>
        %squeeze3A_1092 = vector.extract %slice3A_1091[0] : f32 from vector<1xf32>
        %broadcast_in_dim3A_1093 = vector.broadcast %squeeze3A_1092 : f32 to vector<16xf32>
        %pack3A_1094 = tpu.pack_subelements %broadcast_in_dim3A_1093, %broadcast_in_dim3A_1093 {pack_format = #tpu.pack_format<interleaved>, positions = array<i32: 0, 1>} : vector<16xf32>, vector<16xf32> -> vector<32xbf16>
        %mul3A_1095 = arith.mulf %pack3A_1094, %get3A_59 : vector<32xbf16>
        %add3A_1096 = arith.addf %add3A_1088, %mul3A_1095 : vector<32xbf16>
        %mul3A_1097 = arith.mulf %pack3A_1094, %get3A_61 : vector<32xbf16>
        %add3A_1098 = arith.addf %add3A_1090, %mul3A_1097 : vector<32xbf16>
        %slice3A_1099 = vector.extract_strided_slice %get3A_976 {offsets = [15], sizes = [1], strides = [1]} : vector<16xf32> to vector<1xf32>
        %squeeze3A_1100 = vector.extract %slice3A_1099[0] : f32 from vector<1xf32>
        %broadcast_in_dim3A_1101 = vector.broadcast %squeeze3A_1100 : f32 to vector<16xf32>
        %pack3A_1102 = tpu.pack_subelements %broadcast_in_dim3A_1101, %broadcast_in_dim3A_1101 {pack_format = #tpu.pack_format<interleaved>, positions = array<i32: 0, 1>} : vector<16xf32>, vector<16xf32> -> vector<32xbf16>
        %mul3A_1103 = arith.mulf %pack3A_1102, %get3A_63 : vector<32xbf16>
        %add3A_1104 = arith.addf %add3A_1096, %mul3A_1103 : vector<32xbf16>
        %mul3A_1105 = arith.mulf %pack3A_1102, %get3A_65 : vector<32xbf16>
        %add3A_1106 = arith.addf %add3A_1098, %mul3A_1105 : vector<32xbf16>
        %unpack3A_1107 = tpu.unpack_subelements %add3A_1104, 0 {pack_format = #tpu.pack_format<interleaved>} : vector<32xbf16> -> vector<16xf32>
        %unpack3A_1108 = tpu.unpack_subelements %add3A_1104, 1 {pack_format = #tpu.pack_format<interleaved>} : vector<32xbf16> -> vector<16xf32>
        %add3A_1109 = arith.constant 0 : i32
        %add3A_1110 = arith.addi %squeeze3A_972, %add3A_1109 : i32
        %get3A_1111 = arith.index_cast %rem3A_450 : i32 to index
        %get3A_1112 = arith.index_cast %add3A_970 : i32 to index
        %get3A_1113 = arith.index_cast %add3A_1110 : i32 to index
        %get3A_1114 = tpu.vector_load %arg9[%get3A_1111, %get3A_1112, %get3A_1113] {strides = array<i32>} : memref<2x256x128xf32, #tpu.memory_space<vmem>>, vector<16xf32>,
        %add3A_1115 = arith.addf %get3A_1114, %unpack3A_1107 : vector<16xf32>
        %swap3A_1116 = arith.index_cast %rem3A_450 : i32 to index
        %swap3A_1117 = arith.index_cast %add3A_970 : i32 to index
        %swap3A_1118 = arith.constant 0 : index
        %swap3A_1119 = tpu.vector_load %arg11[%swap3A_1116, %swap3A_1117, %swap3A_1118] {strides = array<i32>} : memref<2x256x64xf32, #tpu.memory_space<vmem>>, vector<16xf32>,
        tpu.vector_store %arg11[%swap3A_1116, %swap3A_1117, %swap3A_1118], %add3A_1115 {strides = array<i32>} : memref<2x256x64xf32, #tpu.memory_space<vmem>>, vector<16xf32>,
        %add3A_1120 = arith.constant 16 : i32
        %add3A_1121 = arith.addi %squeeze3A_972, %add3A_1120 : i32
        %get3A_1122 = arith.index_cast %rem3A_450 : i32 to index
        %get3A_1123 = arith.index_cast %add3A_970 : i32 to index
        %get3A_1124 = arith.index_cast %add3A_1121 : i32 to index
        %get3A_1125 = tpu.vector_load %arg9[%get3A_1122, %get3A_1123, %get3A_1124] {strides = array<i32>} : memref<2x256x128xf32, #tpu.memory_space<vmem>>, vector<16xf32>,
        %add3A_1126 = arith.addf %get3A_1125, %unpack3A_1108 : vector<16xf32>
        %swap3A_1127 = arith.index_cast %rem3A_450 : i32 to index
        %swap3A_1128 = arith.index_cast %add3A_970 : i32 to index
        %swap3A_1129 = arith.constant 16 : index
        %swap3A_1130 = tpu.vector_load %arg11[%swap3A_1127, %swap3A_1128, %swap3A_1129] {strides = array<i32>} : memref<2x256x64xf32, #tpu.memory_space<vmem>>, vector<16xf32>,
        tpu.vector_store %arg11[%swap3A_1127, %swap3A_1128, %swap3A_1129], %add3A_1126 {strides = array<i32>} : memref<2x256x64xf32, #tpu.memory_space<vmem>>, vector<16xf32>,
        %unpack3A_1131 = tpu.unpack_subelements %add3A_1106, 0 {pack_format = #tpu.pack_format<interleaved>} : vector<32xbf16> -> vector<16xf32>
        %unpack3A_1132 = tpu.unpack_subelements %add3A_1106, 1 {pack_format = #tpu.pack_format<interleaved>} : vector<32xbf16> -> vector<16xf32>
        %add3A_1133 = arith.constant 32 : i32
        %add3A_1134 = arith.addi %squeeze3A_972, %add3A_1133 : i32
        %get3A_1135 = arith.index_cast %rem3A_450 : i32 to index
        %get3A_1136 = arith.index_cast %add3A_970 : i32 to index
        %get3A_1137 = arith.index_cast %add3A_1134 : i32 to index
        %get3A_1138 = tpu.vector_load %arg9[%get3A_1135, %get3A_1136, %get3A_1137] {strides = array<i32>} : memref<2x256x128xf32, #tpu.memory_space<vmem>>, vector<16xf32>,
        %add3A_1139 = arith.addf %get3A_1138, %unpack3A_1131 : vector<16xf32>
        %swap3A_1140 = arith.index_cast %rem3A_450 : i32 to index
        %swap3A_1141 = arith.index_cast %add3A_970 : i32 to index
        %swap3A_1142 = arith.constant 32 : index
        %swap3A_1143 = tpu.vector_load %arg11[%swap3A_1140, %swap3A_1141, %swap3A_1142] {strides = array<i32>} : memref<2x256x64xf32, #tpu.memory_space<vmem>>, vector<16xf32>,
        tpu.vector_store %arg11[%swap3A_1140, %swap3A_1141, %swap3A_1142], %add3A_1139 {strides = array<i32>} : memref<2x256x64xf32, #tpu.memory_space<vmem>>, vector<16xf32>,
        %add3A_1144 = arith.constant 48 : i32
        %add3A_1145 = arith.addi %squeeze3A_972, %add3A_1144 : i32
        %get3A_1146 = arith.index_cast %rem3A_450 : i32 to index
        %get3A_1147 = arith.index_cast %add3A_970 : i32 to index
        %get3A_1148 = arith.index_cast %add3A_1145 : i32 to index
        %get3A_1149 = tpu.vector_load %arg9[%get3A_1146, %get3A_1147, %get3A_1148] {strides = array<i32>} : memref<2x256x128xf32, #tpu.memory_space<vmem>>, vector<16xf32>,
        %add3A_1150 = arith.addf %get3A_1149, %unpack3A_1132 : vector<16xf32>
        %swap3A_1151 = arith.index_cast %rem3A_450 : i32 to index
        %swap3A_1152 = arith.index_cast %add3A_970 : i32 to index
        %swap3A_1153 = arith.constant 48 : index
        %swap3A_1154 = tpu.vector_load %arg11[%swap3A_1151, %swap3A_1152, %swap3A_1153] {strides = array<i32>} : memref<2x256x64xf32, #tpu.memory_space<vmem>>, vector<16xf32>,
        tpu.vector_store %arg11[%swap3A_1151, %swap3A_1152, %swap3A_1153], %add3A_1150 {strides = array<i32>} : memref<2x256x64xf32, #tpu.memory_space<vmem>>, vector<16xf32>,
        %mul3A_1155 = arith.constant 16 : i32
        %mul3A_1156 = arith.muli %scan3A_773, %mul3A_1155 : i32
        %add3A_1157 = arith.constant 2 : i32
        %add3A_1158 = arith.addi %mul3A_1156, %add3A_1157 : i32
        %slice3A_1159 = vector.extract_strided_slice %mul3A_783 {offsets = [2], sizes = [1], strides = [1]} : vector<16xi32> to vector<1xi32>
        %squeeze3A_1160 = vector.extract %slice3A_1159[0] : i32 from vector<1xi32>
        %get3A_1161 = arith.index_cast %rem3A_450 : i32 to index
        %get3A_1162 = arith.index_cast %add3A_1158 : i32 to index
        %get3A_1163 = arith.constant 0 : index
        %get3A_1164 = tpu.vector_load %arg10[%get3A_1161, %get3A_1162, %get3A_1163] {strides = array<i32>} : memref<2x256x16xf32, #tpu.memory_space<vmem>>, vector<16xf32>,
        %slice3A_1165 = vector.extract_strided_slice %get3A_1164 {offsets = [0], sizes = [1], strides = [1]} : vector<16xf32> to vector<1xf32>
        %squeeze3A_1166 = vector.extract %slice3A_1165[0] : f32 from vector<1xf32>
        %broadcast_in_dim3A_1167 = vector.broadcast %squeeze3A_1166 : f32 to vector<16xf32>
        %pack3A_1168 = tpu.pack_subelements %broadcast_in_dim3A_1167, %broadcast_in_dim3A_1167 {pack_format = #tpu.pack_format<interleaved>, positions = array<i32: 0, 1>} : vector<16xf32>, vector<16xf32> -> vector<32xbf16>
        %mul3A_1169 = arith.mulf %pack3A_1168, %get3A_3 : vector<32xbf16>
        %slice3A_1170 = vector.extract_strided_slice %get3A_1164 {offsets = [0], sizes = [1], strides = [1]} : vector<16xf32> to vector<1xf32>
        %squeeze3A_1171 = vector.extract %slice3A_1170[0] : f32 from vector<1xf32>
        %broadcast_in_dim3A_1172 = vector.broadcast %squeeze3A_1171 : f32 to vector<16xf32>
        %pack3A_1173 = tpu.pack_subelements %broadcast_in_dim3A_1172, %broadcast_in_dim3A_1172 {pack_format = #tpu.pack_format<interleaved>, positions = array<i32: 0, 1>} : vector<16xf32>, vector<16xf32> -> vector<32xbf16>
        %mul3A_1174 = arith.mulf %pack3A_1173, %get3A_5 : vector<32xbf16>
        %slice3A_1175 = vector.extract_strided_slice %get3A_1164 {offsets = [1], sizes = [1], strides = [1]} : vector<16xf32> to vector<1xf32>
        %squeeze3A_1176 = vector.extract %slice3A_1175[0] : f32 from vector<1xf32>
        %broadcast_in_dim3A_1177 = vector.broadcast %squeeze3A_1176 : f32 to vector<16xf32>
        %pack3A_1178 = tpu.pack_subelements %broadcast_in_dim3A_1177, %broadcast_in_dim3A_1177 {pack_format = #tpu.pack_format<interleaved>, positions = array<i32: 0, 1>} : vector<16xf32>, vector<16xf32> -> vector<32xbf16>
        %mul3A_1179 = arith.mulf %pack3A_1178, %get3A_7 : vector<32xbf16>
        %add3A_1180 = arith.addf %mul3A_1169, %mul3A_1179 : vector<32xbf16>
        %mul3A_1181 = arith.mulf %pack3A_1178, %get3A_9 : vector<32xbf16>
        %add3A_1182 = arith.addf %mul3A_1174, %mul3A_1181 : vector<32xbf16>
        %slice3A_1183 = vector.extract_strided_slice %get3A_1164 {offsets = [2], sizes = [1], strides = [1]} : vector<16xf32> to vector<1xf32>
        %squeeze3A_1184 = vector.extract %slice3A_1183[0] : f32 from vector<1xf32>
        %broadcast_in_dim3A_1185 = vector.broadcast %squeeze3A_1184 : f32 to vector<16xf32>
        %pack3A_1186 = tpu.pack_subelements %broadcast_in_dim3A_1185, %broadcast_in_dim3A_1185 {pack_format = #tpu.pack_format<interleaved>, positions = array<i32: 0, 1>} : vector<16xf32>, vector<16xf32> -> vector<32xbf16>
        %mul3A_1187 = arith.mulf %pack3A_1186, %get3A_11 : vector<32xbf16>
        %add3A_1188 = arith.addf %add3A_1180, %mul3A_1187 : vector<32xbf16>
        %mul3A_1189 = arith.mulf %pack3A_1186, %get3A_13 : vector<32xbf16>
        %add3A_1190 = arith.addf %add3A_1182, %mul3A_1189 : vector<32xbf16>
        %slice3A_1191 = vector.extract_strided_slice %get3A_1164 {offsets = [3], sizes = [1], strides = [1]} : vector<16xf32> to vector<1xf32>
        %squeeze3A_1192 = vector.extract %slice3A_1191[0] : f32 from vector<1xf32>
        %broadcast_in_dim3A_1193 = vector.broadcast %squeeze3A_1192 : f32 to vector<16xf32>
        %pack3A_1194 = tpu.pack_subelements %broadcast_in_dim3A_1193, %broadcast_in_dim3A_1193 {pack_format = #tpu.pack_format<interleaved>, positions = array<i32: 0, 1>} : vector<16xf32>, vector<16xf32> -> vector<32xbf16>
        %mul3A_1195 = arith.mulf %pack3A_1194, %get3A_15 : vector<32xbf16>
        %add3A_1196 = arith.addf %add3A_1188, %mul3A_1195 : vector<32xbf16>
        %mul3A_1197 = arith.mulf %pack3A_1194, %get3A_17 : vector<32xbf16>
        %add3A_1198 = arith.addf %add3A_1190, %mul3A_1197 : vector<32xbf16>
        %slice3A_1199 = vector.extract_strided_slice %get3A_1164 {offsets = [4], sizes = [1], strides = [1]} : vector<16xf32> to vector<1xf32>
        %squeeze3A_1200 = vector.extract %slice3A_1199[0] : f32 from vector<1xf32>
        %broadcast_in_dim3A_1201 = vector.broadcast %squeeze3A_1200 : f32 to vector<16xf32>
        %pack3A_1202 = tpu.pack_subelements %broadcast_in_dim3A_1201, %broadcast_in_dim3A_1201 {pack_format = #tpu.pack_format<interleaved>, positions = array<i32: 0, 1>} : vector<16xf32>, vector<16xf32> -> vector<32xbf16>
        %mul3A_1203 = arith.mulf %pack3A_1202, %get3A_19 : vector<32xbf16>
        %add3A_1204 = arith.addf %add3A_1196, %mul3A_1203 : vector<32xbf16>
        %mul3A_1205 = arith.mulf %pack3A_1202, %get3A_21 : vector<32xbf16>
        %add3A_1206 = arith.addf %add3A_1198, %mul3A_1205 : vector<32xbf16>
        %slice3A_1207 = vector.extract_strided_slice %get3A_1164 {offsets = [5], sizes = [1], strides = [1]} : vector<16xf32> to vector<1xf32>
        %squeeze3A_1208 = vector.extract %slice3A_1207[0] : f32 from vector<1xf32>
        %broadcast_in_dim3A_1209 = vector.broadcast %squeeze3A_1208 : f32 to vector<16xf32>
        %pack3A_1210 = tpu.pack_subelements %broadcast_in_dim3A_1209, %broadcast_in_dim3A_1209 {pack_format = #tpu.pack_format<interleaved>, positions = array<i32: 0, 1>} : vector<16xf32>, vector<16xf32> -> vector<32xbf16>
        %mul3A_1211 = arith.mulf %pack3A_1210, %get3A_23 : vector<32xbf16>
        %add3A_1212 = arith.addf %add3A_1204, %mul3A_1211 : vector<32xbf16>
        %mul3A_1213 = arith.mulf %pack3A_1210, %get3A_25 : vector<32xbf16>
        %add3A_1214 = arith.addf %add3A_1206, %mul3A_1213 : vector<32xbf16>
        %slice3A_1215 = vector.extract_strided_slice %get3A_1164 {offsets = [6], sizes = [1], strides = [1]} : vector<16xf32> to vector<1xf32>
        %squeeze3A_1216 = vector.extract %slice3A_1215[0] : f32 from vector<1xf32>
        %broadcast_in_dim3A_1217 = vector.broadcast %squeeze3A_1216 : f32 to vector<16xf32>
        %pack3A_1218 = tpu.pack_subelements %broadcast_in_dim3A_1217, %broadcast_in_dim3A_1217 {pack_format = #tpu.pack_format<interleaved>, positions = array<i32: 0, 1>} : vector<16xf32>, vector<16xf32> -> vector<32xbf16>
        %mul3A_1219 = arith.mulf %pack3A_1218, %get3A_27 : vector<32xbf16>
        %add3A_1220 = arith.addf %add3A_1212, %mul3A_1219 : vector<32xbf16>
        %mul3A_1221 = arith.mulf %pack3A_1218, %get3A_29 : vector<32xbf16>
        %add3A_1222 = arith.addf %add3A_1214, %mul3A_1221 : vector<32xbf16>
        %slice3A_1223 = vector.extract_strided_slice %get3A_1164 {offsets = [7], sizes = [1], strides = [1]} : vector<16xf32> to vector<1xf32>
        %squeeze3A_1224 = vector.extract %slice3A_1223[0] : f32 from vector<1xf32>
        %broadcast_in_dim3A_1225 = vector.broadcast %squeeze3A_1224 : f32 to vector<16xf32>
        %pack3A_1226 = tpu.pack_subelements %broadcast_in_dim3A_1225, %broadcast_in_dim3A_1225 {pack_format = #tpu.pack_format<interleaved>, positions = array<i32: 0, 1>} : vector<16xf32>, vector<16xf32> -> vector<32xbf16>
        %mul3A_1227 = arith.mulf %pack3A_1226, %get3A_31 : vector<32xbf16>
        %add3A_1228 = arith.addf %add3A_1220, %mul3A_1227 : vector<32xbf16>
        %mul3A_1229 = arith.mulf %pack3A_1226, %get3A_33 : vector<32xbf16>
        %add3A_1230 = arith.addf %add3A_1222, %mul3A_1229 : vector<32xbf16>
        %slice3A_1231 = vector.extract_strided_slice %get3A_1164 {offsets = [8], sizes = [1], strides = [1]} : vector<16xf32> to vector<1xf32>
        %squeeze3A_1232 = vector.extract %slice3A_1231[0] : f32 from vector<1xf32>
        %broadcast_in_dim3A_1233 = vector.broadcast %squeeze3A_1232 : f32 to vector<16xf32>
        %pack3A_1234 = tpu.pack_subelements %broadcast_in_dim3A_1233, %broadcast_in_dim3A_1233 {pack_format = #tpu.pack_format<interleaved>, positions = array<i32: 0, 1>} : vector<16xf32>, vector<16xf32> -> vector<32xbf16>
        %mul3A_1235 = arith.mulf %pack3A_1234, %get3A_35 : vector<32xbf16>
        %add3A_1236 = arith.addf %add3A_1228, %mul3A_1235 : vector<32xbf16>
        %mul3A_1237 = arith.mulf %pack3A_1234, %get3A_37 : vector<32xbf16>
        %add3A_1238 = arith.addf %add3A_1230, %mul3A_1237 : vector<32xbf16>
        %slice3A_1239 = vector.extract_strided_slice %get3A_1164 {offsets = [9], sizes = [1], strides = [1]} : vector<16xf32> to vector<1xf32>
        %squeeze3A_1240 = vector.extract %slice3A_1239[0] : f32 from vector<1xf32>
        %broadcast_in_dim3A_1241 = vector.broadcast %squeeze3A_1240 : f32 to vector<16xf32>
        %pack3A_1242 = tpu.pack_subelements %broadcast_in_dim3A_1241, %broadcast_in_dim3A_1241 {pack_format = #tpu.pack_format<interleaved>, positions = array<i32: 0, 1>} : vector<16xf32>, vector<16xf32> -> vector<32xbf16>
        %mul3A_1243 = arith.mulf %pack3A_1242, %get3A_39 : vector<32xbf16>
        %add3A_1244 = arith.addf %add3A_1236, %mul3A_1243 : vector<32xbf16>
        %mul3A_1245 = arith.mulf %pack3A_1242, %get3A_41 : vector<32xbf16>
        %add3A_1246 = arith.addf %add3A_1238, %mul3A_1245 : vector<32xbf16>
        %slice3A_1247 = vector.extract_strided_slice %get3A_1164 {offsets = [10], sizes = [1], strides = [1]} : vector<16xf32> to vector<1xf32>
        %squeeze3A_1248 = vector.extract %slice3A_1247[0] : f32 from vector<1xf32>
        %broadcast_in_dim3A_1249 = vector.broadcast %squeeze3A_1248 : f32 to vector<16xf32>
        %pack3A_1250 = tpu.pack_subelements %broadcast_in_dim3A_1249, %broadcast_in_dim3A_1249 {pack_format = #tpu.pack_format<interleaved>, positions = array<i32: 0, 1>} : vector<16xf32>, vector<16xf32> -> vector<32xbf16>
        %mul3A_1251 = arith.mulf %pack3A_1250, %get3A_43 : vector<32xbf16>
        %add3A_1252 = arith.addf %add3A_1244, %mul3A_1251 : vector<32xbf16>
        %mul3A_1253 = arith.mulf %pack3A_1250, %get3A_45 : vector<32xbf16>
        %add3A_1254 = arith.addf %add3A_1246, %mul3A_1253 : vector<32xbf16>
        %slice3A_1255 = vector.extract_strided_slice %get3A_1164 {offsets = [11], sizes = [1], strides = [1]} : vector<16xf32> to vector<1xf32>
        %squeeze3A_1256 = vector.extract %slice3A_1255[0] : f32 from vector<1xf32>
        %broadcast_in_dim3A_1257 = vector.broadcast %squeeze3A_1256 : f32 to vector<16xf32>
        %pack3A_1258 = tpu.pack_subelements %broadcast_in_dim3A_1257, %broadcast_in_dim3A_1257 {pack_format = #tpu.pack_format<interleaved>, positions = array<i32: 0, 1>} : vector<16xf32>, vector<16xf32> -> vector<32xbf16>
        %mul3A_1259 = arith.mulf %pack3A_1258, %get3A_47 : vector<32xbf16>
        %add3A_1260 = arith.addf %add3A_1252, %mul3A_1259 : vector<32xbf16>
        %mul3A_1261 = arith.mulf %pack3A_1258, %get3A_49 : vector<32xbf16>
        %add3A_1262 = arith.addf %add3A_1254, %mul3A_1261 : vector<32xbf16>
        %slice3A_1263 = vector.extract_strided_slice %get3A_1164 {offsets = [12], sizes = [1], strides = [1]} : vector<16xf32> to vector<1xf32>
        %squeeze3A_1264 = vector.extract %slice3A_1263[0] : f32 from vector<1xf32>
        %broadcast_in_dim3A_1265 = vector.broadcast %squeeze3A_1264 : f32 to vector<16xf32>
        %pack3A_1266 = tpu.pack_subelements %broadcast_in_dim3A_1265, %broadcast_in_dim3A_1265 {pack_format = #tpu.pack_format<interleaved>, positions = array<i32: 0, 1>} : vector<16xf32>, vector<16xf32> -> vector<32xbf16>
        %mul3A_1267 = arith.mulf %pack3A_1266, %get3A_51 : vector<32xbf16>
        %add3A_1268 = arith.addf %add3A_1260, %mul3A_1267 : vector<32xbf16>
        %mul3A_1269 = arith.mulf %pack3A_1266, %get3A_53 : vector<32xbf16>
        %add3A_1270 = arith.addf %add3A_1262, %mul3A_1269 : vector<32xbf16>
        %slice3A_1271 = vector.extract_strided_slice %get3A_1164 {offsets = [13], sizes = [1], strides = [1]} : vector<16xf32> to vector<1xf32>
        %squeeze3A_1272 = vector.extract %slice3A_1271[0] : f32 from vector<1xf32>
        %broadcast_in_dim3A_1273 = vector.broadcast %squeeze3A_1272 : f32 to vector<16xf32>
        %pack3A_1274 = tpu.pack_subelements %broadcast_in_dim3A_1273, %broadcast_in_dim3A_1273 {pack_format = #tpu.pack_format<interleaved>, positions = array<i32: 0, 1>} : vector<16xf32>, vector<16xf32> -> vector<32xbf16>
        %mul3A_1275 = arith.mulf %pack3A_1274, %get3A_55 : vector<32xbf16>
        %add3A_1276 = arith.addf %add3A_1268, %mul3A_1275 : vector<32xbf16>
        %mul3A_1277 = arith.mulf %pack3A_1274, %get3A_57 : vector<32xbf16>
        %add3A_1278 = arith.addf %add3A_1270, %mul3A_1277 : vector<32xbf16>
        %slice3A_1279 = vector.extract_strided_slice %get3A_1164 {offsets = [14], sizes = [1], strides = [1]} : vector<16xf32> to vector<1xf32>
        %squeeze3A_1280 = vector.extract %slice3A_1279[0] : f32 from vector<1xf32>
        %broadcast_in_dim3A_1281 = vector.broadcast %squeeze3A_1280 : f32 to vector<16xf32>
        %pack3A_1282 = tpu.pack_subelements %broadcast_in_dim3A_1281, %broadcast_in_dim3A_1281 {pack_format = #tpu.pack_format<interleaved>, positions = array<i32: 0, 1>} : vector<16xf32>, vector<16xf32> -> vector<32xbf16>
        %mul3A_1283 = arith.mulf %pack3A_1282, %get3A_59 : vector<32xbf16>
        %add3A_1284 = arith.addf %add3A_1276, %mul3A_1283 : vector<32xbf16>
        %mul3A_1285 = arith.mulf %pack3A_1282, %get3A_61 : vector<32xbf16>
        %add3A_1286 = arith.addf %add3A_1278, %mul3A_1285 : vector<32xbf16>
        %slice3A_1287 = vector.extract_strided_slice %get3A_1164 {offsets = [15], sizes = [1], strides = [1]} : vector<16xf32> to vector<1xf32>
        %squeeze3A_1288 = vector.extract %slice3A_1287[0] : f32 from vector<1xf32>
        %broadcast_in_dim3A_1289 = vector.broadcast %squeeze3A_1288 : f32 to vector<16xf32>
        %pack3A_1290 = tpu.pack_subelements %broadcast_in_dim3A_1289, %broadcast_in_dim3A_1289 {pack_format = #tpu.pack_format<interleaved>, positions = array<i32: 0, 1>} : vector<16xf32>, vector<16xf32> -> vector<32xbf16>
        %mul3A_1291 = arith.mulf %pack3A_1290, %get3A_63 : vector<32xbf16>
        %add3A_1292 = arith.addf %add3A_1284, %mul3A_1291 : vector<32xbf16>
        %mul3A_1293 = arith.mulf %pack3A_1290, %get3A_65 : vector<32xbf16>
        %add3A_1294 = arith.addf %add3A_1286, %mul3A_1293 : vector<32xbf16>
        %unpack3A_1295 = tpu.unpack_subelements %add3A_1292, 0 {pack_format = #tpu.pack_format<interleaved>} : vector<32xbf16> -> vector<16xf32>
        %unpack3A_1296 = tpu.unpack_subelements %add3A_1292, 1 {pack_format = #tpu.pack_format<interleaved>} : vector<32xbf16> -> vector<16xf32>
        %add3A_1297 = arith.constant 0 : i32
        %add3A_1298 = arith.addi %squeeze3A_1160, %add3A_1297 : i32
        %get3A_1299 = arith.index_cast %rem3A_450 : i32 to index
        %get3A_1300 = arith.index_cast %add3A_1158 : i32 to index
        %get3A_1301 = arith.index_cast %add3A_1298 : i32 to index
        %get3A_1302 = tpu.vector_load %arg9[%get3A_1299, %get3A_1300, %get3A_1301] {strides = array<i32>} : memref<2x256x128xf32, #tpu.memory_space<vmem>>, vector<16xf32>,
        %add3A_1303 = arith.addf %get3A_1302, %unpack3A_1295 : vector<16xf32>
        %swap3A_1304 = arith.index_cast %rem3A_450 : i32 to index
        %swap3A_1305 = arith.index_cast %add3A_1158 : i32 to index
        %swap3A_1306 = arith.constant 0 : index
        %swap3A_1307 = tpu.vector_load %arg11[%swap3A_1304, %swap3A_1305, %swap3A_1306] {strides = array<i32>} : memref<2x256x64xf32, #tpu.memory_space<vmem>>, vector<16xf32>,
        tpu.vector_store %arg11[%swap3A_1304, %swap3A_1305, %swap3A_1306], %add3A_1303 {strides = array<i32>} : memref<2x256x64xf32, #tpu.memory_space<vmem>>, vector<16xf32>,
        %add3A_1308 = arith.constant 16 : i32
        %add3A_1309 = arith.addi %squeeze3A_1160, %add3A_1308 : i32
        %get3A_1310 = arith.index_cast %rem3A_450 : i32 to index
        %get3A_1311 = arith.index_cast %add3A_1158 : i32 to index
        %get3A_1312 = arith.index_cast %add3A_1309 : i32 to index
        %get3A_1313 = tpu.vector_load %arg9[%get3A_1310, %get3A_1311, %get3A_1312] {strides = array<i32>} : memref<2x256x128xf32, #tpu.memory_space<vmem>>, vector<16xf32>,
        %add3A_1314 = arith.addf %get3A_1313, %unpack3A_1296 : vector<16xf32>
        %swap3A_1315 = arith.index_cast %rem3A_450 : i32 to index
        %swap3A_1316 = arith.index_cast %add3A_1158 : i32 to index
        %swap3A_1317 = arith.constant 16 : index
        %swap3A_1318 = tpu.vector_load %arg11[%swap3A_1315, %swap3A_1316, %swap3A_1317] {strides = array<i32>} : memref<2x256x64xf32, #tpu.memory_space<vmem>>, vector<16xf32>,
        tpu.vector_store %arg11[%swap3A_1315, %swap3A_1316, %swap3A_1317], %add3A_1314 {strides = array<i32>} : memref<2x256x64xf32, #tpu.memory_space<vmem>>, vector<16xf32>,
        %unpack3A_1319 = tpu.unpack_subelements %add3A_1294, 0 {pack_format = #tpu.pack_format<interleaved>} : vector<32xbf16> -> vector<16xf32>
        %unpack3A_1320 = tpu.unpack_subelements %add3A_1294, 1 {pack_format = #tpu.pack_format<interleaved>} : vector<32xbf16> -> vector<16xf32>
        %add3A_1321 = arith.constant 32 : i32
        %add3A_1322 = arith.addi %squeeze3A_1160, %add3A_1321 : i32
        %get3A_1323 = arith.index_cast %rem3A_450 : i32 to index
        %get3A_1324 = arith.index_cast %add3A_1158 : i32 to index
        %get3A_1325 = arith.index_cast %add3A_1322 : i32 to index
        %get3A_1326 = tpu.vector_load %arg9[%get3A_1323, %get3A_1324, %get3A_1325] {strides = array<i32>} : memref<2x256x128xf32, #tpu.memory_space<vmem>>, vector<16xf32>,
        %add3A_1327 = arith.addf %get3A_1326, %unpack3A_1319 : vector<16xf32>
        %swap3A_1328 = arith.index_cast %rem3A_450 : i32 to index
        %swap3A_1329 = arith.index_cast %add3A_1158 : i32 to index
        %swap3A_1330 = arith.constant 32 : index
        %swap3A_1331 = tpu.vector_load %arg11[%swap3A_1328, %swap3A_1329, %swap3A_1330] {strides = array<i32>} : memref<2x256x64xf32, #tpu.memory_space<vmem>>, vector<16xf32>,
        tpu.vector_store %arg11[%swap3A_1328, %swap3A_1329, %swap3A_1330], %add3A_1327 {strides = array<i32>} : memref<2x256x64xf32, #tpu.memory_space<vmem>>, vector<16xf32>,
        %add3A_1332 = arith.constant 48 : i32
        %add3A_1333 = arith.addi %squeeze3A_1160, %add3A_1332 : i32
        %get3A_1334 = arith.index_cast %rem3A_450 : i32 to index
        %get3A_1335 = arith.index_cast %add3A_1158 : i32 to index
        %get3A_1336 = arith.index_cast %add3A_1333 : i32 to index
        %get3A_1337 = tpu.vector_load %arg9[%get3A_1334, %get3A_1335, %get3A_1336] {strides = array<i32>} : memref<2x256x128xf32, #tpu.memory_space<vmem>>, vector<16xf32>,
        %add3A_1338 = arith.addf %get3A_1337, %unpack3A_1320 : vector<16xf32>
        %swap3A_1339 = arith.index_cast %rem3A_450 : i32 to index
        %swap3A_1340 = arith.index_cast %add3A_1158 : i32 to index
        %swap3A_1341 = arith.constant 48 : index
        %swap3A_1342 = tpu.vector_load %arg11[%swap3A_1339, %swap3A_1340, %swap3A_1341] {strides = array<i32>} : memref<2x256x64xf32, #tpu.memory_space<vmem>>, vector<16xf32>,
        tpu.vector_store %arg11[%swap3A_1339, %swap3A_1340, %swap3A_1341], %add3A_1338 {strides = array<i32>} : memref<2x256x64xf32, #tpu.memory_space<vmem>>, vector<16xf32>,
        %mul3A_1343 = arith.constant 16 : i32
        %mul3A_1344 = arith.muli %scan3A_773, %mul3A_1343 : i32
        %add3A_1345 = arith.constant 3 : i32
        %add3A_1346 = arith.addi %mul3A_1344, %add3A_1345 : i32
        %slice3A_1347 = vector.extract_strided_slice %mul3A_783 {offsets = [3], sizes = [1], strides = [1]} : vector<16xi32> to vector<1xi32>
        %squeeze3A_1348 = vector.extract %slice3A_1347[0] : i32 from vector<1xi32>
        %get3A_1349 = arith.index_cast %rem3A_450 : i32 to index
        %get3A_1350 = arith.index_cast %add3A_1346 : i32 to index
        %get3A_1351 = arith.constant 0 : index
        %get3A_1352 = tpu.vector_load %arg10[%get3A_1349, %get3A_1350, %get3A_1351] {strides = array<i32>} : memref<2x256x16xf32, #tpu.memory_space<vmem>>, vector<16xf32>,
        %slice3A_1353 = vector.extract_strided_slice %get3A_1352 {offsets = [0], sizes = [1], strides = [1]} : vector<16xf32> to vector<1xf32>
        %squeeze3A_1354 = vector.extract %slice3A_1353[0] : f32 from vector<1xf32>
        %broadcast_in_dim3A_1355 = vector.broadcast %squeeze3A_1354 : f32 to vector<16xf32>
        %pack3A_1356 = tpu.pack_subelements %broadcast_in_dim3A_1355, %broadcast_in_dim3A_1355 {pack_format = #tpu.pack_format<interleaved>, positions = array<i32: 0, 1>} : vector<16xf32>, vector<16xf32> -> vector<32xbf16>
        %mul3A_1357 = arith.mulf %pack3A_1356, %get3A_3 : vector<32xbf16>
        %slice3A_1358 = vector.extract_strided_slice %get3A_1352 {offsets = [0], sizes = [1], strides = [1]} : vector<16xf32> to vector<1xf32>
        %squeeze3A_1359 = vector.extract %slice3A_1358[0] : f32 from vector<1xf32>
        %broadcast_in_dim3A_1360 = vector.broadcast %squeeze3A_1359 : f32 to vector<16xf32>
        %pack3A_1361 = tpu.pack_subelements %broadcast_in_dim3A_1360, %broadcast_in_dim3A_1360 {pack_format = #tpu.pack_format<interleaved>, positions = array<i32: 0, 1>} : vector<16xf32>, vector<16xf32> -> vector<32xbf16>
        %mul3A_1362 = arith.mulf %pack3A_1361, %get3A_5 : vector<32xbf16>
        %slice3A_1363 = vector.extract_strided_slice %get3A_1352 {offsets = [1], sizes = [1], strides = [1]} : vector<16xf32> to vector<1xf32>
        %squeeze3A_1364 = vector.extract %slice3A_1363[0] : f32 from vector<1xf32>
        %broadcast_in_dim3A_1365 = vector.broadcast %squeeze3A_1364 : f32 to vector<16xf32>
        %pack3A_1366 = tpu.pack_subelements %broadcast_in_dim3A_1365, %broadcast_in_dim3A_1365 {pack_format = #tpu.pack_format<interleaved>, positions = array<i32: 0, 1>} : vector<16xf32>, vector<16xf32> -> vector<32xbf16>
        %mul3A_1367 = arith.mulf %pack3A_1366, %get3A_7 : vector<32xbf16>
        %add3A_1368 = arith.addf %mul3A_1357, %mul3A_1367 : vector<32xbf16>
        %mul3A_1369 = arith.mulf %pack3A_1366, %get3A_9 : vector<32xbf16>
        %add3A_1370 = arith.addf %mul3A_1362, %mul3A_1369 : vector<32xbf16>
        %slice3A_1371 = vector.extract_strided_slice %get3A_1352 {offsets = [2], sizes = [1], strides = [1]} : vector<16xf32> to vector<1xf32>
        %squeeze3A_1372 = vector.extract %slice3A_1371[0] : f32 from vector<1xf32>
        %broadcast_in_dim3A_1373 = vector.broadcast %squeeze3A_1372 : f32 to vector<16xf32>
        %pack3A_1374 = tpu.pack_subelements %broadcast_in_dim3A_1373, %broadcast_in_dim3A_1373 {pack_format = #tpu.pack_format<interleaved>, positions = array<i32: 0, 1>} : vector<16xf32>, vector<16xf32> -> vector<32xbf16>
        %mul3A_1375 = arith.mulf %pack3A_1374, %get3A_11 : vector<32xbf16>
        %add3A_1376 = arith.addf %add3A_1368, %mul3A_1375 : vector<32xbf16>
        %mul3A_1377 = arith.mulf %pack3A_1374, %get3A_13 : vector<32xbf16>
        %add3A_1378 = arith.addf %add3A_1370, %mul3A_1377 : vector<32xbf16>
        %slice3A_1379 = vector.extract_strided_slice %get3A_1352 {offsets = [3], sizes = [1], strides = [1]} : vector<16xf32> to vector<1xf32>
        %squeeze3A_1380 = vector.extract %slice3A_1379[0] : f32 from vector<1xf32>
        %broadcast_in_dim3A_1381 = vector.broadcast %squeeze3A_1380 : f32 to vector<16xf32>
        %pack3A_1382 = tpu.pack_subelements %broadcast_in_dim3A_1381, %broadcast_in_dim3A_1381 {pack_format = #tpu.pack_format<interleaved>, positions = array<i32: 0, 1>} : vector<16xf32>, vector<16xf32> -> vector<32xbf16>
        %mul3A_1383 = arith.mulf %pack3A_1382, %get3A_15 : vector<32xbf16>
        %add3A_1384 = arith.addf %add3A_1376, %mul3A_1383 : vector<32xbf16>
        %mul3A_1385 = arith.mulf %pack3A_1382, %get3A_17 : vector<32xbf16>
        %add3A_1386 = arith.addf %add3A_1378, %mul3A_1385 : vector<32xbf16>
        %slice3A_1387 = vector.extract_strided_slice %get3A_1352 {offsets = [4], sizes = [1], strides = [1]} : vector<16xf32> to vector<1xf32>
        %squeeze3A_1388 = vector.extract %slice3A_1387[0] : f32 from vector<1xf32>
        %broadcast_in_dim3A_1389 = vector.broadcast %squeeze3A_1388 : f32 to vector<16xf32>
        %pack3A_1390 = tpu.pack_subelements %broadcast_in_dim3A_1389, %broadcast_in_dim3A_1389 {pack_format = #tpu.pack_format<interleaved>, positions = array<i32: 0, 1>} : vector<16xf32>, vector<16xf32> -> vector<32xbf16>
        %mul3A_1391 = arith.mulf %pack3A_1390, %get3A_19 : vector<32xbf16>
        %add3A_1392 = arith.addf %add3A_1384, %mul3A_1391 : vector<32xbf16>
        %mul3A_1393 = arith.mulf %pack3A_1390, %get3A_21 : vector<32xbf16>
        %add3A_1394 = arith.addf %add3A_1386, %mul3A_1393 : vector<32xbf16>
        %slice3A_1395 = vector.extract_strided_slice %get3A_1352 {offsets = [5], sizes = [1], strides = [1]} : vector<16xf32> to vector<1xf32>
        %squeeze3A_1396 = vector.extract %slice3A_1395[0] : f32 from vector<1xf32>
        %broadcast_in_dim3A_1397 = vector.broadcast %squeeze3A_1396 : f32 to vector<16xf32>
        %pack3A_1398 = tpu.pack_subelements %broadcast_in_dim3A_1397, %broadcast_in_dim3A_1397 {pack_format = #tpu.pack_format<interleaved>, positions = array<i32: 0, 1>} : vector<16xf32>, vector<16xf32> -> vector<32xbf16>
        %mul3A_1399 = arith.mulf %pack3A_1398, %get3A_23 : vector<32xbf16>
        %add3A_1400 = arith.addf %add3A_1392, %mul3A_1399 : vector<32xbf16>
        %mul3A_1401 = arith.mulf %pack3A_1398, %get3A_25 : vector<32xbf16>
        %add3A_1402 = arith.addf %add3A_1394, %mul3A_1401 : vector<32xbf16>
        %slice3A_1403 = vector.extract_strided_slice %get3A_1352 {offsets = [6], sizes = [1], strides = [1]} : vector<16xf32> to vector<1xf32>
        %squeeze3A_1404 = vector.extract %slice3A_1403[0] : f32 from vector<1xf32>
        %broadcast_in_dim3A_1405 = vector.broadcast %squeeze3A_1404 : f32 to vector<16xf32>
        %pack3A_1406 = tpu.pack_subelements %broadcast_in_dim3A_1405, %broadcast_in_dim3A_1405 {pack_format = #tpu.pack_format<interleaved>, positions = array<i32: 0, 1>} : vector<16xf32>, vector<16xf32> -> vector<32xbf16>
        %mul3A_1407 = arith.mulf %pack3A_1406, %get3A_27 : vector<32xbf16>
        %add3A_1408 = arith.addf %add3A_1400, %mul3A_1407 : vector<32xbf16>
        %mul3A_1409 = arith.mulf %pack3A_1406, %get3A_29 : vector<32xbf16>
        %add3A_1410 = arith.addf %add3A_1402, %mul3A_1409 : vector<32xbf16>
        %slice3A_1411 = vector.extract_strided_slice %get3A_1352 {offsets = [7], sizes = [1], strides = [1]} : vector<16xf32> to vector<1xf32>
        %squeeze3A_1412 = vector.extract %slice3A_1411[0] : f32 from vector<1xf32>
        %broadcast_in_dim3A_1413 = vector.broadcast %squeeze3A_1412 : f32 to vector<16xf32>
        %pack3A_1414 = tpu.pack_subelements %broadcast_in_dim3A_1413, %broadcast_in_dim3A_1413 {pack_format = #tpu.pack_format<interleaved>, positions = array<i32: 0, 1>} : vector<16xf32>, vector<16xf32> -> vector<32xbf16>
        %mul3A_1415 = arith.mulf %pack3A_1414, %get3A_31 : vector<32xbf16>
        %add3A_1416 = arith.addf %add3A_1408, %mul3A_1415 : vector<32xbf16>
        %mul3A_1417 = arith.mulf %pack3A_1414, %get3A_33 : vector<32xbf16>
        %add3A_1418 = arith.addf %add3A_1410, %mul3A_1417 : vector<32xbf16>
        %slice3A_1419 = vector.extract_strided_slice %get3A_1352 {offsets = [8], sizes = [1], strides = [1]} : vector<16xf32> to vector<1xf32>
        %squeeze3A_1420 = vector.extract %slice3A_1419[0] : f32 from vector<1xf32>
        %broadcast_in_dim3A_1421 = vector.broadcast %squeeze3A_1420 : f32 to vector<16xf32>
        %pack3A_1422 = tpu.pack_subelements %broadcast_in_dim3A_1421, %broadcast_in_dim3A_1421 {pack_format = #tpu.pack_format<interleaved>, positions = array<i32: 0, 1>} : vector<16xf32>, vector<16xf32> -> vector<32xbf16>
        %mul3A_1423 = arith.mulf %pack3A_1422, %get3A_35 : vector<32xbf16>
        %add3A_1424 = arith.addf %add3A_1416, %mul3A_1423 : vector<32xbf16>
        %mul3A_1425 = arith.mulf %pack3A_1422, %get3A_37 : vector<32xbf16>
        %add3A_1426 = arith.addf %add3A_1418, %mul3A_1425 : vector<32xbf16>
        %slice3A_1427 = vector.extract_strided_slice %get3A_1352 {offsets = [9], sizes = [1], strides = [1]} : vector<16xf32> to vector<1xf32>
        %squeeze3A_1428 = vector.extract %slice3A_1427[0] : f32 from vector<1xf32>
        %broadcast_in_dim3A_1429 = vector.broadcast %squeeze3A_1428 : f32 to vector<16xf32>
        %pack3A_1430 = tpu.pack_subelements %broadcast_in_dim3A_1429, %broadcast_in_dim3A_1429 {pack_format = #tpu.pack_format<interleaved>, positions = array<i32: 0, 1>} : vector<16xf32>, vector<16xf32> -> vector<32xbf16>
        %mul3A_1431 = arith.mulf %pack3A_1430, %get3A_39 : vector<32xbf16>
        %add3A_1432 = arith.addf %add3A_1424, %mul3A_1431 : vector<32xbf16>
        %mul3A_1433 = arith.mulf %pack3A_1430, %get3A_41 : vector<32xbf16>
        %add3A_1434 = arith.addf %add3A_1426, %mul3A_1433 : vector<32xbf16>
        %slice3A_1435 = vector.extract_strided_slice %get3A_1352 {offsets = [10], sizes = [1], strides = [1]} : vector<16xf32> to vector<1xf32>
        %squeeze3A_1436 = vector.extract %slice3A_1435[0] : f32 from vector<1xf32>
        %broadcast_in_dim3A_1437 = vector.broadcast %squeeze3A_1436 : f32 to vector<16xf32>
        %pack3A_1438 = tpu.pack_subelements %broadcast_in_dim3A_1437, %broadcast_in_dim3A_1437 {pack_format = #tpu.pack_format<interleaved>, positions = array<i32: 0, 1>} : vector<16xf32>, vector<16xf32> -> vector<32xbf16>
        %mul3A_1439 = arith.mulf %pack3A_1438, %get3A_43 : vector<32xbf16>
        %add3A_1440 = arith.addf %add3A_1432, %mul3A_1439 : vector<32xbf16>
        %mul3A_1441 = arith.mulf %pack3A_1438, %get3A_45 : vector<32xbf16>
        %add3A_1442 = arith.addf %add3A_1434, %mul3A_1441 : vector<32xbf16>
        %slice3A_1443 = vector.extract_strided_slice %get3A_1352 {offsets = [11], sizes = [1], strides = [1]} : vector<16xf32> to vector<1xf32>
        %squeeze3A_1444 = vector.extract %slice3A_1443[0] : f32 from vector<1xf32>
        %broadcast_in_dim3A_1445 = vector.broadcast %squeeze3A_1444 : f32 to vector<16xf32>
        %pack3A_1446 = tpu.pack_subelements %broadcast_in_dim3A_1445, %broadcast_in_dim3A_1445 {pack_format = #tpu.pack_format<interleaved>, positions = array<i32: 0, 1>} : vector<16xf32>, vector<16xf32> -> vector<32xbf16>
        %mul3A_1447 = arith.mulf %pack3A_1446, %get3A_47 : vector<32xbf16>
        %add3A_1448 = arith.addf %add3A_1440, %mul3A_1447 : vector<32xbf16>
        %mul3A_1449 = arith.mulf %pack3A_1446, %get3A_49 : vector<32xbf16>
        %add3A_1450 = arith.addf %add3A_1442, %mul3A_1449 : vector<32xbf16>
        %slice3A_1451 = vector.extract_strided_slice %get3A_1352 {offsets = [12], sizes = [1], strides = [1]} : vector<16xf32> to vector<1xf32>
        %squeeze3A_1452 = vector.extract %slice3A_1451[0] : f32 from vector<1xf32>
        %broadcast_in_dim3A_1453 = vector.broadcast %squeeze3A_1452 : f32 to vector<16xf32>
        %pack3A_1454 = tpu.pack_subelements %broadcast_in_dim3A_1453, %broadcast_in_dim3A_1453 {pack_format = #tpu.pack_format<interleaved>, positions = array<i32: 0, 1>} : vector<16xf32>, vector<16xf32> -> vector<32xbf16>
        %mul3A_1455 = arith.mulf %pack3A_1454, %get3A_51 : vector<32xbf16>
        %add3A_1456 = arith.addf %add3A_1448, %mul3A_1455 : vector<32xbf16>
        %mul3A_1457 = arith.mulf %pack3A_1454, %get3A_53 : vector<32xbf16>
        %add3A_1458 = arith.addf %add3A_1450, %mul3A_1457 : vector<32xbf16>
        %slice3A_1459 = vector.extract_strided_slice %get3A_1352 {offsets = [13], sizes = [1], strides = [1]} : vector<16xf32> to vector<1xf32>
        %squeeze3A_1460 = vector.extract %slice3A_1459[0] : f32 from vector<1xf32>
        %broadcast_in_dim3A_1461 = vector.broadcast %squeeze3A_1460 : f32 to vector<16xf32>
        %pack3A_1462 = tpu.pack_subelements %broadcast_in_dim3A_1461, %broadcast_in_dim3A_1461 {pack_format = #tpu.pack_format<interleaved>, positions = array<i32: 0, 1>} : vector<16xf32>, vector<16xf32> -> vector<32xbf16>
        %mul3A_1463 = arith.mulf %pack3A_1462, %get3A_55 : vector<32xbf16>
        %add3A_1464 = arith.addf %add3A_1456, %mul3A_1463 : vector<32xbf16>
        %mul3A_1465 = arith.mulf %pack3A_1462, %get3A_57 : vector<32xbf16>
        %add3A_1466 = arith.addf %add3A_1458, %mul3A_1465 : vector<32xbf16>
        %slice3A_1467 = vector.extract_strided_slice %get3A_1352 {offsets = [14], sizes = [1], strides = [1]} : vector<16xf32> to vector<1xf32>
        %squeeze3A_1468 = vector.extract %slice3A_1467[0] : f32 from vector<1xf32>
        %broadcast_in_dim3A_1469 = vector.broadcast %squeeze3A_1468 : f32 to vector<16xf32>
        %pack3A_1470 = tpu.pack_subelements %broadcast_in_dim3A_1469, %broadcast_in_dim3A_1469 {pack_format = #tpu.pack_format<interleaved>, positions = array<i32: 0, 1>} : vector<16xf32>, vector<16xf32> -> vector<32xbf16>
        %mul3A_1471 = arith.mulf %pack3A_1470, %get3A_59 : vector<32xbf16>
        %add3A_1472 = arith.addf %add3A_1464, %mul3A_1471 : vector<32xbf16>
        %mul3A_1473 = arith.mulf %pack3A_1470, %get3A_61 : vector<32xbf16>
        %add3A_1474 = arith.addf %add3A_1466, %mul3A_1473 : vector<32xbf16>
        %slice3A_1475 = vector.extract_strided_slice %get3A_1352 {offsets = [15], sizes = [1], strides = [1]} : vector<16xf32> to vector<1xf32>
        %squeeze3A_1476 = vector.extract %slice3A_1475[0] : f32 from vector<1xf32>
        %broadcast_in_dim3A_1477 = vector.broadcast %squeeze3A_1476 : f32 to vector<16xf32>
        %pack3A_1478 = tpu.pack_subelements %broadcast_in_dim3A_1477, %broadcast_in_dim3A_1477 {pack_format = #tpu.pack_format<interleaved>, positions = array<i32: 0, 1>} : vector<16xf32>, vector<16xf32> -> vector<32xbf16>
        %mul3A_1479 = arith.mulf %pack3A_1478, %get3A_63 : vector<32xbf16>
        %add3A_1480 = arith.addf %add3A_1472, %mul3A_1479 : vector<32xbf16>
        %mul3A_1481 = arith.mulf %pack3A_1478, %get3A_65 : vector<32xbf16>
        %add3A_1482 = arith.addf %add3A_1474, %mul3A_1481 : vector<32xbf16>
        %unpack3A_1483 = tpu.unpack_subelements %add3A_1480, 0 {pack_format = #tpu.pack_format<interleaved>} : vector<32xbf16> -> vector<16xf32>
        %unpack3A_1484 = tpu.unpack_subelements %add3A_1480, 1 {pack_format = #tpu.pack_format<interleaved>} : vector<32xbf16> -> vector<16xf32>
        %add3A_1485 = arith.constant 0 : i32
        %add3A_1486 = arith.addi %squeeze3A_1348, %add3A_1485 : i32
        %get3A_1487 = arith.index_cast %rem3A_450 : i32 to index
        %get3A_1488 = arith.index_cast %add3A_1346 : i32 to index
        %get3A_1489 = arith.index_cast %add3A_1486 : i32 to index
        %get3A_1490 = tpu.vector_load %arg9[%get3A_1487, %get3A_1488, %get3A_1489] {strides = array<i32>} : memref<2x256x128xf32, #tpu.memory_space<vmem>>, vector<16xf32>,
        %add3A_1491 = arith.addf %get3A_1490, %unpack3A_1483 : vector<16xf32>
        %swap3A_1492 = arith.index_cast %rem3A_450 : i32 to index
        %swap3A_1493 = arith.index_cast %add3A_1346 : i32 to index
        %swap3A_1494 = arith.constant 0 : index
        %swap3A_1495 = tpu.vector_load %arg11[%swap3A_1492, %swap3A_1493, %swap3A_1494] {strides = array<i32>} : memref<2x256x64xf32, #tpu.memory_space<vmem>>, vector<16xf32>,
        tpu.vector_store %arg11[%swap3A_1492, %swap3A_1493, %swap3A_1494], %add3A_1491 {strides = array<i32>} : memref<2x256x64xf32, #tpu.memory_space<vmem>>, vector<16xf32>,
        %add3A_1496 = arith.constant 16 : i32
        %add3A_1497 = arith.addi %squeeze3A_1348, %add3A_1496 : i32
        %get3A_1498 = arith.index_cast %rem3A_450 : i32 to index
        %get3A_1499 = arith.index_cast %add3A_1346 : i32 to index
        %get3A_1500 = arith.index_cast %add3A_1497 : i32 to index
        %get3A_1501 = tpu.vector_load %arg9[%get3A_1498, %get3A_1499, %get3A_1500] {strides = array<i32>} : memref<2x256x128xf32, #tpu.memory_space<vmem>>, vector<16xf32>,
        %add3A_1502 = arith.addf %get3A_1501, %unpack3A_1484 : vector<16xf32>
        %swap3A_1503 = arith.index_cast %rem3A_450 : i32 to index
        %swap3A_1504 = arith.index_cast %add3A_1346 : i32 to index
        %swap3A_1505 = arith.constant 16 : index
        %swap3A_1506 = tpu.vector_load %arg11[%swap3A_1503, %swap3A_1504, %swap3A_1505] {strides = array<i32>} : memref<2x256x64xf32, #tpu.memory_space<vmem>>, vector<16xf32>,
        tpu.vector_store %arg11[%swap3A_1503, %swap3A_1504, %swap3A_1505], %add3A_1502 {strides = array<i32>} : memref<2x256x64xf32, #tpu.memory_space<vmem>>, vector<16xf32>,
        %unpack3A_1507 = tpu.unpack_subelements %add3A_1482, 0 {pack_format = #tpu.pack_format<interleaved>} : vector<32xbf16> -> vector<16xf32>
        %unpack3A_1508 = tpu.unpack_subelements %add3A_1482, 1 {pack_format = #tpu.pack_format<interleaved>} : vector<32xbf16> -> vector<16xf32>
        %add3A_1509 = arith.constant 32 : i32
        %add3A_1510 = arith.addi %squeeze3A_1348, %add3A_1509 : i32
        %get3A_1511 = arith.index_cast %rem3A_450 : i32 to index
        %get3A_1512 = arith.index_cast %add3A_1346 : i32 to index
        %get3A_1513 = arith.index_cast %add3A_1510 : i32 to index
        %get3A_1514 = tpu.vector_load %arg9[%get3A_1511, %get3A_1512, %get3A_1513] {strides = array<i32>} : memref<2x256x128xf32, #tpu.memory_space<vmem>>, vector<16xf32>,
        %add3A_1515 = arith.addf %get3A_1514, %unpack3A_1507 : vector<16xf32>
        %swap3A_1516 = arith.index_cast %rem3A_450 : i32 to index
        %swap3A_1517 = arith.index_cast %add3A_1346 : i32 to index
        %swap3A_1518 = arith.constant 32 : index
        %swap3A_1519 = tpu.vector_load %arg11[%swap3A_1516, %swap3A_1517, %swap3A_1518] {strides = array<i32>} : memref<2x256x64xf32, #tpu.memory_space<vmem>>, vector<16xf32>,
        tpu.vector_store %arg11[%swap3A_1516, %swap3A_1517, %swap3A_1518], %add3A_1515 {strides = array<i32>} : memref<2x256x64xf32, #tpu.memory_space<vmem>>, vector<16xf32>,
        %add3A_1520 = arith.constant 48 : i32
        %add3A_1521 = arith.addi %squeeze3A_1348, %add3A_1520 : i32
        %get3A_1522 = arith.index_cast %rem3A_450 : i32 to index
        %get3A_1523 = arith.index_cast %add3A_1346 : i32 to index
        %get3A_1524 = arith.index_cast %add3A_1521 : i32 to index
        %get3A_1525 = tpu.vector_load %arg9[%get3A_1522, %get3A_1523, %get3A_1524] {strides = array<i32>} : memref<2x256x128xf32, #tpu.memory_space<vmem>>, vector<16xf32>,
        %add3A_1526 = arith.addf %get3A_1525, %unpack3A_1508 : vector<16xf32>
        %swap3A_1527 = arith.index_cast %rem3A_450 : i32 to index
        %swap3A_1528 = arith.index_cast %add3A_1346 : i32 to index
        %swap3A_1529 = arith.constant 48 : index
        %swap3A_1530 = tpu.vector_load %arg11[%swap3A_1527, %swap3A_1528, %swap3A_1529] {strides = array<i32>} : memref<2x256x64xf32, #tpu.memory_space<vmem>>, vector<16xf32>,
        tpu.vector_store %arg11[%swap3A_1527, %swap3A_1528, %swap3A_1529], %add3A_1526 {strides = array<i32>} : memref<2x256x64xf32, #tpu.memory_space<vmem>>, vector<16xf32>,
        %mul3A_1531 = arith.constant 16 : i32
        %mul3A_1532 = arith.muli %scan3A_773, %mul3A_1531 : i32
        %add3A_1533 = arith.constant 4 : i32
        %add3A_1534 = arith.addi %mul3A_1532, %add3A_1533 : i32
        %slice3A_1535 = vector.extract_strided_slice %mul3A_783 {offsets = [4], sizes = [1], strides = [1]} : vector<16xi32> to vector<1xi32>
        %squeeze3A_1536 = vector.extract %slice3A_1535[0] : i32 from vector<1xi32>
        %get3A_1537 = arith.index_cast %rem3A_450 : i32 to index
        %get3A_1538 = arith.index_cast %add3A_1534 : i32 to index
        %get3A_1539 = arith.constant 0 : index
        %get3A_1540 = tpu.vector_load %arg10[%get3A_1537, %get3A_1538, %get3A_1539] {strides = array<i32>} : memref<2x256x16xf32, #tpu.memory_space<vmem>>, vector<16xf32>,
        %slice3A_1541 = vector.extract_strided_slice %get3A_1540 {offsets = [0], sizes = [1], strides = [1]} : vector<16xf32> to vector<1xf32>
        %squeeze3A_1542 = vector.extract %slice3A_1541[0] : f32 from vector<1xf32>
        %broadcast_in_dim3A_1543 = vector.broadcast %squeeze3A_1542 : f32 to vector<16xf32>
        %pack3A_1544 = tpu.pack_subelements %broadcast_in_dim3A_1543, %broadcast_in_dim3A_1543 {pack_format = #tpu.pack_format<interleaved>, positions = array<i32: 0, 1>} : vector<16xf32>, vector<16xf32> -> vector<32xbf16>
        %mul3A_1545 = arith.mulf %pack3A_1544, %get3A_3 : vector<32xbf16>
        %slice3A_1546 = vector.extract_strided_slice %get3A_1540 {offsets = [0], sizes = [1], strides = [1]} : vector<16xf32> to vector<1xf32>
        %squeeze3A_1547 = vector.extract %slice3A_1546[0] : f32 from vector<1xf32>
        %broadcast_in_dim3A_1548 = vector.broadcast %squeeze3A_1547 : f32 to vector<16xf32>
        %pack3A_1549 = tpu.pack_subelements %broadcast_in_dim3A_1548, %broadcast_in_dim3A_1548 {pack_format = #tpu.pack_format<interleaved>, positions = array<i32: 0, 1>} : vector<16xf32>, vector<16xf32> -> vector<32xbf16>
        %mul3A_1550 = arith.mulf %pack3A_1549, %get3A_5 : vector<32xbf16>
        %slice3A_1551 = vector.extract_strided_slice %get3A_1540 {offsets = [1], sizes = [1], strides = [1]} : vector<16xf32> to vector<1xf32>
        %squeeze3A_1552 = vector.extract %slice3A_1551[0] : f32 from vector<1xf32>
        %broadcast_in_dim3A_1553 = vector.broadcast %squeeze3A_1552 : f32 to vector<16xf32>
        %pack3A_1554 = tpu.pack_subelements %broadcast_in_dim3A_1553, %broadcast_in_dim3A_1553 {pack_format = #tpu.pack_format<interleaved>, positions = array<i32: 0, 1>} : vector<16xf32>, vector<16xf32> -> vector<32xbf16>
        %mul3A_1555 = arith.mulf %pack3A_1554, %get3A_7 : vector<32xbf16>
        %add3A_1556 = arith.addf %mul3A_1545, %mul3A_1555 : vector<32xbf16>
        %mul3A_1557 = arith.mulf %pack3A_1554, %get3A_9 : vector<32xbf16>
        %add3A_1558 = arith.addf %mul3A_1550, %mul3A_1557 : vector<32xbf16>
        %slice3A_1559 = vector.extract_strided_slice %get3A_1540 {offsets = [2], sizes = [1], strides = [1]} : vector<16xf32> to vector<1xf32>
        %squeeze3A_1560 = vector.extract %slice3A_1559[0] : f32 from vector<1xf32>
        %broadcast_in_dim3A_1561 = vector.broadcast %squeeze3A_1560 : f32 to vector<16xf32>
        %pack3A_1562 = tpu.pack_subelements %broadcast_in_dim3A_1561, %broadcast_in_dim3A_1561 {pack_format = #tpu.pack_format<interleaved>, positions = array<i32: 0, 1>} : vector<16xf32>, vector<16xf32> -> vector<32xbf16>
        %mul3A_1563 = arith.mulf %pack3A_1562, %get3A_11 : vector<32xbf16>
        %add3A_1564 = arith.addf %add3A_1556, %mul3A_1563 : vector<32xbf16>
        %mul3A_1565 = arith.mulf %pack3A_1562, %get3A_13 : vector<32xbf16>
        %add3A_1566 = arith.addf %add3A_1558, %mul3A_1565 : vector<32xbf16>
        %slice3A_1567 = vector.extract_strided_slice %get3A_1540 {offsets = [3], sizes = [1], strides = [1]} : vector<16xf32> to vector<1xf32>
        %squeeze3A_1568 = vector.extract %slice3A_1567[0] : f32 from vector<1xf32>
        %broadcast_in_dim3A_1569 = vector.broadcast %squeeze3A_1568 : f32 to vector<16xf32>
        %pack3A_1570 = tpu.pack_subelements %broadcast_in_dim3A_1569, %broadcast_in_dim3A_1569 {pack_format = #tpu.pack_format<interleaved>, positions = array<i32: 0, 1>} : vector<16xf32>, vector<16xf32> -> vector<32xbf16>
        %mul3A_1571 = arith.mulf %pack3A_1570, %get3A_15 : vector<32xbf16>
        %add3A_1572 = arith.addf %add3A_1564, %mul3A_1571 : vector<32xbf16>
        %mul3A_1573 = arith.mulf %pack3A_1570, %get3A_17 : vector<32xbf16>
        %add3A_1574 = arith.addf %add3A_1566, %mul3A_1573 : vector<32xbf16>
        %slice3A_1575 = vector.extract_strided_slice %get3A_1540 {offsets = [4], sizes = [1], strides = [1]} : vector<16xf32> to vector<1xf32>
        %squeeze3A_1576 = vector.extract %slice3A_1575[0] : f32 from vector<1xf32>
        %broadcast_in_dim3A_1577 = vector.broadcast %squeeze3A_1576 : f32 to vector<16xf32>
        %pack3A_1578 = tpu.pack_subelements %broadcast_in_dim3A_1577, %broadcast_in_dim3A_1577 {pack_format = #tpu.pack_format<interleaved>, positions = array<i32: 0, 1>} : vector<16xf32>, vector<16xf32> -> vector<32xbf16>
        %mul3A_1579 = arith.mulf %pack3A_1578, %get3A_19 : vector<32xbf16>
        %add3A_1580 = arith.addf %add3A_1572, %mul3A_1579 : vector<32xbf16>
        %mul3A_1581 = arith.mulf %pack3A_1578, %get3A_21 : vector<32xbf16>
        %add3A_1582 = arith.addf %add3A_1574, %mul3A_1581 : vector<32xbf16>
        %slice3A_1583 = vector.extract_strided_slice %get3A_1540 {offsets = [5], sizes = [1], strides = [1]} : vector<16xf32> to vector<1xf32>
        %squeeze3A_1584 = vector.extract %slice3A_1583[0] : f32 from vector<1xf32>
        %broadcast_in_dim3A_1585 = vector.broadcast %squeeze3A_1584 : f32 to vector<16xf32>
        %pack3A_1586 = tpu.pack_subelements %broadcast_in_dim3A_1585, %broadcast_in_dim3A_1585 {pack_format = #tpu.pack_format<interleaved>, positions = array<i32: 0, 1>} : vector<16xf32>, vector<16xf32> -> vector<32xbf16>
        %mul3A_1587 = arith.mulf %pack3A_1586, %get3A_23 : vector<32xbf16>
        %add3A_1588 = arith.addf %add3A_1580, %mul3A_1587 : vector<32xbf16>
        %mul3A_1589 = arith.mulf %pack3A_1586, %get3A_25 : vector<32xbf16>
        %add3A_1590 = arith.addf %add3A_1582, %mul3A_1589 : vector<32xbf16>
        %slice3A_1591 = vector.extract_strided_slice %get3A_1540 {offsets = [6], sizes = [1], strides = [1]} : vector<16xf32> to vector<1xf32>
        %squeeze3A_1592 = vector.extract %slice3A_1591[0] : f32 from vector<1xf32>
        %broadcast_in_dim3A_1593 = vector.broadcast %squeeze3A_1592 : f32 to vector<16xf32>
        %pack3A_1594 = tpu.pack_subelements %broadcast_in_dim3A_1593, %broadcast_in_dim3A_1593 {pack_format = #tpu.pack_format<interleaved>, positions = array<i32: 0, 1>} : vector<16xf32>, vector<16xf32> -> vector<32xbf16>
        %mul3A_1595 = arith.mulf %pack3A_1594, %get3A_27 : vector<32xbf16>
        %add3A_1596 = arith.addf %add3A_1588, %mul3A_1595 : vector<32xbf16>
        %mul3A_1597 = arith.mulf %pack3A_1594, %get3A_29 : vector<32xbf16>
        %add3A_1598 = arith.addf %add3A_1590, %mul3A_1597 : vector<32xbf16>
        %slice3A_1599 = vector.extract_strided_slice %get3A_1540 {offsets = [7], sizes = [1], strides = [1]} : vector<16xf32> to vector<1xf32>
        %squeeze3A_1600 = vector.extract %slice3A_1599[0] : f32 from vector<1xf32>
        %broadcast_in_dim3A_1601 = vector.broadcast %squeeze3A_1600 : f32 to vector<16xf32>
        %pack3A_1602 = tpu.pack_subelements %broadcast_in_dim3A_1601, %broadcast_in_dim3A_1601 {pack_format = #tpu.pack_format<interleaved>, positions = array<i32: 0, 1>} : vector<16xf32>, vector<16xf32> -> vector<32xbf16>
        %mul3A_1603 = arith.mulf %pack3A_1602, %get3A_31 : vector<32xbf16>
        %add3A_1604 = arith.addf %add3A_1596, %mul3A_1603 : vector<32xbf16>
        %mul3A_1605 = arith.mulf %pack3A_1602, %get3A_33 : vector<32xbf16>
        %add3A_1606 = arith.addf %add3A_1598, %mul3A_1605 : vector<32xbf16>
        %slice3A_1607 = vector.extract_strided_slice %get3A_1540 {offsets = [8], sizes = [1], strides = [1]} : vector<16xf32> to vector<1xf32>
        %squeeze3A_1608 = vector.extract %slice3A_1607[0] : f32 from vector<1xf32>
        %broadcast_in_dim3A_1609 = vector.broadcast %squeeze3A_1608 : f32 to vector<16xf32>
        %pack3A_1610 = tpu.pack_subelements %broadcast_in_dim3A_1609, %broadcast_in_dim3A_1609 {pack_format = #tpu.pack_format<interleaved>, positions = array<i32: 0, 1>} : vector<16xf32>, vector<16xf32> -> vector<32xbf16>
        %mul3A_1611 = arith.mulf %pack3A_1610, %get3A_35 : vector<32xbf16>
        %add3A_1612 = arith.addf %add3A_1604, %mul3A_1611 : vector<32xbf16>
        %mul3A_1613 = arith.mulf %pack3A_1610, %get3A_37 : vector<32xbf16>
        %add3A_1614 = arith.addf %add3A_1606, %mul3A_1613 : vector<32xbf16>
        %slice3A_1615 = vector.extract_strided_slice %get3A_1540 {offsets = [9], sizes = [1], strides = [1]} : vector<16xf32> to vector<1xf32>
        %squeeze3A_1616 = vector.extract %slice3A_1615[0] : f32 from vector<1xf32>
        %broadcast_in_dim3A_1617 = vector.broadcast %squeeze3A_1616 : f32 to vector<16xf32>
        %pack3A_1618 = tpu.pack_subelements %broadcast_in_dim3A_1617, %broadcast_in_dim3A_1617 {pack_format = #tpu.pack_format<interleaved>, positions = array<i32: 0, 1>} : vector<16xf32>, vector<16xf32> -> vector<32xbf16>
        %mul3A_1619 = arith.mulf %pack3A_1618, %get3A_39 : vector<32xbf16>
        %add3A_1620 = arith.addf %add3A_1612, %mul3A_1619 : vector<32xbf16>
        %mul3A_1621 = arith.mulf %pack3A_1618, %get3A_41 : vector<32xbf16>
        %add3A_1622 = arith.addf %add3A_1614, %mul3A_1621 : vector<32xbf16>
        %slice3A_1623 = vector.extract_strided_slice %get3A_1540 {offsets = [10], sizes = [1], strides = [1]} : vector<16xf32> to vector<1xf32>
        %squeeze3A_1624 = vector.extract %slice3A_1623[0] : f32 from vector<1xf32>
        %broadcast_in_dim3A_1625 = vector.broadcast %squeeze3A_1624 : f32 to vector<16xf32>
        %pack3A_1626 = tpu.pack_subelements %broadcast_in_dim3A_1625, %broadcast_in_dim3A_1625 {pack_format = #tpu.pack_format<interleaved>, positions = array<i32: 0, 1>} : vector<16xf32>, vector<16xf32> -> vector<32xbf16>
        %mul3A_1627 = arith.mulf %pack3A_1626, %get3A_43 : vector<32xbf16>
        %add3A_1628 = arith.addf %add3A_1620, %mul3A_1627 : vector<32xbf16>
        %mul3A_1629 = arith.mulf %pack3A_1626, %get3A_45 : vector<32xbf16>
        %add3A_1630 = arith.addf %add3A_1622, %mul3A_1629 : vector<32xbf16>
        %slice3A_1631 = vector.extract_strided_slice %get3A_1540 {offsets = [11], sizes = [1], strides = [1]} : vector<16xf32> to vector<1xf32>
        %squeeze3A_1632 = vector.extract %slice3A_1631[0] : f32 from vector<1xf32>
        %broadcast_in_dim3A_1633 = vector.broadcast %squeeze3A_1632 : f32 to vector<16xf32>
        %pack3A_1634 = tpu.pack_subelements %broadcast_in_dim3A_1633, %broadcast_in_dim3A_1633 {pack_format = #tpu.pack_format<interleaved>, positions = array<i32: 0, 1>} : vector<16xf32>, vector<16xf32> -> vector<32xbf16>
        %mul3A_1635 = arith.mulf %pack3A_1634, %get3A_47 : vector<32xbf16>
        %add3A_1636 = arith.addf %add3A_1628, %mul3A_1635 : vector<32xbf16>
        %mul3A_1637 = arith.mulf %pack3A_1634, %get3A_49 : vector<32xbf16>
        %add3A_1638 = arith.addf %add3A_1630, %mul3A_1637 : vector<32xbf16>
        %slice3A_1639 = vector.extract_strided_slice %get3A_1540 {offsets = [12], sizes = [1], strides = [1]} : vector<16xf32> to vector<1xf32>
        %squeeze3A_1640 = vector.extract %slice3A_1639[0] : f32 from vector<1xf32>
        %broadcast_in_dim3A_1641 = vector.broadcast %squeeze3A_1640 : f32 to vector<16xf32>
        %pack3A_1642 = tpu.pack_subelements %broadcast_in_dim3A_1641, %broadcast_in_dim3A_1641 {pack_format = #tpu.pack_format<interleaved>, positions = array<i32: 0, 1>} : vector<16xf32>, vector<16xf32> -> vector<32xbf16>
        %mul3A_1643 = arith.mulf %pack3A_1642, %get3A_51 : vector<32xbf16>
        %add3A_1644 = arith.addf %add3A_1636, %mul3A_1643 : vector<32xbf16>
        %mul3A_1645 = arith.mulf %pack3A_1642, %get3A_53 : vector<32xbf16>
        %add3A_1646 = arith.addf %add3A_1638, %mul3A_1645 : vector<32xbf16>
        %slice3A_1647 = vector.extract_strided_slice %get3A_1540 {offsets = [13], sizes = [1], strides = [1]} : vector<16xf32> to vector<1xf32>
        %squeeze3A_1648 = vector.extract %slice3A_1647[0] : f32 from vector<1xf32>
        %broadcast_in_dim3A_1649 = vector.broadcast %squeeze3A_1648 : f32 to vector<16xf32>
        %pack3A_1650 = tpu.pack_subelements %broadcast_in_dim3A_1649, %broadcast_in_dim3A_1649 {pack_format = #tpu.pack_format<interleaved>, positions = array<i32: 0, 1>} : vector<16xf32>, vector<16xf32> -> vector<32xbf16>
        %mul3A_1651 = arith.mulf %pack3A_1650, %get3A_55 : vector<32xbf16>
        %add3A_1652 = arith.addf %add3A_1644, %mul3A_1651 : vector<32xbf16>
        %mul3A_1653 = arith.mulf %pack3A_1650, %get3A_57 : vector<32xbf16>
        %add3A_1654 = arith.addf %add3A_1646, %mul3A_1653 : vector<32xbf16>
        %slice3A_1655 = vector.extract_strided_slice %get3A_1540 {offsets = [14], sizes = [1], strides = [1]} : vector<16xf32> to vector<1xf32>
        %squeeze3A_1656 = vector.extract %slice3A_1655[0] : f32 from vector<1xf32>
        %broadcast_in_dim3A_1657 = vector.broadcast %squeeze3A_1656 : f32 to vector<16xf32>
        %pack3A_1658 = tpu.pack_subelements %broadcast_in_dim3A_1657, %broadcast_in_dim3A_1657 {pack_format = #tpu.pack_format<interleaved>, positions = array<i32: 0, 1>} : vector<16xf32>, vector<16xf32> -> vector<32xbf16>
        %mul3A_1659 = arith.mulf %pack3A_1658, %get3A_59 : vector<32xbf16>
        %add3A_1660 = arith.addf %add3A_1652, %mul3A_1659 : vector<32xbf16>
        %mul3A_1661 = arith.mulf %pack3A_1658, %get3A_61 : vector<32xbf16>
        %add3A_1662 = arith.addf %add3A_1654, %mul3A_1661 : vector<32xbf16>
        %slice3A_1663 = vector.extract_strided_slice %get3A_1540 {offsets = [15], sizes = [1], strides = [1]} : vector<16xf32> to vector<1xf32>
        %squeeze3A_1664 = vector.extract %slice3A_1663[0] : f32 from vector<1xf32>
        %broadcast_in_dim3A_1665 = vector.broadcast %squeeze3A_1664 : f32 to vector<16xf32>
        %pack3A_1666 = tpu.pack_subelements %broadcast_in_dim3A_1665, %broadcast_in_dim3A_1665 {pack_format = #tpu.pack_format<interleaved>, positions = array<i32: 0, 1>} : vector<16xf32>, vector<16xf32> -> vector<32xbf16>
        %mul3A_1667 = arith.mulf %pack3A_1666, %get3A_63 : vector<32xbf16>
        %add3A_1668 = arith.addf %add3A_1660, %mul3A_1667 : vector<32xbf16>
        %mul3A_1669 = arith.mulf %pack3A_1666, %get3A_65 : vector<32xbf16>
        %add3A_1670 = arith.addf %add3A_1662, %mul3A_1669 : vector<32xbf16>
        %unpack3A_1671 = tpu.unpack_subelements %add3A_1668, 0 {pack_format = #tpu.pack_format<interleaved>} : vector<32xbf16> -> vector<16xf32>
        %unpack3A_1672 = tpu.unpack_subelements %add3A_1668, 1 {pack_format = #tpu.pack_format<interleaved>} : vector<32xbf16> -> vector<16xf32>
        %add3A_1673 = arith.constant 0 : i32
        %add3A_1674 = arith.addi %squeeze3A_1536, %add3A_1673 : i32
        %get3A_1675 = arith.index_cast %rem3A_450 : i32 to index
        %get3A_1676 = arith.index_cast %add3A_1534 : i32 to index
        %get3A_1677 = arith.index_cast %add3A_1674 : i32 to index
        %get3A_1678 = tpu.vector_load %arg9[%get3A_1675, %get3A_1676, %get3A_1677] {strides = array<i32>} : memref<2x256x128xf32, #tpu.memory_space<vmem>>, vector<16xf32>,
        %add3A_1679 = arith.addf %get3A_1678, %unpack3A_1671 : vector<16xf32>
        %swap3A_1680 = arith.index_cast %rem3A_450 : i32 to index
        %swap3A_1681 = arith.index_cast %add3A_1534 : i32 to index
        %swap3A_1682 = arith.constant 0 : index
        %swap3A_1683 = tpu.vector_load %arg11[%swap3A_1680, %swap3A_1681, %swap3A_1682] {strides = array<i32>} : memref<2x256x64xf32, #tpu.memory_space<vmem>>, vector<16xf32>,
        tpu.vector_store %arg11[%swap3A_1680, %swap3A_1681, %swap3A_1682], %add3A_1679 {strides = array<i32>} : memref<2x256x64xf32, #tpu.memory_space<vmem>>, vector<16xf32>,
        %add3A_1684 = arith.constant 16 : i32
        %add3A_1685 = arith.addi %squeeze3A_1536, %add3A_1684 : i32
        %get3A_1686 = arith.index_cast %rem3A_450 : i32 to index
        %get3A_1687 = arith.index_cast %add3A_1534 : i32 to index
        %get3A_1688 = arith.index_cast %add3A_1685 : i32 to index
        %get3A_1689 = tpu.vector_load %arg9[%get3A_1686, %get3A_1687, %get3A_1688] {strides = array<i32>} : memref<2x256x128xf32, #tpu.memory_space<vmem>>, vector<16xf32>,
        %add3A_1690 = arith.addf %get3A_1689, %unpack3A_1672 : vector<16xf32>
        %swap3A_1691 = arith.index_cast %rem3A_450 : i32 to index
        %swap3A_1692 = arith.index_cast %add3A_1534 : i32 to index
        %swap3A_1693 = arith.constant 16 : index
        %swap3A_1694 = tpu.vector_load %arg11[%swap3A_1691, %swap3A_1692, %swap3A_1693] {strides = array<i32>} : memref<2x256x64xf32, #tpu.memory_space<vmem>>, vector<16xf32>,
        tpu.vector_store %arg11[%swap3A_1691, %swap3A_1692, %swap3A_1693], %add3A_1690 {strides = array<i32>} : memref<2x256x64xf32, #tpu.memory_space<vmem>>, vector<16xf32>,
        %unpack3A_1695 = tpu.unpack_subelements %add3A_1670, 0 {pack_format = #tpu.pack_format<interleaved>} : vector<32xbf16> -> vector<16xf32>
        %unpack3A_1696 = tpu.unpack_subelements %add3A_1670, 1 {pack_format = #tpu.pack_format<interleaved>} : vector<32xbf16> -> vector<16xf32>
        %add3A_1697 = arith.constant 32 : i32
        %add3A_1698 = arith.addi %squeeze3A_1536, %add3A_1697 : i32
        %get3A_1699 = arith.index_cast %rem3A_450 : i32 to index
        %get3A_1700 = arith.index_cast %add3A_1534 : i32 to index
        %get3A_1701 = arith.index_cast %add3A_1698 : i32 to index
        %get3A_1702 = tpu.vector_load %arg9[%get3A_1699, %get3A_1700, %get3A_1701] {strides = array<i32>} : memref<2x256x128xf32, #tpu.memory_space<vmem>>, vector<16xf32>,
        %add3A_1703 = arith.addf %get3A_1702, %unpack3A_1695 : vector<16xf32>
        %swap3A_1704 = arith.index_cast %rem3A_450 : i32 to index
        %swap3A_1705 = arith.index_cast %add3A_1534 : i32 to index
        %swap3A_1706 = arith.constant 32 : index
        %swap3A_1707 = tpu.vector_load %arg11[%swap3A_1704, %swap3A_1705, %swap3A_1706] {strides = array<i32>} : memref<2x256x64xf32, #tpu.memory_space<vmem>>, vector<16xf32>,
        tpu.vector_store %arg11[%swap3A_1704, %swap3A_1705, %swap3A_1706], %add3A_1703 {strides = array<i32>} : memref<2x256x64xf32, #tpu.memory_space<vmem>>, vector<16xf32>,
        %add3A_1708 = arith.constant 48 : i32
        %add3A_1709 = arith.addi %squeeze3A_1536, %add3A_1708 : i32
        %get3A_1710 = arith.index_cast %rem3A_450 : i32 to index
        %get3A_1711 = arith.index_cast %add3A_1534 : i32 to index
        %get3A_1712 = arith.index_cast %add3A_1709 : i32 to index
        %get3A_1713 = tpu.vector_load %arg9[%get3A_1710, %get3A_1711, %get3A_1712] {strides = array<i32>} : memref<2x256x128xf32, #tpu.memory_space<vmem>>, vector<16xf32>,
        %add3A_1714 = arith.addf %get3A_1713, %unpack3A_1696 : vector<16xf32>
        %swap3A_1715 = arith.index_cast %rem3A_450 : i32 to index
        %swap3A_1716 = arith.index_cast %add3A_1534 : i32 to index
        %swap3A_1717 = arith.constant 48 : index
        %swap3A_1718 = tpu.vector_load %arg11[%swap3A_1715, %swap3A_1716, %swap3A_1717] {strides = array<i32>} : memref<2x256x64xf32, #tpu.memory_space<vmem>>, vector<16xf32>,
        tpu.vector_store %arg11[%swap3A_1715, %swap3A_1716, %swap3A_1717], %add3A_1714 {strides = array<i32>} : memref<2x256x64xf32, #tpu.memory_space<vmem>>, vector<16xf32>,
        %mul3A_1719 = arith.constant 16 : i32
        %mul3A_1720 = arith.muli %scan3A_773, %mul3A_1719 : i32
        %add3A_1721 = arith.constant 5 : i32
        %add3A_1722 = arith.addi %mul3A_1720, %add3A_1721 : i32
        %slice3A_1723 = vector.extract_strided_slice %mul3A_783 {offsets = [5], sizes = [1], strides = [1]} : vector<16xi32> to vector<1xi32>
        %squeeze3A_1724 = vector.extract %slice3A_1723[0] : i32 from vector<1xi32>
        %get3A_1725 = arith.index_cast %rem3A_450 : i32 to index
        %get3A_1726 = arith.index_cast %add3A_1722 : i32 to index
        %get3A_1727 = arith.constant 0 : index
        %get3A_1728 = tpu.vector_load %arg10[%get3A_1725, %get3A_1726, %get3A_1727] {strides = array<i32>} : memref<2x256x16xf32, #tpu.memory_space<vmem>>, vector<16xf32>,
        %slice3A_1729 = vector.extract_strided_slice %get3A_1728 {offsets = [0], sizes = [1], strides = [1]} : vector<16xf32> to vector<1xf32>
        %squeeze3A_1730 = vector.extract %slice3A_1729[0] : f32 from vector<1xf32>
        %broadcast_in_dim3A_1731 = vector.broadcast %squeeze3A_1730 : f32 to vector<16xf32>
        %pack3A_1732 = tpu.pack_subelements %broadcast_in_dim3A_1731, %broadcast_in_dim3A_1731 {pack_format = #tpu.pack_format<interleaved>, positions = array<i32: 0, 1>} : vector<16xf32>, vector<16xf32> -> vector<32xbf16>
        %mul3A_1733 = arith.mulf %pack3A_1732, %get3A_3 : vector<32xbf16>
        %slice3A_1734 = vector.extract_strided_slice %get3A_1728 {offsets = [0], sizes = [1], strides = [1]} : vector<16xf32> to vector<1xf32>
        %squeeze3A_1735 = vector.extract %slice3A_1734[0] : f32 from vector<1xf32>
        %broadcast_in_dim3A_1736 = vector.broadcast %squeeze3A_1735 : f32 to vector<16xf32>
        %pack3A_1737 = tpu.pack_subelements %broadcast_in_dim3A_1736, %broadcast_in_dim3A_1736 {pack_format = #tpu.pack_format<interleaved>, positions = array<i32: 0, 1>} : vector<16xf32>, vector<16xf32> -> vector<32xbf16>
        %mul3A_1738 = arith.mulf %pack3A_1737, %get3A_5 : vector<32xbf16>
        %slice3A_1739 = vector.extract_strided_slice %get3A_1728 {offsets = [1], sizes = [1], strides = [1]} : vector<16xf32> to vector<1xf32>
        %squeeze3A_1740 = vector.extract %slice3A_1739[0] : f32 from vector<1xf32>
        %broadcast_in_dim3A_1741 = vector.broadcast %squeeze3A_1740 : f32 to vector<16xf32>
        %pack3A_1742 = tpu.pack_subelements %broadcast_in_dim3A_1741, %broadcast_in_dim3A_1741 {pack_format = #tpu.pack_format<interleaved>, positions = array<i32: 0, 1>} : vector<16xf32>, vector<16xf32> -> vector<32xbf16>
        %mul3A_1743 = arith.mulf %pack3A_1742, %get3A_7 : vector<32xbf16>
        %add3A_1744 = arith.addf %mul3A_1733, %mul3A_1743 : vector<32xbf16>
        %mul3A_1745 = arith.mulf %pack3A_1742, %get3A_9 : vector<32xbf16>
        %add3A_1746 = arith.addf %mul3A_1738, %mul3A_1745 : vector<32xbf16>
        %slice3A_1747 = vector.extract_strided_slice %get3A_1728 {offsets = [2], sizes = [1], strides = [1]} : vector<16xf32> to vector<1xf32>
        %squeeze3A_1748 = vector.extract %slice3A_1747[0] : f32 from vector<1xf32>
        %broadcast_in_dim3A_1749 = vector.broadcast %squeeze3A_1748 : f32 to vector<16xf32>
        %pack3A_1750 = tpu.pack_subelements %broadcast_in_dim3A_1749, %broadcast_in_dim3A_1749 {pack_format = #tpu.pack_format<interleaved>, positions = array<i32: 0, 1>} : vector<16xf32>, vector<16xf32> -> vector<32xbf16>
        %mul3A_1751 = arith.mulf %pack3A_1750, %get3A_11 : vector<32xbf16>
        %add3A_1752 = arith.addf %add3A_1744, %mul3A_1751 : vector<32xbf16>
        %mul3A_1753 = arith.mulf %pack3A_1750, %get3A_13 : vector<32xbf16>
        %add3A_1754 = arith.addf %add3A_1746, %mul3A_1753 : vector<32xbf16>
        %slice3A_1755 = vector.extract_strided_slice %get3A_1728 {offsets = [3], sizes = [1], strides = [1]} : vector<16xf32> to vector<1xf32>
        %squeeze3A_1756 = vector.extract %slice3A_1755[0] : f32 from vector<1xf32>
        %broadcast_in_dim3A_1757 = vector.broadcast %squeeze3A_1756 : f32 to vector<16xf32>
        %pack3A_1758 = tpu.pack_subelements %broadcast_in_dim3A_1757, %broadcast_in_dim3A_1757 {pack_format = #tpu.pack_format<interleaved>, positions = array<i32: 0, 1>} : vector<16xf32>, vector<16xf32> -> vector<32xbf16>
        %mul3A_1759 = arith.mulf %pack3A_1758, %get3A_15 : vector<32xbf16>
        %add3A_1760 = arith.addf %add3A_1752, %mul3A_1759 : vector<32xbf16>
        %mul3A_1761 = arith.mulf %pack3A_1758, %get3A_17 : vector<32xbf16>
        %add3A_1762 = arith.addf %add3A_1754, %mul3A_1761 : vector<32xbf16>
        %slice3A_1763 = vector.extract_strided_slice %get3A_1728 {offsets = [4], sizes = [1], strides = [1]} : vector<16xf32> to vector<1xf32>
        %squeeze3A_1764 = vector.extract %slice3A_1763[0] : f32 from vector<1xf32>
        %broadcast_in_dim3A_1765 = vector.broadcast %squeeze3A_1764 : f32 to vector<16xf32>
        %pack3A_1766 = tpu.pack_subelements %broadcast_in_dim3A_1765, %broadcast_in_dim3A_1765 {pack_format = #tpu.pack_format<interleaved>, positions = array<i32: 0, 1>} : vector<16xf32>, vector<16xf32> -> vector<32xbf16>
        %mul3A_1767 = arith.mulf %pack3A_1766, %get3A_19 : vector<32xbf16>
        %add3A_1768 = arith.addf %add3A_1760, %mul3A_1767 : vector<32xbf16>
        %mul3A_1769 = arith.mulf %pack3A_1766, %get3A_21 : vector<32xbf16>
        %add3A_1770 = arith.addf %add3A_1762, %mul3A_1769 : vector<32xbf16>
        %slice3A_1771 = vector.extract_strided_slice %get3A_1728 {offsets = [5], sizes = [1], strides = [1]} : vector<16xf32> to vector<1xf32>
        %squeeze3A_1772 = vector.extract %slice3A_1771[0] : f32 from vector<1xf32>
        %broadcast_in_dim3A_1773 = vector.broadcast %squeeze3A_1772 : f32 to vector<16xf32>
        %pack3A_1774 = tpu.pack_subelements %broadcast_in_dim3A_1773, %broadcast_in_dim3A_1773 {pack_format = #tpu.pack_format<interleaved>, positions = array<i32: 0, 1>} : vector<16xf32>, vector<16xf32> -> vector<32xbf16>
        %mul3A_1775 = arith.mulf %pack3A_1774, %get3A_23 : vector<32xbf16>
        %add3A_1776 = arith.addf %add3A_1768, %mul3A_1775 : vector<32xbf16>
        %mul3A_1777 = arith.mulf %pack3A_1774, %get3A_25 : vector<32xbf16>
        %add3A_1778 = arith.addf %add3A_1770, %mul3A_1777 : vector<32xbf16>
        %slice3A_1779 = vector.extract_strided_slice %get3A_1728 {offsets = [6], sizes = [1], strides = [1]} : vector<16xf32> to vector<1xf32>
        %squeeze3A_1780 = vector.extract %slice3A_1779[0] : f32 from vector<1xf32>
        %broadcast_in_dim3A_1781 = vector.broadcast %squeeze3A_1780 : f32 to vector<16xf32>
        %pack3A_1782 = tpu.pack_subelements %broadcast_in_dim3A_1781, %broadcast_in_dim3A_1781 {pack_format = #tpu.pack_format<interleaved>, positions = array<i32: 0, 1>} : vector<16xf32>, vector<16xf32> -> vector<32xbf16>
        %mul3A_1783 = arith.mulf %pack3A_1782, %get3A_27 : vector<32xbf16>
        %add3A_1784 = arith.addf %add3A_1776, %mul3A_1783 : vector<32xbf16>
        %mul3A_1785 = arith.mulf %pack3A_1782, %get3A_29 : vector<32xbf16>
        %add3A_1786 = arith.addf %add3A_1778, %mul3A_1785 : vector<32xbf16>
        %slice3A_1787 = vector.extract_strided_slice %get3A_1728 {offsets = [7], sizes = [1], strides = [1]} : vector<16xf32> to vector<1xf32>
        %squeeze3A_1788 = vector.extract %slice3A_1787[0] : f32 from vector<1xf32>
        %broadcast_in_dim3A_1789 = vector.broadcast %squeeze3A_1788 : f32 to vector<16xf32>
        %pack3A_1790 = tpu.pack_subelements %broadcast_in_dim3A_1789, %broadcast_in_dim3A_1789 {pack_format = #tpu.pack_format<interleaved>, positions = array<i32: 0, 1>} : vector<16xf32>, vector<16xf32> -> vector<32xbf16>
        %mul3A_1791 = arith.mulf %pack3A_1790, %get3A_31 : vector<32xbf16>
        %add3A_1792 = arith.addf %add3A_1784, %mul3A_1791 : vector<32xbf16>
        %mul3A_1793 = arith.mulf %pack3A_1790, %get3A_33 : vector<32xbf16>
        %add3A_1794 = arith.addf %add3A_1786, %mul3A_1793 : vector<32xbf16>
        %slice3A_1795 = vector.extract_strided_slice %get3A_1728 {offsets = [8], sizes = [1], strides = [1]} : vector<16xf32> to vector<1xf32>
        %squeeze3A_1796 = vector.extract %slice3A_1795[0] : f32 from vector<1xf32>
        %broadcast_in_dim3A_1797 = vector.broadcast %squeeze3A_1796 : f32 to vector<16xf32>
        %pack3A_1798 = tpu.pack_subelements %broadcast_in_dim3A_1797, %broadcast_in_dim3A_1797 {pack_format = #tpu.pack_format<interleaved>, positions = array<i32: 0, 1>} : vector<16xf32>, vector<16xf32> -> vector<32xbf16>
        %mul3A_1799 = arith.mulf %pack3A_1798, %get3A_35 : vector<32xbf16>
        %add3A_1800 = arith.addf %add3A_1792, %mul3A_1799 : vector<32xbf16>
        %mul3A_1801 = arith.mulf %pack3A_1798, %get3A_37 : vector<32xbf16>
        %add3A_1802 = arith.addf %add3A_1794, %mul3A_1801 : vector<32xbf16>
        %slice3A_1803 = vector.extract_strided_slice %get3A_1728 {offsets = [9], sizes = [1], strides = [1]} : vector<16xf32> to vector<1xf32>
        %squeeze3A_1804 = vector.extract %slice3A_1803[0] : f32 from vector<1xf32>
        %broadcast_in_dim3A_1805 = vector.broadcast %squeeze3A_1804 : f32 to vector<16xf32>
        %pack3A_1806 = tpu.pack_subelements %broadcast_in_dim3A_1805, %broadcast_in_dim3A_1805 {pack_format = #tpu.pack_format<interleaved>, positions = array<i32: 0, 1>} : vector<16xf32>, vector<16xf32> -> vector<32xbf16>
        %mul3A_1807 = arith.mulf %pack3A_1806, %get3A_39 : vector<32xbf16>
        %add3A_1808 = arith.addf %add3A_1800, %mul3A_1807 : vector<32xbf16>
        %mul3A_1809 = arith.mulf %pack3A_1806, %get3A_41 : vector<32xbf16>
        %add3A_1810 = arith.addf %add3A_1802, %mul3A_1809 : vector<32xbf16>
        %slice3A_1811 = vector.extract_strided_slice %get3A_1728 {offsets = [10], sizes = [1], strides = [1]} : vector<16xf32> to vector<1xf32>
        %squeeze3A_1812 = vector.extract %slice3A_1811[0] : f32 from vector<1xf32>
        %broadcast_in_dim3A_1813 = vector.broadcast %squeeze3A_1812 : f32 to vector<16xf32>
        %pack3A_1814 = tpu.pack_subelements %broadcast_in_dim3A_1813, %broadcast_in_dim3A_1813 {pack_format = #tpu.pack_format<interleaved>, positions = array<i32: 0, 1>} : vector<16xf32>, vector<16xf32> -> vector<32xbf16>
        %mul3A_1815 = arith.mulf %pack3A_1814, %get3A_43 : vector<32xbf16>
        %add3A_1816 = arith.addf %add3A_1808, %mul3A_1815 : vector<32xbf16>
        %mul3A_1817 = arith.mulf %pack3A_1814, %get3A_45 : vector<32xbf16>
        %add3A_1818 = arith.addf %add3A_1810, %mul3A_1817 : vector<32xbf16>
        %slice3A_1819 = vector.extract_strided_slice %get3A_1728 {offsets = [11], sizes = [1], strides = [1]} : vector<16xf32> to vector<1xf32>
        %squeeze3A_1820 = vector.extract %slice3A_1819[0] : f32 from vector<1xf32>
        %broadcast_in_dim3A_1821 = vector.broadcast %squeeze3A_1820 : f32 to vector<16xf32>
        %pack3A_1822 = tpu.pack_subelements %broadcast_in_dim3A_1821, %broadcast_in_dim3A_1821 {pack_format = #tpu.pack_format<interleaved>, positions = array<i32: 0, 1>} : vector<16xf32>, vector<16xf32> -> vector<32xbf16>
        %mul3A_1823 = arith.mulf %pack3A_1822, %get3A_47 : vector<32xbf16>
        %add3A_1824 = arith.addf %add3A_1816, %mul3A_1823 : vector<32xbf16>
        %mul3A_1825 = arith.mulf %pack3A_1822, %get3A_49 : vector<32xbf16>
        %add3A_1826 = arith.addf %add3A_1818, %mul3A_1825 : vector<32xbf16>
        %slice3A_1827 = vector.extract_strided_slice %get3A_1728 {offsets = [12], sizes = [1], strides = [1]} : vector<16xf32> to vector<1xf32>
        %squeeze3A_1828 = vector.extract %slice3A_1827[0] : f32 from vector<1xf32>
        %broadcast_in_dim3A_1829 = vector.broadcast %squeeze3A_1828 : f32 to vector<16xf32>
        %pack3A_1830 = tpu.pack_subelements %broadcast_in_dim3A_1829, %broadcast_in_dim3A_1829 {pack_format = #tpu.pack_format<interleaved>, positions = array<i32: 0, 1>} : vector<16xf32>, vector<16xf32> -> vector<32xbf16>
        %mul3A_1831 = arith.mulf %pack3A_1830, %get3A_51 : vector<32xbf16>
        %add3A_1832 = arith.addf %add3A_1824, %mul3A_1831 : vector<32xbf16>
        %mul3A_1833 = arith.mulf %pack3A_1830, %get3A_53 : vector<32xbf16>
        %add3A_1834 = arith.addf %add3A_1826, %mul3A_1833 : vector<32xbf16>
        %slice3A_1835 = vector.extract_strided_slice %get3A_1728 {offsets = [13], sizes = [1], strides = [1]} : vector<16xf32> to vector<1xf32>
        %squeeze3A_1836 = vector.extract %slice3A_1835[0] : f32 from vector<1xf32>
        %broadcast_in_dim3A_1837 = vector.broadcast %squeeze3A_1836 : f32 to vector<16xf32>
        %pack3A_1838 = tpu.pack_subelements %broadcast_in_dim3A_1837, %broadcast_in_dim3A_1837 {pack_format = #tpu.pack_format<interleaved>, positions = array<i32: 0, 1>} : vector<16xf32>, vector<16xf32> -> vector<32xbf16>
        %mul3A_1839 = arith.mulf %pack3A_1838, %get3A_55 : vector<32xbf16>
        %add3A_1840 = arith.addf %add3A_1832, %mul3A_1839 : vector<32xbf16>
        %mul3A_1841 = arith.mulf %pack3A_1838, %get3A_57 : vector<32xbf16>
        %add3A_1842 = arith.addf %add3A_1834, %mul3A_1841 : vector<32xbf16>
        %slice3A_1843 = vector.extract_strided_slice %get3A_1728 {offsets = [14], sizes = [1], strides = [1]} : vector<16xf32> to vector<1xf32>
        %squeeze3A_1844 = vector.extract %slice3A_1843[0] : f32 from vector<1xf32>
        %broadcast_in_dim3A_1845 = vector.broadcast %squeeze3A_1844 : f32 to vector<16xf32>
        %pack3A_1846 = tpu.pack_subelements %broadcast_in_dim3A_1845, %broadcast_in_dim3A_1845 {pack_format = #tpu.pack_format<interleaved>, positions = array<i32: 0, 1>} : vector<16xf32>, vector<16xf32> -> vector<32xbf16>
        %mul3A_1847 = arith.mulf %pack3A_1846, %get3A_59 : vector<32xbf16>
        %add3A_1848 = arith.addf %add3A_1840, %mul3A_1847 : vector<32xbf16>
        %mul3A_1849 = arith.mulf %pack3A_1846, %get3A_61 : vector<32xbf16>
        %add3A_1850 = arith.addf %add3A_1842, %mul3A_1849 : vector<32xbf16>
        %slice3A_1851 = vector.extract_strided_slice %get3A_1728 {offsets = [15], sizes = [1], strides = [1]} : vector<16xf32> to vector<1xf32>
        %squeeze3A_1852 = vector.extract %slice3A_1851[0] : f32 from vector<1xf32>
        %broadcast_in_dim3A_1853 = vector.broadcast %squeeze3A_1852 : f32 to vector<16xf32>
        %pack3A_1854 = tpu.pack_subelements %broadcast_in_dim3A_1853, %broadcast_in_dim3A_1853 {pack_format = #tpu.pack_format<interleaved>, positions = array<i32: 0, 1>} : vector<16xf32>, vector<16xf32> -> vector<32xbf16>
        %mul3A_1855 = arith.mulf %pack3A_1854, %get3A_63 : vector<32xbf16>
        %add3A_1856 = arith.addf %add3A_1848, %mul3A_1855 : vector<32xbf16>
        %mul3A_1857 = arith.mulf %pack3A_1854, %get3A_65 : vector<32xbf16>
        %add3A_1858 = arith.addf %add3A_1850, %mul3A_1857 : vector<32xbf16>
        %unpack3A_1859 = tpu.unpack_subelements %add3A_1856, 0 {pack_format = #tpu.pack_format<interleaved>} : vector<32xbf16> -> vector<16xf32>
        %unpack3A_1860 = tpu.unpack_subelements %add3A_1856, 1 {pack_format = #tpu.pack_format<interleaved>} : vector<32xbf16> -> vector<16xf32>
        %add3A_1861 = arith.constant 0 : i32
        %add3A_1862 = arith.addi %squeeze3A_1724, %add3A_1861 : i32
        %get3A_1863 = arith.index_cast %rem3A_450 : i32 to index
        %get3A_1864 = arith.index_cast %add3A_1722 : i32 to index
        %get3A_1865 = arith.index_cast %add3A_1862 : i32 to index
        %get3A_1866 = tpu.vector_load %arg9[%get3A_1863, %get3A_1864, %get3A_1865] {strides = array<i32>} : memref<2x256x128xf32, #tpu.memory_space<vmem>>, vector<16xf32>,
        %add3A_1867 = arith.addf %get3A_1866, %unpack3A_1859 : vector<16xf32>
        %swap3A_1868 = arith.index_cast %rem3A_450 : i32 to index
        %swap3A_1869 = arith.index_cast %add3A_1722 : i32 to index
        %swap3A_1870 = arith.constant 0 : index
        %swap3A_1871 = tpu.vector_load %arg11[%swap3A_1868, %swap3A_1869, %swap3A_1870] {strides = array<i32>} : memref<2x256x64xf32, #tpu.memory_space<vmem>>, vector<16xf32>,
        tpu.vector_store %arg11[%swap3A_1868, %swap3A_1869, %swap3A_1870], %add3A_1867 {strides = array<i32>} : memref<2x256x64xf32, #tpu.memory_space<vmem>>, vector<16xf32>,
        %add3A_1872 = arith.constant 16 : i32
        %add3A_1873 = arith.addi %squeeze3A_1724, %add3A_1872 : i32
        %get3A_1874 = arith.index_cast %rem3A_450 : i32 to index
        %get3A_1875 = arith.index_cast %add3A_1722 : i32 to index
        %get3A_1876 = arith.index_cast %add3A_1873 : i32 to index
        %get3A_1877 = tpu.vector_load %arg9[%get3A_1874, %get3A_1875, %get3A_1876] {strides = array<i32>} : memref<2x256x128xf32, #tpu.memory_space<vmem>>, vector<16xf32>,
        %add3A_1878 = arith.addf %get3A_1877, %unpack3A_1860 : vector<16xf32>
        %swap3A_1879 = arith.index_cast %rem3A_450 : i32 to index
        %swap3A_1880 = arith.index_cast %add3A_1722 : i32 to index
        %swap3A_1881 = arith.constant 16 : index
        %swap3A_1882 = tpu.vector_load %arg11[%swap3A_1879, %swap3A_1880, %swap3A_1881] {strides = array<i32>} : memref<2x256x64xf32, #tpu.memory_space<vmem>>, vector<16xf32>,
        tpu.vector_store %arg11[%swap3A_1879, %swap3A_1880, %swap3A_1881], %add3A_1878 {strides = array<i32>} : memref<2x256x64xf32, #tpu.memory_space<vmem>>, vector<16xf32>,
        %unpack3A_1883 = tpu.unpack_subelements %add3A_1858, 0 {pack_format = #tpu.pack_format<interleaved>} : vector<32xbf16> -> vector<16xf32>
        %unpack3A_1884 = tpu.unpack_subelements %add3A_1858, 1 {pack_format = #tpu.pack_format<interleaved>} : vector<32xbf16> -> vector<16xf32>
        %add3A_1885 = arith.constant 32 : i32
        %add3A_1886 = arith.addi %squeeze3A_1724, %add3A_1885 : i32
        %get3A_1887 = arith.index_cast %rem3A_450 : i32 to index
        %get3A_1888 = arith.index_cast %add3A_1722 : i32 to index
        %get3A_1889 = arith.index_cast %add3A_1886 : i32 to index
        %get3A_1890 = tpu.vector_load %arg9[%get3A_1887, %get3A_1888, %get3A_1889] {strides = array<i32>} : memref<2x256x128xf32, #tpu.memory_space<vmem>>, vector<16xf32>,
        %add3A_1891 = arith.addf %get3A_1890, %unpack3A_1883 : vector<16xf32>
        %swap3A_1892 = arith.index_cast %rem3A_450 : i32 to index
        %swap3A_1893 = arith.index_cast %add3A_1722 : i32 to index
        %swap3A_1894 = arith.constant 32 : index
        %swap3A_1895 = tpu.vector_load %arg11[%swap3A_1892, %swap3A_1893, %swap3A_1894] {strides = array<i32>} : memref<2x256x64xf32, #tpu.memory_space<vmem>>, vector<16xf32>,
        tpu.vector_store %arg11[%swap3A_1892, %swap3A_1893, %swap3A_1894], %add3A_1891 {strides = array<i32>} : memref<2x256x64xf32, #tpu.memory_space<vmem>>, vector<16xf32>,
        %add3A_1896 = arith.constant 48 : i32
        %add3A_1897 = arith.addi %squeeze3A_1724, %add3A_1896 : i32
        %get3A_1898 = arith.index_cast %rem3A_450 : i32 to index
        %get3A_1899 = arith.index_cast %add3A_1722 : i32 to index
        %get3A_1900 = arith.index_cast %add3A_1897 : i32 to index
        %get3A_1901 = tpu.vector_load %arg9[%get3A_1898, %get3A_1899, %get3A_1900] {strides = array<i32>} : memref<2x256x128xf32, #tpu.memory_space<vmem>>, vector<16xf32>,
        %add3A_1902 = arith.addf %get3A_1901, %unpack3A_1884 : vector<16xf32>
        %swap3A_1903 = arith.index_cast %rem3A_450 : i32 to index
        %swap3A_1904 = arith.index_cast %add3A_1722 : i32 to index
        %swap3A_1905 = arith.constant 48 : index
        %swap3A_1906 = tpu.vector_load %arg11[%swap3A_1903, %swap3A_1904, %swap3A_1905] {strides = array<i32>} : memref<2x256x64xf32, #tpu.memory_space<vmem>>, vector<16xf32>,
        tpu.vector_store %arg11[%swap3A_1903, %swap3A_1904, %swap3A_1905], %add3A_1902 {strides = array<i32>} : memref<2x256x64xf32, #tpu.memory_space<vmem>>, vector<16xf32>,
        %mul3A_1907 = arith.constant 16 : i32
        %mul3A_1908 = arith.muli %scan3A_773, %mul3A_1907 : i32
        %add3A_1909 = arith.constant 6 : i32
        %add3A_1910 = arith.addi %mul3A_1908, %add3A_1909 : i32
        %slice3A_1911 = vector.extract_strided_slice %mul3A_783 {offsets = [6], sizes = [1], strides = [1]} : vector<16xi32> to vector<1xi32>
        %squeeze3A_1912 = vector.extract %slice3A_1911[0] : i32 from vector<1xi32>
        %get3A_1913 = arith.index_cast %rem3A_450 : i32 to index
        %get3A_1914 = arith.index_cast %add3A_1910 : i32 to index
        %get3A_1915 = arith.constant 0 : index
        %get3A_1916 = tpu.vector_load %arg10[%get3A_1913, %get3A_1914, %get3A_1915] {strides = array<i32>} : memref<2x256x16xf32, #tpu.memory_space<vmem>>, vector<16xf32>,
        %slice3A_1917 = vector.extract_strided_slice %get3A_1916 {offsets = [0], sizes = [1], strides = [1]} : vector<16xf32> to vector<1xf32>
        %squeeze3A_1918 = vector.extract %slice3A_1917[0] : f32 from vector<1xf32>
        %broadcast_in_dim3A_1919 = vector.broadcast %squeeze3A_1918 : f32 to vector<16xf32>
        %pack3A_1920 = tpu.pack_subelements %broadcast_in_dim3A_1919, %broadcast_in_dim3A_1919 {pack_format = #tpu.pack_format<interleaved>, positions = array<i32: 0, 1>} : vector<16xf32>, vector<16xf32> -> vector<32xbf16>
        %mul3A_1921 = arith.mulf %pack3A_1920, %get3A_3 : vector<32xbf16>
        %slice3A_1922 = vector.extract_strided_slice %get3A_1916 {offsets = [0], sizes = [1], strides = [1]} : vector<16xf32> to vector<1xf32>
        %squeeze3A_1923 = vector.extract %slice3A_1922[0] : f32 from vector<1xf32>
        %broadcast_in_dim3A_1924 = vector.broadcast %squeeze3A_1923 : f32 to vector<16xf32>
        %pack3A_1925 = tpu.pack_subelements %broadcast_in_dim3A_1924, %broadcast_in_dim3A_1924 {pack_format = #tpu.pack_format<interleaved>, positions = array<i32: 0, 1>} : vector<16xf32>, vector<16xf32> -> vector<32xbf16>
        %mul3A_1926 = arith.mulf %pack3A_1925, %get3A_5 : vector<32xbf16>
        %slice3A_1927 = vector.extract_strided_slice %get3A_1916 {offsets = [1], sizes = [1], strides = [1]} : vector<16xf32> to vector<1xf32>
        %squeeze3A_1928 = vector.extract %slice3A_1927[0] : f32 from vector<1xf32>
        %broadcast_in_dim3A_1929 = vector.broadcast %squeeze3A_1928 : f32 to vector<16xf32>
        %pack3A_1930 = tpu.pack_subelements %broadcast_in_dim3A_1929, %broadcast_in_dim3A_1929 {pack_format = #tpu.pack_format<interleaved>, positions = array<i32: 0, 1>} : vector<16xf32>, vector<16xf32> -> vector<32xbf16>
        %mul3A_1931 = arith.mulf %pack3A_1930, %get3A_7 : vector<32xbf16>
        %add3A_1932 = arith.addf %mul3A_1921, %mul3A_1931 : vector<32xbf16>
        %mul3A_1933 = arith.mulf %pack3A_1930, %get3A_9 : vector<32xbf16>
        %add3A_1934 = arith.addf %mul3A_1926, %mul3A_1933 : vector<32xbf16>
        %slice3A_1935 = vector.extract_strided_slice %get3A_1916 {offsets = [2], sizes = [1], strides = [1]} : vector<16xf32> to vector<1xf32>
        %squeeze3A_1936 = vector.extract %slice3A_1935[0] : f32 from vector<1xf32>
        %broadcast_in_dim3A_1937 = vector.broadcast %squeeze3A_1936 : f32 to vector<16xf32>
        %pack3A_1938 = tpu.pack_subelements %broadcast_in_dim3A_1937, %broadcast_in_dim3A_1937 {pack_format = #tpu.pack_format<interleaved>, positions = array<i32: 0, 1>} : vector<16xf32>, vector<16xf32> -> vector<32xbf16>
        %mul3A_1939 = arith.mulf %pack3A_1938, %get3A_11 : vector<32xbf16>
        %add3A_1940 = arith.addf %add3A_1932, %mul3A_1939 : vector<32xbf16>
        %mul3A_1941 = arith.mulf %pack3A_1938, %get3A_13 : vector<32xbf16>
        %add3A_1942 = arith.addf %add3A_1934, %mul3A_1941 : vector<32xbf16>
        %slice3A_1943 = vector.extract_strided_slice %get3A_1916 {offsets = [3], sizes = [1], strides = [1]} : vector<16xf32> to vector<1xf32>
        %squeeze3A_1944 = vector.extract %slice3A_1943[0] : f32 from vector<1xf32>
        %broadcast_in_dim3A_1945 = vector.broadcast %squeeze3A_1944 : f32 to vector<16xf32>
        %pack3A_1946 = tpu.pack_subelements %broadcast_in_dim3A_1945, %broadcast_in_dim3A_1945 {pack_format = #tpu.pack_format<interleaved>, positions = array<i32: 0, 1>} : vector<16xf32>, vector<16xf32> -> vector<32xbf16>
        %mul3A_1947 = arith.mulf %pack3A_1946, %get3A_15 : vector<32xbf16>
        %add3A_1948 = arith.addf %add3A_1940, %mul3A_1947 : vector<32xbf16>
        %mul3A_1949 = arith.mulf %pack3A_1946, %get3A_17 : vector<32xbf16>
        %add3A_1950 = arith.addf %add3A_1942, %mul3A_1949 : vector<32xbf16>
        %slice3A_1951 = vector.extract_strided_slice %get3A_1916 {offsets = [4], sizes = [1], strides = [1]} : vector<16xf32> to vector<1xf32>
        %squeeze3A_1952 = vector.extract %slice3A_1951[0] : f32 from vector<1xf32>
        %broadcast_in_dim3A_1953 = vector.broadcast %squeeze3A_1952 : f32 to vector<16xf32>
        %pack3A_1954 = tpu.pack_subelements %broadcast_in_dim3A_1953, %broadcast_in_dim3A_1953 {pack_format = #tpu.pack_format<interleaved>, positions = array<i32: 0, 1>} : vector<16xf32>, vector<16xf32> -> vector<32xbf16>
        %mul3A_1955 = arith.mulf %pack3A_1954, %get3A_19 : vector<32xbf16>
        %add3A_1956 = arith.addf %add3A_1948, %mul3A_1955 : vector<32xbf16>
        %mul3A_1957 = arith.mulf %pack3A_1954, %get3A_21 : vector<32xbf16>
        %add3A_1958 = arith.addf %add3A_1950, %mul3A_1957 : vector<32xbf16>
        %slice3A_1959 = vector.extract_strided_slice %get3A_1916 {offsets = [5], sizes = [1], strides = [1]} : vector<16xf32> to vector<1xf32>
        %squeeze3A_1960 = vector.extract %slice3A_1959[0] : f32 from vector<1xf32>
        %broadcast_in_dim3A_1961 = vector.broadcast %squeeze3A_1960 : f32 to vector<16xf32>
        %pack3A_1962 = tpu.pack_subelements %broadcast_in_dim3A_1961, %broadcast_in_dim3A_1961 {pack_format = #tpu.pack_format<interleaved>, positions = array<i32: 0, 1>} : vector<16xf32>, vector<16xf32> -> vector<32xbf16>
        %mul3A_1963 = arith.mulf %pack3A_1962, %get3A_23 : vector<32xbf16>
        %add3A_1964 = arith.addf %add3A_1956, %mul3A_1963 : vector<32xbf16>
        %mul3A_1965 = arith.mulf %pack3A_1962, %get3A_25 : vector<32xbf16>
        %add3A_1966 = arith.addf %add3A_1958, %mul3A_1965 : vector<32xbf16>
        %slice3A_1967 = vector.extract_strided_slice %get3A_1916 {offsets = [6], sizes = [1], strides = [1]} : vector<16xf32> to vector<1xf32>
        %squeeze3A_1968 = vector.extract %slice3A_1967[0] : f32 from vector<1xf32>
        %broadcast_in_dim3A_1969 = vector.broadcast %squeeze3A_1968 : f32 to vector<16xf32>
        %pack3A_1970 = tpu.pack_subelements %broadcast_in_dim3A_1969, %broadcast_in_dim3A_1969 {pack_format = #tpu.pack_format<interleaved>, positions = array<i32: 0, 1>} : vector<16xf32>, vector<16xf32> -> vector<32xbf16>
        %mul3A_1971 = arith.mulf %pack3A_1970, %get3A_27 : vector<32xbf16>
        %add3A_1972 = arith.addf %add3A_1964, %mul3A_1971 : vector<32xbf16>
        %mul3A_1973 = arith.mulf %pack3A_1970, %get3A_29 : vector<32xbf16>
        %add3A_1974 = arith.addf %add3A_1966, %mul3A_1973 : vector<32xbf16>
        %slice3A_1975 = vector.extract_strided_slice %get3A_1916 {offsets = [7], sizes = [1], strides = [1]} : vector<16xf32> to vector<1xf32>
        %squeeze3A_1976 = vector.extract %slice3A_1975[0] : f32 from vector<1xf32>
        %broadcast_in_dim3A_1977 = vector.broadcast %squeeze3A_1976 : f32 to vector<16xf32>
        %pack3A_1978 = tpu.pack_subelements %broadcast_in_dim3A_1977, %broadcast_in_dim3A_1977 {pack_format = #tpu.pack_format<interleaved>, positions = array<i32: 0, 1>} : vector<16xf32>, vector<16xf32> -> vector<32xbf16>
        %mul3A_1979 = arith.mulf %pack3A_1978, %get3A_31 : vector<32xbf16>
        %add3A_1980 = arith.addf %add3A_1972, %mul3A_1979 : vector<32xbf16>
        %mul3A_1981 = arith.mulf %pack3A_1978, %get3A_33 : vector<32xbf16>
        %add3A_1982 = arith.addf %add3A_1974, %mul3A_1981 : vector<32xbf16>
        %slice3A_1983 = vector.extract_strided_slice %get3A_1916 {offsets = [8], sizes = [1], strides = [1]} : vector<16xf32> to vector<1xf32>
        %squeeze3A_1984 = vector.extract %slice3A_1983[0] : f32 from vector<1xf32>
        %broadcast_in_dim3A_1985 = vector.broadcast %squeeze3A_1984 : f32 to vector<16xf32>
        %pack3A_1986 = tpu.pack_subelements %broadcast_in_dim3A_1985, %broadcast_in_dim3A_1985 {pack_format = #tpu.pack_format<interleaved>, positions = array<i32: 0, 1>} : vector<16xf32>, vector<16xf32> -> vector<32xbf16>
        %mul3A_1987 = arith.mulf %pack3A_1986, %get3A_35 : vector<32xbf16>
        %add3A_1988 = arith.addf %add3A_1980, %mul3A_1987 : vector<32xbf16>
        %mul3A_1989 = arith.mulf %pack3A_1986, %get3A_37 : vector<32xbf16>
        %add3A_1990 = arith.addf %add3A_1982, %mul3A_1989 : vector<32xbf16>
        %slice3A_1991 = vector.extract_strided_slice %get3A_1916 {offsets = [9], sizes = [1], strides = [1]} : vector<16xf32> to vector<1xf32>
        %squeeze3A_1992 = vector.extract %slice3A_1991[0] : f32 from vector<1xf32>
        %broadcast_in_dim3A_1993 = vector.broadcast %squeeze3A_1992 : f32 to vector<16xf32>
        %pack3A_1994 = tpu.pack_subelements %broadcast_in_dim3A_1993, %broadcast_in_dim3A_1993 {pack_format = #tpu.pack_format<interleaved>, positions = array<i32: 0, 1>} : vector<16xf32>, vector<16xf32> -> vector<32xbf16>
        %mul3A_1995 = arith.mulf %pack3A_1994, %get3A_39 : vector<32xbf16>
        %add3A_1996 = arith.addf %add3A_1988, %mul3A_1995 : vector<32xbf16>
        %mul3A_1997 = arith.mulf %pack3A_1994, %get3A_41 : vector<32xbf16>
        %add3A_1998 = arith.addf %add3A_1990, %mul3A_1997 : vector<32xbf16>
        %slice3A_1999 = vector.extract_strided_slice %get3A_1916 {offsets = [10], sizes = [1], strides = [1]} : vector<16xf32> to vector<1xf32>
        %squeeze3A_2000 = vector.extract %slice3A_1999[0] : f32 from vector<1xf32>
        %broadcast_in_dim3A_2001 = vector.broadcast %squeeze3A_2000 : f32 to vector<16xf32>
        %pack3A_2002 = tpu.pack_subelements %broadcast_in_dim3A_2001, %broadcast_in_dim3A_2001 {pack_format = #tpu.pack_format<interleaved>, positions = array<i32: 0, 1>} : vector<16xf32>, vector<16xf32> -> vector<32xbf16>
        %mul3A_2003 = arith.mulf %pack3A_2002, %get3A_43 : vector<32xbf16>
        %add3A_2004 = arith.addf %add3A_1996, %mul3A_2003 : vector<32xbf16>
        %mul3A_2005 = arith.mulf %pack3A_2002, %get3A_45 : vector<32xbf16>
        %add3A_2006 = arith.addf %add3A_1998, %mul3A_2005 : vector<32xbf16>
        %slice3A_2007 = vector.extract_strided_slice %get3A_1916 {offsets = [11], sizes = [1], strides = [1]} : vector<16xf32> to vector<1xf32>
        %squeeze3A_2008 = vector.extract %slice3A_2007[0] : f32 from vector<1xf32>
        %broadcast_in_dim3A_2009 = vector.broadcast %squeeze3A_2008 : f32 to vector<16xf32>
        %pack3A_2010 = tpu.pack_subelements %broadcast_in_dim3A_2009, %broadcast_in_dim3A_2009 {pack_format = #tpu.pack_format<interleaved>, positions = array<i32: 0, 1>} : vector<16xf32>, vector<16xf32> -> vector<32xbf16>
        %mul3A_2011 = arith.mulf %pack3A_2010, %get3A_47 : vector<32xbf16>
        %add3A_2012 = arith.addf %add3A_2004, %mul3A_2011 : vector<32xbf16>
        %mul3A_2013 = arith.mulf %pack3A_2010, %get3A_49 : vector<32xbf16>
        %add3A_2014 = arith.addf %add3A_2006, %mul3A_2013 : vector<32xbf16>
        %slice3A_2015 = vector.extract_strided_slice %get3A_1916 {offsets = [12], sizes = [1], strides = [1]} : vector<16xf32> to vector<1xf32>
        %squeeze3A_2016 = vector.extract %slice3A_2015[0] : f32 from vector<1xf32>
        %broadcast_in_dim3A_2017 = vector.broadcast %squeeze3A_2016 : f32 to vector<16xf32>
        %pack3A_2018 = tpu.pack_subelements %broadcast_in_dim3A_2017, %broadcast_in_dim3A_2017 {pack_format = #tpu.pack_format<interleaved>, positions = array<i32: 0, 1>} : vector<16xf32>, vector<16xf32> -> vector<32xbf16>
        %mul3A_2019 = arith.mulf %pack3A_2018, %get3A_51 : vector<32xbf16>
        %add3A_2020 = arith.addf %add3A_2012, %mul3A_2019 : vector<32xbf16>
        %mul3A_2021 = arith.mulf %pack3A_2018, %get3A_53 : vector<32xbf16>
        %add3A_2022 = arith.addf %add3A_2014, %mul3A_2021 : vector<32xbf16>
        %slice3A_2023 = vector.extract_strided_slice %get3A_1916 {offsets = [13], sizes = [1], strides = [1]} : vector<16xf32> to vector<1xf32>
        %squeeze3A_2024 = vector.extract %slice3A_2023[0] : f32 from vector<1xf32>
        %broadcast_in_dim3A_2025 = vector.broadcast %squeeze3A_2024 : f32 to vector<16xf32>
        %pack3A_2026 = tpu.pack_subelements %broadcast_in_dim3A_2025, %broadcast_in_dim3A_2025 {pack_format = #tpu.pack_format<interleaved>, positions = array<i32: 0, 1>} : vector<16xf32>, vector<16xf32> -> vector<32xbf16>
        %mul3A_2027 = arith.mulf %pack3A_2026, %get3A_55 : vector<32xbf16>
        %add3A_2028 = arith.addf %add3A_2020, %mul3A_2027 : vector<32xbf16>
        %mul3A_2029 = arith.mulf %pack3A_2026, %get3A_57 : vector<32xbf16>
        %add3A_2030 = arith.addf %add3A_2022, %mul3A_2029 : vector<32xbf16>
        %slice3A_2031 = vector.extract_strided_slice %get3A_1916 {offsets = [14], sizes = [1], strides = [1]} : vector<16xf32> to vector<1xf32>
        %squeeze3A_2032 = vector.extract %slice3A_2031[0] : f32 from vector<1xf32>
        %broadcast_in_dim3A_2033 = vector.broadcast %squeeze3A_2032 : f32 to vector<16xf32>
        %pack3A_2034 = tpu.pack_subelements %broadcast_in_dim3A_2033, %broadcast_in_dim3A_2033 {pack_format = #tpu.pack_format<interleaved>, positions = array<i32: 0, 1>} : vector<16xf32>, vector<16xf32> -> vector<32xbf16>
        %mul3A_2035 = arith.mulf %pack3A_2034, %get3A_59 : vector<32xbf16>
        %add3A_2036 = arith.addf %add3A_2028, %mul3A_2035 : vector<32xbf16>
        %mul3A_2037 = arith.mulf %pack3A_2034, %get3A_61 : vector<32xbf16>
        %add3A_2038 = arith.addf %add3A_2030, %mul3A_2037 : vector<32xbf16>
        %slice3A_2039 = vector.extract_strided_slice %get3A_1916 {offsets = [15], sizes = [1], strides = [1]} : vector<16xf32> to vector<1xf32>
        %squeeze3A_2040 = vector.extract %slice3A_2039[0] : f32 from vector<1xf32>
        %broadcast_in_dim3A_2041 = vector.broadcast %squeeze3A_2040 : f32 to vector<16xf32>
        %pack3A_2042 = tpu.pack_subelements %broadcast_in_dim3A_2041, %broadcast_in_dim3A_2041 {pack_format = #tpu.pack_format<interleaved>, positions = array<i32: 0, 1>} : vector<16xf32>, vector<16xf32> -> vector<32xbf16>
        %mul3A_2043 = arith.mulf %pack3A_2042, %get3A_63 : vector<32xbf16>
        %add3A_2044 = arith.addf %add3A_2036, %mul3A_2043 : vector<32xbf16>
        %mul3A_2045 = arith.mulf %pack3A_2042, %get3A_65 : vector<32xbf16>
        %add3A_2046 = arith.addf %add3A_2038, %mul3A_2045 : vector<32xbf16>
        %unpack3A_2047 = tpu.unpack_subelements %add3A_2044, 0 {pack_format = #tpu.pack_format<interleaved>} : vector<32xbf16> -> vector<16xf32>
        %unpack3A_2048 = tpu.unpack_subelements %add3A_2044, 1 {pack_format = #tpu.pack_format<interleaved>} : vector<32xbf16> -> vector<16xf32>
        %add3A_2049 = arith.constant 0 : i32
        %add3A_2050 = arith.addi %squeeze3A_1912, %add3A_2049 : i32
        %get3A_2051 = arith.index_cast %rem3A_450 : i32 to index
        %get3A_2052 = arith.index_cast %add3A_1910 : i32 to index
        %get3A_2053 = arith.index_cast %add3A_2050 : i32 to index
        %get3A_2054 = tpu.vector_load %arg9[%get3A_2051, %get3A_2052, %get3A_2053] {strides = array<i32>} : memref<2x256x128xf32, #tpu.memory_space<vmem>>, vector<16xf32>,
        %add3A_2055 = arith.addf %get3A_2054, %unpack3A_2047 : vector<16xf32>
        %swap3A_2056 = arith.index_cast %rem3A_450 : i32 to index
        %swap3A_2057 = arith.index_cast %add3A_1910 : i32 to index
        %swap3A_2058 = arith.constant 0 : index
        %swap3A_2059 = tpu.vector_load %arg11[%swap3A_2056, %swap3A_2057, %swap3A_2058] {strides = array<i32>} : memref<2x256x64xf32, #tpu.memory_space<vmem>>, vector<16xf32>,
        tpu.vector_store %arg11[%swap3A_2056, %swap3A_2057, %swap3A_2058], %add3A_2055 {strides = array<i32>} : memref<2x256x64xf32, #tpu.memory_space<vmem>>, vector<16xf32>,
        %add3A_2060 = arith.constant 16 : i32
        %add3A_2061 = arith.addi %squeeze3A_1912, %add3A_2060 : i32
        %get3A_2062 = arith.index_cast %rem3A_450 : i32 to index
        %get3A_2063 = arith.index_cast %add3A_1910 : i32 to index
        %get3A_2064 = arith.index_cast %add3A_2061 : i32 to index
        %get3A_2065 = tpu.vector_load %arg9[%get3A_2062, %get3A_2063, %get3A_2064] {strides = array<i32>} : memref<2x256x128xf32, #tpu.memory_space<vmem>>, vector<16xf32>,
        %add3A_2066 = arith.addf %get3A_2065, %unpack3A_2048 : vector<16xf32>
        %swap3A_2067 = arith.index_cast %rem3A_450 : i32 to index
        %swap3A_2068 = arith.index_cast %add3A_1910 : i32 to index
        %swap3A_2069 = arith.constant 16 : index
        %swap3A_2070 = tpu.vector_load %arg11[%swap3A_2067, %swap3A_2068, %swap3A_2069] {strides = array<i32>} : memref<2x256x64xf32, #tpu.memory_space<vmem>>, vector<16xf32>,
        tpu.vector_store %arg11[%swap3A_2067, %swap3A_2068, %swap3A_2069], %add3A_2066 {strides = array<i32>} : memref<2x256x64xf32, #tpu.memory_space<vmem>>, vector<16xf32>,
        %unpack3A_2071 = tpu.unpack_subelements %add3A_2046, 0 {pack_format = #tpu.pack_format<interleaved>} : vector<32xbf16> -> vector<16xf32>
        %unpack3A_2072 = tpu.unpack_subelements %add3A_2046, 1 {pack_format = #tpu.pack_format<interleaved>} : vector<32xbf16> -> vector<16xf32>
        %add3A_2073 = arith.constant 32 : i32
        %add3A_2074 = arith.addi %squeeze3A_1912, %add3A_2073 : i32
        %get3A_2075 = arith.index_cast %rem3A_450 : i32 to index
        %get3A_2076 = arith.index_cast %add3A_1910 : i32 to index
        %get3A_2077 = arith.index_cast %add3A_2074 : i32 to index
        %get3A_2078 = tpu.vector_load %arg9[%get3A_2075, %get3A_2076, %get3A_2077] {strides = array<i32>} : memref<2x256x128xf32, #tpu.memory_space<vmem>>, vector<16xf32>,
        %add3A_2079 = arith.addf %get3A_2078, %unpack3A_2071 : vector<16xf32>
        %swap3A_2080 = arith.index_cast %rem3A_450 : i32 to index
        %swap3A_2081 = arith.index_cast %add3A_1910 : i32 to index
        %swap3A_2082 = arith.constant 32 : index
        %swap3A_2083 = tpu.vector_load %arg11[%swap3A_2080, %swap3A_2081, %swap3A_2082] {strides = array<i32>} : memref<2x256x64xf32, #tpu.memory_space<vmem>>, vector<16xf32>,
        tpu.vector_store %arg11[%swap3A_2080, %swap3A_2081, %swap3A_2082], %add3A_2079 {strides = array<i32>} : memref<2x256x64xf32, #tpu.memory_space<vmem>>, vector<16xf32>,
        %add3A_2084 = arith.constant 48 : i32
        %add3A_2085 = arith.addi %squeeze3A_1912, %add3A_2084 : i32
        %get3A_2086 = arith.index_cast %rem3A_450 : i32 to index
        %get3A_2087 = arith.index_cast %add3A_1910 : i32 to index
        %get3A_2088 = arith.index_cast %add3A_2085 : i32 to index
        %get3A_2089 = tpu.vector_load %arg9[%get3A_2086, %get3A_2087, %get3A_2088] {strides = array<i32>} : memref<2x256x128xf32, #tpu.memory_space<vmem>>, vector<16xf32>,
        %add3A_2090 = arith.addf %get3A_2089, %unpack3A_2072 : vector<16xf32>
        %swap3A_2091 = arith.index_cast %rem3A_450 : i32 to index
        %swap3A_2092 = arith.index_cast %add3A_1910 : i32 to index
        %swap3A_2093 = arith.constant 48 : index
        %swap3A_2094 = tpu.vector_load %arg11[%swap3A_2091, %swap3A_2092, %swap3A_2093] {strides = array<i32>} : memref<2x256x64xf32, #tpu.memory_space<vmem>>, vector<16xf32>,
        tpu.vector_store %arg11[%swap3A_2091, %swap3A_2092, %swap3A_2093], %add3A_2090 {strides = array<i32>} : memref<2x256x64xf32, #tpu.memory_space<vmem>>, vector<16xf32>,
        %mul3A_2095 = arith.constant 16 : i32
        %mul3A_2096 = arith.muli %scan3A_773, %mul3A_2095 : i32
        %add3A_2097 = arith.constant 7 : i32
        %add3A_2098 = arith.addi %mul3A_2096, %add3A_2097 : i32
        %slice3A_2099 = vector.extract_strided_slice %mul3A_783 {offsets = [7], sizes = [1], strides = [1]} : vector<16xi32> to vector<1xi32>
        %squeeze3A_2100 = vector.extract %slice3A_2099[0] : i32 from vector<1xi32>
        %get3A_2101 = arith.index_cast %rem3A_450 : i32 to index
        %get3A_2102 = arith.index_cast %add3A_2098 : i32 to index
        %get3A_2103 = arith.constant 0 : index
        %get3A_2104 = tpu.vector_load %arg10[%get3A_2101, %get3A_2102, %get3A_2103] {strides = array<i32>} : memref<2x256x16xf32, #tpu.memory_space<vmem>>, vector<16xf32>,
        %slice3A_2105 = vector.extract_strided_slice %get3A_2104 {offsets = [0], sizes = [1], strides = [1]} : vector<16xf32> to vector<1xf32>
        %squeeze3A_2106 = vector.extract %slice3A_2105[0] : f32 from vector<1xf32>
        %broadcast_in_dim3A_2107 = vector.broadcast %squeeze3A_2106 : f32 to vector<16xf32>
        %pack3A_2108 = tpu.pack_subelements %broadcast_in_dim3A_2107, %broadcast_in_dim3A_2107 {pack_format = #tpu.pack_format<interleaved>, positions = array<i32: 0, 1>} : vector<16xf32>, vector<16xf32> -> vector<32xbf16>
        %mul3A_2109 = arith.mulf %pack3A_2108, %get3A_3 : vector<32xbf16>
        %slice3A_2110 = vector.extract_strided_slice %get3A_2104 {offsets = [0], sizes = [1], strides = [1]} : vector<16xf32> to vector<1xf32>
        %squeeze3A_2111 = vector.extract %slice3A_2110[0] : f32 from vector<1xf32>
        %broadcast_in_dim3A_2112 = vector.broadcast %squeeze3A_2111 : f32 to vector<16xf32>
        %pack3A_2113 = tpu.pack_subelements %broadcast_in_dim3A_2112, %broadcast_in_dim3A_2112 {pack_format = #tpu.pack_format<interleaved>, positions = array<i32: 0, 1>} : vector<16xf32>, vector<16xf32> -> vector<32xbf16>
        %mul3A_2114 = arith.mulf %pack3A_2113, %get3A_5 : vector<32xbf16>
        %slice3A_2115 = vector.extract_strided_slice %get3A_2104 {offsets = [1], sizes = [1], strides = [1]} : vector<16xf32> to vector<1xf32>
        %squeeze3A_2116 = vector.extract %slice3A_2115[0] : f32 from vector<1xf32>
        %broadcast_in_dim3A_2117 = vector.broadcast %squeeze3A_2116 : f32 to vector<16xf32>
        %pack3A_2118 = tpu.pack_subelements %broadcast_in_dim3A_2117, %broadcast_in_dim3A_2117 {pack_format = #tpu.pack_format<interleaved>, positions = array<i32: 0, 1>} : vector<16xf32>, vector<16xf32> -> vector<32xbf16>
        %mul3A_2119 = arith.mulf %pack3A_2118, %get3A_7 : vector<32xbf16>
        %add3A_2120 = arith.addf %mul3A_2109, %mul3A_2119 : vector<32xbf16>
        %mul3A_2121 = arith.mulf %pack3A_2118, %get3A_9 : vector<32xbf16>
        %add3A_2122 = arith.addf %mul3A_2114, %mul3A_2121 : vector<32xbf16>
        %slice3A_2123 = vector.extract_strided_slice %get3A_2104 {offsets = [2], sizes = [1], strides = [1]} : vector<16xf32> to vector<1xf32>
        %squeeze3A_2124 = vector.extract %slice3A_2123[0] : f32 from vector<1xf32>
        %broadcast_in_dim3A_2125 = vector.broadcast %squeeze3A_2124 : f32 to vector<16xf32>
        %pack3A_2126 = tpu.pack_subelements %broadcast_in_dim3A_2125, %broadcast_in_dim3A_2125 {pack_format = #tpu.pack_format<interleaved>, positions = array<i32: 0, 1>} : vector<16xf32>, vector<16xf32> -> vector<32xbf16>
        %mul3A_2127 = arith.mulf %pack3A_2126, %get3A_11 : vector<32xbf16>
        %add3A_2128 = arith.addf %add3A_2120, %mul3A_2127 : vector<32xbf16>
        %mul3A_2129 = arith.mulf %pack3A_2126, %get3A_13 : vector<32xbf16>
        %add3A_2130 = arith.addf %add3A_2122, %mul3A_2129 : vector<32xbf16>
        %slice3A_2131 = vector.extract_strided_slice %get3A_2104 {offsets = [3], sizes = [1], strides = [1]} : vector<16xf32> to vector<1xf32>
        %squeeze3A_2132 = vector.extract %slice3A_2131[0] : f32 from vector<1xf32>
        %broadcast_in_dim3A_2133 = vector.broadcast %squeeze3A_2132 : f32 to vector<16xf32>
        %pack3A_2134 = tpu.pack_subelements %broadcast_in_dim3A_2133, %broadcast_in_dim3A_2133 {pack_format = #tpu.pack_format<interleaved>, positions = array<i32: 0, 1>} : vector<16xf32>, vector<16xf32> -> vector<32xbf16>
        %mul3A_2135 = arith.mulf %pack3A_2134, %get3A_15 : vector<32xbf16>
        %add3A_2136 = arith.addf %add3A_2128, %mul3A_2135 : vector<32xbf16>
        %mul3A_2137 = arith.mulf %pack3A_2134, %get3A_17 : vector<32xbf16>
        %add3A_2138 = arith.addf %add3A_2130, %mul3A_2137 : vector<32xbf16>
        %slice3A_2139 = vector.extract_strided_slice %get3A_2104 {offsets = [4], sizes = [1], strides = [1]} : vector<16xf32> to vector<1xf32>
        %squeeze3A_2140 = vector.extract %slice3A_2139[0] : f32 from vector<1xf32>
        %broadcast_in_dim3A_2141 = vector.broadcast %squeeze3A_2140 : f32 to vector<16xf32>
        %pack3A_2142 = tpu.pack_subelements %broadcast_in_dim3A_2141, %broadcast_in_dim3A_2141 {pack_format = #tpu.pack_format<interleaved>, positions = array<i32: 0, 1>} : vector<16xf32>, vector<16xf32> -> vector<32xbf16>
        %mul3A_2143 = arith.mulf %pack3A_2142, %get3A_19 : vector<32xbf16>
        %add3A_2144 = arith.addf %add3A_2136, %mul3A_2143 : vector<32xbf16>
        %mul3A_2145 = arith.mulf %pack3A_2142, %get3A_21 : vector<32xbf16>
        %add3A_2146 = arith.addf %add3A_2138, %mul3A_2145 : vector<32xbf16>
        %slice3A_2147 = vector.extract_strided_slice %get3A_2104 {offsets = [5], sizes = [1], strides = [1]} : vector<16xf32> to vector<1xf32>
        %squeeze3A_2148 = vector.extract %slice3A_2147[0] : f32 from vector<1xf32>
        %broadcast_in_dim3A_2149 = vector.broadcast %squeeze3A_2148 : f32 to vector<16xf32>
        %pack3A_2150 = tpu.pack_subelements %broadcast_in_dim3A_2149, %broadcast_in_dim3A_2149 {pack_format = #tpu.pack_format<interleaved>, positions = array<i32: 0, 1>} : vector<16xf32>, vector<16xf32> -> vector<32xbf16>
        %mul3A_2151 = arith.mulf %pack3A_2150, %get3A_23 : vector<32xbf16>
        %add3A_2152 = arith.addf %add3A_2144, %mul3A_2151 : vector<32xbf16>
        %mul3A_2153 = arith.mulf %pack3A_2150, %get3A_25 : vector<32xbf16>
        %add3A_2154 = arith.addf %add3A_2146, %mul3A_2153 : vector<32xbf16>
        %slice3A_2155 = vector.extract_strided_slice %get3A_2104 {offsets = [6], sizes = [1], strides = [1]} : vector<16xf32> to vector<1xf32>
        %squeeze3A_2156 = vector.extract %slice3A_2155[0] : f32 from vector<1xf32>
        %broadcast_in_dim3A_2157 = vector.broadcast %squeeze3A_2156 : f32 to vector<16xf32>
        %pack3A_2158 = tpu.pack_subelements %broadcast_in_dim3A_2157, %broadcast_in_dim3A_2157 {pack_format = #tpu.pack_format<interleaved>, positions = array<i32: 0, 1>} : vector<16xf32>, vector<16xf32> -> vector<32xbf16>
        %mul3A_2159 = arith.mulf %pack3A_2158, %get3A_27 : vector<32xbf16>
        %add3A_2160 = arith.addf %add3A_2152, %mul3A_2159 : vector<32xbf16>
        %mul3A_2161 = arith.mulf %pack3A_2158, %get3A_29 : vector<32xbf16>
        %add3A_2162 = arith.addf %add3A_2154, %mul3A_2161 : vector<32xbf16>
        %slice3A_2163 = vector.extract_strided_slice %get3A_2104 {offsets = [7], sizes = [1], strides = [1]} : vector<16xf32> to vector<1xf32>
        %squeeze3A_2164 = vector.extract %slice3A_2163[0] : f32 from vector<1xf32>
        %broadcast_in_dim3A_2165 = vector.broadcast %squeeze3A_2164 : f32 to vector<16xf32>
        %pack3A_2166 = tpu.pack_subelements %broadcast_in_dim3A_2165, %broadcast_in_dim3A_2165 {pack_format = #tpu.pack_format<interleaved>, positions = array<i32: 0, 1>} : vector<16xf32>, vector<16xf32> -> vector<32xbf16>
        %mul3A_2167 = arith.mulf %pack3A_2166, %get3A_31 : vector<32xbf16>
        %add3A_2168 = arith.addf %add3A_2160, %mul3A_2167 : vector<32xbf16>
        %mul3A_2169 = arith.mulf %pack3A_2166, %get3A_33 : vector<32xbf16>
        %add3A_2170 = arith.addf %add3A_2162, %mul3A_2169 : vector<32xbf16>
        %slice3A_2171 = vector.extract_strided_slice %get3A_2104 {offsets = [8], sizes = [1], strides = [1]} : vector<16xf32> to vector<1xf32>
        %squeeze3A_2172 = vector.extract %slice3A_2171[0] : f32 from vector<1xf32>
        %broadcast_in_dim3A_2173 = vector.broadcast %squeeze3A_2172 : f32 to vector<16xf32>
        %pack3A_2174 = tpu.pack_subelements %broadcast_in_dim3A_2173, %broadcast_in_dim3A_2173 {pack_format = #tpu.pack_format<interleaved>, positions = array<i32: 0, 1>} : vector<16xf32>, vector<16xf32> -> vector<32xbf16>
        %mul3A_2175 = arith.mulf %pack3A_2174, %get3A_35 : vector<32xbf16>
        %add3A_2176 = arith.addf %add3A_2168, %mul3A_2175 : vector<32xbf16>
        %mul3A_2177 = arith.mulf %pack3A_2174, %get3A_37 : vector<32xbf16>
        %add3A_2178 = arith.addf %add3A_2170, %mul3A_2177 : vector<32xbf16>
        %slice3A_2179 = vector.extract_strided_slice %get3A_2104 {offsets = [9], sizes = [1], strides = [1]} : vector<16xf32> to vector<1xf32>
        %squeeze3A_2180 = vector.extract %slice3A_2179[0] : f32 from vector<1xf32>
        %broadcast_in_dim3A_2181 = vector.broadcast %squeeze3A_2180 : f32 to vector<16xf32>
        %pack3A_2182 = tpu.pack_subelements %broadcast_in_dim3A_2181, %broadcast_in_dim3A_2181 {pack_format = #tpu.pack_format<interleaved>, positions = array<i32: 0, 1>} : vector<16xf32>, vector<16xf32> -> vector<32xbf16>
        %mul3A_2183 = arith.mulf %pack3A_2182, %get3A_39 : vector<32xbf16>
        %add3A_2184 = arith.addf %add3A_2176, %mul3A_2183 : vector<32xbf16>
        %mul3A_2185 = arith.mulf %pack3A_2182, %get3A_41 : vector<32xbf16>
        %add3A_2186 = arith.addf %add3A_2178, %mul3A_2185 : vector<32xbf16>
        %slice3A_2187 = vector.extract_strided_slice %get3A_2104 {offsets = [10], sizes = [1], strides = [1]} : vector<16xf32> to vector<1xf32>
        %squeeze3A_2188 = vector.extract %slice3A_2187[0] : f32 from vector<1xf32>
        %broadcast_in_dim3A_2189 = vector.broadcast %squeeze3A_2188 : f32 to vector<16xf32>
        %pack3A_2190 = tpu.pack_subelements %broadcast_in_dim3A_2189, %broadcast_in_dim3A_2189 {pack_format = #tpu.pack_format<interleaved>, positions = array<i32: 0, 1>} : vector<16xf32>, vector<16xf32> -> vector<32xbf16>
        %mul3A_2191 = arith.mulf %pack3A_2190, %get3A_43 : vector<32xbf16>
        %add3A_2192 = arith.addf %add3A_2184, %mul3A_2191 : vector<32xbf16>
        %mul3A_2193 = arith.mulf %pack3A_2190, %get3A_45 : vector<32xbf16>
        %add3A_2194 = arith.addf %add3A_2186, %mul3A_2193 : vector<32xbf16>
        %slice3A_2195 = vector.extract_strided_slice %get3A_2104 {offsets = [11], sizes = [1], strides = [1]} : vector<16xf32> to vector<1xf32>
        %squeeze3A_2196 = vector.extract %slice3A_2195[0] : f32 from vector<1xf32>
        %broadcast_in_dim3A_2197 = vector.broadcast %squeeze3A_2196 : f32 to vector<16xf32>
        %pack3A_2198 = tpu.pack_subelements %broadcast_in_dim3A_2197, %broadcast_in_dim3A_2197 {pack_format = #tpu.pack_format<interleaved>, positions = array<i32: 0, 1>} : vector<16xf32>, vector<16xf32> -> vector<32xbf16>
        %mul3A_2199 = arith.mulf %pack3A_2198, %get3A_47 : vector<32xbf16>
        %add3A_2200 = arith.addf %add3A_2192, %mul3A_2199 : vector<32xbf16>
        %mul3A_2201 = arith.mulf %pack3A_2198, %get3A_49 : vector<32xbf16>
        %add3A_2202 = arith.addf %add3A_2194, %mul3A_2201 : vector<32xbf16>
        %slice3A_2203 = vector.extract_strided_slice %get3A_2104 {offsets = [12], sizes = [1], strides = [1]} : vector<16xf32> to vector<1xf32>
        %squeeze3A_2204 = vector.extract %slice3A_2203[0] : f32 from vector<1xf32>
        %broadcast_in_dim3A_2205 = vector.broadcast %squeeze3A_2204 : f32 to vector<16xf32>
        %pack3A_2206 = tpu.pack_subelements %broadcast_in_dim3A_2205, %broadcast_in_dim3A_2205 {pack_format = #tpu.pack_format<interleaved>, positions = array<i32: 0, 1>} : vector<16xf32>, vector<16xf32> -> vector<32xbf16>
        %mul3A_2207 = arith.mulf %pack3A_2206, %get3A_51 : vector<32xbf16>
        %add3A_2208 = arith.addf %add3A_2200, %mul3A_2207 : vector<32xbf16>
        %mul3A_2209 = arith.mulf %pack3A_2206, %get3A_53 : vector<32xbf16>
        %add3A_2210 = arith.addf %add3A_2202, %mul3A_2209 : vector<32xbf16>
        %slice3A_2211 = vector.extract_strided_slice %get3A_2104 {offsets = [13], sizes = [1], strides = [1]} : vector<16xf32> to vector<1xf32>
        %squeeze3A_2212 = vector.extract %slice3A_2211[0] : f32 from vector<1xf32>
        %broadcast_in_dim3A_2213 = vector.broadcast %squeeze3A_2212 : f32 to vector<16xf32>
        %pack3A_2214 = tpu.pack_subelements %broadcast_in_dim3A_2213, %broadcast_in_dim3A_2213 {pack_format = #tpu.pack_format<interleaved>, positions = array<i32: 0, 1>} : vector<16xf32>, vector<16xf32> -> vector<32xbf16>
        %mul3A_2215 = arith.mulf %pack3A_2214, %get3A_55 : vector<32xbf16>
        %add3A_2216 = arith.addf %add3A_2208, %mul3A_2215 : vector<32xbf16>
        %mul3A_2217 = arith.mulf %pack3A_2214, %get3A_57 : vector<32xbf16>
        %add3A_2218 = arith.addf %add3A_2210, %mul3A_2217 : vector<32xbf16>
        %slice3A_2219 = vector.extract_strided_slice %get3A_2104 {offsets = [14], sizes = [1], strides = [1]} : vector<16xf32> to vector<1xf32>
        %squeeze3A_2220 = vector.extract %slice3A_2219[0] : f32 from vector<1xf32>
        %broadcast_in_dim3A_2221 = vector.broadcast %squeeze3A_2220 : f32 to vector<16xf32>
        %pack3A_2222 = tpu.pack_subelements %broadcast_in_dim3A_2221, %broadcast_in_dim3A_2221 {pack_format = #tpu.pack_format<interleaved>, positions = array<i32: 0, 1>} : vector<16xf32>, vector<16xf32> -> vector<32xbf16>
        %mul3A_2223 = arith.mulf %pack3A_2222, %get3A_59 : vector<32xbf16>
        %add3A_2224 = arith.addf %add3A_2216, %mul3A_2223 : vector<32xbf16>
        %mul3A_2225 = arith.mulf %pack3A_2222, %get3A_61 : vector<32xbf16>
        %add3A_2226 = arith.addf %add3A_2218, %mul3A_2225 : vector<32xbf16>
        %slice3A_2227 = vector.extract_strided_slice %get3A_2104 {offsets = [15], sizes = [1], strides = [1]} : vector<16xf32> to vector<1xf32>
        %squeeze3A_2228 = vector.extract %slice3A_2227[0] : f32 from vector<1xf32>
        %broadcast_in_dim3A_2229 = vector.broadcast %squeeze3A_2228 : f32 to vector<16xf32>
        %pack3A_2230 = tpu.pack_subelements %broadcast_in_dim3A_2229, %broadcast_in_dim3A_2229 {pack_format = #tpu.pack_format<interleaved>, positions = array<i32: 0, 1>} : vector<16xf32>, vector<16xf32> -> vector<32xbf16>
        %mul3A_2231 = arith.mulf %pack3A_2230, %get3A_63 : vector<32xbf16>
        %add3A_2232 = arith.addf %add3A_2224, %mul3A_2231 : vector<32xbf16>
        %mul3A_2233 = arith.mulf %pack3A_2230, %get3A_65 : vector<32xbf16>
        %add3A_2234 = arith.addf %add3A_2226, %mul3A_2233 : vector<32xbf16>
        %unpack3A_2235 = tpu.unpack_subelements %add3A_2232, 0 {pack_format = #tpu.pack_format<interleaved>} : vector<32xbf16> -> vector<16xf32>
        %unpack3A_2236 = tpu.unpack_subelements %add3A_2232, 1 {pack_format = #tpu.pack_format<interleaved>} : vector<32xbf16> -> vector<16xf32>
        %add3A_2237 = arith.constant 0 : i32
        %add3A_2238 = arith.addi %squeeze3A_2100, %add3A_2237 : i32
        %get3A_2239 = arith.index_cast %rem3A_450 : i32 to index
        %get3A_2240 = arith.index_cast %add3A_2098 : i32 to index
        %get3A_2241 = arith.index_cast %add3A_2238 : i32 to index
        %get3A_2242 = tpu.vector_load %arg9[%get3A_2239, %get3A_2240, %get3A_2241] {strides = array<i32>} : memref<2x256x128xf32, #tpu.memory_space<vmem>>, vector<16xf32>,
        %add3A_2243 = arith.addf %get3A_2242, %unpack3A_2235 : vector<16xf32>
        %swap3A_2244 = arith.index_cast %rem3A_450 : i32 to index
        %swap3A_2245 = arith.index_cast %add3A_2098 : i32 to index
        %swap3A_2246 = arith.constant 0 : index
        %swap3A_2247 = tpu.vector_load %arg11[%swap3A_2244, %swap3A_2245, %swap3A_2246] {strides = array<i32>} : memref<2x256x64xf32, #tpu.memory_space<vmem>>, vector<16xf32>,
        tpu.vector_store %arg11[%swap3A_2244, %swap3A_2245, %swap3A_2246], %add3A_2243 {strides = array<i32>} : memref<2x256x64xf32, #tpu.memory_space<vmem>>, vector<16xf32>,
        %add3A_2248 = arith.constant 16 : i32
        %add3A_2249 = arith.addi %squeeze3A_2100, %add3A_2248 : i32
        %get3A_2250 = arith.index_cast %rem3A_450 : i32 to index
        %get3A_2251 = arith.index_cast %add3A_2098 : i32 to index
        %get3A_2252 = arith.index_cast %add3A_2249 : i32 to index
        %get3A_2253 = tpu.vector_load %arg9[%get3A_2250, %get3A_2251, %get3A_2252] {strides = array<i32>} : memref<2x256x128xf32, #tpu.memory_space<vmem>>, vector<16xf32>,
        %add3A_2254 = arith.addf %get3A_2253, %unpack3A_2236 : vector<16xf32>
        %swap3A_2255 = arith.index_cast %rem3A_450 : i32 to index
        %swap3A_2256 = arith.index_cast %add3A_2098 : i32 to index
        %swap3A_2257 = arith.constant 16 : index
        %swap3A_2258 = tpu.vector_load %arg11[%swap3A_2255, %swap3A_2256, %swap3A_2257] {strides = array<i32>} : memref<2x256x64xf32, #tpu.memory_space<vmem>>, vector<16xf32>,
        tpu.vector_store %arg11[%swap3A_2255, %swap3A_2256, %swap3A_2257], %add3A_2254 {strides = array<i32>} : memref<2x256x64xf32, #tpu.memory_space<vmem>>, vector<16xf32>,
        %unpack3A_2259 = tpu.unpack_subelements %add3A_2234, 0 {pack_format = #tpu.pack_format<interleaved>} : vector<32xbf16> -> vector<16xf32>
        %unpack3A_2260 = tpu.unpack_subelements %add3A_2234, 1 {pack_format = #tpu.pack_format<interleaved>} : vector<32xbf16> -> vector<16xf32>
        %add3A_2261 = arith.constant 32 : i32
        %add3A_2262 = arith.addi %squeeze3A_2100, %add3A_2261 : i32
        %get3A_2263 = arith.index_cast %rem3A_450 : i32 to index
        %get3A_2264 = arith.index_cast %add3A_2098 : i32 to index
        %get3A_2265 = arith.index_cast %add3A_2262 : i32 to index
        %get3A_2266 = tpu.vector_load %arg9[%get3A_2263, %get3A_2264, %get3A_2265] {strides = array<i32>} : memref<2x256x128xf32, #tpu.memory_space<vmem>>, vector<16xf32>,
        %add3A_2267 = arith.addf %get3A_2266, %unpack3A_2259 : vector<16xf32>
        %swap3A_2268 = arith.index_cast %rem3A_450 : i32 to index
        %swap3A_2269 = arith.index_cast %add3A_2098 : i32 to index
        %swap3A_2270 = arith.constant 32 : index
        %swap3A_2271 = tpu.vector_load %arg11[%swap3A_2268, %swap3A_2269, %swap3A_2270] {strides = array<i32>} : memref<2x256x64xf32, #tpu.memory_space<vmem>>, vector<16xf32>,
        tpu.vector_store %arg11[%swap3A_2268, %swap3A_2269, %swap3A_2270], %add3A_2267 {strides = array<i32>} : memref<2x256x64xf32, #tpu.memory_space<vmem>>, vector<16xf32>,
        %add3A_2272 = arith.constant 48 : i32
        %add3A_2273 = arith.addi %squeeze3A_2100, %add3A_2272 : i32
        %get3A_2274 = arith.index_cast %rem3A_450 : i32 to index
        %get3A_2275 = arith.index_cast %add3A_2098 : i32 to index
        %get3A_2276 = arith.index_cast %add3A_2273 : i32 to index
        %get3A_2277 = tpu.vector_load %arg9[%get3A_2274, %get3A_2275, %get3A_2276] {strides = array<i32>} : memref<2x256x128xf32, #tpu.memory_space<vmem>>, vector<16xf32>,
        %add3A_2278 = arith.addf %get3A_2277, %unpack3A_2260 : vector<16xf32>
        %swap3A_2279 = arith.index_cast %rem3A_450 : i32 to index
        %swap3A_2280 = arith.index_cast %add3A_2098 : i32 to index
        %swap3A_2281 = arith.constant 48 : index
        %swap3A_2282 = tpu.vector_load %arg11[%swap3A_2279, %swap3A_2280, %swap3A_2281] {strides = array<i32>} : memref<2x256x64xf32, #tpu.memory_space<vmem>>, vector<16xf32>,
        tpu.vector_store %arg11[%swap3A_2279, %swap3A_2280, %swap3A_2281], %add3A_2278 {strides = array<i32>} : memref<2x256x64xf32, #tpu.memory_space<vmem>>, vector<16xf32>,
        %mul3A_2283 = arith.constant 16 : i32
        %mul3A_2284 = arith.muli %scan3A_773, %mul3A_2283 : i32
        %add3A_2285 = arith.constant 8 : i32
        %add3A_2286 = arith.addi %mul3A_2284, %add3A_2285 : i32
        %slice3A_2287 = vector.extract_strided_slice %mul3A_783 {offsets = [8], sizes = [1], strides = [1]} : vector<16xi32> to vector<1xi32>
        %squeeze3A_2288 = vector.extract %slice3A_2287[0] : i32 from vector<1xi32>
        %get3A_2289 = arith.index_cast %rem3A_450 : i32 to index
        %get3A_2290 = arith.index_cast %add3A_2286 : i32 to index
        %get3A_2291 = arith.constant 0 : index
        %get3A_2292 = tpu.vector_load %arg10[%get3A_2289, %get3A_2290, %get3A_2291] {strides = array<i32>} : memref<2x256x16xf32, #tpu.memory_space<vmem>>, vector<16xf32>,
        %slice3A_2293 = vector.extract_strided_slice %get3A_2292 {offsets = [0], sizes = [1], strides = [1]} : vector<16xf32> to vector<1xf32>
        %squeeze3A_2294 = vector.extract %slice3A_2293[0] : f32 from vector<1xf32>
        %broadcast_in_dim3A_2295 = vector.broadcast %squeeze3A_2294 : f32 to vector<16xf32>
        %pack3A_2296 = tpu.pack_subelements %broadcast_in_dim3A_2295, %broadcast_in_dim3A_2295 {pack_format = #tpu.pack_format<interleaved>, positions = array<i32: 0, 1>} : vector<16xf32>, vector<16xf32> -> vector<32xbf16>
        %mul3A_2297 = arith.mulf %pack3A_2296, %get3A_3 : vector<32xbf16>
        %slice3A_2298 = vector.extract_strided_slice %get3A_2292 {offsets = [0], sizes = [1], strides = [1]} : vector<16xf32> to vector<1xf32>
        %squeeze3A_2299 = vector.extract %slice3A_2298[0] : f32 from vector<1xf32>
        %broadcast_in_dim3A_2300 = vector.broadcast %squeeze3A_2299 : f32 to vector<16xf32>
        %pack3A_2301 = tpu.pack_subelements %broadcast_in_dim3A_2300, %broadcast_in_dim3A_2300 {pack_format = #tpu.pack_format<interleaved>, positions = array<i32: 0, 1>} : vector<16xf32>, vector<16xf32> -> vector<32xbf16>
        %mul3A_2302 = arith.mulf %pack3A_2301, %get3A_5 : vector<32xbf16>
        %slice3A_2303 = vector.extract_strided_slice %get3A_2292 {offsets = [1], sizes = [1], strides = [1]} : vector<16xf32> to vector<1xf32>
        %squeeze3A_2304 = vector.extract %slice3A_2303[0] : f32 from vector<1xf32>
        %broadcast_in_dim3A_2305 = vector.broadcast %squeeze3A_2304 : f32 to vector<16xf32>
        %pack3A_2306 = tpu.pack_subelements %broadcast_in_dim3A_2305, %broadcast_in_dim3A_2305 {pack_format = #tpu.pack_format<interleaved>, positions = array<i32: 0, 1>} : vector<16xf32>, vector<16xf32> -> vector<32xbf16>
        %mul3A_2307 = arith.mulf %pack3A_2306, %get3A_7 : vector<32xbf16>
        %add3A_2308 = arith.addf %mul3A_2297, %mul3A_2307 : vector<32xbf16>
        %mul3A_2309 = arith.mulf %pack3A_2306, %get3A_9 : vector<32xbf16>
        %add3A_2310 = arith.addf %mul3A_2302, %mul3A_2309 : vector<32xbf16>
        %slice3A_2311 = vector.extract_strided_slice %get3A_2292 {offsets = [2], sizes = [1], strides = [1]} : vector<16xf32> to vector<1xf32>
        %squeeze3A_2312 = vector.extract %slice3A_2311[0] : f32 from vector<1xf32>
        %broadcast_in_dim3A_2313 = vector.broadcast %squeeze3A_2312 : f32 to vector<16xf32>
        %pack3A_2314 = tpu.pack_subelements %broadcast_in_dim3A_2313, %broadcast_in_dim3A_2313 {pack_format = #tpu.pack_format<interleaved>, positions = array<i32: 0, 1>} : vector<16xf32>, vector<16xf32> -> vector<32xbf16>
        %mul3A_2315 = arith.mulf %pack3A_2314, %get3A_11 : vector<32xbf16>
        %add3A_2316 = arith.addf %add3A_2308, %mul3A_2315 : vector<32xbf16>
        %mul3A_2317 = arith.mulf %pack3A_2314, %get3A_13 : vector<32xbf16>
        %add3A_2318 = arith.addf %add3A_2310, %mul3A_2317 : vector<32xbf16>
        %slice3A_2319 = vector.extract_strided_slice %get3A_2292 {offsets = [3], sizes = [1], strides = [1]} : vector<16xf32> to vector<1xf32>
        %squeeze3A_2320 = vector.extract %slice3A_2319[0] : f32 from vector<1xf32>
        %broadcast_in_dim3A_2321 = vector.broadcast %squeeze3A_2320 : f32 to vector<16xf32>
        %pack3A_2322 = tpu.pack_subelements %broadcast_in_dim3A_2321, %broadcast_in_dim3A_2321 {pack_format = #tpu.pack_format<interleaved>, positions = array<i32: 0, 1>} : vector<16xf32>, vector<16xf32> -> vector<32xbf16>
        %mul3A_2323 = arith.mulf %pack3A_2322, %get3A_15 : vector<32xbf16>
        %add3A_2324 = arith.addf %add3A_2316, %mul3A_2323 : vector<32xbf16>
        %mul3A_2325 = arith.mulf %pack3A_2322, %get3A_17 : vector<32xbf16>
        %add3A_2326 = arith.addf %add3A_2318, %mul3A_2325 : vector<32xbf16>
        %slice3A_2327 = vector.extract_strided_slice %get3A_2292 {offsets = [4], sizes = [1], strides = [1]} : vector<16xf32> to vector<1xf32>
        %squeeze3A_2328 = vector.extract %slice3A_2327[0] : f32 from vector<1xf32>
        %broadcast_in_dim3A_2329 = vector.broadcast %squeeze3A_2328 : f32 to vector<16xf32>
        %pack3A_2330 = tpu.pack_subelements %broadcast_in_dim3A_2329, %broadcast_in_dim3A_2329 {pack_format = #tpu.pack_format<interleaved>, positions = array<i32: 0, 1>} : vector<16xf32>, vector<16xf32> -> vector<32xbf16>
        %mul3A_2331 = arith.mulf %pack3A_2330, %get3A_19 : vector<32xbf16>
        %add3A_2332 = arith.addf %add3A_2324, %mul3A_2331 : vector<32xbf16>
        %mul3A_2333 = arith.mulf %pack3A_2330, %get3A_21 : vector<32xbf16>
        %add3A_2334 = arith.addf %add3A_2326, %mul3A_2333 : vector<32xbf16>
        %slice3A_2335 = vector.extract_strided_slice %get3A_2292 {offsets = [5], sizes = [1], strides = [1]} : vector<16xf32> to vector<1xf32>
        %squeeze3A_2336 = vector.extract %slice3A_2335[0] : f32 from vector<1xf32>
        %broadcast_in_dim3A_2337 = vector.broadcast %squeeze3A_2336 : f32 to vector<16xf32>
        %pack3A_2338 = tpu.pack_subelements %broadcast_in_dim3A_2337, %broadcast_in_dim3A_2337 {pack_format = #tpu.pack_format<interleaved>, positions = array<i32: 0, 1>} : vector<16xf32>, vector<16xf32> -> vector<32xbf16>
        %mul3A_2339 = arith.mulf %pack3A_2338, %get3A_23 : vector<32xbf16>
        %add3A_2340 = arith.addf %add3A_2332, %mul3A_2339 : vector<32xbf16>
        %mul3A_2341 = arith.mulf %pack3A_2338, %get3A_25 : vector<32xbf16>
        %add3A_2342 = arith.addf %add3A_2334, %mul3A_2341 : vector<32xbf16>
        %slice3A_2343 = vector.extract_strided_slice %get3A_2292 {offsets = [6], sizes = [1], strides = [1]} : vector<16xf32> to vector<1xf32>
        %squeeze3A_2344 = vector.extract %slice3A_2343[0] : f32 from vector<1xf32>
        %broadcast_in_dim3A_2345 = vector.broadcast %squeeze3A_2344 : f32 to vector<16xf32>
        %pack3A_2346 = tpu.pack_subelements %broadcast_in_dim3A_2345, %broadcast_in_dim3A_2345 {pack_format = #tpu.pack_format<interleaved>, positions = array<i32: 0, 1>} : vector<16xf32>, vector<16xf32> -> vector<32xbf16>
        %mul3A_2347 = arith.mulf %pack3A_2346, %get3A_27 : vector<32xbf16>
        %add3A_2348 = arith.addf %add3A_2340, %mul3A_2347 : vector<32xbf16>
        %mul3A_2349 = arith.mulf %pack3A_2346, %get3A_29 : vector<32xbf16>
        %add3A_2350 = arith.addf %add3A_2342, %mul3A_2349 : vector<32xbf16>
        %slice3A_2351 = vector.extract_strided_slice %get3A_2292 {offsets = [7], sizes = [1], strides = [1]} : vector<16xf32> to vector<1xf32>
        %squeeze3A_2352 = vector.extract %slice3A_2351[0] : f32 from vector<1xf32>
        %broadcast_in_dim3A_2353 = vector.broadcast %squeeze3A_2352 : f32 to vector<16xf32>
        %pack3A_2354 = tpu.pack_subelements %broadcast_in_dim3A_2353, %broadcast_in_dim3A_2353 {pack_format = #tpu.pack_format<interleaved>, positions = array<i32: 0, 1>} : vector<16xf32>, vector<16xf32> -> vector<32xbf16>
        %mul3A_2355 = arith.mulf %pack3A_2354, %get3A_31 : vector<32xbf16>
        %add3A_2356 = arith.addf %add3A_2348, %mul3A_2355 : vector<32xbf16>
        %mul3A_2357 = arith.mulf %pack3A_2354, %get3A_33 : vector<32xbf16>
        %add3A_2358 = arith.addf %add3A_2350, %mul3A_2357 : vector<32xbf16>
        %slice3A_2359 = vector.extract_strided_slice %get3A_2292 {offsets = [8], sizes = [1], strides = [1]} : vector<16xf32> to vector<1xf32>
        %squeeze3A_2360 = vector.extract %slice3A_2359[0] : f32 from vector<1xf32>
        %broadcast_in_dim3A_2361 = vector.broadcast %squeeze3A_2360 : f32 to vector<16xf32>
        %pack3A_2362 = tpu.pack_subelements %broadcast_in_dim3A_2361, %broadcast_in_dim3A_2361 {pack_format = #tpu.pack_format<interleaved>, positions = array<i32: 0, 1>} : vector<16xf32>, vector<16xf32> -> vector<32xbf16>
        %mul3A_2363 = arith.mulf %pack3A_2362, %get3A_35 : vector<32xbf16>
        %add3A_2364 = arith.addf %add3A_2356, %mul3A_2363 : vector<32xbf16>
        %mul3A_2365 = arith.mulf %pack3A_2362, %get3A_37 : vector<32xbf16>
        %add3A_2366 = arith.addf %add3A_2358, %mul3A_2365 : vector<32xbf16>
        %slice3A_2367 = vector.extract_strided_slice %get3A_2292 {offsets = [9], sizes = [1], strides = [1]} : vector<16xf32> to vector<1xf32>
        %squeeze3A_2368 = vector.extract %slice3A_2367[0] : f32 from vector<1xf32>
        %broadcast_in_dim3A_2369 = vector.broadcast %squeeze3A_2368 : f32 to vector<16xf32>
        %pack3A_2370 = tpu.pack_subelements %broadcast_in_dim3A_2369, %broadcast_in_dim3A_2369 {pack_format = #tpu.pack_format<interleaved>, positions = array<i32: 0, 1>} : vector<16xf32>, vector<16xf32> -> vector<32xbf16>
        %mul3A_2371 = arith.mulf %pack3A_2370, %get3A_39 : vector<32xbf16>
        %add3A_2372 = arith.addf %add3A_2364, %mul3A_2371 : vector<32xbf16>
        %mul3A_2373 = arith.mulf %pack3A_2370, %get3A_41 : vector<32xbf16>
        %add3A_2374 = arith.addf %add3A_2366, %mul3A_2373 : vector<32xbf16>
        %slice3A_2375 = vector.extract_strided_slice %get3A_2292 {offsets = [10], sizes = [1], strides = [1]} : vector<16xf32> to vector<1xf32>
        %squeeze3A_2376 = vector.extract %slice3A_2375[0] : f32 from vector<1xf32>
        %broadcast_in_dim3A_2377 = vector.broadcast %squeeze3A_2376 : f32 to vector<16xf32>
        %pack3A_2378 = tpu.pack_subelements %broadcast_in_dim3A_2377, %broadcast_in_dim3A_2377 {pack_format = #tpu.pack_format<interleaved>, positions = array<i32: 0, 1>} : vector<16xf32>, vector<16xf32> -> vector<32xbf16>
        %mul3A_2379 = arith.mulf %pack3A_2378, %get3A_43 : vector<32xbf16>
        %add3A_2380 = arith.addf %add3A_2372, %mul3A_2379 : vector<32xbf16>
        %mul3A_2381 = arith.mulf %pack3A_2378, %get3A_45 : vector<32xbf16>
        %add3A_2382 = arith.addf %add3A_2374, %mul3A_2381 : vector<32xbf16>
        %slice3A_2383 = vector.extract_strided_slice %get3A_2292 {offsets = [11], sizes = [1], strides = [1]} : vector<16xf32> to vector<1xf32>
        %squeeze3A_2384 = vector.extract %slice3A_2383[0] : f32 from vector<1xf32>
        %broadcast_in_dim3A_2385 = vector.broadcast %squeeze3A_2384 : f32 to vector<16xf32>
        %pack3A_2386 = tpu.pack_subelements %broadcast_in_dim3A_2385, %broadcast_in_dim3A_2385 {pack_format = #tpu.pack_format<interleaved>, positions = array<i32: 0, 1>} : vector<16xf32>, vector<16xf32> -> vector<32xbf16>
        %mul3A_2387 = arith.mulf %pack3A_2386, %get3A_47 : vector<32xbf16>
        %add3A_2388 = arith.addf %add3A_2380, %mul3A_2387 : vector<32xbf16>
        %mul3A_2389 = arith.mulf %pack3A_2386, %get3A_49 : vector<32xbf16>
        %add3A_2390 = arith.addf %add3A_2382, %mul3A_2389 : vector<32xbf16>
        %slice3A_2391 = vector.extract_strided_slice %get3A_2292 {offsets = [12], sizes = [1], strides = [1]} : vector<16xf32> to vector<1xf32>
        %squeeze3A_2392 = vector.extract %slice3A_2391[0] : f32 from vector<1xf32>
        %broadcast_in_dim3A_2393 = vector.broadcast %squeeze3A_2392 : f32 to vector<16xf32>
        %pack3A_2394 = tpu.pack_subelements %broadcast_in_dim3A_2393, %broadcast_in_dim3A_2393 {pack_format = #tpu.pack_format<interleaved>, positions = array<i32: 0, 1>} : vector<16xf32>, vector<16xf32> -> vector<32xbf16>
        %mul3A_2395 = arith.mulf %pack3A_2394, %get3A_51 : vector<32xbf16>
        %add3A_2396 = arith.addf %add3A_2388, %mul3A_2395 : vector<32xbf16>
        %mul3A_2397 = arith.mulf %pack3A_2394, %get3A_53 : vector<32xbf16>
        %add3A_2398 = arith.addf %add3A_2390, %mul3A_2397 : vector<32xbf16>
        %slice3A_2399 = vector.extract_strided_slice %get3A_2292 {offsets = [13], sizes = [1], strides = [1]} : vector<16xf32> to vector<1xf32>
        %squeeze3A_2400 = vector.extract %slice3A_2399[0] : f32 from vector<1xf32>
        %broadcast_in_dim3A_2401 = vector.broadcast %squeeze3A_2400 : f32 to vector<16xf32>
        %pack3A_2402 = tpu.pack_subelements %broadcast_in_dim3A_2401, %broadcast_in_dim3A_2401 {pack_format = #tpu.pack_format<interleaved>, positions = array<i32: 0, 1>} : vector<16xf32>, vector<16xf32> -> vector<32xbf16>
        %mul3A_2403 = arith.mulf %pack3A_2402, %get3A_55 : vector<32xbf16>
        %add3A_2404 = arith.addf %add3A_2396, %mul3A_2403 : vector<32xbf16>
        %mul3A_2405 = arith.mulf %pack3A_2402, %get3A_57 : vector<32xbf16>
        %add3A_2406 = arith.addf %add3A_2398, %mul3A_2405 : vector<32xbf16>
        %slice3A_2407 = vector.extract_strided_slice %get3A_2292 {offsets = [14], sizes = [1], strides = [1]} : vector<16xf32> to vector<1xf32>
        %squeeze3A_2408 = vector.extract %slice3A_2407[0] : f32 from vector<1xf32>
        %broadcast_in_dim3A_2409 = vector.broadcast %squeeze3A_2408 : f32 to vector<16xf32>
        %pack3A_2410 = tpu.pack_subelements %broadcast_in_dim3A_2409, %broadcast_in_dim3A_2409 {pack_format = #tpu.pack_format<interleaved>, positions = array<i32: 0, 1>} : vector<16xf32>, vector<16xf32> -> vector<32xbf16>
        %mul3A_2411 = arith.mulf %pack3A_2410, %get3A_59 : vector<32xbf16>
        %add3A_2412 = arith.addf %add3A_2404, %mul3A_2411 : vector<32xbf16>
        %mul3A_2413 = arith.mulf %pack3A_2410, %get3A_61 : vector<32xbf16>
        %add3A_2414 = arith.addf %add3A_2406, %mul3A_2413 : vector<32xbf16>
        %slice3A_2415 = vector.extract_strided_slice %get3A_2292 {offsets = [15], sizes = [1], strides = [1]} : vector<16xf32> to vector<1xf32>
        %squeeze3A_2416 = vector.extract %slice3A_2415[0] : f32 from vector<1xf32>
        %broadcast_in_dim3A_2417 = vector.broadcast %squeeze3A_2416 : f32 to vector<16xf32>
        %pack3A_2418 = tpu.pack_subelements %broadcast_in_dim3A_2417, %broadcast_in_dim3A_2417 {pack_format = #tpu.pack_format<interleaved>, positions = array<i32: 0, 1>} : vector<16xf32>, vector<16xf32> -> vector<32xbf16>
        %mul3A_2419 = arith.mulf %pack3A_2418, %get3A_63 : vector<32xbf16>
        %add3A_2420 = arith.addf %add3A_2412, %mul3A_2419 : vector<32xbf16>
        %mul3A_2421 = arith.mulf %pack3A_2418, %get3A_65 : vector<32xbf16>
        %add3A_2422 = arith.addf %add3A_2414, %mul3A_2421 : vector<32xbf16>
        %unpack3A_2423 = tpu.unpack_subelements %add3A_2420, 0 {pack_format = #tpu.pack_format<interleaved>} : vector<32xbf16> -> vector<16xf32>
        %unpack3A_2424 = tpu.unpack_subelements %add3A_2420, 1 {pack_format = #tpu.pack_format<interleaved>} : vector<32xbf16> -> vector<16xf32>
        %add3A_2425 = arith.constant 0 : i32
        %add3A_2426 = arith.addi %squeeze3A_2288, %add3A_2425 : i32
        %get3A_2427 = arith.index_cast %rem3A_450 : i32 to index
        %get3A_2428 = arith.index_cast %add3A_2286 : i32 to index
        %get3A_2429 = arith.index_cast %add3A_2426 : i32 to index
        %get3A_2430 = tpu.vector_load %arg9[%get3A_2427, %get3A_2428, %get3A_2429] {strides = array<i32>} : memref<2x256x128xf32, #tpu.memory_space<vmem>>, vector<16xf32>,
        %add3A_2431 = arith.addf %get3A_2430, %unpack3A_2423 : vector<16xf32>
        %swap3A_2432 = arith.index_cast %rem3A_450 : i32 to index
        %swap3A_2433 = arith.index_cast %add3A_2286 : i32 to index
        %swap3A_2434 = arith.constant 0 : index
        %swap3A_2435 = tpu.vector_load %arg11[%swap3A_2432, %swap3A_2433, %swap3A_2434] {strides = array<i32>} : memref<2x256x64xf32, #tpu.memory_space<vmem>>, vector<16xf32>,
        tpu.vector_store %arg11[%swap3A_2432, %swap3A_2433, %swap3A_2434], %add3A_2431 {strides = array<i32>} : memref<2x256x64xf32, #tpu.memory_space<vmem>>, vector<16xf32>,
        %add3A_2436 = arith.constant 16 : i32
        %add3A_2437 = arith.addi %squeeze3A_2288, %add3A_2436 : i32
        %get3A_2438 = arith.index_cast %rem3A_450 : i32 to index
        %get3A_2439 = arith.index_cast %add3A_2286 : i32 to index
        %get3A_2440 = arith.index_cast %add3A_2437 : i32 to index
        %get3A_2441 = tpu.vector_load %arg9[%get3A_2438, %get3A_2439, %get3A_2440] {strides = array<i32>} : memref<2x256x128xf32, #tpu.memory_space<vmem>>, vector<16xf32>,
        %add3A_2442 = arith.addf %get3A_2441, %unpack3A_2424 : vector<16xf32>
        %swap3A_2443 = arith.index_cast %rem3A_450 : i32 to index
        %swap3A_2444 = arith.index_cast %add3A_2286 : i32 to index
        %swap3A_2445 = arith.constant 16 : index
        %swap3A_2446 = tpu.vector_load %arg11[%swap3A_2443, %swap3A_2444, %swap3A_2445] {strides = array<i32>} : memref<2x256x64xf32, #tpu.memory_space<vmem>>, vector<16xf32>,
        tpu.vector_store %arg11[%swap3A_2443, %swap3A_2444, %swap3A_2445], %add3A_2442 {strides = array<i32>} : memref<2x256x64xf32, #tpu.memory_space<vmem>>, vector<16xf32>,
        %unpack3A_2447 = tpu.unpack_subelements %add3A_2422, 0 {pack_format = #tpu.pack_format<interleaved>} : vector<32xbf16> -> vector<16xf32>
        %unpack3A_2448 = tpu.unpack_subelements %add3A_2422, 1 {pack_format = #tpu.pack_format<interleaved>} : vector<32xbf16> -> vector<16xf32>
        %add3A_2449 = arith.constant 32 : i32
        %add3A_2450 = arith.addi %squeeze3A_2288, %add3A_2449 : i32
        %get3A_2451 = arith.index_cast %rem3A_450 : i32 to index
        %get3A_2452 = arith.index_cast %add3A_2286 : i32 to index
        %get3A_2453 = arith.index_cast %add3A_2450 : i32 to index
        %get3A_2454 = tpu.vector_load %arg9[%get3A_2451, %get3A_2452, %get3A_2453] {strides = array<i32>} : memref<2x256x128xf32, #tpu.memory_space<vmem>>, vector<16xf32>,
        %add3A_2455 = arith.addf %get3A_2454, %unpack3A_2447 : vector<16xf32>
        %swap3A_2456 = arith.index_cast %rem3A_450 : i32 to index
        %swap3A_2457 = arith.index_cast %add3A_2286 : i32 to index
        %swap3A_2458 = arith.constant 32 : index
        %swap3A_2459 = tpu.vector_load %arg11[%swap3A_2456, %swap3A_2457, %swap3A_2458] {strides = array<i32>} : memref<2x256x64xf32, #tpu.memory_space<vmem>>, vector<16xf32>,
        tpu.vector_store %arg11[%swap3A_2456, %swap3A_2457, %swap3A_2458], %add3A_2455 {strides = array<i32>} : memref<2x256x64xf32, #tpu.memory_space<vmem>>, vector<16xf32>,
        %add3A_2460 = arith.constant 48 : i32
        %add3A_2461 = arith.addi %squeeze3A_2288, %add3A_2460 : i32
        %get3A_2462 = arith.index_cast %rem3A_450 : i32 to index
        %get3A_2463 = arith.index_cast %add3A_2286 : i32 to index
        %get3A_2464 = arith.index_cast %add3A_2461 : i32 to index
        %get3A_2465 = tpu.vector_load %arg9[%get3A_2462, %get3A_2463, %get3A_2464] {strides = array<i32>} : memref<2x256x128xf32, #tpu.memory_space<vmem>>, vector<16xf32>,
        %add3A_2466 = arith.addf %get3A_2465, %unpack3A_2448 : vector<16xf32>
        %swap3A_2467 = arith.index_cast %rem3A_450 : i32 to index
        %swap3A_2468 = arith.index_cast %add3A_2286 : i32 to index
        %swap3A_2469 = arith.constant 48 : index
        %swap3A_2470 = tpu.vector_load %arg11[%swap3A_2467, %swap3A_2468, %swap3A_2469] {strides = array<i32>} : memref<2x256x64xf32, #tpu.memory_space<vmem>>, vector<16xf32>,
        tpu.vector_store %arg11[%swap3A_2467, %swap3A_2468, %swap3A_2469], %add3A_2466 {strides = array<i32>} : memref<2x256x64xf32, #tpu.memory_space<vmem>>, vector<16xf32>,
        %mul3A_2471 = arith.constant 16 : i32
        %mul3A_2472 = arith.muli %scan3A_773, %mul3A_2471 : i32
        %add3A_2473 = arith.constant 9 : i32
        %add3A_2474 = arith.addi %mul3A_2472, %add3A_2473 : i32
        %slice3A_2475 = vector.extract_strided_slice %mul3A_783 {offsets = [9], sizes = [1], strides = [1]} : vector<16xi32> to vector<1xi32>
        %squeeze3A_2476 = vector.extract %slice3A_2475[0] : i32 from vector<1xi32>
        %get3A_2477 = arith.index_cast %rem3A_450 : i32 to index
        %get3A_2478 = arith.index_cast %add3A_2474 : i32 to index
        %get3A_2479 = arith.constant 0 : index
        %get3A_2480 = tpu.vector_load %arg10[%get3A_2477, %get3A_2478, %get3A_2479] {strides = array<i32>} : memref<2x256x16xf32, #tpu.memory_space<vmem>>, vector<16xf32>,
        %slice3A_2481 = vector.extract_strided_slice %get3A_2480 {offsets = [0], sizes = [1], strides = [1]} : vector<16xf32> to vector<1xf32>
        %squeeze3A_2482 = vector.extract %slice3A_2481[0] : f32 from vector<1xf32>
        %broadcast_in_dim3A_2483 = vector.broadcast %squeeze3A_2482 : f32 to vector<16xf32>
        %pack3A_2484 = tpu.pack_subelements %broadcast_in_dim3A_2483, %broadcast_in_dim3A_2483 {pack_format = #tpu.pack_format<interleaved>, positions = array<i32: 0, 1>} : vector<16xf32>, vector<16xf32> -> vector<32xbf16>
        %mul3A_2485 = arith.mulf %pack3A_2484, %get3A_3 : vector<32xbf16>
        %slice3A_2486 = vector.extract_strided_slice %get3A_2480 {offsets = [0], sizes = [1], strides = [1]} : vector<16xf32> to vector<1xf32>
        %squeeze3A_2487 = vector.extract %slice3A_2486[0] : f32 from vector<1xf32>
        %broadcast_in_dim3A_2488 = vector.broadcast %squeeze3A_2487 : f32 to vector<16xf32>
        %pack3A_2489 = tpu.pack_subelements %broadcast_in_dim3A_2488, %broadcast_in_dim3A_2488 {pack_format = #tpu.pack_format<interleaved>, positions = array<i32: 0, 1>} : vector<16xf32>, vector<16xf32> -> vector<32xbf16>
        %mul3A_2490 = arith.mulf %pack3A_2489, %get3A_5 : vector<32xbf16>
        %slice3A_2491 = vector.extract_strided_slice %get3A_2480 {offsets = [1], sizes = [1], strides = [1]} : vector<16xf32> to vector<1xf32>
        %squeeze3A_2492 = vector.extract %slice3A_2491[0] : f32 from vector<1xf32>
        %broadcast_in_dim3A_2493 = vector.broadcast %squeeze3A_2492 : f32 to vector<16xf32>
        %pack3A_2494 = tpu.pack_subelements %broadcast_in_dim3A_2493, %broadcast_in_dim3A_2493 {pack_format = #tpu.pack_format<interleaved>, positions = array<i32: 0, 1>} : vector<16xf32>, vector<16xf32> -> vector<32xbf16>
        %mul3A_2495 = arith.mulf %pack3A_2494, %get3A_7 : vector<32xbf16>
        %add3A_2496 = arith.addf %mul3A_2485, %mul3A_2495 : vector<32xbf16>
        %mul3A_2497 = arith.mulf %pack3A_2494, %get3A_9 : vector<32xbf16>
        %add3A_2498 = arith.addf %mul3A_2490, %mul3A_2497 : vector<32xbf16>
        %slice3A_2499 = vector.extract_strided_slice %get3A_2480 {offsets = [2], sizes = [1], strides = [1]} : vector<16xf32> to vector<1xf32>
        %squeeze3A_2500 = vector.extract %slice3A_2499[0] : f32 from vector<1xf32>
        %broadcast_in_dim3A_2501 = vector.broadcast %squeeze3A_2500 : f32 to vector<16xf32>
        %pack3A_2502 = tpu.pack_subelements %broadcast_in_dim3A_2501, %broadcast_in_dim3A_2501 {pack_format = #tpu.pack_format<interleaved>, positions = array<i32: 0, 1>} : vector<16xf32>, vector<16xf32> -> vector<32xbf16>
        %mul3A_2503 = arith.mulf %pack3A_2502, %get3A_11 : vector<32xbf16>
        %add3A_2504 = arith.addf %add3A_2496, %mul3A_2503 : vector<32xbf16>
        %mul3A_2505 = arith.mulf %pack3A_2502, %get3A_13 : vector<32xbf16>
        %add3A_2506 = arith.addf %add3A_2498, %mul3A_2505 : vector<32xbf16>
        %slice3A_2507 = vector.extract_strided_slice %get3A_2480 {offsets = [3], sizes = [1], strides = [1]} : vector<16xf32> to vector<1xf32>
        %squeeze3A_2508 = vector.extract %slice3A_2507[0] : f32 from vector<1xf32>
        %broadcast_in_dim3A_2509 = vector.broadcast %squeeze3A_2508 : f32 to vector<16xf32>
        %pack3A_2510 = tpu.pack_subelements %broadcast_in_dim3A_2509, %broadcast_in_dim3A_2509 {pack_format = #tpu.pack_format<interleaved>, positions = array<i32: 0, 1>} : vector<16xf32>, vector<16xf32> -> vector<32xbf16>
        %mul3A_2511 = arith.mulf %pack3A_2510, %get3A_15 : vector<32xbf16>
        %add3A_2512 = arith.addf %add3A_2504, %mul3A_2511 : vector<32xbf16>
        %mul3A_2513 = arith.mulf %pack3A_2510, %get3A_17 : vector<32xbf16>
        %add3A_2514 = arith.addf %add3A_2506, %mul3A_2513 : vector<32xbf16>
        %slice3A_2515 = vector.extract_strided_slice %get3A_2480 {offsets = [4], sizes = [1], strides = [1]} : vector<16xf32> to vector<1xf32>
        %squeeze3A_2516 = vector.extract %slice3A_2515[0] : f32 from vector<1xf32>
        %broadcast_in_dim3A_2517 = vector.broadcast %squeeze3A_2516 : f32 to vector<16xf32>
        %pack3A_2518 = tpu.pack_subelements %broadcast_in_dim3A_2517, %broadcast_in_dim3A_2517 {pack_format = #tpu.pack_format<interleaved>, positions = array<i32: 0, 1>} : vector<16xf32>, vector<16xf32> -> vector<32xbf16>
        %mul3A_2519 = arith.mulf %pack3A_2518, %get3A_19 : vector<32xbf16>
        %add3A_2520 = arith.addf %add3A_2512, %mul3A_2519 : vector<32xbf16>
        %mul3A_2521 = arith.mulf %pack3A_2518, %get3A_21 : vector<32xbf16>
        %add3A_2522 = arith.addf %add3A_2514, %mul3A_2521 : vector<32xbf16>
        %slice3A_2523 = vector.extract_strided_slice %get3A_2480 {offsets = [5], sizes = [1], strides = [1]} : vector<16xf32> to vector<1xf32>
        %squeeze3A_2524 = vector.extract %slice3A_2523[0] : f32 from vector<1xf32>
        %broadcast_in_dim3A_2525 = vector.broadcast %squeeze3A_2524 : f32 to vector<16xf32>
        %pack3A_2526 = tpu.pack_subelements %broadcast_in_dim3A_2525, %broadcast_in_dim3A_2525 {pack_format = #tpu.pack_format<interleaved>, positions = array<i32: 0, 1>} : vector<16xf32>, vector<16xf32> -> vector<32xbf16>
        %mul3A_2527 = arith.mulf %pack3A_2526, %get3A_23 : vector<32xbf16>
        %add3A_2528 = arith.addf %add3A_2520, %mul3A_2527 : vector<32xbf16>
        %mul3A_2529 = arith.mulf %pack3A_2526, %get3A_25 : vector<32xbf16>
        %add3A_2530 = arith.addf %add3A_2522, %mul3A_2529 : vector<32xbf16>
        %slice3A_2531 = vector.extract_strided_slice %get3A_2480 {offsets = [6], sizes = [1], strides = [1]} : vector<16xf32> to vector<1xf32>
        %squeeze3A_2532 = vector.extract %slice3A_2531[0] : f32 from vector<1xf32>
        %broadcast_in_dim3A_2533 = vector.broadcast %squeeze3A_2532 : f32 to vector<16xf32>
        %pack3A_2534 = tpu.pack_subelements %broadcast_in_dim3A_2533, %broadcast_in_dim3A_2533 {pack_format = #tpu.pack_format<interleaved>, positions = array<i32: 0, 1>} : vector<16xf32>, vector<16xf32> -> vector<32xbf16>
        %mul3A_2535 = arith.mulf %pack3A_2534, %get3A_27 : vector<32xbf16>
        %add3A_2536 = arith.addf %add3A_2528, %mul3A_2535 : vector<32xbf16>
        %mul3A_2537 = arith.mulf %pack3A_2534, %get3A_29 : vector<32xbf16>
        %add3A_2538 = arith.addf %add3A_2530, %mul3A_2537 : vector<32xbf16>
        %slice3A_2539 = vector.extract_strided_slice %get3A_2480 {offsets = [7], sizes = [1], strides = [1]} : vector<16xf32> to vector<1xf32>
        %squeeze3A_2540 = vector.extract %slice3A_2539[0] : f32 from vector<1xf32>
        %broadcast_in_dim3A_2541 = vector.broadcast %squeeze3A_2540 : f32 to vector<16xf32>
        %pack3A_2542 = tpu.pack_subelements %broadcast_in_dim3A_2541, %broadcast_in_dim3A_2541 {pack_format = #tpu.pack_format<interleaved>, positions = array<i32: 0, 1>} : vector<16xf32>, vector<16xf32> -> vector<32xbf16>
        %mul3A_2543 = arith.mulf %pack3A_2542, %get3A_31 : vector<32xbf16>
        %add3A_2544 = arith.addf %add3A_2536, %mul3A_2543 : vector<32xbf16>
        %mul3A_2545 = arith.mulf %pack3A_2542, %get3A_33 : vector<32xbf16>
        %add3A_2546 = arith.addf %add3A_2538, %mul3A_2545 : vector<32xbf16>
        %slice3A_2547 = vector.extract_strided_slice %get3A_2480 {offsets = [8], sizes = [1], strides = [1]} : vector<16xf32> to vector<1xf32>
        %squeeze3A_2548 = vector.extract %slice3A_2547[0] : f32 from vector<1xf32>
        %broadcast_in_dim3A_2549 = vector.broadcast %squeeze3A_2548 : f32 to vector<16xf32>
        %pack3A_2550 = tpu.pack_subelements %broadcast_in_dim3A_2549, %broadcast_in_dim3A_2549 {pack_format = #tpu.pack_format<interleaved>, positions = array<i32: 0, 1>} : vector<16xf32>, vector<16xf32> -> vector<32xbf16>
        %mul3A_2551 = arith.mulf %pack3A_2550, %get3A_35 : vector<32xbf16>
        %add3A_2552 = arith.addf %add3A_2544, %mul3A_2551 : vector<32xbf16>
        %mul3A_2553 = arith.mulf %pack3A_2550, %get3A_37 : vector<32xbf16>
        %add3A_2554 = arith.addf %add3A_2546, %mul3A_2553 : vector<32xbf16>
        %slice3A_2555 = vector.extract_strided_slice %get3A_2480 {offsets = [9], sizes = [1], strides = [1]} : vector<16xf32> to vector<1xf32>
        %squeeze3A_2556 = vector.extract %slice3A_2555[0] : f32 from vector<1xf32>
        %broadcast_in_dim3A_2557 = vector.broadcast %squeeze3A_2556 : f32 to vector<16xf32>
        %pack3A_2558 = tpu.pack_subelements %broadcast_in_dim3A_2557, %broadcast_in_dim3A_2557 {pack_format = #tpu.pack_format<interleaved>, positions = array<i32: 0, 1>} : vector<16xf32>, vector<16xf32> -> vector<32xbf16>
        %mul3A_2559 = arith.mulf %pack3A_2558, %get3A_39 : vector<32xbf16>
        %add3A_2560 = arith.addf %add3A_2552, %mul3A_2559 : vector<32xbf16>
        %mul3A_2561 = arith.mulf %pack3A_2558, %get3A_41 : vector<32xbf16>
        %add3A_2562 = arith.addf %add3A_2554, %mul3A_2561 : vector<32xbf16>
        %slice3A_2563 = vector.extract_strided_slice %get3A_2480 {offsets = [10], sizes = [1], strides = [1]} : vector<16xf32> to vector<1xf32>
        %squeeze3A_2564 = vector.extract %slice3A_2563[0] : f32 from vector<1xf32>
        %broadcast_in_dim3A_2565 = vector.broadcast %squeeze3A_2564 : f32 to vector<16xf32>
        %pack3A_2566 = tpu.pack_subelements %broadcast_in_dim3A_2565, %broadcast_in_dim3A_2565 {pack_format = #tpu.pack_format<interleaved>, positions = array<i32: 0, 1>} : vector<16xf32>, vector<16xf32> -> vector<32xbf16>
        %mul3A_2567 = arith.mulf %pack3A_2566, %get3A_43 : vector<32xbf16>
        %add3A_2568 = arith.addf %add3A_2560, %mul3A_2567 : vector<32xbf16>
        %mul3A_2569 = arith.mulf %pack3A_2566, %get3A_45 : vector<32xbf16>
        %add3A_2570 = arith.addf %add3A_2562, %mul3A_2569 : vector<32xbf16>
        %slice3A_2571 = vector.extract_strided_slice %get3A_2480 {offsets = [11], sizes = [1], strides = [1]} : vector<16xf32> to vector<1xf32>
        %squeeze3A_2572 = vector.extract %slice3A_2571[0] : f32 from vector<1xf32>
        %broadcast_in_dim3A_2573 = vector.broadcast %squeeze3A_2572 : f32 to vector<16xf32>
        %pack3A_2574 = tpu.pack_subelements %broadcast_in_dim3A_2573, %broadcast_in_dim3A_2573 {pack_format = #tpu.pack_format<interleaved>, positions = array<i32: 0, 1>} : vector<16xf32>, vector<16xf32> -> vector<32xbf16>
        %mul3A_2575 = arith.mulf %pack3A_2574, %get3A_47 : vector<32xbf16>
        %add3A_2576 = arith.addf %add3A_2568, %mul3A_2575 : vector<32xbf16>
        %mul3A_2577 = arith.mulf %pack3A_2574, %get3A_49 : vector<32xbf16>
        %add3A_2578 = arith.addf %add3A_2570, %mul3A_2577 : vector<32xbf16>
        %slice3A_2579 = vector.extract_strided_slice %get3A_2480 {offsets = [12], sizes = [1], strides = [1]} : vector<16xf32> to vector<1xf32>
        %squeeze3A_2580 = vector.extract %slice3A_2579[0] : f32 from vector<1xf32>
        %broadcast_in_dim3A_2581 = vector.broadcast %squeeze3A_2580 : f32 to vector<16xf32>
        %pack3A_2582 = tpu.pack_subelements %broadcast_in_dim3A_2581, %broadcast_in_dim3A_2581 {pack_format = #tpu.pack_format<interleaved>, positions = array<i32: 0, 1>} : vector<16xf32>, vector<16xf32> -> vector<32xbf16>
        %mul3A_2583 = arith.mulf %pack3A_2582, %get3A_51 : vector<32xbf16>
        %add3A_2584 = arith.addf %add3A_2576, %mul3A_2583 : vector<32xbf16>
        %mul3A_2585 = arith.mulf %pack3A_2582, %get3A_53 : vector<32xbf16>
        %add3A_2586 = arith.addf %add3A_2578, %mul3A_2585 : vector<32xbf16>
        %slice3A_2587 = vector.extract_strided_slice %get3A_2480 {offsets = [13], sizes = [1], strides = [1]} : vector<16xf32> to vector<1xf32>
        %squeeze3A_2588 = vector.extract %slice3A_2587[0] : f32 from vector<1xf32>
        %broadcast_in_dim3A_2589 = vector.broadcast %squeeze3A_2588 : f32 to vector<16xf32>
        %pack3A_2590 = tpu.pack_subelements %broadcast_in_dim3A_2589, %broadcast_in_dim3A_2589 {pack_format = #tpu.pack_format<interleaved>, positions = array<i32: 0, 1>} : vector<16xf32>, vector<16xf32> -> vector<32xbf16>
        %mul3A_2591 = arith.mulf %pack3A_2590, %get3A_55 : vector<32xbf16>
        %add3A_2592 = arith.addf %add3A_2584, %mul3A_2591 : vector<32xbf16>
        %mul3A_2593 = arith.mulf %pack3A_2590, %get3A_57 : vector<32xbf16>
        %add3A_2594 = arith.addf %add3A_2586, %mul3A_2593 : vector<32xbf16>
        %slice3A_2595 = vector.extract_strided_slice %get3A_2480 {offsets = [14], sizes = [1], strides = [1]} : vector<16xf32> to vector<1xf32>
        %squeeze3A_2596 = vector.extract %slice3A_2595[0] : f32 from vector<1xf32>
        %broadcast_in_dim3A_2597 = vector.broadcast %squeeze3A_2596 : f32 to vector<16xf32>
        %pack3A_2598 = tpu.pack_subelements %broadcast_in_dim3A_2597, %broadcast_in_dim3A_2597 {pack_format = #tpu.pack_format<interleaved>, positions = array<i32: 0, 1>} : vector<16xf32>, vector<16xf32> -> vector<32xbf16>
        %mul3A_2599 = arith.mulf %pack3A_2598, %get3A_59 : vector<32xbf16>
        %add3A_2600 = arith.addf %add3A_2592, %mul3A_2599 : vector<32xbf16>
        %mul3A_2601 = arith.mulf %pack3A_2598, %get3A_61 : vector<32xbf16>
        %add3A_2602 = arith.addf %add3A_2594, %mul3A_2601 : vector<32xbf16>
        %slice3A_2603 = vector.extract_strided_slice %get3A_2480 {offsets = [15], sizes = [1], strides = [1]} : vector<16xf32> to vector<1xf32>
        %squeeze3A_2604 = vector.extract %slice3A_2603[0] : f32 from vector<1xf32>
        %broadcast_in_dim3A_2605 = vector.broadcast %squeeze3A_2604 : f32 to vector<16xf32>
        %pack3A_2606 = tpu.pack_subelements %broadcast_in_dim3A_2605, %broadcast_in_dim3A_2605 {pack_format = #tpu.pack_format<interleaved>, positions = array<i32: 0, 1>} : vector<16xf32>, vector<16xf32> -> vector<32xbf16>
        %mul3A_2607 = arith.mulf %pack3A_2606, %get3A_63 : vector<32xbf16>
        %add3A_2608 = arith.addf %add3A_2600, %mul3A_2607 : vector<32xbf16>
        %mul3A_2609 = arith.mulf %pack3A_2606, %get3A_65 : vector<32xbf16>
        %add3A_2610 = arith.addf %add3A_2602, %mul3A_2609 : vector<32xbf16>
        %unpack3A_2611 = tpu.unpack_subelements %add3A_2608, 0 {pack_format = #tpu.pack_format<interleaved>} : vector<32xbf16> -> vector<16xf32>
        %unpack3A_2612 = tpu.unpack_subelements %add3A_2608, 1 {pack_format = #tpu.pack_format<interleaved>} : vector<32xbf16> -> vector<16xf32>
        %add3A_2613 = arith.constant 0 : i32
        %add3A_2614 = arith.addi %squeeze3A_2476, %add3A_2613 : i32
        %get3A_2615 = arith.index_cast %rem3A_450 : i32 to index
        %get3A_2616 = arith.index_cast %add3A_2474 : i32 to index
        %get3A_2617 = arith.index_cast %add3A_2614 : i32 to index
        %get3A_2618 = tpu.vector_load %arg9[%get3A_2615, %get3A_2616, %get3A_2617] {strides = array<i32>} : memref<2x256x128xf32, #tpu.memory_space<vmem>>, vector<16xf32>,
        %add3A_2619 = arith.addf %get3A_2618, %unpack3A_2611 : vector<16xf32>
        %swap3A_2620 = arith.index_cast %rem3A_450 : i32 to index
        %swap3A_2621 = arith.index_cast %add3A_2474 : i32 to index
        %swap3A_2622 = arith.constant 0 : index
        %swap3A_2623 = tpu.vector_load %arg11[%swap3A_2620, %swap3A_2621, %swap3A_2622] {strides = array<i32>} : memref<2x256x64xf32, #tpu.memory_space<vmem>>, vector<16xf32>,
        tpu.vector_store %arg11[%swap3A_2620, %swap3A_2621, %swap3A_2622], %add3A_2619 {strides = array<i32>} : memref<2x256x64xf32, #tpu.memory_space<vmem>>, vector<16xf32>,
        %add3A_2624 = arith.constant 16 : i32
        %add3A_2625 = arith.addi %squeeze3A_2476, %add3A_2624 : i32
        %get3A_2626 = arith.index_cast %rem3A_450 : i32 to index
        %get3A_2627 = arith.index_cast %add3A_2474 : i32 to index
        %get3A_2628 = arith.index_cast %add3A_2625 : i32 to index
        %get3A_2629 = tpu.vector_load %arg9[%get3A_2626, %get3A_2627, %get3A_2628] {strides = array<i32>} : memref<2x256x128xf32, #tpu.memory_space<vmem>>, vector<16xf32>,
        %add3A_2630 = arith.addf %get3A_2629, %unpack3A_2612 : vector<16xf32>
        %swap3A_2631 = arith.index_cast %rem3A_450 : i32 to index
        %swap3A_2632 = arith.index_cast %add3A_2474 : i32 to index
        %swap3A_2633 = arith.constant 16 : index
        %swap3A_2634 = tpu.vector_load %arg11[%swap3A_2631, %swap3A_2632, %swap3A_2633] {strides = array<i32>} : memref<2x256x64xf32, #tpu.memory_space<vmem>>, vector<16xf32>,
        tpu.vector_store %arg11[%swap3A_2631, %swap3A_2632, %swap3A_2633], %add3A_2630 {strides = array<i32>} : memref<2x256x64xf32, #tpu.memory_space<vmem>>, vector<16xf32>,
        %unpack3A_2635 = tpu.unpack_subelements %add3A_2610, 0 {pack_format = #tpu.pack_format<interleaved>} : vector<32xbf16> -> vector<16xf32>
        %unpack3A_2636 = tpu.unpack_subelements %add3A_2610, 1 {pack_format = #tpu.pack_format<interleaved>} : vector<32xbf16> -> vector<16xf32>
        %add3A_2637 = arith.constant 32 : i32
        %add3A_2638 = arith.addi %squeeze3A_2476, %add3A_2637 : i32
        %get3A_2639 = arith.index_cast %rem3A_450 : i32 to index
        %get3A_2640 = arith.index_cast %add3A_2474 : i32 to index
        %get3A_2641 = arith.index_cast %add3A_2638 : i32 to index
        %get3A_2642 = tpu.vector_load %arg9[%get3A_2639, %get3A_2640, %get3A_2641] {strides = array<i32>} : memref<2x256x128xf32, #tpu.memory_space<vmem>>, vector<16xf32>,
        %add3A_2643 = arith.addf %get3A_2642, %unpack3A_2635 : vector<16xf32>
        %swap3A_2644 = arith.index_cast %rem3A_450 : i32 to index
        %swap3A_2645 = arith.index_cast %add3A_2474 : i32 to index
        %swap3A_2646 = arith.constant 32 : index
        %swap3A_2647 = tpu.vector_load %arg11[%swap3A_2644, %swap3A_2645, %swap3A_2646] {strides = array<i32>} : memref<2x256x64xf32, #tpu.memory_space<vmem>>, vector<16xf32>,
        tpu.vector_store %arg11[%swap3A_2644, %swap3A_2645, %swap3A_2646], %add3A_2643 {strides = array<i32>} : memref<2x256x64xf32, #tpu.memory_space<vmem>>, vector<16xf32>,
        %add3A_2648 = arith.constant 48 : i32
        %add3A_2649 = arith.addi %squeeze3A_2476, %add3A_2648 : i32
        %get3A_2650 = arith.index_cast %rem3A_450 : i32 to index
        %get3A_2651 = arith.index_cast %add3A_2474 : i32 to index
        %get3A_2652 = arith.index_cast %add3A_2649 : i32 to index
        %get3A_2653 = tpu.vector_load %arg9[%get3A_2650, %get3A_2651, %get3A_2652] {strides = array<i32>} : memref<2x256x128xf32, #tpu.memory_space<vmem>>, vector<16xf32>,
        %add3A_2654 = arith.addf %get3A_2653, %unpack3A_2636 : vector<16xf32>
        %swap3A_2655 = arith.index_cast %rem3A_450 : i32 to index
        %swap3A_2656 = arith.index_cast %add3A_2474 : i32 to index
        %swap3A_2657 = arith.constant 48 : index
        %swap3A_2658 = tpu.vector_load %arg11[%swap3A_2655, %swap3A_2656, %swap3A_2657] {strides = array<i32>} : memref<2x256x64xf32, #tpu.memory_space<vmem>>, vector<16xf32>,
        tpu.vector_store %arg11[%swap3A_2655, %swap3A_2656, %swap3A_2657], %add3A_2654 {strides = array<i32>} : memref<2x256x64xf32, #tpu.memory_space<vmem>>, vector<16xf32>,
        %mul3A_2659 = arith.constant 16 : i32
        %mul3A_2660 = arith.muli %scan3A_773, %mul3A_2659 : i32
        %add3A_2661 = arith.constant 10 : i32
        %add3A_2662 = arith.addi %mul3A_2660, %add3A_2661 : i32
        %slice3A_2663 = vector.extract_strided_slice %mul3A_783 {offsets = [10], sizes = [1], strides = [1]} : vector<16xi32> to vector<1xi32>
        %squeeze3A_2664 = vector.extract %slice3A_2663[0] : i32 from vector<1xi32>
        %get3A_2665 = arith.index_cast %rem3A_450 : i32 to index
        %get3A_2666 = arith.index_cast %add3A_2662 : i32 to index
        %get3A_2667 = arith.constant 0 : index
        %get3A_2668 = tpu.vector_load %arg10[%get3A_2665, %get3A_2666, %get3A_2667] {strides = array<i32>} : memref<2x256x16xf32, #tpu.memory_space<vmem>>, vector<16xf32>,
        %slice3A_2669 = vector.extract_strided_slice %get3A_2668 {offsets = [0], sizes = [1], strides = [1]} : vector<16xf32> to vector<1xf32>
        %squeeze3A_2670 = vector.extract %slice3A_2669[0] : f32 from vector<1xf32>
        %broadcast_in_dim3A_2671 = vector.broadcast %squeeze3A_2670 : f32 to vector<16xf32>
        %pack3A_2672 = tpu.pack_subelements %broadcast_in_dim3A_2671, %broadcast_in_dim3A_2671 {pack_format = #tpu.pack_format<interleaved>, positions = array<i32: 0, 1>} : vector<16xf32>, vector<16xf32> -> vector<32xbf16>
        %mul3A_2673 = arith.mulf %pack3A_2672, %get3A_3 : vector<32xbf16>
        %slice3A_2674 = vector.extract_strided_slice %get3A_2668 {offsets = [0], sizes = [1], strides = [1]} : vector<16xf32> to vector<1xf32>
        %squeeze3A_2675 = vector.extract %slice3A_2674[0] : f32 from vector<1xf32>
        %broadcast_in_dim3A_2676 = vector.broadcast %squeeze3A_2675 : f32 to vector<16xf32>
        %pack3A_2677 = tpu.pack_subelements %broadcast_in_dim3A_2676, %broadcast_in_dim3A_2676 {pack_format = #tpu.pack_format<interleaved>, positions = array<i32: 0, 1>} : vector<16xf32>, vector<16xf32> -> vector<32xbf16>
        %mul3A_2678 = arith.mulf %pack3A_2677, %get3A_5 : vector<32xbf16>
        %slice3A_2679 = vector.extract_strided_slice %get3A_2668 {offsets = [1], sizes = [1], strides = [1]} : vector<16xf32> to vector<1xf32>
        %squeeze3A_2680 = vector.extract %slice3A_2679[0] : f32 from vector<1xf32>
        %broadcast_in_dim3A_2681 = vector.broadcast %squeeze3A_2680 : f32 to vector<16xf32>
        %pack3A_2682 = tpu.pack_subelements %broadcast_in_dim3A_2681, %broadcast_in_dim3A_2681 {pack_format = #tpu.pack_format<interleaved>, positions = array<i32: 0, 1>} : vector<16xf32>, vector<16xf32> -> vector<32xbf16>
        %mul3A_2683 = arith.mulf %pack3A_2682, %get3A_7 : vector<32xbf16>
        %add3A_2684 = arith.addf %mul3A_2673, %mul3A_2683 : vector<32xbf16>
        %mul3A_2685 = arith.mulf %pack3A_2682, %get3A_9 : vector<32xbf16>
        %add3A_2686 = arith.addf %mul3A_2678, %mul3A_2685 : vector<32xbf16>
        %slice3A_2687 = vector.extract_strided_slice %get3A_2668 {offsets = [2], sizes = [1], strides = [1]} : vector<16xf32> to vector<1xf32>
        %squeeze3A_2688 = vector.extract %slice3A_2687[0] : f32 from vector<1xf32>
        %broadcast_in_dim3A_2689 = vector.broadcast %squeeze3A_2688 : f32 to vector<16xf32>
        %pack3A_2690 = tpu.pack_subelements %broadcast_in_dim3A_2689, %broadcast_in_dim3A_2689 {pack_format = #tpu.pack_format<interleaved>, positions = array<i32: 0, 1>} : vector<16xf32>, vector<16xf32> -> vector<32xbf16>
        %mul3A_2691 = arith.mulf %pack3A_2690, %get3A_11 : vector<32xbf16>
        %add3A_2692 = arith.addf %add3A_2684, %mul3A_2691 : vector<32xbf16>
        %mul3A_2693 = arith.mulf %pack3A_2690, %get3A_13 : vector<32xbf16>
        %add3A_2694 = arith.addf %add3A_2686, %mul3A_2693 : vector<32xbf16>
        %slice3A_2695 = vector.extract_strided_slice %get3A_2668 {offsets = [3], sizes = [1], strides = [1]} : vector<16xf32> to vector<1xf32>
        %squeeze3A_2696 = vector.extract %slice3A_2695[0] : f32 from vector<1xf32>
        %broadcast_in_dim3A_2697 = vector.broadcast %squeeze3A_2696 : f32 to vector<16xf32>
        %pack3A_2698 = tpu.pack_subelements %broadcast_in_dim3A_2697, %broadcast_in_dim3A_2697 {pack_format = #tpu.pack_format<interleaved>, positions = array<i32: 0, 1>} : vector<16xf32>, vector<16xf32> -> vector<32xbf16>
        %mul3A_2699 = arith.mulf %pack3A_2698, %get3A_15 : vector<32xbf16>
        %add3A_2700 = arith.addf %add3A_2692, %mul3A_2699 : vector<32xbf16>
        %mul3A_2701 = arith.mulf %pack3A_2698, %get3A_17 : vector<32xbf16>
        %add3A_2702 = arith.addf %add3A_2694, %mul3A_2701 : vector<32xbf16>
        %slice3A_2703 = vector.extract_strided_slice %get3A_2668 {offsets = [4], sizes = [1], strides = [1]} : vector<16xf32> to vector<1xf32>
        %squeeze3A_2704 = vector.extract %slice3A_2703[0] : f32 from vector<1xf32>
        %broadcast_in_dim3A_2705 = vector.broadcast %squeeze3A_2704 : f32 to vector<16xf32>
        %pack3A_2706 = tpu.pack_subelements %broadcast_in_dim3A_2705, %broadcast_in_dim3A_2705 {pack_format = #tpu.pack_format<interleaved>, positions = array<i32: 0, 1>} : vector<16xf32>, vector<16xf32> -> vector<32xbf16>
        %mul3A_2707 = arith.mulf %pack3A_2706, %get3A_19 : vector<32xbf16>
        %add3A_2708 = arith.addf %add3A_2700, %mul3A_2707 : vector<32xbf16>
        %mul3A_2709 = arith.mulf %pack3A_2706, %get3A_21 : vector<32xbf16>
        %add3A_2710 = arith.addf %add3A_2702, %mul3A_2709 : vector<32xbf16>
        %slice3A_2711 = vector.extract_strided_slice %get3A_2668 {offsets = [5], sizes = [1], strides = [1]} : vector<16xf32> to vector<1xf32>
        %squeeze3A_2712 = vector.extract %slice3A_2711[0] : f32 from vector<1xf32>
        %broadcast_in_dim3A_2713 = vector.broadcast %squeeze3A_2712 : f32 to vector<16xf32>
        %pack3A_2714 = tpu.pack_subelements %broadcast_in_dim3A_2713, %broadcast_in_dim3A_2713 {pack_format = #tpu.pack_format<interleaved>, positions = array<i32: 0, 1>} : vector<16xf32>, vector<16xf32> -> vector<32xbf16>
        %mul3A_2715 = arith.mulf %pack3A_2714, %get3A_23 : vector<32xbf16>
        %add3A_2716 = arith.addf %add3A_2708, %mul3A_2715 : vector<32xbf16>
        %mul3A_2717 = arith.mulf %pack3A_2714, %get3A_25 : vector<32xbf16>
        %add3A_2718 = arith.addf %add3A_2710, %mul3A_2717 : vector<32xbf16>
        %slice3A_2719 = vector.extract_strided_slice %get3A_2668 {offsets = [6], sizes = [1], strides = [1]} : vector<16xf32> to vector<1xf32>
        %squeeze3A_2720 = vector.extract %slice3A_2719[0] : f32 from vector<1xf32>
        %broadcast_in_dim3A_2721 = vector.broadcast %squeeze3A_2720 : f32 to vector<16xf32>
        %pack3A_2722 = tpu.pack_subelements %broadcast_in_dim3A_2721, %broadcast_in_dim3A_2721 {pack_format = #tpu.pack_format<interleaved>, positions = array<i32: 0, 1>} : vector<16xf32>, vector<16xf32> -> vector<32xbf16>
        %mul3A_2723 = arith.mulf %pack3A_2722, %get3A_27 : vector<32xbf16>
        %add3A_2724 = arith.addf %add3A_2716, %mul3A_2723 : vector<32xbf16>
        %mul3A_2725 = arith.mulf %pack3A_2722, %get3A_29 : vector<32xbf16>
        %add3A_2726 = arith.addf %add3A_2718, %mul3A_2725 : vector<32xbf16>
        %slice3A_2727 = vector.extract_strided_slice %get3A_2668 {offsets = [7], sizes = [1], strides = [1]} : vector<16xf32> to vector<1xf32>
        %squeeze3A_2728 = vector.extract %slice3A_2727[0] : f32 from vector<1xf32>
        %broadcast_in_dim3A_2729 = vector.broadcast %squeeze3A_2728 : f32 to vector<16xf32>
        %pack3A_2730 = tpu.pack_subelements %broadcast_in_dim3A_2729, %broadcast_in_dim3A_2729 {pack_format = #tpu.pack_format<interleaved>, positions = array<i32: 0, 1>} : vector<16xf32>, vector<16xf32> -> vector<32xbf16>
        %mul3A_2731 = arith.mulf %pack3A_2730, %get3A_31 : vector<32xbf16>
        %add3A_2732 = arith.addf %add3A_2724, %mul3A_2731 : vector<32xbf16>
        %mul3A_2733 = arith.mulf %pack3A_2730, %get3A_33 : vector<32xbf16>
        %add3A_2734 = arith.addf %add3A_2726, %mul3A_2733 : vector<32xbf16>
        %slice3A_2735 = vector.extract_strided_slice %get3A_2668 {offsets = [8], sizes = [1], strides = [1]} : vector<16xf32> to vector<1xf32>
        %squeeze3A_2736 = vector.extract %slice3A_2735[0] : f32 from vector<1xf32>
        %broadcast_in_dim3A_2737 = vector.broadcast %squeeze3A_2736 : f32 to vector<16xf32>
        %pack3A_2738 = tpu.pack_subelements %broadcast_in_dim3A_2737, %broadcast_in_dim3A_2737 {pack_format = #tpu.pack_format<interleaved>, positions = array<i32: 0, 1>} : vector<16xf32>, vector<16xf32> -> vector<32xbf16>
        %mul3A_2739 = arith.mulf %pack3A_2738, %get3A_35 : vector<32xbf16>
        %add3A_2740 = arith.addf %add3A_2732, %mul3A_2739 : vector<32xbf16>
        %mul3A_2741 = arith.mulf %pack3A_2738, %get3A_37 : vector<32xbf16>
        %add3A_2742 = arith.addf %add3A_2734, %mul3A_2741 : vector<32xbf16>
        %slice3A_2743 = vector.extract_strided_slice %get3A_2668 {offsets = [9], sizes = [1], strides = [1]} : vector<16xf32> to vector<1xf32>
        %squeeze3A_2744 = vector.extract %slice3A_2743[0] : f32 from vector<1xf32>
        %broadcast_in_dim3A_2745 = vector.broadcast %squeeze3A_2744 : f32 to vector<16xf32>
        %pack3A_2746 = tpu.pack_subelements %broadcast_in_dim3A_2745, %broadcast_in_dim3A_2745 {pack_format = #tpu.pack_format<interleaved>, positions = array<i32: 0, 1>} : vector<16xf32>, vector<16xf32> -> vector<32xbf16>
        %mul3A_2747 = arith.mulf %pack3A_2746, %get3A_39 : vector<32xbf16>
        %add3A_2748 = arith.addf %add3A_2740, %mul3A_2747 : vector<32xbf16>
        %mul3A_2749 = arith.mulf %pack3A_2746, %get3A_41 : vector<32xbf16>
        %add3A_2750 = arith.addf %add3A_2742, %mul3A_2749 : vector<32xbf16>
        %slice3A_2751 = vector.extract_strided_slice %get3A_2668 {offsets = [10], sizes = [1], strides = [1]} : vector<16xf32> to vector<1xf32>
        %squeeze3A_2752 = vector.extract %slice3A_2751[0] : f32 from vector<1xf32>
        %broadcast_in_dim3A_2753 = vector.broadcast %squeeze3A_2752 : f32 to vector<16xf32>
        %pack3A_2754 = tpu.pack_subelements %broadcast_in_dim3A_2753, %broadcast_in_dim3A_2753 {pack_format = #tpu.pack_format<interleaved>, positions = array<i32: 0, 1>} : vector<16xf32>, vector<16xf32> -> vector<32xbf16>
        %mul3A_2755 = arith.mulf %pack3A_2754, %get3A_43 : vector<32xbf16>
        %add3A_2756 = arith.addf %add3A_2748, %mul3A_2755 : vector<32xbf16>
        %mul3A_2757 = arith.mulf %pack3A_2754, %get3A_45 : vector<32xbf16>
        %add3A_2758 = arith.addf %add3A_2750, %mul3A_2757 : vector<32xbf16>
        %slice3A_2759 = vector.extract_strided_slice %get3A_2668 {offsets = [11], sizes = [1], strides = [1]} : vector<16xf32> to vector<1xf32>
        %squeeze3A_2760 = vector.extract %slice3A_2759[0] : f32 from vector<1xf32>
        %broadcast_in_dim3A_2761 = vector.broadcast %squeeze3A_2760 : f32 to vector<16xf32>
        %pack3A_2762 = tpu.pack_subelements %broadcast_in_dim3A_2761, %broadcast_in_dim3A_2761 {pack_format = #tpu.pack_format<interleaved>, positions = array<i32: 0, 1>} : vector<16xf32>, vector<16xf32> -> vector<32xbf16>
        %mul3A_2763 = arith.mulf %pack3A_2762, %get3A_47 : vector<32xbf16>
        %add3A_2764 = arith.addf %add3A_2756, %mul3A_2763 : vector<32xbf16>
        %mul3A_2765 = arith.mulf %pack3A_2762, %get3A_49 : vector<32xbf16>
        %add3A_2766 = arith.addf %add3A_2758, %mul3A_2765 : vector<32xbf16>
        %slice3A_2767 = vector.extract_strided_slice %get3A_2668 {offsets = [12], sizes = [1], strides = [1]} : vector<16xf32> to vector<1xf32>
        %squeeze3A_2768 = vector.extract %slice3A_2767[0] : f32 from vector<1xf32>
        %broadcast_in_dim3A_2769 = vector.broadcast %squeeze3A_2768 : f32 to vector<16xf32>
        %pack3A_2770 = tpu.pack_subelements %broadcast_in_dim3A_2769, %broadcast_in_dim3A_2769 {pack_format = #tpu.pack_format<interleaved>, positions = array<i32: 0, 1>} : vector<16xf32>, vector<16xf32> -> vector<32xbf16>
        %mul3A_2771 = arith.mulf %pack3A_2770, %get3A_51 : vector<32xbf16>
        %add3A_2772 = arith.addf %add3A_2764, %mul3A_2771 : vector<32xbf16>
        %mul3A_2773 = arith.mulf %pack3A_2770, %get3A_53 : vector<32xbf16>
        %add3A_2774 = arith.addf %add3A_2766, %mul3A_2773 : vector<32xbf16>
        %slice3A_2775 = vector.extract_strided_slice %get3A_2668 {offsets = [13], sizes = [1], strides = [1]} : vector<16xf32> to vector<1xf32>
        %squeeze3A_2776 = vector.extract %slice3A_2775[0] : f32 from vector<1xf32>
        %broadcast_in_dim3A_2777 = vector.broadcast %squeeze3A_2776 : f32 to vector<16xf32>
        %pack3A_2778 = tpu.pack_subelements %broadcast_in_dim3A_2777, %broadcast_in_dim3A_2777 {pack_format = #tpu.pack_format<interleaved>, positions = array<i32: 0, 1>} : vector<16xf32>, vector<16xf32> -> vector<32xbf16>
        %mul3A_2779 = arith.mulf %pack3A_2778, %get3A_55 : vector<32xbf16>
        %add3A_2780 = arith.addf %add3A_2772, %mul3A_2779 : vector<32xbf16>
        %mul3A_2781 = arith.mulf %pack3A_2778, %get3A_57 : vector<32xbf16>
        %add3A_2782 = arith.addf %add3A_2774, %mul3A_2781 : vector<32xbf16>
        %slice3A_2783 = vector.extract_strided_slice %get3A_2668 {offsets = [14], sizes = [1], strides = [1]} : vector<16xf32> to vector<1xf32>
        %squeeze3A_2784 = vector.extract %slice3A_2783[0] : f32 from vector<1xf32>
        %broadcast_in_dim3A_2785 = vector.broadcast %squeeze3A_2784 : f32 to vector<16xf32>
        %pack3A_2786 = tpu.pack_subelements %broadcast_in_dim3A_2785, %broadcast_in_dim3A_2785 {pack_format = #tpu.pack_format<interleaved>, positions = array<i32: 0, 1>} : vector<16xf32>, vector<16xf32> -> vector<32xbf16>
        %mul3A_2787 = arith.mulf %pack3A_2786, %get3A_59 : vector<32xbf16>
        %add3A_2788 = arith.addf %add3A_2780, %mul3A_2787 : vector<32xbf16>
        %mul3A_2789 = arith.mulf %pack3A_2786, %get3A_61 : vector<32xbf16>
        %add3A_2790 = arith.addf %add3A_2782, %mul3A_2789 : vector<32xbf16>
        %slice3A_2791 = vector.extract_strided_slice %get3A_2668 {offsets = [15], sizes = [1], strides = [1]} : vector<16xf32> to vector<1xf32>
        %squeeze3A_2792 = vector.extract %slice3A_2791[0] : f32 from vector<1xf32>
        %broadcast_in_dim3A_2793 = vector.broadcast %squeeze3A_2792 : f32 to vector<16xf32>
        %pack3A_2794 = tpu.pack_subelements %broadcast_in_dim3A_2793, %broadcast_in_dim3A_2793 {pack_format = #tpu.pack_format<interleaved>, positions = array<i32: 0, 1>} : vector<16xf32>, vector<16xf32> -> vector<32xbf16>
        %mul3A_2795 = arith.mulf %pack3A_2794, %get3A_63 : vector<32xbf16>
        %add3A_2796 = arith.addf %add3A_2788, %mul3A_2795 : vector<32xbf16>
        %mul3A_2797 = arith.mulf %pack3A_2794, %get3A_65 : vector<32xbf16>
        %add3A_2798 = arith.addf %add3A_2790, %mul3A_2797 : vector<32xbf16>
        %unpack3A_2799 = tpu.unpack_subelements %add3A_2796, 0 {pack_format = #tpu.pack_format<interleaved>} : vector<32xbf16> -> vector<16xf32>
        %unpack3A_2800 = tpu.unpack_subelements %add3A_2796, 1 {pack_format = #tpu.pack_format<interleaved>} : vector<32xbf16> -> vector<16xf32>
        %add3A_2801 = arith.constant 0 : i32
        %add3A_2802 = arith.addi %squeeze3A_2664, %add3A_2801 : i32
        %get3A_2803 = arith.index_cast %rem3A_450 : i32 to index
        %get3A_2804 = arith.index_cast %add3A_2662 : i32 to index
        %get3A_2805 = arith.index_cast %add3A_2802 : i32 to index
        %get3A_2806 = tpu.vector_load %arg9[%get3A_2803, %get3A_2804, %get3A_2805] {strides = array<i32>} : memref<2x256x128xf32, #tpu.memory_space<vmem>>, vector<16xf32>,
        %add3A_2807 = arith.addf %get3A_2806, %unpack3A_2799 : vector<16xf32>
        %swap3A_2808 = arith.index_cast %rem3A_450 : i32 to index
        %swap3A_2809 = arith.index_cast %add3A_2662 : i32 to index
        %swap3A_2810 = arith.constant 0 : index
        %swap3A_2811 = tpu.vector_load %arg11[%swap3A_2808, %swap3A_2809, %swap3A_2810] {strides = array<i32>} : memref<2x256x64xf32, #tpu.memory_space<vmem>>, vector<16xf32>,
        tpu.vector_store %arg11[%swap3A_2808, %swap3A_2809, %swap3A_2810], %add3A_2807 {strides = array<i32>} : memref<2x256x64xf32, #tpu.memory_space<vmem>>, vector<16xf32>,
        %add3A_2812 = arith.constant 16 : i32
        %add3A_2813 = arith.addi %squeeze3A_2664, %add3A_2812 : i32
        %get3A_2814 = arith.index_cast %rem3A_450 : i32 to index
        %get3A_2815 = arith.index_cast %add3A_2662 : i32 to index
        %get3A_2816 = arith.index_cast %add3A_2813 : i32 to index
        %get3A_2817 = tpu.vector_load %arg9[%get3A_2814, %get3A_2815, %get3A_2816] {strides = array<i32>} : memref<2x256x128xf32, #tpu.memory_space<vmem>>, vector<16xf32>,
        %add3A_2818 = arith.addf %get3A_2817, %unpack3A_2800 : vector<16xf32>
        %swap3A_2819 = arith.index_cast %rem3A_450 : i32 to index
        %swap3A_2820 = arith.index_cast %add3A_2662 : i32 to index
        %swap3A_2821 = arith.constant 16 : index
        %swap3A_2822 = tpu.vector_load %arg11[%swap3A_2819, %swap3A_2820, %swap3A_2821] {strides = array<i32>} : memref<2x256x64xf32, #tpu.memory_space<vmem>>, vector<16xf32>,
        tpu.vector_store %arg11[%swap3A_2819, %swap3A_2820, %swap3A_2821], %add3A_2818 {strides = array<i32>} : memref<2x256x64xf32, #tpu.memory_space<vmem>>, vector<16xf32>,
        %unpack3A_2823 = tpu.unpack_subelements %add3A_2798, 0 {pack_format = #tpu.pack_format<interleaved>} : vector<32xbf16> -> vector<16xf32>
        %unpack3A_2824 = tpu.unpack_subelements %add3A_2798, 1 {pack_format = #tpu.pack_format<interleaved>} : vector<32xbf16> -> vector<16xf32>
        %add3A_2825 = arith.constant 32 : i32
        %add3A_2826 = arith.addi %squeeze3A_2664, %add3A_2825 : i32
        %get3A_2827 = arith.index_cast %rem3A_450 : i32 to index
        %get3A_2828 = arith.index_cast %add3A_2662 : i32 to index
        %get3A_2829 = arith.index_cast %add3A_2826 : i32 to index
        %get3A_2830 = tpu.vector_load %arg9[%get3A_2827, %get3A_2828, %get3A_2829] {strides = array<i32>} : memref<2x256x128xf32, #tpu.memory_space<vmem>>, vector<16xf32>,
        %add3A_2831 = arith.addf %get3A_2830, %unpack3A_2823 : vector<16xf32>
        %swap3A_2832 = arith.index_cast %rem3A_450 : i32 to index
        %swap3A_2833 = arith.index_cast %add3A_2662 : i32 to index
        %swap3A_2834 = arith.constant 32 : index
        %swap3A_2835 = tpu.vector_load %arg11[%swap3A_2832, %swap3A_2833, %swap3A_2834] {strides = array<i32>} : memref<2x256x64xf32, #tpu.memory_space<vmem>>, vector<16xf32>,
        tpu.vector_store %arg11[%swap3A_2832, %swap3A_2833, %swap3A_2834], %add3A_2831 {strides = array<i32>} : memref<2x256x64xf32, #tpu.memory_space<vmem>>, vector<16xf32>,
        %add3A_2836 = arith.constant 48 : i32
        %add3A_2837 = arith.addi %squeeze3A_2664, %add3A_2836 : i32
        %get3A_2838 = arith.index_cast %rem3A_450 : i32 to index
        %get3A_2839 = arith.index_cast %add3A_2662 : i32 to index
        %get3A_2840 = arith.index_cast %add3A_2837 : i32 to index
        %get3A_2841 = tpu.vector_load %arg9[%get3A_2838, %get3A_2839, %get3A_2840] {strides = array<i32>} : memref<2x256x128xf32, #tpu.memory_space<vmem>>, vector<16xf32>,
        %add3A_2842 = arith.addf %get3A_2841, %unpack3A_2824 : vector<16xf32>
        %swap3A_2843 = arith.index_cast %rem3A_450 : i32 to index
        %swap3A_2844 = arith.index_cast %add3A_2662 : i32 to index
        %swap3A_2845 = arith.constant 48 : index
        %swap3A_2846 = tpu.vector_load %arg11[%swap3A_2843, %swap3A_2844, %swap3A_2845] {strides = array<i32>} : memref<2x256x64xf32, #tpu.memory_space<vmem>>, vector<16xf32>,
        tpu.vector_store %arg11[%swap3A_2843, %swap3A_2844, %swap3A_2845], %add3A_2842 {strides = array<i32>} : memref<2x256x64xf32, #tpu.memory_space<vmem>>, vector<16xf32>,
        %mul3A_2847 = arith.constant 16 : i32
        %mul3A_2848 = arith.muli %scan3A_773, %mul3A_2847 : i32
        %add3A_2849 = arith.constant 11 : i32
        %add3A_2850 = arith.addi %mul3A_2848, %add3A_2849 : i32
        %slice3A_2851 = vector.extract_strided_slice %mul3A_783 {offsets = [11], sizes = [1], strides = [1]} : vector<16xi32> to vector<1xi32>
        %squeeze3A_2852 = vector.extract %slice3A_2851[0] : i32 from vector<1xi32>
        %get3A_2853 = arith.index_cast %rem3A_450 : i32 to index
        %get3A_2854 = arith.index_cast %add3A_2850 : i32 to index
        %get3A_2855 = arith.constant 0 : index
        %get3A_2856 = tpu.vector_load %arg10[%get3A_2853, %get3A_2854, %get3A_2855] {strides = array<i32>} : memref<2x256x16xf32, #tpu.memory_space<vmem>>, vector<16xf32>,
        %slice3A_2857 = vector.extract_strided_slice %get3A_2856 {offsets = [0], sizes = [1], strides = [1]} : vector<16xf32> to vector<1xf32>
        %squeeze3A_2858 = vector.extract %slice3A_2857[0] : f32 from vector<1xf32>
        %broadcast_in_dim3A_2859 = vector.broadcast %squeeze3A_2858 : f32 to vector<16xf32>
        %pack3A_2860 = tpu.pack_subelements %broadcast_in_dim3A_2859, %broadcast_in_dim3A_2859 {pack_format = #tpu.pack_format<interleaved>, positions = array<i32: 0, 1>} : vector<16xf32>, vector<16xf32> -> vector<32xbf16>
        %mul3A_2861 = arith.mulf %pack3A_2860, %get3A_3 : vector<32xbf16>
        %slice3A_2862 = vector.extract_strided_slice %get3A_2856 {offsets = [0], sizes = [1], strides = [1]} : vector<16xf32> to vector<1xf32>
        %squeeze3A_2863 = vector.extract %slice3A_2862[0] : f32 from vector<1xf32>
        %broadcast_in_dim3A_2864 = vector.broadcast %squeeze3A_2863 : f32 to vector<16xf32>
        %pack3A_2865 = tpu.pack_subelements %broadcast_in_dim3A_2864, %broadcast_in_dim3A_2864 {pack_format = #tpu.pack_format<interleaved>, positions = array<i32: 0, 1>} : vector<16xf32>, vector<16xf32> -> vector<32xbf16>
        %mul3A_2866 = arith.mulf %pack3A_2865, %get3A_5 : vector<32xbf16>
        %slice3A_2867 = vector.extract_strided_slice %get3A_2856 {offsets = [1], sizes = [1], strides = [1]} : vector<16xf32> to vector<1xf32>
        %squeeze3A_2868 = vector.extract %slice3A_2867[0] : f32 from vector<1xf32>
        %broadcast_in_dim3A_2869 = vector.broadcast %squeeze3A_2868 : f32 to vector<16xf32>
        %pack3A_2870 = tpu.pack_subelements %broadcast_in_dim3A_2869, %broadcast_in_dim3A_2869 {pack_format = #tpu.pack_format<interleaved>, positions = array<i32: 0, 1>} : vector<16xf32>, vector<16xf32> -> vector<32xbf16>
        %mul3A_2871 = arith.mulf %pack3A_2870, %get3A_7 : vector<32xbf16>
        %add3A_2872 = arith.addf %mul3A_2861, %mul3A_2871 : vector<32xbf16>
        %mul3A_2873 = arith.mulf %pack3A_2870, %get3A_9 : vector<32xbf16>
        %add3A_2874 = arith.addf %mul3A_2866, %mul3A_2873 : vector<32xbf16>
        %slice3A_2875 = vector.extract_strided_slice %get3A_2856 {offsets = [2], sizes = [1], strides = [1]} : vector<16xf32> to vector<1xf32>
        %squeeze3A_2876 = vector.extract %slice3A_2875[0] : f32 from vector<1xf32>
        %broadcast_in_dim3A_2877 = vector.broadcast %squeeze3A_2876 : f32 to vector<16xf32>
        %pack3A_2878 = tpu.pack_subelements %broadcast_in_dim3A_2877, %broadcast_in_dim3A_2877 {pack_format = #tpu.pack_format<interleaved>, positions = array<i32: 0, 1>} : vector<16xf32>, vector<16xf32> -> vector<32xbf16>
        %mul3A_2879 = arith.mulf %pack3A_2878, %get3A_11 : vector<32xbf16>
        %add3A_2880 = arith.addf %add3A_2872, %mul3A_2879 : vector<32xbf16>
        %mul3A_2881 = arith.mulf %pack3A_2878, %get3A_13 : vector<32xbf16>
        %add3A_2882 = arith.addf %add3A_2874, %mul3A_2881 : vector<32xbf16>
        %slice3A_2883 = vector.extract_strided_slice %get3A_2856 {offsets = [3], sizes = [1], strides = [1]} : vector<16xf32> to vector<1xf32>
        %squeeze3A_2884 = vector.extract %slice3A_2883[0] : f32 from vector<1xf32>
        %broadcast_in_dim3A_2885 = vector.broadcast %squeeze3A_2884 : f32 to vector<16xf32>
        %pack3A_2886 = tpu.pack_subelements %broadcast_in_dim3A_2885, %broadcast_in_dim3A_2885 {pack_format = #tpu.pack_format<interleaved>, positions = array<i32: 0, 1>} : vector<16xf32>, vector<16xf32> -> vector<32xbf16>
        %mul3A_2887 = arith.mulf %pack3A_2886, %get3A_15 : vector<32xbf16>
        %add3A_2888 = arith.addf %add3A_2880, %mul3A_2887 : vector<32xbf16>
        %mul3A_2889 = arith.mulf %pack3A_2886, %get3A_17 : vector<32xbf16>
        %add3A_2890 = arith.addf %add3A_2882, %mul3A_2889 : vector<32xbf16>
        %slice3A_2891 = vector.extract_strided_slice %get3A_2856 {offsets = [4], sizes = [1], strides = [1]} : vector<16xf32> to vector<1xf32>
        %squeeze3A_2892 = vector.extract %slice3A_2891[0] : f32 from vector<1xf32>
        %broadcast_in_dim3A_2893 = vector.broadcast %squeeze3A_2892 : f32 to vector<16xf32>
        %pack3A_2894 = tpu.pack_subelements %broadcast_in_dim3A_2893, %broadcast_in_dim3A_2893 {pack_format = #tpu.pack_format<interleaved>, positions = array<i32: 0, 1>} : vector<16xf32>, vector<16xf32> -> vector<32xbf16>
        %mul3A_2895 = arith.mulf %pack3A_2894, %get3A_19 : vector<32xbf16>
        %add3A_2896 = arith.addf %add3A_2888, %mul3A_2895 : vector<32xbf16>
        %mul3A_2897 = arith.mulf %pack3A_2894, %get3A_21 : vector<32xbf16>
        %add3A_2898 = arith.addf %add3A_2890, %mul3A_2897 : vector<32xbf16>
        %slice3A_2899 = vector.extract_strided_slice %get3A_2856 {offsets = [5], sizes = [1], strides = [1]} : vector<16xf32> to vector<1xf32>
        %squeeze3A_2900 = vector.extract %slice3A_2899[0] : f32 from vector<1xf32>
        %broadcast_in_dim3A_2901 = vector.broadcast %squeeze3A_2900 : f32 to vector<16xf32>
        %pack3A_2902 = tpu.pack_subelements %broadcast_in_dim3A_2901, %broadcast_in_dim3A_2901 {pack_format = #tpu.pack_format<interleaved>, positions = array<i32: 0, 1>} : vector<16xf32>, vector<16xf32> -> vector<32xbf16>
        %mul3A_2903 = arith.mulf %pack3A_2902, %get3A_23 : vector<32xbf16>
        %add3A_2904 = arith.addf %add3A_2896, %mul3A_2903 : vector<32xbf16>
        %mul3A_2905 = arith.mulf %pack3A_2902, %get3A_25 : vector<32xbf16>
        %add3A_2906 = arith.addf %add3A_2898, %mul3A_2905 : vector<32xbf16>
        %slice3A_2907 = vector.extract_strided_slice %get3A_2856 {offsets = [6], sizes = [1], strides = [1]} : vector<16xf32> to vector<1xf32>
        %squeeze3A_2908 = vector.extract %slice3A_2907[0] : f32 from vector<1xf32>
        %broadcast_in_dim3A_2909 = vector.broadcast %squeeze3A_2908 : f32 to vector<16xf32>
        %pack3A_2910 = tpu.pack_subelements %broadcast_in_dim3A_2909, %broadcast_in_dim3A_2909 {pack_format = #tpu.pack_format<interleaved>, positions = array<i32: 0, 1>} : vector<16xf32>, vector<16xf32> -> vector<32xbf16>
        %mul3A_2911 = arith.mulf %pack3A_2910, %get3A_27 : vector<32xbf16>
        %add3A_2912 = arith.addf %add3A_2904, %mul3A_2911 : vector<32xbf16>
        %mul3A_2913 = arith.mulf %pack3A_2910, %get3A_29 : vector<32xbf16>
        %add3A_2914 = arith.addf %add3A_2906, %mul3A_2913 : vector<32xbf16>
        %slice3A_2915 = vector.extract_strided_slice %get3A_2856 {offsets = [7], sizes = [1], strides = [1]} : vector<16xf32> to vector<1xf32>
        %squeeze3A_2916 = vector.extract %slice3A_2915[0] : f32 from vector<1xf32>
        %broadcast_in_dim3A_2917 = vector.broadcast %squeeze3A_2916 : f32 to vector<16xf32>
        %pack3A_2918 = tpu.pack_subelements %broadcast_in_dim3A_2917, %broadcast_in_dim3A_2917 {pack_format = #tpu.pack_format<interleaved>, positions = array<i32: 0, 1>} : vector<16xf32>, vector<16xf32> -> vector<32xbf16>
        %mul3A_2919 = arith.mulf %pack3A_2918, %get3A_31 : vector<32xbf16>
        %add3A_2920 = arith.addf %add3A_2912, %mul3A_2919 : vector<32xbf16>
        %mul3A_2921 = arith.mulf %pack3A_2918, %get3A_33 : vector<32xbf16>
        %add3A_2922 = arith.addf %add3A_2914, %mul3A_2921 : vector<32xbf16>
        %slice3A_2923 = vector.extract_strided_slice %get3A_2856 {offsets = [8], sizes = [1], strides = [1]} : vector<16xf32> to vector<1xf32>
        %squeeze3A_2924 = vector.extract %slice3A_2923[0] : f32 from vector<1xf32>
        %broadcast_in_dim3A_2925 = vector.broadcast %squeeze3A_2924 : f32 to vector<16xf32>
        %pack3A_2926 = tpu.pack_subelements %broadcast_in_dim3A_2925, %broadcast_in_dim3A_2925 {pack_format = #tpu.pack_format<interleaved>, positions = array<i32: 0, 1>} : vector<16xf32>, vector<16xf32> -> vector<32xbf16>
        %mul3A_2927 = arith.mulf %pack3A_2926, %get3A_35 : vector<32xbf16>
        %add3A_2928 = arith.addf %add3A_2920, %mul3A_2927 : vector<32xbf16>
        %mul3A_2929 = arith.mulf %pack3A_2926, %get3A_37 : vector<32xbf16>
        %add3A_2930 = arith.addf %add3A_2922, %mul3A_2929 : vector<32xbf16>
        %slice3A_2931 = vector.extract_strided_slice %get3A_2856 {offsets = [9], sizes = [1], strides = [1]} : vector<16xf32> to vector<1xf32>
        %squeeze3A_2932 = vector.extract %slice3A_2931[0] : f32 from vector<1xf32>
        %broadcast_in_dim3A_2933 = vector.broadcast %squeeze3A_2932 : f32 to vector<16xf32>
        %pack3A_2934 = tpu.pack_subelements %broadcast_in_dim3A_2933, %broadcast_in_dim3A_2933 {pack_format = #tpu.pack_format<interleaved>, positions = array<i32: 0, 1>} : vector<16xf32>, vector<16xf32> -> vector<32xbf16>
        %mul3A_2935 = arith.mulf %pack3A_2934, %get3A_39 : vector<32xbf16>
        %add3A_2936 = arith.addf %add3A_2928, %mul3A_2935 : vector<32xbf16>
        %mul3A_2937 = arith.mulf %pack3A_2934, %get3A_41 : vector<32xbf16>
        %add3A_2938 = arith.addf %add3A_2930, %mul3A_2937 : vector<32xbf16>
        %slice3A_2939 = vector.extract_strided_slice %get3A_2856 {offsets = [10], sizes = [1], strides = [1]} : vector<16xf32> to vector<1xf32>
        %squeeze3A_2940 = vector.extract %slice3A_2939[0] : f32 from vector<1xf32>
        %broadcast_in_dim3A_2941 = vector.broadcast %squeeze3A_2940 : f32 to vector<16xf32>
        %pack3A_2942 = tpu.pack_subelements %broadcast_in_dim3A_2941, %broadcast_in_dim3A_2941 {pack_format = #tpu.pack_format<interleaved>, positions = array<i32: 0, 1>} : vector<16xf32>, vector<16xf32> -> vector<32xbf16>
        %mul3A_2943 = arith.mulf %pack3A_2942, %get3A_43 : vector<32xbf16>
        %add3A_2944 = arith.addf %add3A_2936, %mul3A_2943 : vector<32xbf16>
        %mul3A_2945 = arith.mulf %pack3A_2942, %get3A_45 : vector<32xbf16>
        %add3A_2946 = arith.addf %add3A_2938, %mul3A_2945 : vector<32xbf16>
        %slice3A_2947 = vector.extract_strided_slice %get3A_2856 {offsets = [11], sizes = [1], strides = [1]} : vector<16xf32> to vector<1xf32>
        %squeeze3A_2948 = vector.extract %slice3A_2947[0] : f32 from vector<1xf32>
        %broadcast_in_dim3A_2949 = vector.broadcast %squeeze3A_2948 : f32 to vector<16xf32>
        %pack3A_2950 = tpu.pack_subelements %broadcast_in_dim3A_2949, %broadcast_in_dim3A_2949 {pack_format = #tpu.pack_format<interleaved>, positions = array<i32: 0, 1>} : vector<16xf32>, vector<16xf32> -> vector<32xbf16>
        %mul3A_2951 = arith.mulf %pack3A_2950, %get3A_47 : vector<32xbf16>
        %add3A_2952 = arith.addf %add3A_2944, %mul3A_2951 : vector<32xbf16>
        %mul3A_2953 = arith.mulf %pack3A_2950, %get3A_49 : vector<32xbf16>
        %add3A_2954 = arith.addf %add3A_2946, %mul3A_2953 : vector<32xbf16>
        %slice3A_2955 = vector.extract_strided_slice %get3A_2856 {offsets = [12], sizes = [1], strides = [1]} : vector<16xf32> to vector<1xf32>
        %squeeze3A_2956 = vector.extract %slice3A_2955[0] : f32 from vector<1xf32>
        %broadcast_in_dim3A_2957 = vector.broadcast %squeeze3A_2956 : f32 to vector<16xf32>
        %pack3A_2958 = tpu.pack_subelements %broadcast_in_dim3A_2957, %broadcast_in_dim3A_2957 {pack_format = #tpu.pack_format<interleaved>, positions = array<i32: 0, 1>} : vector<16xf32>, vector<16xf32> -> vector<32xbf16>
        %mul3A_2959 = arith.mulf %pack3A_2958, %get3A_51 : vector<32xbf16>
        %add3A_2960 = arith.addf %add3A_2952, %mul3A_2959 : vector<32xbf16>
        %mul3A_2961 = arith.mulf %pack3A_2958, %get3A_53 : vector<32xbf16>
        %add3A_2962 = arith.addf %add3A_2954, %mul3A_2961 : vector<32xbf16>
        %slice3A_2963 = vector.extract_strided_slice %get3A_2856 {offsets = [13], sizes = [1], strides = [1]} : vector<16xf32> to vector<1xf32>
        %squeeze3A_2964 = vector.extract %slice3A_2963[0] : f32 from vector<1xf32>
        %broadcast_in_dim3A_2965 = vector.broadcast %squeeze3A_2964 : f32 to vector<16xf32>
        %pack3A_2966 = tpu.pack_subelements %broadcast_in_dim3A_2965, %broadcast_in_dim3A_2965 {pack_format = #tpu.pack_format<interleaved>, positions = array<i32: 0, 1>} : vector<16xf32>, vector<16xf32> -> vector<32xbf16>
        %mul3A_2967 = arith.mulf %pack3A_2966, %get3A_55 : vector<32xbf16>
        %add3A_2968 = arith.addf %add3A_2960, %mul3A_2967 : vector<32xbf16>
        %mul3A_2969 = arith.mulf %pack3A_2966, %get3A_57 : vector<32xbf16>
        %add3A_2970 = arith.addf %add3A_2962, %mul3A_2969 : vector<32xbf16>
        %slice3A_2971 = vector.extract_strided_slice %get3A_2856 {offsets = [14], sizes = [1], strides = [1]} : vector<16xf32> to vector<1xf32>
        %squeeze3A_2972 = vector.extract %slice3A_2971[0] : f32 from vector<1xf32>
        %broadcast_in_dim3A_2973 = vector.broadcast %squeeze3A_2972 : f32 to vector<16xf32>
        %pack3A_2974 = tpu.pack_subelements %broadcast_in_dim3A_2973, %broadcast_in_dim3A_2973 {pack_format = #tpu.pack_format<interleaved>, positions = array<i32: 0, 1>} : vector<16xf32>, vector<16xf32> -> vector<32xbf16>
        %mul3A_2975 = arith.mulf %pack3A_2974, %get3A_59 : vector<32xbf16>
        %add3A_2976 = arith.addf %add3A_2968, %mul3A_2975 : vector<32xbf16>
        %mul3A_2977 = arith.mulf %pack3A_2974, %get3A_61 : vector<32xbf16>
        %add3A_2978 = arith.addf %add3A_2970, %mul3A_2977 : vector<32xbf16>
        %slice3A_2979 = vector.extract_strided_slice %get3A_2856 {offsets = [15], sizes = [1], strides = [1]} : vector<16xf32> to vector<1xf32>
        %squeeze3A_2980 = vector.extract %slice3A_2979[0] : f32 from vector<1xf32>
        %broadcast_in_dim3A_2981 = vector.broadcast %squeeze3A_2980 : f32 to vector<16xf32>
        %pack3A_2982 = tpu.pack_subelements %broadcast_in_dim3A_2981, %broadcast_in_dim3A_2981 {pack_format = #tpu.pack_format<interleaved>, positions = array<i32: 0, 1>} : vector<16xf32>, vector<16xf32> -> vector<32xbf16>
        %mul3A_2983 = arith.mulf %pack3A_2982, %get3A_63 : vector<32xbf16>
        %add3A_2984 = arith.addf %add3A_2976, %mul3A_2983 : vector<32xbf16>
        %mul3A_2985 = arith.mulf %pack3A_2982, %get3A_65 : vector<32xbf16>
        %add3A_2986 = arith.addf %add3A_2978, %mul3A_2985 : vector<32xbf16>
        %unpack3A_2987 = tpu.unpack_subelements %add3A_2984, 0 {pack_format = #tpu.pack_format<interleaved>} : vector<32xbf16> -> vector<16xf32>
        %unpack3A_2988 = tpu.unpack_subelements %add3A_2984, 1 {pack_format = #tpu.pack_format<interleaved>} : vector<32xbf16> -> vector<16xf32>
        %add3A_2989 = arith.constant 0 : i32
        %add3A_2990 = arith.addi %squeeze3A_2852, %add3A_2989 : i32
        %get3A_2991 = arith.index_cast %rem3A_450 : i32 to index
        %get3A_2992 = arith.index_cast %add3A_2850 : i32 to index
        %get3A_2993 = arith.index_cast %add3A_2990 : i32 to index
        %get3A_2994 = tpu.vector_load %arg9[%get3A_2991, %get3A_2992, %get3A_2993] {strides = array<i32>} : memref<2x256x128xf32, #tpu.memory_space<vmem>>, vector<16xf32>,
        %add3A_2995 = arith.addf %get3A_2994, %unpack3A_2987 : vector<16xf32>
        %swap3A_2996 = arith.index_cast %rem3A_450 : i32 to index
        %swap3A_2997 = arith.index_cast %add3A_2850 : i32 to index
        %swap3A_2998 = arith.constant 0 : index
        %swap3A_2999 = tpu.vector_load %arg11[%swap3A_2996, %swap3A_2997, %swap3A_2998] {strides = array<i32>} : memref<2x256x64xf32, #tpu.memory_space<vmem>>, vector<16xf32>,
        tpu.vector_store %arg11[%swap3A_2996, %swap3A_2997, %swap3A_2998], %add3A_2995 {strides = array<i32>} : memref<2x256x64xf32, #tpu.memory_space<vmem>>, vector<16xf32>,
        %add3A_3000 = arith.constant 16 : i32
        %add3A_3001 = arith.addi %squeeze3A_2852, %add3A_3000 : i32
        %get3A_3002 = arith.index_cast %rem3A_450 : i32 to index
        %get3A_3003 = arith.index_cast %add3A_2850 : i32 to index
        %get3A_3004 = arith.index_cast %add3A_3001 : i32 to index
        %get3A_3005 = tpu.vector_load %arg9[%get3A_3002, %get3A_3003, %get3A_3004] {strides = array<i32>} : memref<2x256x128xf32, #tpu.memory_space<vmem>>, vector<16xf32>,
        %add3A_3006 = arith.addf %get3A_3005, %unpack3A_2988 : vector<16xf32>
        %swap3A_3007 = arith.index_cast %rem3A_450 : i32 to index
        %swap3A_3008 = arith.index_cast %add3A_2850 : i32 to index
        %swap3A_3009 = arith.constant 16 : index
        %swap3A_3010 = tpu.vector_load %arg11[%swap3A_3007, %swap3A_3008, %swap3A_3009] {strides = array<i32>} : memref<2x256x64xf32, #tpu.memory_space<vmem>>, vector<16xf32>,
        tpu.vector_store %arg11[%swap3A_3007, %swap3A_3008, %swap3A_3009], %add3A_3006 {strides = array<i32>} : memref<2x256x64xf32, #tpu.memory_space<vmem>>, vector<16xf32>,
        %unpack3A_3011 = tpu.unpack_subelements %add3A_2986, 0 {pack_format = #tpu.pack_format<interleaved>} : vector<32xbf16> -> vector<16xf32>
        %unpack3A_3012 = tpu.unpack_subelements %add3A_2986, 1 {pack_format = #tpu.pack_format<interleaved>} : vector<32xbf16> -> vector<16xf32>
        %add3A_3013 = arith.constant 32 : i32
        %add3A_3014 = arith.addi %squeeze3A_2852, %add3A_3013 : i32
        %get3A_3015 = arith.index_cast %rem3A_450 : i32 to index
        %get3A_3016 = arith.index_cast %add3A_2850 : i32 to index
        %get3A_3017 = arith.index_cast %add3A_3014 : i32 to index
        %get3A_3018 = tpu.vector_load %arg9[%get3A_3015, %get3A_3016, %get3A_3017] {strides = array<i32>} : memref<2x256x128xf32, #tpu.memory_space<vmem>>, vector<16xf32>,
        %add3A_3019 = arith.addf %get3A_3018, %unpack3A_3011 : vector<16xf32>
        %swap3A_3020 = arith.index_cast %rem3A_450 : i32 to index
        %swap3A_3021 = arith.index_cast %add3A_2850 : i32 to index
        %swap3A_3022 = arith.constant 32 : index
        %swap3A_3023 = tpu.vector_load %arg11[%swap3A_3020, %swap3A_3021, %swap3A_3022] {strides = array<i32>} : memref<2x256x64xf32, #tpu.memory_space<vmem>>, vector<16xf32>,
        tpu.vector_store %arg11[%swap3A_3020, %swap3A_3021, %swap3A_3022], %add3A_3019 {strides = array<i32>} : memref<2x256x64xf32, #tpu.memory_space<vmem>>, vector<16xf32>,
        %add3A_3024 = arith.constant 48 : i32
        %add3A_3025 = arith.addi %squeeze3A_2852, %add3A_3024 : i32
        %get3A_3026 = arith.index_cast %rem3A_450 : i32 to index
        %get3A_3027 = arith.index_cast %add3A_2850 : i32 to index
        %get3A_3028 = arith.index_cast %add3A_3025 : i32 to index
        %get3A_3029 = tpu.vector_load %arg9[%get3A_3026, %get3A_3027, %get3A_3028] {strides = array<i32>} : memref<2x256x128xf32, #tpu.memory_space<vmem>>, vector<16xf32>,
        %add3A_3030 = arith.addf %get3A_3029, %unpack3A_3012 : vector<16xf32>
        %swap3A_3031 = arith.index_cast %rem3A_450 : i32 to index
        %swap3A_3032 = arith.index_cast %add3A_2850 : i32 to index
        %swap3A_3033 = arith.constant 48 : index
        %swap3A_3034 = tpu.vector_load %arg11[%swap3A_3031, %swap3A_3032, %swap3A_3033] {strides = array<i32>} : memref<2x256x64xf32, #tpu.memory_space<vmem>>, vector<16xf32>,
        tpu.vector_store %arg11[%swap3A_3031, %swap3A_3032, %swap3A_3033], %add3A_3030 {strides = array<i32>} : memref<2x256x64xf32, #tpu.memory_space<vmem>>, vector<16xf32>,
        %mul3A_3035 = arith.constant 16 : i32
        %mul3A_3036 = arith.muli %scan3A_773, %mul3A_3035 : i32
        %add3A_3037 = arith.constant 12 : i32
        %add3A_3038 = arith.addi %mul3A_3036, %add3A_3037 : i32
        %slice3A_3039 = vector.extract_strided_slice %mul3A_783 {offsets = [12], sizes = [1], strides = [1]} : vector<16xi32> to vector<1xi32>
        %squeeze3A_3040 = vector.extract %slice3A_3039[0] : i32 from vector<1xi32>
        %get3A_3041 = arith.index_cast %rem3A_450 : i32 to index
        %get3A_3042 = arith.index_cast %add3A_3038 : i32 to index
        %get3A_3043 = arith.constant 0 : index
        %get3A_3044 = tpu.vector_load %arg10[%get3A_3041, %get3A_3042, %get3A_3043] {strides = array<i32>} : memref<2x256x16xf32, #tpu.memory_space<vmem>>, vector<16xf32>,
        %slice3A_3045 = vector.extract_strided_slice %get3A_3044 {offsets = [0], sizes = [1], strides = [1]} : vector<16xf32> to vector<1xf32>
        %squeeze3A_3046 = vector.extract %slice3A_3045[0] : f32 from vector<1xf32>
        %broadcast_in_dim3A_3047 = vector.broadcast %squeeze3A_3046 : f32 to vector<16xf32>
        %pack3A_3048 = tpu.pack_subelements %broadcast_in_dim3A_3047, %broadcast_in_dim3A_3047 {pack_format = #tpu.pack_format<interleaved>, positions = array<i32: 0, 1>} : vector<16xf32>, vector<16xf32> -> vector<32xbf16>
        %mul3A_3049 = arith.mulf %pack3A_3048, %get3A_3 : vector<32xbf16>
        %slice3A_3050 = vector.extract_strided_slice %get3A_3044 {offsets = [0], sizes = [1], strides = [1]} : vector<16xf32> to vector<1xf32>
        %squeeze3A_3051 = vector.extract %slice3A_3050[0] : f32 from vector<1xf32>
        %broadcast_in_dim3A_3052 = vector.broadcast %squeeze3A_3051 : f32 to vector<16xf32>
        %pack3A_3053 = tpu.pack_subelements %broadcast_in_dim3A_3052, %broadcast_in_dim3A_3052 {pack_format = #tpu.pack_format<interleaved>, positions = array<i32: 0, 1>} : vector<16xf32>, vector<16xf32> -> vector<32xbf16>
        %mul3A_3054 = arith.mulf %pack3A_3053, %get3A_5 : vector<32xbf16>
        %slice3A_3055 = vector.extract_strided_slice %get3A_3044 {offsets = [1], sizes = [1], strides = [1]} : vector<16xf32> to vector<1xf32>
        %squeeze3A_3056 = vector.extract %slice3A_3055[0] : f32 from vector<1xf32>
        %broadcast_in_dim3A_3057 = vector.broadcast %squeeze3A_3056 : f32 to vector<16xf32>
        %pack3A_3058 = tpu.pack_subelements %broadcast_in_dim3A_3057, %broadcast_in_dim3A_3057 {pack_format = #tpu.pack_format<interleaved>, positions = array<i32: 0, 1>} : vector<16xf32>, vector<16xf32> -> vector<32xbf16>
        %mul3A_3059 = arith.mulf %pack3A_3058, %get3A_7 : vector<32xbf16>
        %add3A_3060 = arith.addf %mul3A_3049, %mul3A_3059 : vector<32xbf16>
        %mul3A_3061 = arith.mulf %pack3A_3058, %get3A_9 : vector<32xbf16>
        %add3A_3062 = arith.addf %mul3A_3054, %mul3A_3061 : vector<32xbf16>
        %slice3A_3063 = vector.extract_strided_slice %get3A_3044 {offsets = [2], sizes = [1], strides = [1]} : vector<16xf32> to vector<1xf32>
        %squeeze3A_3064 = vector.extract %slice3A_3063[0] : f32 from vector<1xf32>
        %broadcast_in_dim3A_3065 = vector.broadcast %squeeze3A_3064 : f32 to vector<16xf32>
        %pack3A_3066 = tpu.pack_subelements %broadcast_in_dim3A_3065, %broadcast_in_dim3A_3065 {pack_format = #tpu.pack_format<interleaved>, positions = array<i32: 0, 1>} : vector<16xf32>, vector<16xf32> -> vector<32xbf16>
        %mul3A_3067 = arith.mulf %pack3A_3066, %get3A_11 : vector<32xbf16>
        %add3A_3068 = arith.addf %add3A_3060, %mul3A_3067 : vector<32xbf16>
        %mul3A_3069 = arith.mulf %pack3A_3066, %get3A_13 : vector<32xbf16>
        %add3A_3070 = arith.addf %add3A_3062, %mul3A_3069 : vector<32xbf16>
        %slice3A_3071 = vector.extract_strided_slice %get3A_3044 {offsets = [3], sizes = [1], strides = [1]} : vector<16xf32> to vector<1xf32>
        %squeeze3A_3072 = vector.extract %slice3A_3071[0] : f32 from vector<1xf32>
        %broadcast_in_dim3A_3073 = vector.broadcast %squeeze3A_3072 : f32 to vector<16xf32>
        %pack3A_3074 = tpu.pack_subelements %broadcast_in_dim3A_3073, %broadcast_in_dim3A_3073 {pack_format = #tpu.pack_format<interleaved>, positions = array<i32: 0, 1>} : vector<16xf32>, vector<16xf32> -> vector<32xbf16>
        %mul3A_3075 = arith.mulf %pack3A_3074, %get3A_15 : vector<32xbf16>
        %add3A_3076 = arith.addf %add3A_3068, %mul3A_3075 : vector<32xbf16>
        %mul3A_3077 = arith.mulf %pack3A_3074, %get3A_17 : vector<32xbf16>
        %add3A_3078 = arith.addf %add3A_3070, %mul3A_3077 : vector<32xbf16>
        %slice3A_3079 = vector.extract_strided_slice %get3A_3044 {offsets = [4], sizes = [1], strides = [1]} : vector<16xf32> to vector<1xf32>
        %squeeze3A_3080 = vector.extract %slice3A_3079[0] : f32 from vector<1xf32>
        %broadcast_in_dim3A_3081 = vector.broadcast %squeeze3A_3080 : f32 to vector<16xf32>
        %pack3A_3082 = tpu.pack_subelements %broadcast_in_dim3A_3081, %broadcast_in_dim3A_3081 {pack_format = #tpu.pack_format<interleaved>, positions = array<i32: 0, 1>} : vector<16xf32>, vector<16xf32> -> vector<32xbf16>
        %mul3A_3083 = arith.mulf %pack3A_3082, %get3A_19 : vector<32xbf16>
        %add3A_3084 = arith.addf %add3A_3076, %mul3A_3083 : vector<32xbf16>
        %mul3A_3085 = arith.mulf %pack3A_3082, %get3A_21 : vector<32xbf16>
        %add3A_3086 = arith.addf %add3A_3078, %mul3A_3085 : vector<32xbf16>
        %slice3A_3087 = vector.extract_strided_slice %get3A_3044 {offsets = [5], sizes = [1], strides = [1]} : vector<16xf32> to vector<1xf32>
        %squeeze3A_3088 = vector.extract %slice3A_3087[0] : f32 from vector<1xf32>
        %broadcast_in_dim3A_3089 = vector.broadcast %squeeze3A_3088 : f32 to vector<16xf32>
        %pack3A_3090 = tpu.pack_subelements %broadcast_in_dim3A_3089, %broadcast_in_dim3A_3089 {pack_format = #tpu.pack_format<interleaved>, positions = array<i32: 0, 1>} : vector<16xf32>, vector<16xf32> -> vector<32xbf16>
        %mul3A_3091 = arith.mulf %pack3A_3090, %get3A_23 : vector<32xbf16>
        %add3A_3092 = arith.addf %add3A_3084, %mul3A_3091 : vector<32xbf16>
        %mul3A_3093 = arith.mulf %pack3A_3090, %get3A_25 : vector<32xbf16>
        %add3A_3094 = arith.addf %add3A_3086, %mul3A_3093 : vector<32xbf16>
        %slice3A_3095 = vector.extract_strided_slice %get3A_3044 {offsets = [6], sizes = [1], strides = [1]} : vector<16xf32> to vector<1xf32>
        %squeeze3A_3096 = vector.extract %slice3A_3095[0] : f32 from vector<1xf32>
        %broadcast_in_dim3A_3097 = vector.broadcast %squeeze3A_3096 : f32 to vector<16xf32>
        %pack3A_3098 = tpu.pack_subelements %broadcast_in_dim3A_3097, %broadcast_in_dim3A_3097 {pack_format = #tpu.pack_format<interleaved>, positions = array<i32: 0, 1>} : vector<16xf32>, vector<16xf32> -> vector<32xbf16>
        %mul3A_3099 = arith.mulf %pack3A_3098, %get3A_27 : vector<32xbf16>
        %add3A_3100 = arith.addf %add3A_3092, %mul3A_3099 : vector<32xbf16>
        %mul3A_3101 = arith.mulf %pack3A_3098, %get3A_29 : vector<32xbf16>
        %add3A_3102 = arith.addf %add3A_3094, %mul3A_3101 : vector<32xbf16>
        %slice3A_3103 = vector.extract_strided_slice %get3A_3044 {offsets = [7], sizes = [1], strides = [1]} : vector<16xf32> to vector<1xf32>
        %squeeze3A_3104 = vector.extract %slice3A_3103[0] : f32 from vector<1xf32>
        %broadcast_in_dim3A_3105 = vector.broadcast %squeeze3A_3104 : f32 to vector<16xf32>
        %pack3A_3106 = tpu.pack_subelements %broadcast_in_dim3A_3105, %broadcast_in_dim3A_3105 {pack_format = #tpu.pack_format<interleaved>, positions = array<i32: 0, 1>} : vector<16xf32>, vector<16xf32> -> vector<32xbf16>
        %mul3A_3107 = arith.mulf %pack3A_3106, %get3A_31 : vector<32xbf16>
        %add3A_3108 = arith.addf %add3A_3100, %mul3A_3107 : vector<32xbf16>
        %mul3A_3109 = arith.mulf %pack3A_3106, %get3A_33 : vector<32xbf16>
        %add3A_3110 = arith.addf %add3A_3102, %mul3A_3109 : vector<32xbf16>
        %slice3A_3111 = vector.extract_strided_slice %get3A_3044 {offsets = [8], sizes = [1], strides = [1]} : vector<16xf32> to vector<1xf32>
        %squeeze3A_3112 = vector.extract %slice3A_3111[0] : f32 from vector<1xf32>
        %broadcast_in_dim3A_3113 = vector.broadcast %squeeze3A_3112 : f32 to vector<16xf32>
        %pack3A_3114 = tpu.pack_subelements %broadcast_in_dim3A_3113, %broadcast_in_dim3A_3113 {pack_format = #tpu.pack_format<interleaved>, positions = array<i32: 0, 1>} : vector<16xf32>, vector<16xf32> -> vector<32xbf16>
        %mul3A_3115 = arith.mulf %pack3A_3114, %get3A_35 : vector<32xbf16>
        %add3A_3116 = arith.addf %add3A_3108, %mul3A_3115 : vector<32xbf16>
        %mul3A_3117 = arith.mulf %pack3A_3114, %get3A_37 : vector<32xbf16>
        %add3A_3118 = arith.addf %add3A_3110, %mul3A_3117 : vector<32xbf16>
        %slice3A_3119 = vector.extract_strided_slice %get3A_3044 {offsets = [9], sizes = [1], strides = [1]} : vector<16xf32> to vector<1xf32>
        %squeeze3A_3120 = vector.extract %slice3A_3119[0] : f32 from vector<1xf32>
        %broadcast_in_dim3A_3121 = vector.broadcast %squeeze3A_3120 : f32 to vector<16xf32>
        %pack3A_3122 = tpu.pack_subelements %broadcast_in_dim3A_3121, %broadcast_in_dim3A_3121 {pack_format = #tpu.pack_format<interleaved>, positions = array<i32: 0, 1>} : vector<16xf32>, vector<16xf32> -> vector<32xbf16>
        %mul3A_3123 = arith.mulf %pack3A_3122, %get3A_39 : vector<32xbf16>
        %add3A_3124 = arith.addf %add3A_3116, %mul3A_3123 : vector<32xbf16>
        %mul3A_3125 = arith.mulf %pack3A_3122, %get3A_41 : vector<32xbf16>
        %add3A_3126 = arith.addf %add3A_3118, %mul3A_3125 : vector<32xbf16>
        %slice3A_3127 = vector.extract_strided_slice %get3A_3044 {offsets = [10], sizes = [1], strides = [1]} : vector<16xf32> to vector<1xf32>
        %squeeze3A_3128 = vector.extract %slice3A_3127[0] : f32 from vector<1xf32>
        %broadcast_in_dim3A_3129 = vector.broadcast %squeeze3A_3128 : f32 to vector<16xf32>
        %pack3A_3130 = tpu.pack_subelements %broadcast_in_dim3A_3129, %broadcast_in_dim3A_3129 {pack_format = #tpu.pack_format<interleaved>, positions = array<i32: 0, 1>} : vector<16xf32>, vector<16xf32> -> vector<32xbf16>
        %mul3A_3131 = arith.mulf %pack3A_3130, %get3A_43 : vector<32xbf16>
        %add3A_3132 = arith.addf %add3A_3124, %mul3A_3131 : vector<32xbf16>
        %mul3A_3133 = arith.mulf %pack3A_3130, %get3A_45 : vector<32xbf16>
        %add3A_3134 = arith.addf %add3A_3126, %mul3A_3133 : vector<32xbf16>
        %slice3A_3135 = vector.extract_strided_slice %get3A_3044 {offsets = [11], sizes = [1], strides = [1]} : vector<16xf32> to vector<1xf32>
        %squeeze3A_3136 = vector.extract %slice3A_3135[0] : f32 from vector<1xf32>
        %broadcast_in_dim3A_3137 = vector.broadcast %squeeze3A_3136 : f32 to vector<16xf32>
        %pack3A_3138 = tpu.pack_subelements %broadcast_in_dim3A_3137, %broadcast_in_dim3A_3137 {pack_format = #tpu.pack_format<interleaved>, positions = array<i32: 0, 1>} : vector<16xf32>, vector<16xf32> -> vector<32xbf16>
        %mul3A_3139 = arith.mulf %pack3A_3138, %get3A_47 : vector<32xbf16>
        %add3A_3140 = arith.addf %add3A_3132, %mul3A_3139 : vector<32xbf16>
        %mul3A_3141 = arith.mulf %pack3A_3138, %get3A_49 : vector<32xbf16>
        %add3A_3142 = arith.addf %add3A_3134, %mul3A_3141 : vector<32xbf16>
        %slice3A_3143 = vector.extract_strided_slice %get3A_3044 {offsets = [12], sizes = [1], strides = [1]} : vector<16xf32> to vector<1xf32>
        %squeeze3A_3144 = vector.extract %slice3A_3143[0] : f32 from vector<1xf32>
        %broadcast_in_dim3A_3145 = vector.broadcast %squeeze3A_3144 : f32 to vector<16xf32>
        %pack3A_3146 = tpu.pack_subelements %broadcast_in_dim3A_3145, %broadcast_in_dim3A_3145 {pack_format = #tpu.pack_format<interleaved>, positions = array<i32: 0, 1>} : vector<16xf32>, vector<16xf32> -> vector<32xbf16>
        %mul3A_3147 = arith.mulf %pack3A_3146, %get3A_51 : vector<32xbf16>
        %add3A_3148 = arith.addf %add3A_3140, %mul3A_3147 : vector<32xbf16>
        %mul3A_3149 = arith.mulf %pack3A_3146, %get3A_53 : vector<32xbf16>
        %add3A_3150 = arith.addf %add3A_3142, %mul3A_3149 : vector<32xbf16>
        %slice3A_3151 = vector.extract_strided_slice %get3A_3044 {offsets = [13], sizes = [1], strides = [1]} : vector<16xf32> to vector<1xf32>
        %squeeze3A_3152 = vector.extract %slice3A_3151[0] : f32 from vector<1xf32>
        %broadcast_in_dim3A_3153 = vector.broadcast %squeeze3A_3152 : f32 to vector<16xf32>
        %pack3A_3154 = tpu.pack_subelements %broadcast_in_dim3A_3153, %broadcast_in_dim3A_3153 {pack_format = #tpu.pack_format<interleaved>, positions = array<i32: 0, 1>} : vector<16xf32>, vector<16xf32> -> vector<32xbf16>
        %mul3A_3155 = arith.mulf %pack3A_3154, %get3A_55 : vector<32xbf16>
        %add3A_3156 = arith.addf %add3A_3148, %mul3A_3155 : vector<32xbf16>
        %mul3A_3157 = arith.mulf %pack3A_3154, %get3A_57 : vector<32xbf16>
        %add3A_3158 = arith.addf %add3A_3150, %mul3A_3157 : vector<32xbf16>
        %slice3A_3159 = vector.extract_strided_slice %get3A_3044 {offsets = [14], sizes = [1], strides = [1]} : vector<16xf32> to vector<1xf32>
        %squeeze3A_3160 = vector.extract %slice3A_3159[0] : f32 from vector<1xf32>
        %broadcast_in_dim3A_3161 = vector.broadcast %squeeze3A_3160 : f32 to vector<16xf32>
        %pack3A_3162 = tpu.pack_subelements %broadcast_in_dim3A_3161, %broadcast_in_dim3A_3161 {pack_format = #tpu.pack_format<interleaved>, positions = array<i32: 0, 1>} : vector<16xf32>, vector<16xf32> -> vector<32xbf16>
        %mul3A_3163 = arith.mulf %pack3A_3162, %get3A_59 : vector<32xbf16>
        %add3A_3164 = arith.addf %add3A_3156, %mul3A_3163 : vector<32xbf16>
        %mul3A_3165 = arith.mulf %pack3A_3162, %get3A_61 : vector<32xbf16>
        %add3A_3166 = arith.addf %add3A_3158, %mul3A_3165 : vector<32xbf16>
        %slice3A_3167 = vector.extract_strided_slice %get3A_3044 {offsets = [15], sizes = [1], strides = [1]} : vector<16xf32> to vector<1xf32>
        %squeeze3A_3168 = vector.extract %slice3A_3167[0] : f32 from vector<1xf32>
        %broadcast_in_dim3A_3169 = vector.broadcast %squeeze3A_3168 : f32 to vector<16xf32>
        %pack3A_3170 = tpu.pack_subelements %broadcast_in_dim3A_3169, %broadcast_in_dim3A_3169 {pack_format = #tpu.pack_format<interleaved>, positions = array<i32: 0, 1>} : vector<16xf32>, vector<16xf32> -> vector<32xbf16>
        %mul3A_3171 = arith.mulf %pack3A_3170, %get3A_63 : vector<32xbf16>
        %add3A_3172 = arith.addf %add3A_3164, %mul3A_3171 : vector<32xbf16>
        %mul3A_3173 = arith.mulf %pack3A_3170, %get3A_65 : vector<32xbf16>
        %add3A_3174 = arith.addf %add3A_3166, %mul3A_3173 : vector<32xbf16>
        %unpack3A_3175 = tpu.unpack_subelements %add3A_3172, 0 {pack_format = #tpu.pack_format<interleaved>} : vector<32xbf16> -> vector<16xf32>
        %unpack3A_3176 = tpu.unpack_subelements %add3A_3172, 1 {pack_format = #tpu.pack_format<interleaved>} : vector<32xbf16> -> vector<16xf32>
        %add3A_3177 = arith.constant 0 : i32
        %add3A_3178 = arith.addi %squeeze3A_3040, %add3A_3177 : i32
        %get3A_3179 = arith.index_cast %rem3A_450 : i32 to index
        %get3A_3180 = arith.index_cast %add3A_3038 : i32 to index
        %get3A_3181 = arith.index_cast %add3A_3178 : i32 to index
        %get3A_3182 = tpu.vector_load %arg9[%get3A_3179, %get3A_3180, %get3A_3181] {strides = array<i32>} : memref<2x256x128xf32, #tpu.memory_space<vmem>>, vector<16xf32>,
        %add3A_3183 = arith.addf %get3A_3182, %unpack3A_3175 : vector<16xf32>
        %swap3A_3184 = arith.index_cast %rem3A_450 : i32 to index
        %swap3A_3185 = arith.index_cast %add3A_3038 : i32 to index
        %swap3A_3186 = arith.constant 0 : index
        %swap3A_3187 = tpu.vector_load %arg11[%swap3A_3184, %swap3A_3185, %swap3A_3186] {strides = array<i32>} : memref<2x256x64xf32, #tpu.memory_space<vmem>>, vector<16xf32>,
        tpu.vector_store %arg11[%swap3A_3184, %swap3A_3185, %swap3A_3186], %add3A_3183 {strides = array<i32>} : memref<2x256x64xf32, #tpu.memory_space<vmem>>, vector<16xf32>,
        %add3A_3188 = arith.constant 16 : i32
        %add3A_3189 = arith.addi %squeeze3A_3040, %add3A_3188 : i32
        %get3A_3190 = arith.index_cast %rem3A_450 : i32 to index
        %get3A_3191 = arith.index_cast %add3A_3038 : i32 to index
        %get3A_3192 = arith.index_cast %add3A_3189 : i32 to index
        %get3A_3193 = tpu.vector_load %arg9[%get3A_3190, %get3A_3191, %get3A_3192] {strides = array<i32>} : memref<2x256x128xf32, #tpu.memory_space<vmem>>, vector<16xf32>,
        %add3A_3194 = arith.addf %get3A_3193, %unpack3A_3176 : vector<16xf32>
        %swap3A_3195 = arith.index_cast %rem3A_450 : i32 to index
        %swap3A_3196 = arith.index_cast %add3A_3038 : i32 to index
        %swap3A_3197 = arith.constant 16 : index
        %swap3A_3198 = tpu.vector_load %arg11[%swap3A_3195, %swap3A_3196, %swap3A_3197] {strides = array<i32>} : memref<2x256x64xf32, #tpu.memory_space<vmem>>, vector<16xf32>,
        tpu.vector_store %arg11[%swap3A_3195, %swap3A_3196, %swap3A_3197], %add3A_3194 {strides = array<i32>} : memref<2x256x64xf32, #tpu.memory_space<vmem>>, vector<16xf32>,
        %unpack3A_3199 = tpu.unpack_subelements %add3A_3174, 0 {pack_format = #tpu.pack_format<interleaved>} : vector<32xbf16> -> vector<16xf32>
        %unpack3A_3200 = tpu.unpack_subelements %add3A_3174, 1 {pack_format = #tpu.pack_format<interleaved>} : vector<32xbf16> -> vector<16xf32>
        %add3A_3201 = arith.constant 32 : i32
        %add3A_3202 = arith.addi %squeeze3A_3040, %add3A_3201 : i32
        %get3A_3203 = arith.index_cast %rem3A_450 : i32 to index
        %get3A_3204 = arith.index_cast %add3A_3038 : i32 to index
        %get3A_3205 = arith.index_cast %add3A_3202 : i32 to index
        %get3A_3206 = tpu.vector_load %arg9[%get3A_3203, %get3A_3204, %get3A_3205] {strides = array<i32>} : memref<2x256x128xf32, #tpu.memory_space<vmem>>, vector<16xf32>,
        %add3A_3207 = arith.addf %get3A_3206, %unpack3A_3199 : vector<16xf32>
        %swap3A_3208 = arith.index_cast %rem3A_450 : i32 to index
        %swap3A_3209 = arith.index_cast %add3A_3038 : i32 to index
        %swap3A_3210 = arith.constant 32 : index
        %swap3A_3211 = tpu.vector_load %arg11[%swap3A_3208, %swap3A_3209, %swap3A_3210] {strides = array<i32>} : memref<2x256x64xf32, #tpu.memory_space<vmem>>, vector<16xf32>,
        tpu.vector_store %arg11[%swap3A_3208, %swap3A_3209, %swap3A_3210], %add3A_3207 {strides = array<i32>} : memref<2x256x64xf32, #tpu.memory_space<vmem>>, vector<16xf32>,
        %add3A_3212 = arith.constant 48 : i32
        %add3A_3213 = arith.addi %squeeze3A_3040, %add3A_3212 : i32
        %get3A_3214 = arith.index_cast %rem3A_450 : i32 to index
        %get3A_3215 = arith.index_cast %add3A_3038 : i32 to index
        %get3A_3216 = arith.index_cast %add3A_3213 : i32 to index
        %get3A_3217 = tpu.vector_load %arg9[%get3A_3214, %get3A_3215, %get3A_3216] {strides = array<i32>} : memref<2x256x128xf32, #tpu.memory_space<vmem>>, vector<16xf32>,
        %add3A_3218 = arith.addf %get3A_3217, %unpack3A_3200 : vector<16xf32>
        %swap3A_3219 = arith.index_cast %rem3A_450 : i32 to index
        %swap3A_3220 = arith.index_cast %add3A_3038 : i32 to index
        %swap3A_3221 = arith.constant 48 : index
        %swap3A_3222 = tpu.vector_load %arg11[%swap3A_3219, %swap3A_3220, %swap3A_3221] {strides = array<i32>} : memref<2x256x64xf32, #tpu.memory_space<vmem>>, vector<16xf32>,
        tpu.vector_store %arg11[%swap3A_3219, %swap3A_3220, %swap3A_3221], %add3A_3218 {strides = array<i32>} : memref<2x256x64xf32, #tpu.memory_space<vmem>>, vector<16xf32>,
        %mul3A_3223 = arith.constant 16 : i32
        %mul3A_3224 = arith.muli %scan3A_773, %mul3A_3223 : i32
        %add3A_3225 = arith.constant 13 : i32
        %add3A_3226 = arith.addi %mul3A_3224, %add3A_3225 : i32
        %slice3A_3227 = vector.extract_strided_slice %mul3A_783 {offsets = [13], sizes = [1], strides = [1]} : vector<16xi32> to vector<1xi32>
        %squeeze3A_3228 = vector.extract %slice3A_3227[0] : i32 from vector<1xi32>
        %get3A_3229 = arith.index_cast %rem3A_450 : i32 to index
        %get3A_3230 = arith.index_cast %add3A_3226 : i32 to index
        %get3A_3231 = arith.constant 0 : index
        %get3A_3232 = tpu.vector_load %arg10[%get3A_3229, %get3A_3230, %get3A_3231] {strides = array<i32>} : memref<2x256x16xf32, #tpu.memory_space<vmem>>, vector<16xf32>,
        %slice3A_3233 = vector.extract_strided_slice %get3A_3232 {offsets = [0], sizes = [1], strides = [1]} : vector<16xf32> to vector<1xf32>
        %squeeze3A_3234 = vector.extract %slice3A_3233[0] : f32 from vector<1xf32>
        %broadcast_in_dim3A_3235 = vector.broadcast %squeeze3A_3234 : f32 to vector<16xf32>
        %pack3A_3236 = tpu.pack_subelements %broadcast_in_dim3A_3235, %broadcast_in_dim3A_3235 {pack_format = #tpu.pack_format<interleaved>, positions = array<i32: 0, 1>} : vector<16xf32>, vector<16xf32> -> vector<32xbf16>
        %mul3A_3237 = arith.mulf %pack3A_3236, %get3A_3 : vector<32xbf16>
        %slice3A_3238 = vector.extract_strided_slice %get3A_3232 {offsets = [0], sizes = [1], strides = [1]} : vector<16xf32> to vector<1xf32>
        %squeeze3A_3239 = vector.extract %slice3A_3238[0] : f32 from vector<1xf32>
        %broadcast_in_dim3A_3240 = vector.broadcast %squeeze3A_3239 : f32 to vector<16xf32>
        %pack3A_3241 = tpu.pack_subelements %broadcast_in_dim3A_3240, %broadcast_in_dim3A_3240 {pack_format = #tpu.pack_format<interleaved>, positions = array<i32: 0, 1>} : vector<16xf32>, vector<16xf32> -> vector<32xbf16>
        %mul3A_3242 = arith.mulf %pack3A_3241, %get3A_5 : vector<32xbf16>
        %slice3A_3243 = vector.extract_strided_slice %get3A_3232 {offsets = [1], sizes = [1], strides = [1]} : vector<16xf32> to vector<1xf32>
        %squeeze3A_3244 = vector.extract %slice3A_3243[0] : f32 from vector<1xf32>
        %broadcast_in_dim3A_3245 = vector.broadcast %squeeze3A_3244 : f32 to vector<16xf32>
        %pack3A_3246 = tpu.pack_subelements %broadcast_in_dim3A_3245, %broadcast_in_dim3A_3245 {pack_format = #tpu.pack_format<interleaved>, positions = array<i32: 0, 1>} : vector<16xf32>, vector<16xf32> -> vector<32xbf16>
        %mul3A_3247 = arith.mulf %pack3A_3246, %get3A_7 : vector<32xbf16>
        %add3A_3248 = arith.addf %mul3A_3237, %mul3A_3247 : vector<32xbf16>
        %mul3A_3249 = arith.mulf %pack3A_3246, %get3A_9 : vector<32xbf16>
        %add3A_3250 = arith.addf %mul3A_3242, %mul3A_3249 : vector<32xbf16>
        %slice3A_3251 = vector.extract_strided_slice %get3A_3232 {offsets = [2], sizes = [1], strides = [1]} : vector<16xf32> to vector<1xf32>
        %squeeze3A_3252 = vector.extract %slice3A_3251[0] : f32 from vector<1xf32>
        %broadcast_in_dim3A_3253 = vector.broadcast %squeeze3A_3252 : f32 to vector<16xf32>
        %pack3A_3254 = tpu.pack_subelements %broadcast_in_dim3A_3253, %broadcast_in_dim3A_3253 {pack_format = #tpu.pack_format<interleaved>, positions = array<i32: 0, 1>} : vector<16xf32>, vector<16xf32> -> vector<32xbf16>
        %mul3A_3255 = arith.mulf %pack3A_3254, %get3A_11 : vector<32xbf16>
        %add3A_3256 = arith.addf %add3A_3248, %mul3A_3255 : vector<32xbf16>
        %mul3A_3257 = arith.mulf %pack3A_3254, %get3A_13 : vector<32xbf16>
        %add3A_3258 = arith.addf %add3A_3250, %mul3A_3257 : vector<32xbf16>
        %slice3A_3259 = vector.extract_strided_slice %get3A_3232 {offsets = [3], sizes = [1], strides = [1]} : vector<16xf32> to vector<1xf32>
        %squeeze3A_3260 = vector.extract %slice3A_3259[0] : f32 from vector<1xf32>
        %broadcast_in_dim3A_3261 = vector.broadcast %squeeze3A_3260 : f32 to vector<16xf32>
        %pack3A_3262 = tpu.pack_subelements %broadcast_in_dim3A_3261, %broadcast_in_dim3A_3261 {pack_format = #tpu.pack_format<interleaved>, positions = array<i32: 0, 1>} : vector<16xf32>, vector<16xf32> -> vector<32xbf16>
        %mul3A_3263 = arith.mulf %pack3A_3262, %get3A_15 : vector<32xbf16>
        %add3A_3264 = arith.addf %add3A_3256, %mul3A_3263 : vector<32xbf16>
        %mul3A_3265 = arith.mulf %pack3A_3262, %get3A_17 : vector<32xbf16>
        %add3A_3266 = arith.addf %add3A_3258, %mul3A_3265 : vector<32xbf16>
        %slice3A_3267 = vector.extract_strided_slice %get3A_3232 {offsets = [4], sizes = [1], strides = [1]} : vector<16xf32> to vector<1xf32>
        %squeeze3A_3268 = vector.extract %slice3A_3267[0] : f32 from vector<1xf32>
        %broadcast_in_dim3A_3269 = vector.broadcast %squeeze3A_3268 : f32 to vector<16xf32>
        %pack3A_3270 = tpu.pack_subelements %broadcast_in_dim3A_3269, %broadcast_in_dim3A_3269 {pack_format = #tpu.pack_format<interleaved>, positions = array<i32: 0, 1>} : vector<16xf32>, vector<16xf32> -> vector<32xbf16>
        %mul3A_3271 = arith.mulf %pack3A_3270, %get3A_19 : vector<32xbf16>
        %add3A_3272 = arith.addf %add3A_3264, %mul3A_3271 : vector<32xbf16>
        %mul3A_3273 = arith.mulf %pack3A_3270, %get3A_21 : vector<32xbf16>
        %add3A_3274 = arith.addf %add3A_3266, %mul3A_3273 : vector<32xbf16>
        %slice3A_3275 = vector.extract_strided_slice %get3A_3232 {offsets = [5], sizes = [1], strides = [1]} : vector<16xf32> to vector<1xf32>
        %squeeze3A_3276 = vector.extract %slice3A_3275[0] : f32 from vector<1xf32>
        %broadcast_in_dim3A_3277 = vector.broadcast %squeeze3A_3276 : f32 to vector<16xf32>
        %pack3A_3278 = tpu.pack_subelements %broadcast_in_dim3A_3277, %broadcast_in_dim3A_3277 {pack_format = #tpu.pack_format<interleaved>, positions = array<i32: 0, 1>} : vector<16xf32>, vector<16xf32> -> vector<32xbf16>
        %mul3A_3279 = arith.mulf %pack3A_3278, %get3A_23 : vector<32xbf16>
        %add3A_3280 = arith.addf %add3A_3272, %mul3A_3279 : vector<32xbf16>
        %mul3A_3281 = arith.mulf %pack3A_3278, %get3A_25 : vector<32xbf16>
        %add3A_3282 = arith.addf %add3A_3274, %mul3A_3281 : vector<32xbf16>
        %slice3A_3283 = vector.extract_strided_slice %get3A_3232 {offsets = [6], sizes = [1], strides = [1]} : vector<16xf32> to vector<1xf32>
        %squeeze3A_3284 = vector.extract %slice3A_3283[0] : f32 from vector<1xf32>
        %broadcast_in_dim3A_3285 = vector.broadcast %squeeze3A_3284 : f32 to vector<16xf32>
        %pack3A_3286 = tpu.pack_subelements %broadcast_in_dim3A_3285, %broadcast_in_dim3A_3285 {pack_format = #tpu.pack_format<interleaved>, positions = array<i32: 0, 1>} : vector<16xf32>, vector<16xf32> -> vector<32xbf16>
        %mul3A_3287 = arith.mulf %pack3A_3286, %get3A_27 : vector<32xbf16>
        %add3A_3288 = arith.addf %add3A_3280, %mul3A_3287 : vector<32xbf16>
        %mul3A_3289 = arith.mulf %pack3A_3286, %get3A_29 : vector<32xbf16>
        %add3A_3290 = arith.addf %add3A_3282, %mul3A_3289 : vector<32xbf16>
        %slice3A_3291 = vector.extract_strided_slice %get3A_3232 {offsets = [7], sizes = [1], strides = [1]} : vector<16xf32> to vector<1xf32>
        %squeeze3A_3292 = vector.extract %slice3A_3291[0] : f32 from vector<1xf32>
        %broadcast_in_dim3A_3293 = vector.broadcast %squeeze3A_3292 : f32 to vector<16xf32>
        %pack3A_3294 = tpu.pack_subelements %broadcast_in_dim3A_3293, %broadcast_in_dim3A_3293 {pack_format = #tpu.pack_format<interleaved>, positions = array<i32: 0, 1>} : vector<16xf32>, vector<16xf32> -> vector<32xbf16>
        %mul3A_3295 = arith.mulf %pack3A_3294, %get3A_31 : vector<32xbf16>
        %add3A_3296 = arith.addf %add3A_3288, %mul3A_3295 : vector<32xbf16>
        %mul3A_3297 = arith.mulf %pack3A_3294, %get3A_33 : vector<32xbf16>
        %add3A_3298 = arith.addf %add3A_3290, %mul3A_3297 : vector<32xbf16>
        %slice3A_3299 = vector.extract_strided_slice %get3A_3232 {offsets = [8], sizes = [1], strides = [1]} : vector<16xf32> to vector<1xf32>
        %squeeze3A_3300 = vector.extract %slice3A_3299[0] : f32 from vector<1xf32>
        %broadcast_in_dim3A_3301 = vector.broadcast %squeeze3A_3300 : f32 to vector<16xf32>
        %pack3A_3302 = tpu.pack_subelements %broadcast_in_dim3A_3301, %broadcast_in_dim3A_3301 {pack_format = #tpu.pack_format<interleaved>, positions = array<i32: 0, 1>} : vector<16xf32>, vector<16xf32> -> vector<32xbf16>
        %mul3A_3303 = arith.mulf %pack3A_3302, %get3A_35 : vector<32xbf16>
        %add3A_3304 = arith.addf %add3A_3296, %mul3A_3303 : vector<32xbf16>
        %mul3A_3305 = arith.mulf %pack3A_3302, %get3A_37 : vector<32xbf16>
        %add3A_3306 = arith.addf %add3A_3298, %mul3A_3305 : vector<32xbf16>
        %slice3A_3307 = vector.extract_strided_slice %get3A_3232 {offsets = [9], sizes = [1], strides = [1]} : vector<16xf32> to vector<1xf32>
        %squeeze3A_3308 = vector.extract %slice3A_3307[0] : f32 from vector<1xf32>
        %broadcast_in_dim3A_3309 = vector.broadcast %squeeze3A_3308 : f32 to vector<16xf32>
        %pack3A_3310 = tpu.pack_subelements %broadcast_in_dim3A_3309, %broadcast_in_dim3A_3309 {pack_format = #tpu.pack_format<interleaved>, positions = array<i32: 0, 1>} : vector<16xf32>, vector<16xf32> -> vector<32xbf16>
        %mul3A_3311 = arith.mulf %pack3A_3310, %get3A_39 : vector<32xbf16>
        %add3A_3312 = arith.addf %add3A_3304, %mul3A_3311 : vector<32xbf16>
        %mul3A_3313 = arith.mulf %pack3A_3310, %get3A_41 : vector<32xbf16>
        %add3A_3314 = arith.addf %add3A_3306, %mul3A_3313 : vector<32xbf16>
        %slice3A_3315 = vector.extract_strided_slice %get3A_3232 {offsets = [10], sizes = [1], strides = [1]} : vector<16xf32> to vector<1xf32>
        %squeeze3A_3316 = vector.extract %slice3A_3315[0] : f32 from vector<1xf32>
        %broadcast_in_dim3A_3317 = vector.broadcast %squeeze3A_3316 : f32 to vector<16xf32>
        %pack3A_3318 = tpu.pack_subelements %broadcast_in_dim3A_3317, %broadcast_in_dim3A_3317 {pack_format = #tpu.pack_format<interleaved>, positions = array<i32: 0, 1>} : vector<16xf32>, vector<16xf32> -> vector<32xbf16>
        %mul3A_3319 = arith.mulf %pack3A_3318, %get3A_43 : vector<32xbf16>
        %add3A_3320 = arith.addf %add3A_3312, %mul3A_3319 : vector<32xbf16>
        %mul3A_3321 = arith.mulf %pack3A_3318, %get3A_45 : vector<32xbf16>
        %add3A_3322 = arith.addf %add3A_3314, %mul3A_3321 : vector<32xbf16>
        %slice3A_3323 = vector.extract_strided_slice %get3A_3232 {offsets = [11], sizes = [1], strides = [1]} : vector<16xf32> to vector<1xf32>
        %squeeze3A_3324 = vector.extract %slice3A_3323[0] : f32 from vector<1xf32>
        %broadcast_in_dim3A_3325 = vector.broadcast %squeeze3A_3324 : f32 to vector<16xf32>
        %pack3A_3326 = tpu.pack_subelements %broadcast_in_dim3A_3325, %broadcast_in_dim3A_3325 {pack_format = #tpu.pack_format<interleaved>, positions = array<i32: 0, 1>} : vector<16xf32>, vector<16xf32> -> vector<32xbf16>
        %mul3A_3327 = arith.mulf %pack3A_3326, %get3A_47 : vector<32xbf16>
        %add3A_3328 = arith.addf %add3A_3320, %mul3A_3327 : vector<32xbf16>
        %mul3A_3329 = arith.mulf %pack3A_3326, %get3A_49 : vector<32xbf16>
        %add3A_3330 = arith.addf %add3A_3322, %mul3A_3329 : vector<32xbf16>
        %slice3A_3331 = vector.extract_strided_slice %get3A_3232 {offsets = [12], sizes = [1], strides = [1]} : vector<16xf32> to vector<1xf32>
        %squeeze3A_3332 = vector.extract %slice3A_3331[0] : f32 from vector<1xf32>
        %broadcast_in_dim3A_3333 = vector.broadcast %squeeze3A_3332 : f32 to vector<16xf32>
        %pack3A_3334 = tpu.pack_subelements %broadcast_in_dim3A_3333, %broadcast_in_dim3A_3333 {pack_format = #tpu.pack_format<interleaved>, positions = array<i32: 0, 1>} : vector<16xf32>, vector<16xf32> -> vector<32xbf16>
        %mul3A_3335 = arith.mulf %pack3A_3334, %get3A_51 : vector<32xbf16>
        %add3A_3336 = arith.addf %add3A_3328, %mul3A_3335 : vector<32xbf16>
        %mul3A_3337 = arith.mulf %pack3A_3334, %get3A_53 : vector<32xbf16>
        %add3A_3338 = arith.addf %add3A_3330, %mul3A_3337 : vector<32xbf16>
        %slice3A_3339 = vector.extract_strided_slice %get3A_3232 {offsets = [13], sizes = [1], strides = [1]} : vector<16xf32> to vector<1xf32>
        %squeeze3A_3340 = vector.extract %slice3A_3339[0] : f32 from vector<1xf32>
        %broadcast_in_dim3A_3341 = vector.broadcast %squeeze3A_3340 : f32 to vector<16xf32>
        %pack3A_3342 = tpu.pack_subelements %broadcast_in_dim3A_3341, %broadcast_in_dim3A_3341 {pack_format = #tpu.pack_format<interleaved>, positions = array<i32: 0, 1>} : vector<16xf32>, vector<16xf32> -> vector<32xbf16>
        %mul3A_3343 = arith.mulf %pack3A_3342, %get3A_55 : vector<32xbf16>
        %add3A_3344 = arith.addf %add3A_3336, %mul3A_3343 : vector<32xbf16>
        %mul3A_3345 = arith.mulf %pack3A_3342, %get3A_57 : vector<32xbf16>
        %add3A_3346 = arith.addf %add3A_3338, %mul3A_3345 : vector<32xbf16>
        %slice3A_3347 = vector.extract_strided_slice %get3A_3232 {offsets = [14], sizes = [1], strides = [1]} : vector<16xf32> to vector<1xf32>
        %squeeze3A_3348 = vector.extract %slice3A_3347[0] : f32 from vector<1xf32>
        %broadcast_in_dim3A_3349 = vector.broadcast %squeeze3A_3348 : f32 to vector<16xf32>
        %pack3A_3350 = tpu.pack_subelements %broadcast_in_dim3A_3349, %broadcast_in_dim3A_3349 {pack_format = #tpu.pack_format<interleaved>, positions = array<i32: 0, 1>} : vector<16xf32>, vector<16xf32> -> vector<32xbf16>
        %mul3A_3351 = arith.mulf %pack3A_3350, %get3A_59 : vector<32xbf16>
        %add3A_3352 = arith.addf %add3A_3344, %mul3A_3351 : vector<32xbf16>
        %mul3A_3353 = arith.mulf %pack3A_3350, %get3A_61 : vector<32xbf16>
        %add3A_3354 = arith.addf %add3A_3346, %mul3A_3353 : vector<32xbf16>
        %slice3A_3355 = vector.extract_strided_slice %get3A_3232 {offsets = [15], sizes = [1], strides = [1]} : vector<16xf32> to vector<1xf32>
        %squeeze3A_3356 = vector.extract %slice3A_3355[0] : f32 from vector<1xf32>
        %broadcast_in_dim3A_3357 = vector.broadcast %squeeze3A_3356 : f32 to vector<16xf32>
        %pack3A_3358 = tpu.pack_subelements %broadcast_in_dim3A_3357, %broadcast_in_dim3A_3357 {pack_format = #tpu.pack_format<interleaved>, positions = array<i32: 0, 1>} : vector<16xf32>, vector<16xf32> -> vector<32xbf16>
        %mul3A_3359 = arith.mulf %pack3A_3358, %get3A_63 : vector<32xbf16>
        %add3A_3360 = arith.addf %add3A_3352, %mul3A_3359 : vector<32xbf16>
        %mul3A_3361 = arith.mulf %pack3A_3358, %get3A_65 : vector<32xbf16>
        %add3A_3362 = arith.addf %add3A_3354, %mul3A_3361 : vector<32xbf16>
        %unpack3A_3363 = tpu.unpack_subelements %add3A_3360, 0 {pack_format = #tpu.pack_format<interleaved>} : vector<32xbf16> -> vector<16xf32>
        %unpack3A_3364 = tpu.unpack_subelements %add3A_3360, 1 {pack_format = #tpu.pack_format<interleaved>} : vector<32xbf16> -> vector<16xf32>
        %add3A_3365 = arith.constant 0 : i32
        %add3A_3366 = arith.addi %squeeze3A_3228, %add3A_3365 : i32
        %get3A_3367 = arith.index_cast %rem3A_450 : i32 to index
        %get3A_3368 = arith.index_cast %add3A_3226 : i32 to index
        %get3A_3369 = arith.index_cast %add3A_3366 : i32 to index
        %get3A_3370 = tpu.vector_load %arg9[%get3A_3367, %get3A_3368, %get3A_3369] {strides = array<i32>} : memref<2x256x128xf32, #tpu.memory_space<vmem>>, vector<16xf32>,
        %add3A_3371 = arith.addf %get3A_3370, %unpack3A_3363 : vector<16xf32>
        %swap3A_3372 = arith.index_cast %rem3A_450 : i32 to index
        %swap3A_3373 = arith.index_cast %add3A_3226 : i32 to index
        %swap3A_3374 = arith.constant 0 : index
        %swap3A_3375 = tpu.vector_load %arg11[%swap3A_3372, %swap3A_3373, %swap3A_3374] {strides = array<i32>} : memref<2x256x64xf32, #tpu.memory_space<vmem>>, vector<16xf32>,
        tpu.vector_store %arg11[%swap3A_3372, %swap3A_3373, %swap3A_3374], %add3A_3371 {strides = array<i32>} : memref<2x256x64xf32, #tpu.memory_space<vmem>>, vector<16xf32>,
        %add3A_3376 = arith.constant 16 : i32
        %add3A_3377 = arith.addi %squeeze3A_3228, %add3A_3376 : i32
        %get3A_3378 = arith.index_cast %rem3A_450 : i32 to index
        %get3A_3379 = arith.index_cast %add3A_3226 : i32 to index
        %get3A_3380 = arith.index_cast %add3A_3377 : i32 to index
        %get3A_3381 = tpu.vector_load %arg9[%get3A_3378, %get3A_3379, %get3A_3380] {strides = array<i32>} : memref<2x256x128xf32, #tpu.memory_space<vmem>>, vector<16xf32>,
        %add3A_3382 = arith.addf %get3A_3381, %unpack3A_3364 : vector<16xf32>
        %swap3A_3383 = arith.index_cast %rem3A_450 : i32 to index
        %swap3A_3384 = arith.index_cast %add3A_3226 : i32 to index
        %swap3A_3385 = arith.constant 16 : index
        %swap3A_3386 = tpu.vector_load %arg11[%swap3A_3383, %swap3A_3384, %swap3A_3385] {strides = array<i32>} : memref<2x256x64xf32, #tpu.memory_space<vmem>>, vector<16xf32>,
        tpu.vector_store %arg11[%swap3A_3383, %swap3A_3384, %swap3A_3385], %add3A_3382 {strides = array<i32>} : memref<2x256x64xf32, #tpu.memory_space<vmem>>, vector<16xf32>,
        %unpack3A_3387 = tpu.unpack_subelements %add3A_3362, 0 {pack_format = #tpu.pack_format<interleaved>} : vector<32xbf16> -> vector<16xf32>
        %unpack3A_3388 = tpu.unpack_subelements %add3A_3362, 1 {pack_format = #tpu.pack_format<interleaved>} : vector<32xbf16> -> vector<16xf32>
        %add3A_3389 = arith.constant 32 : i32
        %add3A_3390 = arith.addi %squeeze3A_3228, %add3A_3389 : i32
        %get3A_3391 = arith.index_cast %rem3A_450 : i32 to index
        %get3A_3392 = arith.index_cast %add3A_3226 : i32 to index
        %get3A_3393 = arith.index_cast %add3A_3390 : i32 to index
        %get3A_3394 = tpu.vector_load %arg9[%get3A_3391, %get3A_3392, %get3A_3393] {strides = array<i32>} : memref<2x256x128xf32, #tpu.memory_space<vmem>>, vector<16xf32>,
        %add3A_3395 = arith.addf %get3A_3394, %unpack3A_3387 : vector<16xf32>
        %swap3A_3396 = arith.index_cast %rem3A_450 : i32 to index
        %swap3A_3397 = arith.index_cast %add3A_3226 : i32 to index
        %swap3A_3398 = arith.constant 32 : index
        %swap3A_3399 = tpu.vector_load %arg11[%swap3A_3396, %swap3A_3397, %swap3A_3398] {strides = array<i32>} : memref<2x256x64xf32, #tpu.memory_space<vmem>>, vector<16xf32>,
        tpu.vector_store %arg11[%swap3A_3396, %swap3A_3397, %swap3A_3398], %add3A_3395 {strides = array<i32>} : memref<2x256x64xf32, #tpu.memory_space<vmem>>, vector<16xf32>,
        %add3A_3400 = arith.constant 48 : i32
        %add3A_3401 = arith.addi %squeeze3A_3228, %add3A_3400 : i32
        %get3A_3402 = arith.index_cast %rem3A_450 : i32 to index
        %get3A_3403 = arith.index_cast %add3A_3226 : i32 to index
        %get3A_3404 = arith.index_cast %add3A_3401 : i32 to index
        %get3A_3405 = tpu.vector_load %arg9[%get3A_3402, %get3A_3403, %get3A_3404] {strides = array<i32>} : memref<2x256x128xf32, #tpu.memory_space<vmem>>, vector<16xf32>,
        %add3A_3406 = arith.addf %get3A_3405, %unpack3A_3388 : vector<16xf32>
        %swap3A_3407 = arith.index_cast %rem3A_450 : i32 to index
        %swap3A_3408 = arith.index_cast %add3A_3226 : i32 to index
        %swap3A_3409 = arith.constant 48 : index
        %swap3A_3410 = tpu.vector_load %arg11[%swap3A_3407, %swap3A_3408, %swap3A_3409] {strides = array<i32>} : memref<2x256x64xf32, #tpu.memory_space<vmem>>, vector<16xf32>,
        tpu.vector_store %arg11[%swap3A_3407, %swap3A_3408, %swap3A_3409], %add3A_3406 {strides = array<i32>} : memref<2x256x64xf32, #tpu.memory_space<vmem>>, vector<16xf32>,
        %mul3A_3411 = arith.constant 16 : i32
        %mul3A_3412 = arith.muli %scan3A_773, %mul3A_3411 : i32
        %add3A_3413 = arith.constant 14 : i32
        %add3A_3414 = arith.addi %mul3A_3412, %add3A_3413 : i32
        %slice3A_3415 = vector.extract_strided_slice %mul3A_783 {offsets = [14], sizes = [1], strides = [1]} : vector<16xi32> to vector<1xi32>
        %squeeze3A_3416 = vector.extract %slice3A_3415[0] : i32 from vector<1xi32>
        %get3A_3417 = arith.index_cast %rem3A_450 : i32 to index
        %get3A_3418 = arith.index_cast %add3A_3414 : i32 to index
        %get3A_3419 = arith.constant 0 : index
        %get3A_3420 = tpu.vector_load %arg10[%get3A_3417, %get3A_3418, %get3A_3419] {strides = array<i32>} : memref<2x256x16xf32, #tpu.memory_space<vmem>>, vector<16xf32>,
        %slice3A_3421 = vector.extract_strided_slice %get3A_3420 {offsets = [0], sizes = [1], strides = [1]} : vector<16xf32> to vector<1xf32>
        %squeeze3A_3422 = vector.extract %slice3A_3421[0] : f32 from vector<1xf32>
        %broadcast_in_dim3A_3423 = vector.broadcast %squeeze3A_3422 : f32 to vector<16xf32>
        %pack3A_3424 = tpu.pack_subelements %broadcast_in_dim3A_3423, %broadcast_in_dim3A_3423 {pack_format = #tpu.pack_format<interleaved>, positions = array<i32: 0, 1>} : vector<16xf32>, vector<16xf32> -> vector<32xbf16>
        %mul3A_3425 = arith.mulf %pack3A_3424, %get3A_3 : vector<32xbf16>
        %slice3A_3426 = vector.extract_strided_slice %get3A_3420 {offsets = [0], sizes = [1], strides = [1]} : vector<16xf32> to vector<1xf32>
        %squeeze3A_3427 = vector.extract %slice3A_3426[0] : f32 from vector<1xf32>
        %broadcast_in_dim3A_3428 = vector.broadcast %squeeze3A_3427 : f32 to vector<16xf32>
        %pack3A_3429 = tpu.pack_subelements %broadcast_in_dim3A_3428, %broadcast_in_dim3A_3428 {pack_format = #tpu.pack_format<interleaved>, positions = array<i32: 0, 1>} : vector<16xf32>, vector<16xf32> -> vector<32xbf16>
        %mul3A_3430 = arith.mulf %pack3A_3429, %get3A_5 : vector<32xbf16>
        %slice3A_3431 = vector.extract_strided_slice %get3A_3420 {offsets = [1], sizes = [1], strides = [1]} : vector<16xf32> to vector<1xf32>
        %squeeze3A_3432 = vector.extract %slice3A_3431[0] : f32 from vector<1xf32>
        %broadcast_in_dim3A_3433 = vector.broadcast %squeeze3A_3432 : f32 to vector<16xf32>
        %pack3A_3434 = tpu.pack_subelements %broadcast_in_dim3A_3433, %broadcast_in_dim3A_3433 {pack_format = #tpu.pack_format<interleaved>, positions = array<i32: 0, 1>} : vector<16xf32>, vector<16xf32> -> vector<32xbf16>
        %mul3A_3435 = arith.mulf %pack3A_3434, %get3A_7 : vector<32xbf16>
        %add3A_3436 = arith.addf %mul3A_3425, %mul3A_3435 : vector<32xbf16>
        %mul3A_3437 = arith.mulf %pack3A_3434, %get3A_9 : vector<32xbf16>
        %add3A_3438 = arith.addf %mul3A_3430, %mul3A_3437 : vector<32xbf16>
        %slice3A_3439 = vector.extract_strided_slice %get3A_3420 {offsets = [2], sizes = [1], strides = [1]} : vector<16xf32> to vector<1xf32>
        %squeeze3A_3440 = vector.extract %slice3A_3439[0] : f32 from vector<1xf32>
        %broadcast_in_dim3A_3441 = vector.broadcast %squeeze3A_3440 : f32 to vector<16xf32>
        %pack3A_3442 = tpu.pack_subelements %broadcast_in_dim3A_3441, %broadcast_in_dim3A_3441 {pack_format = #tpu.pack_format<interleaved>, positions = array<i32: 0, 1>} : vector<16xf32>, vector<16xf32> -> vector<32xbf16>
        %mul3A_3443 = arith.mulf %pack3A_3442, %get3A_11 : vector<32xbf16>
        %add3A_3444 = arith.addf %add3A_3436, %mul3A_3443 : vector<32xbf16>
        %mul3A_3445 = arith.mulf %pack3A_3442, %get3A_13 : vector<32xbf16>
        %add3A_3446 = arith.addf %add3A_3438, %mul3A_3445 : vector<32xbf16>
        %slice3A_3447 = vector.extract_strided_slice %get3A_3420 {offsets = [3], sizes = [1], strides = [1]} : vector<16xf32> to vector<1xf32>
        %squeeze3A_3448 = vector.extract %slice3A_3447[0] : f32 from vector<1xf32>
        %broadcast_in_dim3A_3449 = vector.broadcast %squeeze3A_3448 : f32 to vector<16xf32>
        %pack3A_3450 = tpu.pack_subelements %broadcast_in_dim3A_3449, %broadcast_in_dim3A_3449 {pack_format = #tpu.pack_format<interleaved>, positions = array<i32: 0, 1>} : vector<16xf32>, vector<16xf32> -> vector<32xbf16>
        %mul3A_3451 = arith.mulf %pack3A_3450, %get3A_15 : vector<32xbf16>
        %add3A_3452 = arith.addf %add3A_3444, %mul3A_3451 : vector<32xbf16>
        %mul3A_3453 = arith.mulf %pack3A_3450, %get3A_17 : vector<32xbf16>
        %add3A_3454 = arith.addf %add3A_3446, %mul3A_3453 : vector<32xbf16>
        %slice3A_3455 = vector.extract_strided_slice %get3A_3420 {offsets = [4], sizes = [1], strides = [1]} : vector<16xf32> to vector<1xf32>
        %squeeze3A_3456 = vector.extract %slice3A_3455[0] : f32 from vector<1xf32>
        %broadcast_in_dim3A_3457 = vector.broadcast %squeeze3A_3456 : f32 to vector<16xf32>
        %pack3A_3458 = tpu.pack_subelements %broadcast_in_dim3A_3457, %broadcast_in_dim3A_3457 {pack_format = #tpu.pack_format<interleaved>, positions = array<i32: 0, 1>} : vector<16xf32>, vector<16xf32> -> vector<32xbf16>
        %mul3A_3459 = arith.mulf %pack3A_3458, %get3A_19 : vector<32xbf16>
        %add3A_3460 = arith.addf %add3A_3452, %mul3A_3459 : vector<32xbf16>
        %mul3A_3461 = arith.mulf %pack3A_3458, %get3A_21 : vector<32xbf16>
        %add3A_3462 = arith.addf %add3A_3454, %mul3A_3461 : vector<32xbf16>
        %slice3A_3463 = vector.extract_strided_slice %get3A_3420 {offsets = [5], sizes = [1], strides = [1]} : vector<16xf32> to vector<1xf32>
        %squeeze3A_3464 = vector.extract %slice3A_3463[0] : f32 from vector<1xf32>
        %broadcast_in_dim3A_3465 = vector.broadcast %squeeze3A_3464 : f32 to vector<16xf32>
        %pack3A_3466 = tpu.pack_subelements %broadcast_in_dim3A_3465, %broadcast_in_dim3A_3465 {pack_format = #tpu.pack_format<interleaved>, positions = array<i32: 0, 1>} : vector<16xf32>, vector<16xf32> -> vector<32xbf16>
        %mul3A_3467 = arith.mulf %pack3A_3466, %get3A_23 : vector<32xbf16>
        %add3A_3468 = arith.addf %add3A_3460, %mul3A_3467 : vector<32xbf16>
        %mul3A_3469 = arith.mulf %pack3A_3466, %get3A_25 : vector<32xbf16>
        %add3A_3470 = arith.addf %add3A_3462, %mul3A_3469 : vector<32xbf16>
        %slice3A_3471 = vector.extract_strided_slice %get3A_3420 {offsets = [6], sizes = [1], strides = [1]} : vector<16xf32> to vector<1xf32>
        %squeeze3A_3472 = vector.extract %slice3A_3471[0] : f32 from vector<1xf32>
        %broadcast_in_dim3A_3473 = vector.broadcast %squeeze3A_3472 : f32 to vector<16xf32>
        %pack3A_3474 = tpu.pack_subelements %broadcast_in_dim3A_3473, %broadcast_in_dim3A_3473 {pack_format = #tpu.pack_format<interleaved>, positions = array<i32: 0, 1>} : vector<16xf32>, vector<16xf32> -> vector<32xbf16>
        %mul3A_3475 = arith.mulf %pack3A_3474, %get3A_27 : vector<32xbf16>
        %add3A_3476 = arith.addf %add3A_3468, %mul3A_3475 : vector<32xbf16>
        %mul3A_3477 = arith.mulf %pack3A_3474, %get3A_29 : vector<32xbf16>
        %add3A_3478 = arith.addf %add3A_3470, %mul3A_3477 : vector<32xbf16>
        %slice3A_3479 = vector.extract_strided_slice %get3A_3420 {offsets = [7], sizes = [1], strides = [1]} : vector<16xf32> to vector<1xf32>
        %squeeze3A_3480 = vector.extract %slice3A_3479[0] : f32 from vector<1xf32>
        %broadcast_in_dim3A_3481 = vector.broadcast %squeeze3A_3480 : f32 to vector<16xf32>
        %pack3A_3482 = tpu.pack_subelements %broadcast_in_dim3A_3481, %broadcast_in_dim3A_3481 {pack_format = #tpu.pack_format<interleaved>, positions = array<i32: 0, 1>} : vector<16xf32>, vector<16xf32> -> vector<32xbf16>
        %mul3A_3483 = arith.mulf %pack3A_3482, %get3A_31 : vector<32xbf16>
        %add3A_3484 = arith.addf %add3A_3476, %mul3A_3483 : vector<32xbf16>
        %mul3A_3485 = arith.mulf %pack3A_3482, %get3A_33 : vector<32xbf16>
        %add3A_3486 = arith.addf %add3A_3478, %mul3A_3485 : vector<32xbf16>
        %slice3A_3487 = vector.extract_strided_slice %get3A_3420 {offsets = [8], sizes = [1], strides = [1]} : vector<16xf32> to vector<1xf32>
        %squeeze3A_3488 = vector.extract %slice3A_3487[0] : f32 from vector<1xf32>
        %broadcast_in_dim3A_3489 = vector.broadcast %squeeze3A_3488 : f32 to vector<16xf32>
        %pack3A_3490 = tpu.pack_subelements %broadcast_in_dim3A_3489, %broadcast_in_dim3A_3489 {pack_format = #tpu.pack_format<interleaved>, positions = array<i32: 0, 1>} : vector<16xf32>, vector<16xf32> -> vector<32xbf16>
        %mul3A_3491 = arith.mulf %pack3A_3490, %get3A_35 : vector<32xbf16>
        %add3A_3492 = arith.addf %add3A_3484, %mul3A_3491 : vector<32xbf16>
        %mul3A_3493 = arith.mulf %pack3A_3490, %get3A_37 : vector<32xbf16>
        %add3A_3494 = arith.addf %add3A_3486, %mul3A_3493 : vector<32xbf16>
        %slice3A_3495 = vector.extract_strided_slice %get3A_3420 {offsets = [9], sizes = [1], strides = [1]} : vector<16xf32> to vector<1xf32>
        %squeeze3A_3496 = vector.extract %slice3A_3495[0] : f32 from vector<1xf32>
        %broadcast_in_dim3A_3497 = vector.broadcast %squeeze3A_3496 : f32 to vector<16xf32>
        %pack3A_3498 = tpu.pack_subelements %broadcast_in_dim3A_3497, %broadcast_in_dim3A_3497 {pack_format = #tpu.pack_format<interleaved>, positions = array<i32: 0, 1>} : vector<16xf32>, vector<16xf32> -> vector<32xbf16>
        %mul3A_3499 = arith.mulf %pack3A_3498, %get3A_39 : vector<32xbf16>
        %add3A_3500 = arith.addf %add3A_3492, %mul3A_3499 : vector<32xbf16>
        %mul3A_3501 = arith.mulf %pack3A_3498, %get3A_41 : vector<32xbf16>
        %add3A_3502 = arith.addf %add3A_3494, %mul3A_3501 : vector<32xbf16>
        %slice3A_3503 = vector.extract_strided_slice %get3A_3420 {offsets = [10], sizes = [1], strides = [1]} : vector<16xf32> to vector<1xf32>
        %squeeze3A_3504 = vector.extract %slice3A_3503[0] : f32 from vector<1xf32>
        %broadcast_in_dim3A_3505 = vector.broadcast %squeeze3A_3504 : f32 to vector<16xf32>
        %pack3A_3506 = tpu.pack_subelements %broadcast_in_dim3A_3505, %broadcast_in_dim3A_3505 {pack_format = #tpu.pack_format<interleaved>, positions = array<i32: 0, 1>} : vector<16xf32>, vector<16xf32> -> vector<32xbf16>
        %mul3A_3507 = arith.mulf %pack3A_3506, %get3A_43 : vector<32xbf16>
        %add3A_3508 = arith.addf %add3A_3500, %mul3A_3507 : vector<32xbf16>
        %mul3A_3509 = arith.mulf %pack3A_3506, %get3A_45 : vector<32xbf16>
        %add3A_3510 = arith.addf %add3A_3502, %mul3A_3509 : vector<32xbf16>
        %slice3A_3511 = vector.extract_strided_slice %get3A_3420 {offsets = [11], sizes = [1], strides = [1]} : vector<16xf32> to vector<1xf32>
        %squeeze3A_3512 = vector.extract %slice3A_3511[0] : f32 from vector<1xf32>
        %broadcast_in_dim3A_3513 = vector.broadcast %squeeze3A_3512 : f32 to vector<16xf32>
        %pack3A_3514 = tpu.pack_subelements %broadcast_in_dim3A_3513, %broadcast_in_dim3A_3513 {pack_format = #tpu.pack_format<interleaved>, positions = array<i32: 0, 1>} : vector<16xf32>, vector<16xf32> -> vector<32xbf16>
        %mul3A_3515 = arith.mulf %pack3A_3514, %get3A_47 : vector<32xbf16>
        %add3A_3516 = arith.addf %add3A_3508, %mul3A_3515 : vector<32xbf16>
        %mul3A_3517 = arith.mulf %pack3A_3514, %get3A_49 : vector<32xbf16>
        %add3A_3518 = arith.addf %add3A_3510, %mul3A_3517 : vector<32xbf16>
        %slice3A_3519 = vector.extract_strided_slice %get3A_3420 {offsets = [12], sizes = [1], strides = [1]} : vector<16xf32> to vector<1xf32>
        %squeeze3A_3520 = vector.extract %slice3A_3519[0] : f32 from vector<1xf32>
        %broadcast_in_dim3A_3521 = vector.broadcast %squeeze3A_3520 : f32 to vector<16xf32>
        %pack3A_3522 = tpu.pack_subelements %broadcast_in_dim3A_3521, %broadcast_in_dim3A_3521 {pack_format = #tpu.pack_format<interleaved>, positions = array<i32: 0, 1>} : vector<16xf32>, vector<16xf32> -> vector<32xbf16>
        %mul3A_3523 = arith.mulf %pack3A_3522, %get3A_51 : vector<32xbf16>
        %add3A_3524 = arith.addf %add3A_3516, %mul3A_3523 : vector<32xbf16>
        %mul3A_3525 = arith.mulf %pack3A_3522, %get3A_53 : vector<32xbf16>
        %add3A_3526 = arith.addf %add3A_3518, %mul3A_3525 : vector<32xbf16>
        %slice3A_3527 = vector.extract_strided_slice %get3A_3420 {offsets = [13], sizes = [1], strides = [1]} : vector<16xf32> to vector<1xf32>
        %squeeze3A_3528 = vector.extract %slice3A_3527[0] : f32 from vector<1xf32>
        %broadcast_in_dim3A_3529 = vector.broadcast %squeeze3A_3528 : f32 to vector<16xf32>
        %pack3A_3530 = tpu.pack_subelements %broadcast_in_dim3A_3529, %broadcast_in_dim3A_3529 {pack_format = #tpu.pack_format<interleaved>, positions = array<i32: 0, 1>} : vector<16xf32>, vector<16xf32> -> vector<32xbf16>
        %mul3A_3531 = arith.mulf %pack3A_3530, %get3A_55 : vector<32xbf16>
        %add3A_3532 = arith.addf %add3A_3524, %mul3A_3531 : vector<32xbf16>
        %mul3A_3533 = arith.mulf %pack3A_3530, %get3A_57 : vector<32xbf16>
        %add3A_3534 = arith.addf %add3A_3526, %mul3A_3533 : vector<32xbf16>
        %slice3A_3535 = vector.extract_strided_slice %get3A_3420 {offsets = [14], sizes = [1], strides = [1]} : vector<16xf32> to vector<1xf32>
        %squeeze3A_3536 = vector.extract %slice3A_3535[0] : f32 from vector<1xf32>
        %broadcast_in_dim3A_3537 = vector.broadcast %squeeze3A_3536 : f32 to vector<16xf32>
        %pack3A_3538 = tpu.pack_subelements %broadcast_in_dim3A_3537, %broadcast_in_dim3A_3537 {pack_format = #tpu.pack_format<interleaved>, positions = array<i32: 0, 1>} : vector<16xf32>, vector<16xf32> -> vector<32xbf16>
        %mul3A_3539 = arith.mulf %pack3A_3538, %get3A_59 : vector<32xbf16>
        %add3A_3540 = arith.addf %add3A_3532, %mul3A_3539 : vector<32xbf16>
        %mul3A_3541 = arith.mulf %pack3A_3538, %get3A_61 : vector<32xbf16>
        %add3A_3542 = arith.addf %add3A_3534, %mul3A_3541 : vector<32xbf16>
        %slice3A_3543 = vector.extract_strided_slice %get3A_3420 {offsets = [15], sizes = [1], strides = [1]} : vector<16xf32> to vector<1xf32>
        %squeeze3A_3544 = vector.extract %slice3A_3543[0] : f32 from vector<1xf32>
        %broadcast_in_dim3A_3545 = vector.broadcast %squeeze3A_3544 : f32 to vector<16xf32>
        %pack3A_3546 = tpu.pack_subelements %broadcast_in_dim3A_3545, %broadcast_in_dim3A_3545 {pack_format = #tpu.pack_format<interleaved>, positions = array<i32: 0, 1>} : vector<16xf32>, vector<16xf32> -> vector<32xbf16>
        %mul3A_3547 = arith.mulf %pack3A_3546, %get3A_63 : vector<32xbf16>
        %add3A_3548 = arith.addf %add3A_3540, %mul3A_3547 : vector<32xbf16>
        %mul3A_3549 = arith.mulf %pack3A_3546, %get3A_65 : vector<32xbf16>
        %add3A_3550 = arith.addf %add3A_3542, %mul3A_3549 : vector<32xbf16>
        %unpack3A_3551 = tpu.unpack_subelements %add3A_3548, 0 {pack_format = #tpu.pack_format<interleaved>} : vector<32xbf16> -> vector<16xf32>
        %unpack3A_3552 = tpu.unpack_subelements %add3A_3548, 1 {pack_format = #tpu.pack_format<interleaved>} : vector<32xbf16> -> vector<16xf32>
        %add3A_3553 = arith.constant 0 : i32
        %add3A_3554 = arith.addi %squeeze3A_3416, %add3A_3553 : i32
        %get3A_3555 = arith.index_cast %rem3A_450 : i32 to index
        %get3A_3556 = arith.index_cast %add3A_3414 : i32 to index
        %get3A_3557 = arith.index_cast %add3A_3554 : i32 to index
        %get3A_3558 = tpu.vector_load %arg9[%get3A_3555, %get3A_3556, %get3A_3557] {strides = array<i32>} : memref<2x256x128xf32, #tpu.memory_space<vmem>>, vector<16xf32>,
        %add3A_3559 = arith.addf %get3A_3558, %unpack3A_3551 : vector<16xf32>
        %swap3A_3560 = arith.index_cast %rem3A_450 : i32 to index
        %swap3A_3561 = arith.index_cast %add3A_3414 : i32 to index
        %swap3A_3562 = arith.constant 0 : index
        %swap3A_3563 = tpu.vector_load %arg11[%swap3A_3560, %swap3A_3561, %swap3A_3562] {strides = array<i32>} : memref<2x256x64xf32, #tpu.memory_space<vmem>>, vector<16xf32>,
        tpu.vector_store %arg11[%swap3A_3560, %swap3A_3561, %swap3A_3562], %add3A_3559 {strides = array<i32>} : memref<2x256x64xf32, #tpu.memory_space<vmem>>, vector<16xf32>,
        %add3A_3564 = arith.constant 16 : i32
        %add3A_3565 = arith.addi %squeeze3A_3416, %add3A_3564 : i32
        %get3A_3566 = arith.index_cast %rem3A_450 : i32 to index
        %get3A_3567 = arith.index_cast %add3A_3414 : i32 to index
        %get3A_3568 = arith.index_cast %add3A_3565 : i32 to index
        %get3A_3569 = tpu.vector_load %arg9[%get3A_3566, %get3A_3567, %get3A_3568] {strides = array<i32>} : memref<2x256x128xf32, #tpu.memory_space<vmem>>, vector<16xf32>,
        %add3A_3570 = arith.addf %get3A_3569, %unpack3A_3552 : vector<16xf32>
        %swap3A_3571 = arith.index_cast %rem3A_450 : i32 to index
        %swap3A_3572 = arith.index_cast %add3A_3414 : i32 to index
        %swap3A_3573 = arith.constant 16 : index
        %swap3A_3574 = tpu.vector_load %arg11[%swap3A_3571, %swap3A_3572, %swap3A_3573] {strides = array<i32>} : memref<2x256x64xf32, #tpu.memory_space<vmem>>, vector<16xf32>,
        tpu.vector_store %arg11[%swap3A_3571, %swap3A_3572, %swap3A_3573], %add3A_3570 {strides = array<i32>} : memref<2x256x64xf32, #tpu.memory_space<vmem>>, vector<16xf32>,
        %unpack3A_3575 = tpu.unpack_subelements %add3A_3550, 0 {pack_format = #tpu.pack_format<interleaved>} : vector<32xbf16> -> vector<16xf32>
        %unpack3A_3576 = tpu.unpack_subelements %add3A_3550, 1 {pack_format = #tpu.pack_format<interleaved>} : vector<32xbf16> -> vector<16xf32>
        %add3A_3577 = arith.constant 32 : i32
        %add3A_3578 = arith.addi %squeeze3A_3416, %add3A_3577 : i32
        %get3A_3579 = arith.index_cast %rem3A_450 : i32 to index
        %get3A_3580 = arith.index_cast %add3A_3414 : i32 to index
        %get3A_3581 = arith.index_cast %add3A_3578 : i32 to index
        %get3A_3582 = tpu.vector_load %arg9[%get3A_3579, %get3A_3580, %get3A_3581] {strides = array<i32>} : memref<2x256x128xf32, #tpu.memory_space<vmem>>, vector<16xf32>,
        %add3A_3583 = arith.addf %get3A_3582, %unpack3A_3575 : vector<16xf32>
        %swap3A_3584 = arith.index_cast %rem3A_450 : i32 to index
        %swap3A_3585 = arith.index_cast %add3A_3414 : i32 to index
        %swap3A_3586 = arith.constant 32 : index
        %swap3A_3587 = tpu.vector_load %arg11[%swap3A_3584, %swap3A_3585, %swap3A_3586] {strides = array<i32>} : memref<2x256x64xf32, #tpu.memory_space<vmem>>, vector<16xf32>,
        tpu.vector_store %arg11[%swap3A_3584, %swap3A_3585, %swap3A_3586], %add3A_3583 {strides = array<i32>} : memref<2x256x64xf32, #tpu.memory_space<vmem>>, vector<16xf32>,
        %add3A_3588 = arith.constant 48 : i32
        %add3A_3589 = arith.addi %squeeze3A_3416, %add3A_3588 : i32
        %get3A_3590 = arith.index_cast %rem3A_450 : i32 to index
        %get3A_3591 = arith.index_cast %add3A_3414 : i32 to index
        %get3A_3592 = arith.index_cast %add3A_3589 : i32 to index
        %get3A_3593 = tpu.vector_load %arg9[%get3A_3590, %get3A_3591, %get3A_3592] {strides = array<i32>} : memref<2x256x128xf32, #tpu.memory_space<vmem>>, vector<16xf32>,
        %add3A_3594 = arith.addf %get3A_3593, %unpack3A_3576 : vector<16xf32>
        %swap3A_3595 = arith.index_cast %rem3A_450 : i32 to index
        %swap3A_3596 = arith.index_cast %add3A_3414 : i32 to index
        %swap3A_3597 = arith.constant 48 : index
        %swap3A_3598 = tpu.vector_load %arg11[%swap3A_3595, %swap3A_3596, %swap3A_3597] {strides = array<i32>} : memref<2x256x64xf32, #tpu.memory_space<vmem>>, vector<16xf32>,
        tpu.vector_store %arg11[%swap3A_3595, %swap3A_3596, %swap3A_3597], %add3A_3594 {strides = array<i32>} : memref<2x256x64xf32, #tpu.memory_space<vmem>>, vector<16xf32>,
        %mul3A_3599 = arith.constant 16 : i32
        %mul3A_3600 = arith.muli %scan3A_773, %mul3A_3599 : i32
        %add3A_3601 = arith.constant 15 : i32
        %add3A_3602 = arith.addi %mul3A_3600, %add3A_3601 : i32
        %slice3A_3603 = vector.extract_strided_slice %mul3A_783 {offsets = [15], sizes = [1], strides = [1]} : vector<16xi32> to vector<1xi32>
        %squeeze3A_3604 = vector.extract %slice3A_3603[0] : i32 from vector<1xi32>
        %get3A_3605 = arith.index_cast %rem3A_450 : i32 to index
        %get3A_3606 = arith.index_cast %add3A_3602 : i32 to index
        %get3A_3607 = arith.constant 0 : index
        %get3A_3608 = tpu.vector_load %arg10[%get3A_3605, %get3A_3606, %get3A_3607] {strides = array<i32>} : memref<2x256x16xf32, #tpu.memory_space<vmem>>, vector<16xf32>,
        %slice3A_3609 = vector.extract_strided_slice %get3A_3608 {offsets = [0], sizes = [1], strides = [1]} : vector<16xf32> to vector<1xf32>
        %squeeze3A_3610 = vector.extract %slice3A_3609[0] : f32 from vector<1xf32>
        %broadcast_in_dim3A_3611 = vector.broadcast %squeeze3A_3610 : f32 to vector<16xf32>
        %pack3A_3612 = tpu.pack_subelements %broadcast_in_dim3A_3611, %broadcast_in_dim3A_3611 {pack_format = #tpu.pack_format<interleaved>, positions = array<i32: 0, 1>} : vector<16xf32>, vector<16xf32> -> vector<32xbf16>
        %mul3A_3613 = arith.mulf %pack3A_3612, %get3A_3 : vector<32xbf16>
        %slice3A_3614 = vector.extract_strided_slice %get3A_3608 {offsets = [0], sizes = [1], strides = [1]} : vector<16xf32> to vector<1xf32>
        %squeeze3A_3615 = vector.extract %slice3A_3614[0] : f32 from vector<1xf32>
        %broadcast_in_dim3A_3616 = vector.broadcast %squeeze3A_3615 : f32 to vector<16xf32>
        %pack3A_3617 = tpu.pack_subelements %broadcast_in_dim3A_3616, %broadcast_in_dim3A_3616 {pack_format = #tpu.pack_format<interleaved>, positions = array<i32: 0, 1>} : vector<16xf32>, vector<16xf32> -> vector<32xbf16>
        %mul3A_3618 = arith.mulf %pack3A_3617, %get3A_5 : vector<32xbf16>
        %slice3A_3619 = vector.extract_strided_slice %get3A_3608 {offsets = [1], sizes = [1], strides = [1]} : vector<16xf32> to vector<1xf32>
        %squeeze3A_3620 = vector.extract %slice3A_3619[0] : f32 from vector<1xf32>
        %broadcast_in_dim3A_3621 = vector.broadcast %squeeze3A_3620 : f32 to vector<16xf32>
        %pack3A_3622 = tpu.pack_subelements %broadcast_in_dim3A_3621, %broadcast_in_dim3A_3621 {pack_format = #tpu.pack_format<interleaved>, positions = array<i32: 0, 1>} : vector<16xf32>, vector<16xf32> -> vector<32xbf16>
        %mul3A_3623 = arith.mulf %pack3A_3622, %get3A_7 : vector<32xbf16>
        %add3A_3624 = arith.addf %mul3A_3613, %mul3A_3623 : vector<32xbf16>
        %mul3A_3625 = arith.mulf %pack3A_3622, %get3A_9 : vector<32xbf16>
        %add3A_3626 = arith.addf %mul3A_3618, %mul3A_3625 : vector<32xbf16>
        %slice3A_3627 = vector.extract_strided_slice %get3A_3608 {offsets = [2], sizes = [1], strides = [1]} : vector<16xf32> to vector<1xf32>
        %squeeze3A_3628 = vector.extract %slice3A_3627[0] : f32 from vector<1xf32>
        %broadcast_in_dim3A_3629 = vector.broadcast %squeeze3A_3628 : f32 to vector<16xf32>
        %pack3A_3630 = tpu.pack_subelements %broadcast_in_dim3A_3629, %broadcast_in_dim3A_3629 {pack_format = #tpu.pack_format<interleaved>, positions = array<i32: 0, 1>} : vector<16xf32>, vector<16xf32> -> vector<32xbf16>
        %mul3A_3631 = arith.mulf %pack3A_3630, %get3A_11 : vector<32xbf16>
        %add3A_3632 = arith.addf %add3A_3624, %mul3A_3631 : vector<32xbf16>
        %mul3A_3633 = arith.mulf %pack3A_3630, %get3A_13 : vector<32xbf16>
        %add3A_3634 = arith.addf %add3A_3626, %mul3A_3633 : vector<32xbf16>
        %slice3A_3635 = vector.extract_strided_slice %get3A_3608 {offsets = [3], sizes = [1], strides = [1]} : vector<16xf32> to vector<1xf32>
        %squeeze3A_3636 = vector.extract %slice3A_3635[0] : f32 from vector<1xf32>
        %broadcast_in_dim3A_3637 = vector.broadcast %squeeze3A_3636 : f32 to vector<16xf32>
        %pack3A_3638 = tpu.pack_subelements %broadcast_in_dim3A_3637, %broadcast_in_dim3A_3637 {pack_format = #tpu.pack_format<interleaved>, positions = array<i32: 0, 1>} : vector<16xf32>, vector<16xf32> -> vector<32xbf16>
        %mul3A_3639 = arith.mulf %pack3A_3638, %get3A_15 : vector<32xbf16>
        %add3A_3640 = arith.addf %add3A_3632, %mul3A_3639 : vector<32xbf16>
        %mul3A_3641 = arith.mulf %pack3A_3638, %get3A_17 : vector<32xbf16>
        %add3A_3642 = arith.addf %add3A_3634, %mul3A_3641 : vector<32xbf16>
        %slice3A_3643 = vector.extract_strided_slice %get3A_3608 {offsets = [4], sizes = [1], strides = [1]} : vector<16xf32> to vector<1xf32>
        %squeeze3A_3644 = vector.extract %slice3A_3643[0] : f32 from vector<1xf32>
        %broadcast_in_dim3A_3645 = vector.broadcast %squeeze3A_3644 : f32 to vector<16xf32>
        %pack3A_3646 = tpu.pack_subelements %broadcast_in_dim3A_3645, %broadcast_in_dim3A_3645 {pack_format = #tpu.pack_format<interleaved>, positions = array<i32: 0, 1>} : vector<16xf32>, vector<16xf32> -> vector<32xbf16>
        %mul3A_3647 = arith.mulf %pack3A_3646, %get3A_19 : vector<32xbf16>
        %add3A_3648 = arith.addf %add3A_3640, %mul3A_3647 : vector<32xbf16>
        %mul3A_3649 = arith.mulf %pack3A_3646, %get3A_21 : vector<32xbf16>
        %add3A_3650 = arith.addf %add3A_3642, %mul3A_3649 : vector<32xbf16>
        %slice3A_3651 = vector.extract_strided_slice %get3A_3608 {offsets = [5], sizes = [1], strides = [1]} : vector<16xf32> to vector<1xf32>
        %squeeze3A_3652 = vector.extract %slice3A_3651[0] : f32 from vector<1xf32>
        %broadcast_in_dim3A_3653 = vector.broadcast %squeeze3A_3652 : f32 to vector<16xf32>
        %pack3A_3654 = tpu.pack_subelements %broadcast_in_dim3A_3653, %broadcast_in_dim3A_3653 {pack_format = #tpu.pack_format<interleaved>, positions = array<i32: 0, 1>} : vector<16xf32>, vector<16xf32> -> vector<32xbf16>
        %mul3A_3655 = arith.mulf %pack3A_3654, %get3A_23 : vector<32xbf16>
        %add3A_3656 = arith.addf %add3A_3648, %mul3A_3655 : vector<32xbf16>
        %mul3A_3657 = arith.mulf %pack3A_3654, %get3A_25 : vector<32xbf16>
        %add3A_3658 = arith.addf %add3A_3650, %mul3A_3657 : vector<32xbf16>
        %slice3A_3659 = vector.extract_strided_slice %get3A_3608 {offsets = [6], sizes = [1], strides = [1]} : vector<16xf32> to vector<1xf32>
        %squeeze3A_3660 = vector.extract %slice3A_3659[0] : f32 from vector<1xf32>
        %broadcast_in_dim3A_3661 = vector.broadcast %squeeze3A_3660 : f32 to vector<16xf32>
        %pack3A_3662 = tpu.pack_subelements %broadcast_in_dim3A_3661, %broadcast_in_dim3A_3661 {pack_format = #tpu.pack_format<interleaved>, positions = array<i32: 0, 1>} : vector<16xf32>, vector<16xf32> -> vector<32xbf16>
        %mul3A_3663 = arith.mulf %pack3A_3662, %get3A_27 : vector<32xbf16>
        %add3A_3664 = arith.addf %add3A_3656, %mul3A_3663 : vector<32xbf16>
        %mul3A_3665 = arith.mulf %pack3A_3662, %get3A_29 : vector<32xbf16>
        %add3A_3666 = arith.addf %add3A_3658, %mul3A_3665 : vector<32xbf16>
        %slice3A_3667 = vector.extract_strided_slice %get3A_3608 {offsets = [7], sizes = [1], strides = [1]} : vector<16xf32> to vector<1xf32>
        %squeeze3A_3668 = vector.extract %slice3A_3667[0] : f32 from vector<1xf32>
        %broadcast_in_dim3A_3669 = vector.broadcast %squeeze3A_3668 : f32 to vector<16xf32>
        %pack3A_3670 = tpu.pack_subelements %broadcast_in_dim3A_3669, %broadcast_in_dim3A_3669 {pack_format = #tpu.pack_format<interleaved>, positions = array<i32: 0, 1>} : vector<16xf32>, vector<16xf32> -> vector<32xbf16>
        %mul3A_3671 = arith.mulf %pack3A_3670, %get3A_31 : vector<32xbf16>
        %add3A_3672 = arith.addf %add3A_3664, %mul3A_3671 : vector<32xbf16>
        %mul3A_3673 = arith.mulf %pack3A_3670, %get3A_33 : vector<32xbf16>
        %add3A_3674 = arith.addf %add3A_3666, %mul3A_3673 : vector<32xbf16>
        %slice3A_3675 = vector.extract_strided_slice %get3A_3608 {offsets = [8], sizes = [1], strides = [1]} : vector<16xf32> to vector<1xf32>
        %squeeze3A_3676 = vector.extract %slice3A_3675[0] : f32 from vector<1xf32>
        %broadcast_in_dim3A_3677 = vector.broadcast %squeeze3A_3676 : f32 to vector<16xf32>
        %pack3A_3678 = tpu.pack_subelements %broadcast_in_dim3A_3677, %broadcast_in_dim3A_3677 {pack_format = #tpu.pack_format<interleaved>, positions = array<i32: 0, 1>} : vector<16xf32>, vector<16xf32> -> vector<32xbf16>
        %mul3A_3679 = arith.mulf %pack3A_3678, %get3A_35 : vector<32xbf16>
        %add3A_3680 = arith.addf %add3A_3672, %mul3A_3679 : vector<32xbf16>
        %mul3A_3681 = arith.mulf %pack3A_3678, %get3A_37 : vector<32xbf16>
        %add3A_3682 = arith.addf %add3A_3674, %mul3A_3681 : vector<32xbf16>
        %slice3A_3683 = vector.extract_strided_slice %get3A_3608 {offsets = [9], sizes = [1], strides = [1]} : vector<16xf32> to vector<1xf32>
        %squeeze3A_3684 = vector.extract %slice3A_3683[0] : f32 from vector<1xf32>
        %broadcast_in_dim3A_3685 = vector.broadcast %squeeze3A_3684 : f32 to vector<16xf32>
        %pack3A_3686 = tpu.pack_subelements %broadcast_in_dim3A_3685, %broadcast_in_dim3A_3685 {pack_format = #tpu.pack_format<interleaved>, positions = array<i32: 0, 1>} : vector<16xf32>, vector<16xf32> -> vector<32xbf16>
        %mul3A_3687 = arith.mulf %pack3A_3686, %get3A_39 : vector<32xbf16>
        %add3A_3688 = arith.addf %add3A_3680, %mul3A_3687 : vector<32xbf16>
        %mul3A_3689 = arith.mulf %pack3A_3686, %get3A_41 : vector<32xbf16>
        %add3A_3690 = arith.addf %add3A_3682, %mul3A_3689 : vector<32xbf16>
        %slice3A_3691 = vector.extract_strided_slice %get3A_3608 {offsets = [10], sizes = [1], strides = [1]} : vector<16xf32> to vector<1xf32>
        %squeeze3A_3692 = vector.extract %slice3A_3691[0] : f32 from vector<1xf32>
        %broadcast_in_dim3A_3693 = vector.broadcast %squeeze3A_3692 : f32 to vector<16xf32>
        %pack3A_3694 = tpu.pack_subelements %broadcast_in_dim3A_3693, %broadcast_in_dim3A_3693 {pack_format = #tpu.pack_format<interleaved>, positions = array<i32: 0, 1>} : vector<16xf32>, vector<16xf32> -> vector<32xbf16>
        %mul3A_3695 = arith.mulf %pack3A_3694, %get3A_43 : vector<32xbf16>
        %add3A_3696 = arith.addf %add3A_3688, %mul3A_3695 : vector<32xbf16>
        %mul3A_3697 = arith.mulf %pack3A_3694, %get3A_45 : vector<32xbf16>
        %add3A_3698 = arith.addf %add3A_3690, %mul3A_3697 : vector<32xbf16>
        %slice3A_3699 = vector.extract_strided_slice %get3A_3608 {offsets = [11], sizes = [1], strides = [1]} : vector<16xf32> to vector<1xf32>
        %squeeze3A_3700 = vector.extract %slice3A_3699[0] : f32 from vector<1xf32>
        %broadcast_in_dim3A_3701 = vector.broadcast %squeeze3A_3700 : f32 to vector<16xf32>
        %pack3A_3702 = tpu.pack_subelements %broadcast_in_dim3A_3701, %broadcast_in_dim3A_3701 {pack_format = #tpu.pack_format<interleaved>, positions = array<i32: 0, 1>} : vector<16xf32>, vector<16xf32> -> vector<32xbf16>
        %mul3A_3703 = arith.mulf %pack3A_3702, %get3A_47 : vector<32xbf16>
        %add3A_3704 = arith.addf %add3A_3696, %mul3A_3703 : vector<32xbf16>
        %mul3A_3705 = arith.mulf %pack3A_3702, %get3A_49 : vector<32xbf16>
        %add3A_3706 = arith.addf %add3A_3698, %mul3A_3705 : vector<32xbf16>
        %slice3A_3707 = vector.extract_strided_slice %get3A_3608 {offsets = [12], sizes = [1], strides = [1]} : vector<16xf32> to vector<1xf32>
        %squeeze3A_3708 = vector.extract %slice3A_3707[0] : f32 from vector<1xf32>
        %broadcast_in_dim3A_3709 = vector.broadcast %squeeze3A_3708 : f32 to vector<16xf32>
        %pack3A_3710 = tpu.pack_subelements %broadcast_in_dim3A_3709, %broadcast_in_dim3A_3709 {pack_format = #tpu.pack_format<interleaved>, positions = array<i32: 0, 1>} : vector<16xf32>, vector<16xf32> -> vector<32xbf16>
        %mul3A_3711 = arith.mulf %pack3A_3710, %get3A_51 : vector<32xbf16>
        %add3A_3712 = arith.addf %add3A_3704, %mul3A_3711 : vector<32xbf16>
        %mul3A_3713 = arith.mulf %pack3A_3710, %get3A_53 : vector<32xbf16>
        %add3A_3714 = arith.addf %add3A_3706, %mul3A_3713 : vector<32xbf16>
        %slice3A_3715 = vector.extract_strided_slice %get3A_3608 {offsets = [13], sizes = [1], strides = [1]} : vector<16xf32> to vector<1xf32>
        %squeeze3A_3716 = vector.extract %slice3A_3715[0] : f32 from vector<1xf32>
        %broadcast_in_dim3A_3717 = vector.broadcast %squeeze3A_3716 : f32 to vector<16xf32>
        %pack3A_3718 = tpu.pack_subelements %broadcast_in_dim3A_3717, %broadcast_in_dim3A_3717 {pack_format = #tpu.pack_format<interleaved>, positions = array<i32: 0, 1>} : vector<16xf32>, vector<16xf32> -> vector<32xbf16>
        %mul3A_3719 = arith.mulf %pack3A_3718, %get3A_55 : vector<32xbf16>
        %add3A_3720 = arith.addf %add3A_3712, %mul3A_3719 : vector<32xbf16>
        %mul3A_3721 = arith.mulf %pack3A_3718, %get3A_57 : vector<32xbf16>
        %add3A_3722 = arith.addf %add3A_3714, %mul3A_3721 : vector<32xbf16>
        %slice3A_3723 = vector.extract_strided_slice %get3A_3608 {offsets = [14], sizes = [1], strides = [1]} : vector<16xf32> to vector<1xf32>
        %squeeze3A_3724 = vector.extract %slice3A_3723[0] : f32 from vector<1xf32>
        %broadcast_in_dim3A_3725 = vector.broadcast %squeeze3A_3724 : f32 to vector<16xf32>
        %pack3A_3726 = tpu.pack_subelements %broadcast_in_dim3A_3725, %broadcast_in_dim3A_3725 {pack_format = #tpu.pack_format<interleaved>, positions = array<i32: 0, 1>} : vector<16xf32>, vector<16xf32> -> vector<32xbf16>
        %mul3A_3727 = arith.mulf %pack3A_3726, %get3A_59 : vector<32xbf16>
        %add3A_3728 = arith.addf %add3A_3720, %mul3A_3727 : vector<32xbf16>
        %mul3A_3729 = arith.mulf %pack3A_3726, %get3A_61 : vector<32xbf16>
        %add3A_3730 = arith.addf %add3A_3722, %mul3A_3729 : vector<32xbf16>
        %slice3A_3731 = vector.extract_strided_slice %get3A_3608 {offsets = [15], sizes = [1], strides = [1]} : vector<16xf32> to vector<1xf32>
        %squeeze3A_3732 = vector.extract %slice3A_3731[0] : f32 from vector<1xf32>
        %broadcast_in_dim3A_3733 = vector.broadcast %squeeze3A_3732 : f32 to vector<16xf32>
        %pack3A_3734 = tpu.pack_subelements %broadcast_in_dim3A_3733, %broadcast_in_dim3A_3733 {pack_format = #tpu.pack_format<interleaved>, positions = array<i32: 0, 1>} : vector<16xf32>, vector<16xf32> -> vector<32xbf16>
        %mul3A_3735 = arith.mulf %pack3A_3734, %get3A_63 : vector<32xbf16>
        %add3A_3736 = arith.addf %add3A_3728, %mul3A_3735 : vector<32xbf16>
        %mul3A_3737 = arith.mulf %pack3A_3734, %get3A_65 : vector<32xbf16>
        %add3A_3738 = arith.addf %add3A_3730, %mul3A_3737 : vector<32xbf16>
        %unpack3A_3739 = tpu.unpack_subelements %add3A_3736, 0 {pack_format = #tpu.pack_format<interleaved>} : vector<32xbf16> -> vector<16xf32>
        %unpack3A_3740 = tpu.unpack_subelements %add3A_3736, 1 {pack_format = #tpu.pack_format<interleaved>} : vector<32xbf16> -> vector<16xf32>
        %add3A_3741 = arith.constant 0 : i32
        %add3A_3742 = arith.addi %squeeze3A_3604, %add3A_3741 : i32
        %get3A_3743 = arith.index_cast %rem3A_450 : i32 to index
        %get3A_3744 = arith.index_cast %add3A_3602 : i32 to index
        %get3A_3745 = arith.index_cast %add3A_3742 : i32 to index
        %get3A_3746 = tpu.vector_load %arg9[%get3A_3743, %get3A_3744, %get3A_3745] {strides = array<i32>} : memref<2x256x128xf32, #tpu.memory_space<vmem>>, vector<16xf32>,
        %add3A_3747 = arith.addf %get3A_3746, %unpack3A_3739 : vector<16xf32>
        %swap3A_3748 = arith.index_cast %rem3A_450 : i32 to index
        %swap3A_3749 = arith.index_cast %add3A_3602 : i32 to index
        %swap3A_3750 = arith.constant 0 : index
        %swap3A_3751 = tpu.vector_load %arg11[%swap3A_3748, %swap3A_3749, %swap3A_3750] {strides = array<i32>} : memref<2x256x64xf32, #tpu.memory_space<vmem>>, vector<16xf32>,
        tpu.vector_store %arg11[%swap3A_3748, %swap3A_3749, %swap3A_3750], %add3A_3747 {strides = array<i32>} : memref<2x256x64xf32, #tpu.memory_space<vmem>>, vector<16xf32>,
        %add3A_3752 = arith.constant 16 : i32
        %add3A_3753 = arith.addi %squeeze3A_3604, %add3A_3752 : i32
        %get3A_3754 = arith.index_cast %rem3A_450 : i32 to index
        %get3A_3755 = arith.index_cast %add3A_3602 : i32 to index
        %get3A_3756 = arith.index_cast %add3A_3753 : i32 to index
        %get3A_3757 = tpu.vector_load %arg9[%get3A_3754, %get3A_3755, %get3A_3756] {strides = array<i32>} : memref<2x256x128xf32, #tpu.memory_space<vmem>>, vector<16xf32>,
        %add3A_3758 = arith.addf %get3A_3757, %unpack3A_3740 : vector<16xf32>
        %swap3A_3759 = arith.index_cast %rem3A_450 : i32 to index
        %swap3A_3760 = arith.index_cast %add3A_3602 : i32 to index
        %swap3A_3761 = arith.constant 16 : index
        %swap3A_3762 = tpu.vector_load %arg11[%swap3A_3759, %swap3A_3760, %swap3A_3761] {strides = array<i32>} : memref<2x256x64xf32, #tpu.memory_space<vmem>>, vector<16xf32>,
        tpu.vector_store %arg11[%swap3A_3759, %swap3A_3760, %swap3A_3761], %add3A_3758 {strides = array<i32>} : memref<2x256x64xf32, #tpu.memory_space<vmem>>, vector<16xf32>,
        %unpack3A_3763 = tpu.unpack_subelements %add3A_3738, 0 {pack_format = #tpu.pack_format<interleaved>} : vector<32xbf16> -> vector<16xf32>
        %unpack3A_3764 = tpu.unpack_subelements %add3A_3738, 1 {pack_format = #tpu.pack_format<interleaved>} : vector<32xbf16> -> vector<16xf32>
        %add3A_3765 = arith.constant 32 : i32
        %add3A_3766 = arith.addi %squeeze3A_3604, %add3A_3765 : i32
        %get3A_3767 = arith.index_cast %rem3A_450 : i32 to index
        %get3A_3768 = arith.index_cast %add3A_3602 : i32 to index
        %get3A_3769 = arith.index_cast %add3A_3766 : i32 to index
        %get3A_3770 = tpu.vector_load %arg9[%get3A_3767, %get3A_3768, %get3A_3769] {strides = array<i32>} : memref<2x256x128xf32, #tpu.memory_space<vmem>>, vector<16xf32>,
        %add3A_3771 = arith.addf %get3A_3770, %unpack3A_3763 : vector<16xf32>
        %swap3A_3772 = arith.index_cast %rem3A_450 : i32 to index
        %swap3A_3773 = arith.index_cast %add3A_3602 : i32 to index
        %swap3A_3774 = arith.constant 32 : index
        %swap3A_3775 = tpu.vector_load %arg11[%swap3A_3772, %swap3A_3773, %swap3A_3774] {strides = array<i32>} : memref<2x256x64xf32, #tpu.memory_space<vmem>>, vector<16xf32>,
        tpu.vector_store %arg11[%swap3A_3772, %swap3A_3773, %swap3A_3774], %add3A_3771 {strides = array<i32>} : memref<2x256x64xf32, #tpu.memory_space<vmem>>, vector<16xf32>,
        %add3A_3776 = arith.constant 48 : i32
        %add3A_3777 = arith.addi %squeeze3A_3604, %add3A_3776 : i32
        %get3A_3778 = arith.index_cast %rem3A_450 : i32 to index
        %get3A_3779 = arith.index_cast %add3A_3602 : i32 to index
        %get3A_3780 = arith.index_cast %add3A_3777 : i32 to index
        %get3A_3781 = tpu.vector_load %arg9[%get3A_3778, %get3A_3779, %get3A_3780] {strides = array<i32>} : memref<2x256x128xf32, #tpu.memory_space<vmem>>, vector<16xf32>,
        %add3A_3782 = arith.addf %get3A_3781, %unpack3A_3764 : vector<16xf32>
        %swap3A_3783 = arith.index_cast %rem3A_450 : i32 to index
        %swap3A_3784 = arith.index_cast %add3A_3602 : i32 to index
        %swap3A_3785 = arith.constant 48 : index
        %swap3A_3786 = tpu.vector_load %arg11[%swap3A_3783, %swap3A_3784, %swap3A_3785] {strides = array<i32>} : memref<2x256x64xf32, #tpu.memory_space<vmem>>, vector<16xf32>,
        tpu.vector_store %arg11[%swap3A_3783, %swap3A_3784, %swap3A_3785], %add3A_3782 {strides = array<i32>} : memref<2x256x64xf32, #tpu.memory_space<vmem>>, vector<16xf32>,
      }
      %scan3A_754 = arith.constant 16 : i32
      %mul3A_755 = arith.constant 256 : i32
      %mul3A_756 = arith.muli %scan3A_449, %mul3A_755 : i32
      %add3A_757 = arith.addi %mul3A_2, %mul3A_756 : i32
      %multiple_of3A_758 = tpu.assume_multiple %add3A_757, 256 : i32
      %dma_start3A_759 = arith.constant 0 : i32
      %dma_start3A_760 = arith.constant 0 : i32
      %dma_start3A_761 = tpu.memref_slice %arg11[%rem3A_450, %dma_start3A_759, %dma_start3A_760] : memref<2x256x64xf32, #tpu.memory_space<vmem>> -> memref<1x256x64xf32, #tpu.memory_space<vmem>>
      %dma_start3A_762 = tpu.memref_squeeze %dma_start3A_761 : memref<1x256x64xf32, #tpu.memory_space<vmem>> -> memref<256x64xf32, #tpu.memory_space<vmem>>
      %dma_start3A_763 = arith.constant 0 : i32
      %dma_start3A_764 = tpu.memref_slice %arg6[%multiple_of3A_758, %dma_start3A_763] : memref<327680x64xf32, #tpu.memory_space<hbm>> -> memref<256x64xf32, #tpu.memory_space<hbm>>
      %dma_start3A_765 = tpu.memref_slice %arg14[%rem3A_450] : memref<2x!tpu.dma_semaphore, #tpu.memory_space<semaphore_mem>> -> memref<1x!tpu.dma_semaphore, #tpu.memory_space<semaphore_mem>>
      %dma_start3A_766 = tpu.memref_squeeze %dma_start3A_765 : memref<1x!tpu.dma_semaphore, #tpu.memory_space<semaphore_mem>> -> memref<!tpu.dma_semaphore, #tpu.memory_space<semaphore_mem>>
      %dma_start3A_767 = arith.constant 0 : i32
      %dma_start3A_768 = tpu.memref_slice %arg6[%multiple_of3A_758, %dma_start3A_767] : memref<327680x64xf32, #tpu.memory_space<hbm>> -> memref<256x64xf32, #tpu.memory_space<hbm>>
      %dma_start3A_769 = arith.constant 0 : i32
      %dma_start3A_770 = arith.constant 0 : i32
      %dma_start3A_771 = tpu.memref_slice %arg11[%rem3A_450, %dma_start3A_769, %dma_start3A_770] : memref<2x256x64xf32, #tpu.memory_space<vmem>> -> memref<1x256x64xf32, #tpu.memory_space<vmem>>
      %dma_start3A_772 = tpu.memref_squeeze %dma_start3A_771 : memref<1x256x64xf32, #tpu.memory_space<vmem>> -> memref<256x64xf32, #tpu.memory_space<vmem>>
      tpu.enqueue_dma source(%dma_start3A_772 : memref<256x64xf32, #tpu.memory_space<vmem>>) target(%dma_start3A_768 : memref<256x64xf32, #tpu.memory_space<hbm>>) target_semaphore(%dma_start3A_766 : memref<!tpu.dma_semaphore, #tpu.memory_space<semaphore_mem>>)
    }
    %scan3A_328 = arith.constant 40 : i32
    %add3A_329 = arith.constant 9984 : i32
    %add3A_330 = arith.addi %mul3A_2, %add3A_329 : i32
    %multiple_of3A_331 = tpu.assume_multiple %add3A_330, 256 : i32
    %dma_wait3A = arith.constant 0 : i32
    %dma_wait3A_332 = arith.constant 0 : i32
    %dma_wait3A_333 = arith.constant 0 : i32
    %dma_wait3A_334 = arith.constant 0 : i32
    %dma_wait3A_335 = arith.constant 0 : i32
    %dma_wait3A_336 = tpu.memref_slice %arg9[%dma_wait3A_332, %dma_wait3A_334, %dma_wait3A_335] : memref<2x256x128xf32, #tpu.memory_space<vmem>> -> memref<1x256x128xf32, #tpu.memory_space<vmem>>
    %dma_wait3A_337 = tpu.memref_squeeze %dma_wait3A_336 : memref<1x256x128xf32, #tpu.memory_space<vmem>> -> memref<256x128xf32, #tpu.memory_space<vmem>>
    %dma_wait3A_338 = arith.constant 0 : i32
    %dma_wait3A_339 = arith.constant 0 : i32
    %dma_wait3A_340 = tpu.memref_slice %dma_wait3A_337[%dma_wait3A_338, %dma_wait3A_339] : memref<256x128xf32, #tpu.memory_space<vmem>> -> memref<128x128xf32, #tpu.memory_space<vmem>>
    %dma_wait3A_341 = arith.constant 0 : i32
    %dma_wait3A_342 = tpu.memref_slice %arg8[%dma_wait3A, %dma_wait3A_341] : memref<2x256xi32, #tpu.memory_space<vmem>> -> memref<1x256xi32, #tpu.memory_space<vmem>>
    %dma_wait3A_343 = tpu.memref_squeeze %dma_wait3A_342 : memref<1x256xi32, #tpu.memory_space<vmem>> -> memref<256xi32, #tpu.memory_space<vmem>>
    %dma_wait3A_344 = arith.constant 0 : i32
    %dma_wait3A_345 = tpu.memref_slice %dma_wait3A_343[%dma_wait3A_344] : memref<256xi32, #tpu.memory_space<vmem>> -> memref<128xi32, #tpu.memory_space<vmem>>
    %dma_wait3A_346 = arith.constant 0 : i32
    %dma_wait3A_347 = arith.constant 0 : i32
    %dma_wait3A_348 = tpu.memref_slice %arg3[%dma_wait3A_346, %dma_wait3A_347] : memref<500000x128xf32, #tpu.memory_space<hbm>> -> memref<500000x128xf32, #tpu.memory_space<hbm>>
    %dma_wait3A_349 = tpu.memref_slice %arg13[%dma_wait3A_333] : memref<2x!tpu.dma_semaphore, #tpu.memory_space<semaphore_mem>> -> memref<1x!tpu.dma_semaphore, #tpu.memory_space<semaphore_mem>>
    %dma_wait3A_350 = tpu.memref_squeeze %dma_wait3A_349 : memref<1x!tpu.dma_semaphore, #tpu.memory_space<semaphore_mem>> -> memref<!tpu.dma_semaphore, #tpu.memory_space<semaphore_mem>>
    tpu.wait_indirect_dma semaphore(%dma_wait3A_350 : memref<!tpu.dma_semaphore, #tpu.memory_space<semaphore_mem>>) src(%dma_wait3A_348 : memref<500000x128xf32, #tpu.memory_space<hbm>>) dst(%dma_wait3A_340 : memref<128x128xf32, #tpu.memory_space<vmem>>)
    %dma_wait3A_351 = arith.constant 0 : i32
    %dma_wait3A_352 = arith.constant 0 : i32
    %dma_wait3A_353 = arith.constant 0 : i32
    %dma_wait3A_354 = arith.constant 0 : i32
    %dma_wait3A_355 = arith.constant 0 : i32
    %dma_wait3A_356 = tpu.memref_slice %arg10[%dma_wait3A_352, %dma_wait3A_354, %dma_wait3A_355] : memref<2x256x16xf32, #tpu.memory_space<vmem>> -> memref<1x256x16xf32, #tpu.memory_space<vmem>>
    %dma_wait3A_357 = tpu.memref_squeeze %dma_wait3A_356 : memref<1x256x16xf32, #tpu.memory_space<vmem>> -> memref<256x16xf32, #tpu.memory_space<vmem>>
    %dma_wait3A_358 = arith.constant 0 : i32
    %dma_wait3A_359 = arith.constant 0 : i32
    %dma_wait3A_360 = tpu.memref_slice %dma_wait3A_357[%dma_wait3A_358, %dma_wait3A_359] : memref<256x16xf32, #tpu.memory_space<vmem>> -> memref<128x16xf32, #tpu.memory_space<vmem>>
    %dma_wait3A_361 = arith.constant 0 : i32
    %dma_wait3A_362 = tpu.memref_slice %arg7[%dma_wait3A_351, %dma_wait3A_361] : memref<2x256xi32, #tpu.memory_space<vmem>> -> memref<1x256xi32, #tpu.memory_space<vmem>>
    %dma_wait3A_363 = tpu.memref_squeeze %dma_wait3A_362 : memref<1x256xi32, #tpu.memory_space<vmem>> -> memref<256xi32, #tpu.memory_space<vmem>>
    %dma_wait3A_364 = arith.constant 0 : i32
    %dma_wait3A_365 = tpu.memref_slice %dma_wait3A_363[%dma_wait3A_364] : memref<256xi32, #tpu.memory_space<vmem>> -> memref<128xi32, #tpu.memory_space<vmem>>
    %dma_wait3A_366 = arith.constant 0 : i32
    %dma_wait3A_367 = arith.constant 0 : i32
    %dma_wait3A_368 = tpu.memref_slice %arg4[%dma_wait3A_366, %dma_wait3A_367] : memref<1000000x16xf32, #tpu.memory_space<hbm>> -> memref<1000000x16xf32, #tpu.memory_space<hbm>>
    %dma_wait3A_369 = tpu.memref_slice %arg13[%dma_wait3A_353] : memref<2x!tpu.dma_semaphore, #tpu.memory_space<semaphore_mem>> -> memref<1x!tpu.dma_semaphore, #tpu.memory_space<semaphore_mem>>
    %dma_wait3A_370 = tpu.memref_squeeze %dma_wait3A_369 : memref<1x!tpu.dma_semaphore, #tpu.memory_space<semaphore_mem>> -> memref<!tpu.dma_semaphore, #tpu.memory_space<semaphore_mem>>
    tpu.wait_indirect_dma semaphore(%dma_wait3A_370 : memref<!tpu.dma_semaphore, #tpu.memory_space<semaphore_mem>>) src(%dma_wait3A_368 : memref<1000000x16xf32, #tpu.memory_space<hbm>>) dst(%dma_wait3A_360 : memref<128x16xf32, #tpu.memory_space<vmem>>)
    %dma_wait3A_371 = arith.constant 0 : i32
    %dma_wait3A_372 = arith.constant 0 : i32
    %dma_wait3A_373 = arith.constant 0 : i32
    %dma_wait3A_374 = arith.constant 0 : i32
    %dma_wait3A_375 = arith.constant 0 : i32
    %dma_wait3A_376 = tpu.memref_slice %arg9[%dma_wait3A_372, %dma_wait3A_374, %dma_wait3A_375] : memref<2x256x128xf32, #tpu.memory_space<vmem>> -> memref<1x256x128xf32, #tpu.memory_space<vmem>>
    %dma_wait3A_377 = tpu.memref_squeeze %dma_wait3A_376 : memref<1x256x128xf32, #tpu.memory_space<vmem>> -> memref<256x128xf32, #tpu.memory_space<vmem>>
    %dma_wait3A_378 = arith.constant 128 : i32
    %dma_wait3A_379 = arith.constant 0 : i32
    %dma_wait3A_380 = tpu.memref_slice %dma_wait3A_377[%dma_wait3A_378, %dma_wait3A_379] : memref<256x128xf32, #tpu.memory_space<vmem>> -> memref<128x128xf32, #tpu.memory_space<vmem>>
    %dma_wait3A_381 = arith.constant 0 : i32
    %dma_wait3A_382 = tpu.memref_slice %arg8[%dma_wait3A_371, %dma_wait3A_381] : memref<2x256xi32, #tpu.memory_space<vmem>> -> memref<1x256xi32, #tpu.memory_space<vmem>>
    %dma_wait3A_383 = tpu.memref_squeeze %dma_wait3A_382 : memref<1x256xi32, #tpu.memory_space<vmem>> -> memref<256xi32, #tpu.memory_space<vmem>>
    %dma_wait3A_384 = arith.constant 128 : i32
    %dma_wait3A_385 = tpu.memref_slice %dma_wait3A_383[%dma_wait3A_384] : memref<256xi32, #tpu.memory_space<vmem>> -> memref<128xi32, #tpu.memory_space<vmem>>
    %dma_wait3A_386 = arith.constant 0 : i32
    %dma_wait3A_387 = arith.constant 0 : i32
    %dma_wait3A_388 = tpu.memref_slice %arg3[%dma_wait3A_386, %dma_wait3A_387] : memref<500000x128xf32, #tpu.memory_space<hbm>> -> memref<500000x128xf32, #tpu.memory_space<hbm>>
    %dma_wait3A_389 = tpu.memref_slice %arg13[%dma_wait3A_373] : memref<2x!tpu.dma_semaphore, #tpu.memory_space<semaphore_mem>> -> memref<1x!tpu.dma_semaphore, #tpu.memory_space<semaphore_mem>>
    %dma_wait3A_390 = tpu.memref_squeeze %dma_wait3A_389 : memref<1x!tpu.dma_semaphore, #tpu.memory_space<semaphore_mem>> -> memref<!tpu.dma_semaphore, #tpu.memory_space<semaphore_mem>>
    tpu.wait_indirect_dma semaphore(%dma_wait3A_390 : memref<!tpu.dma_semaphore, #tpu.memory_space<semaphore_mem>>) src(%dma_wait3A_388 : memref<500000x128xf32, #tpu.memory_space<hbm>>) dst(%dma_wait3A_380 : memref<128x128xf32, #tpu.memory_space<vmem>>)
    %dma_wait3A_391 = arith.constant 0 : i32
    %dma_wait3A_392 = arith.constant 0 : i32
    %dma_wait3A_393 = arith.constant 0 : i32
    %dma_wait3A_394 = arith.constant 0 : i32
    %dma_wait3A_395 = arith.constant 0 : i32
    %dma_wait3A_396 = tpu.memref_slice %arg10[%dma_wait3A_392, %dma_wait3A_394, %dma_wait3A_395] : memref<2x256x16xf32, #tpu.memory_space<vmem>> -> memref<1x256x16xf32, #tpu.memory_space<vmem>>
    %dma_wait3A_397 = tpu.memref_squeeze %dma_wait3A_396 : memref<1x256x16xf32, #tpu.memory_space<vmem>> -> memref<256x16xf32, #tpu.memory_space<vmem>>
    %dma_wait3A_398 = arith.constant 128 : i32
    %dma_wait3A_399 = arith.constant 0 : i32
    %dma_wait3A_400 = tpu.memref_slice %dma_wait3A_397[%dma_wait3A_398, %dma_wait3A_399] : memref<256x16xf32, #tpu.memory_space<vmem>> -> memref<128x16xf32, #tpu.memory_space<vmem>>
    %dma_wait3A_401 = arith.constant 0 : i32
    %dma_wait3A_402 = tpu.memref_slice %arg7[%dma_wait3A_391, %dma_wait3A_401] : memref<2x256xi32, #tpu.memory_space<vmem>> -> memref<1x256xi32, #tpu.memory_space<vmem>>
    %dma_wait3A_403 = tpu.memref_squeeze %dma_wait3A_402 : memref<1x256xi32, #tpu.memory_space<vmem>> -> memref<256xi32, #tpu.memory_space<vmem>>
    %dma_wait3A_404 = arith.constant 128 : i32
    %dma_wait3A_405 = tpu.memref_slice %dma_wait3A_403[%dma_wait3A_404] : memref<256xi32, #tpu.memory_space<vmem>> -> memref<128xi32, #tpu.memory_space<vmem>>
    %dma_wait3A_406 = arith.constant 0 : i32
    %dma_wait3A_407 = arith.constant 0 : i32
    %dma_wait3A_408 = tpu.memref_slice %arg4[%dma_wait3A_406, %dma_wait3A_407] : memref<1000000x16xf32, #tpu.memory_space<hbm>> -> memref<1000000x16xf32, #tpu.memory_space<hbm>>
    %dma_wait3A_409 = tpu.memref_slice %arg13[%dma_wait3A_393] : memref<2x!tpu.dma_semaphore, #tpu.memory_space<semaphore_mem>> -> memref<1x!tpu.dma_semaphore, #tpu.memory_space<semaphore_mem>>
    %dma_wait3A_410 = tpu.memref_squeeze %dma_wait3A_409 : memref<1x!tpu.dma_semaphore, #tpu.memory_space<semaphore_mem>> -> memref<!tpu.dma_semaphore, #tpu.memory_space<semaphore_mem>>
    tpu.wait_indirect_dma semaphore(%dma_wait3A_410 : memref<!tpu.dma_semaphore, #tpu.memory_space<semaphore_mem>>) src(%dma_wait3A_408 : memref<1000000x16xf32, #tpu.memory_space<hbm>>) dst(%dma_wait3A_400 : memref<128x16xf32, #tpu.memory_space<vmem>>)
    %add3A_411 = arith.constant 9728 : i32
    %add3A_412 = arith.addi %mul3A_2, %add3A_411 : i32
    %multiple_of3A_413 = tpu.assume_multiple %add3A_412, 256 : i32
    %dma_wait3A_414 = arith.constant 0 : i32
    %dma_wait3A_415 = arith.constant 0 : i32
    %dma_wait3A_416 = arith.constant 0 : i32
    %dma_wait3A_417 = arith.constant 0 : i32
    %dma_wait3A_418 = tpu.memref_slice %arg11[%dma_wait3A_414, %dma_wait3A_416, %dma_wait3A_417] : memref<2x256x64xf32, #tpu.memory_space<vmem>> -> memref<1x256x64xf32, #tpu.memory_space<vmem>>
    %dma_wait3A_419 = tpu.memref_squeeze %dma_wait3A_418 : memref<1x256x64xf32, #tpu.memory_space<vmem>> -> memref<256x64xf32, #tpu.memory_space<vmem>>
    %dma_wait3A_420 = arith.constant 0 : i32
    %dma_wait3A_421 = tpu.memref_slice %arg6[%multiple_of3A_413, %dma_wait3A_420] : memref<327680x64xf32, #tpu.memory_space<hbm>> -> memref<256x64xf32, #tpu.memory_space<hbm>>
    %dma_wait3A_422 = tpu.memref_slice %arg14[%dma_wait3A_415] : memref<2x!tpu.dma_semaphore, #tpu.memory_space<semaphore_mem>> -> memref<1x!tpu.dma_semaphore, #tpu.memory_space<semaphore_mem>>
    %dma_wait3A_423 = tpu.memref_squeeze %dma_wait3A_422 : memref<1x!tpu.dma_semaphore, #tpu.memory_space<semaphore_mem>> -> memref<!tpu.dma_semaphore, #tpu.memory_space<semaphore_mem>>
    %dma_wait3A_424 = arith.constant 0 : i32
    %dma_wait3A_425 = tpu.memref_slice %arg6[%multiple_of3A_413, %dma_wait3A_424] : memref<327680x64xf32, #tpu.memory_space<hbm>> -> memref<256x64xf32, #tpu.memory_space<hbm>>
    %dma_wait3A_426 = arith.constant 0 : i32
    %dma_wait3A_427 = arith.constant 0 : i32
    %dma_wait3A_428 = tpu.memref_slice %arg11[%dma_wait3A_414, %dma_wait3A_426, %dma_wait3A_427] : memref<2x256x64xf32, #tpu.memory_space<vmem>> -> memref<1x256x64xf32, #tpu.memory_space<vmem>>
    %dma_wait3A_429 = tpu.memref_squeeze %dma_wait3A_428 : memref<1x256x64xf32, #tpu.memory_space<vmem>> -> memref<256x64xf32, #tpu.memory_space<vmem>>
    tpu.wait_dma2 semaphore(%dma_wait3A_423 : memref<!tpu.dma_semaphore, #tpu.memory_space<semaphore_mem>>) src(%dma_wait3A_429 : memref<256x64xf32, #tpu.memory_space<vmem>>) dst(%dma_wait3A_425 : memref<256x64xf32, #tpu.memory_space<hbm>>)
    %add3A_430 = arith.constant 9984 : i32
    %add3A_431 = arith.addi %mul3A_2, %add3A_430 : i32
    %multiple_of3A_432 = tpu.assume_multiple %add3A_431, 256 : i32
    %dma_wait3A_433 = arith.constant 1 : i32
    %dma_wait3A_434 = arith.constant 1 : i32
    %dma_wait3A_435 = arith.constant 0 : i32
    %dma_wait3A_436 = arith.constant 0 : i32
    %dma_wait3A_437 = tpu.memref_slice %arg11[%dma_wait3A_433, %dma_wait3A_435, %dma_wait3A_436] : memref<2x256x64xf32, #tpu.memory_space<vmem>> -> memref<1x256x64xf32, #tpu.memory_space<vmem>>
    %dma_wait3A_438 = tpu.memref_squeeze %dma_wait3A_437 : memref<1x256x64xf32, #tpu.memory_space<vmem>> -> memref<256x64xf32, #tpu.memory_space<vmem>>
    %dma_wait3A_439 = arith.constant 0 : i32
    %dma_wait3A_440 = tpu.memref_slice %arg6[%multiple_of3A_432, %dma_wait3A_439] : memref<327680x64xf32, #tpu.memory_space<hbm>> -> memref<256x64xf32, #tpu.memory_space<hbm>>
    %dma_wait3A_441 = tpu.memref_slice %arg14[%dma_wait3A_434] : memref<2x!tpu.dma_semaphore, #tpu.memory_space<semaphore_mem>> -> memref<1x!tpu.dma_semaphore, #tpu.memory_space<semaphore_mem>>
    %dma_wait3A_442 = tpu.memref_squeeze %dma_wait3A_441 : memref<1x!tpu.dma_semaphore, #tpu.memory_space<semaphore_mem>> -> memref<!tpu.dma_semaphore, #tpu.memory_space<semaphore_mem>>
    %dma_wait3A_443 = arith.constant 0 : i32
    %dma_wait3A_444 = tpu.memref_slice %arg6[%multiple_of3A_432, %dma_wait3A_443] : memref<327680x64xf32, #tpu.memory_space<hbm>> -> memref<256x64xf32, #tpu.memory_space<hbm>>
    %dma_wait3A_445 = arith.constant 0 : i32
    %dma_wait3A_446 = arith.constant 0 : i32
    %dma_wait3A_447 = tpu.memref_slice %arg11[%dma_wait3A_433, %dma_wait3A_445, %dma_wait3A_446] : memref<2x256x64xf32, #tpu.memory_space<vmem>> -> memref<1x256x64xf32, #tpu.memory_space<vmem>>
    %dma_wait3A_448 = tpu.memref_squeeze %dma_wait3A_447 : memref<1x256x64xf32, #tpu.memory_space<vmem>> -> memref<256x64xf32, #tpu.memory_space<vmem>>
    tpu.wait_dma2 semaphore(%dma_wait3A_442 : memref<!tpu.dma_semaphore, #tpu.memory_space<semaphore_mem>>) src(%dma_wait3A_448 : memref<256x64xf32, #tpu.memory_space<vmem>>) dst(%dma_wait3A_444 : memref<256x64xf32, #tpu.memory_space<hbm>>)
    return
  }
}

</mosaic_0001>

<sc_bundles>
// kernel: kernel.3.cloned.1.call-start
scs
__scs_entry_jumppad:
0x0: {  	(pc) =	sbr.rel $0x88, $3  }
0x1: {  	(tag) =	ssettag $0x0;
	lr =	simm.s32 $0x1  }
0x2: {  	[smem:$0x3F9D] =	sst lr;
	_ =	strace $0xD0000000  }
0x3: {  	_ = 	snop  }
0x4: {  	_ = 	snop  }
0x5: {  	_ = 	snop  }
0x6: {  	_ = 	snop  }
0x7: {  	_ = 	snop  }
__scs_overlays_trampoline_lowered:
0x8: {  	[smem:$0x3FAC] =	sst s0  }
0x9: {  	[smem:$0x3FAD] =	sst s1  }
0xa: {  	[smem:$0x3FAE] =	sst s2  }
0xb: {  	[smem:$0x3FAF] =	sst s3  }
0xc: {  	[smem:$0x3FB0] =	sst s4  }
0xd: {  	[smem:$0x3FB1] =	sst s5  }
0xe: {  	[smem:$0x3FB2] =	sst s6  }
0xf: {  	[smem:$0x3FB3] =	sst s7  }
0x10: {  	[smem:$0x3FB4] =	sst s8  }
0x11: {  	[smem:$0x3FB5] =	sst s9;
	s0 =	simm.s32 @!p0 $0x0  }
0x12: {  	s1 =	sld [smem:$0x3F9B];
	s0 =	simm.s32 @p0 $0x1  }
0x13: {  	[smem:$0x3FB6] =	sst s0;
	s0 =	simm.s32 @!p1 $0x0  }
0x14: {  	s2 =	sld [smem:$0x3F9A];
	s0 =	simm.s32 @p1 $0x1  }
0x15: {  	[smem:$0x3FB7] =	sst s0;
	s0 =	simm.s32 @!p2 $0x0  }
0x16: {  	s3 =	sld [smem:$0x3FDB];
	s0 =	simm.s32 @p2 $0x1  }
0x17: {  	s4 =	simm.s32 $0x1BF5;
	[smem:$0x3FB9] =	sst s0  }
0x18: {  	s0 =	sld [smem:$0x3F9C];
	_ =	swait.ge [sflag:s4], $0x0  }
0x19: {  	s7 =	sld [smem:$0x3F9D]  }
0x1a: {  	s8 =	sadd.s32 $0xFFFFE003, lr  }
0x1b: {  	s9 =	sadd.s32 $0xFFFFFEF7, lr;
	s5 =	simm.s32 $0xFFFFFFFF;
	p2 =	slt.u32 s8, $0xFFFFF086  }
0x1c: {  	p1 =	slt.u32 s9, $0xF7A;
	s5 =	simm.s32 @!p2 $0x0  }
0x1d: {  	s5 =	simm.s32 @p1 $0x1;
	p0 =	seq.s32 s7, s2  }
0x1e: {  	s7 =	smul.u32 @!p0 $0xF7A, s2;
	p2 =	seq.s32 @!p0 s5, $0x0  }
0x1f: {  	s9 =	smul.u32 $0xF7A, s1;
	s8 =	simm.s32 @!p0 $0x1BF5;
	p2 =	por !p2, p0  }
0x20: {  	[sflag:s8] =	ssyncset.s32 @!p0 $0xFFFFF086;
	s6 =	sadd.s32 @!p0 s3, s7;
	s7 =	simm.s32 @!p0 $0x108  }
0x21: {  	s3 =	sadd.s32 s3, s9;
	s6 =	sadd.s32 @!p0 $0x88, s6;
	s7 =	simm.s32 @p2 $0x1082  }
0x22: {  	[simem:s7], [sflag:s8] =	dma.local @!p0 [hbm:s6], $0xF7A  }
0x23: {  	s9 =	sor.u32 $0xD0000000, s2;
	s6 =	simm.s32 $0x108;
	_ =	swait.ge @!p0 [sflag:s8], $0x0  }
0x24: {  	s3 =	sadd.s32 $0x88, s3;
	s6 =	simm.s32 @!p1 $0x1082;
	[sflag:s4] =	ssyncset.s32 $0xFFFFF086  }
0x25: {  	[simem:s6], [sflag:s4] =	dma.local [hbm:s3], $0xF7A  }
0x26: {  	[smem:$0x3F9D] =	sst s1;
	(tag) =	ssettag s2;
	_ =	strace s9  }
0x27: {  	s1 =	sld [smem:$0x3FAD]  }
0x28: {  	s2 =	sld [smem:$0x3FAE]  }
0x29: {  	s4 =	sld [smem:$0x3FB0]  }
0x2a: {  	p0 =	seq.s32 s5, $0x0;
	s5 =	sld [smem:$0x3FB1]  }
0x2b: {  	s6 =	sld [smem:$0x3FB2]  }
0x2c: {  	s7 =	sld [smem:$0x3FB3]  }
0x2d: {  	s3 =	simm.s32 $0x108;
	s8 =	sld [smem:$0x3FB4]  }
0x2e: {  	s3 =	simm.s32 @!p0 $0x1082;
	s9 =	sld [smem:$0x3FB5]  }
0x2f: {  	lr =	sadd.s32 s0, s3;
	s0 =	sld [smem:$0x3FAC]  }
0x30: {  	s3 =	sld [smem:$0x3FAF]  }
0x31: {  	[smem:$0x3FB8] =	sst s10  }
0x32: {  	s10 =	sld [smem:$0x3FB6];
	_ =	sdelay $0x3  }
0x33: {  	p0 =	seq.s32 s10, $0x1;
	s10 =	sld [smem:$0x3FB8];
	_ =	sdelay $0x3  }
0x34: {  	[smem:$0x3FB8] =	sst s10  }
0x35: {  	s10 =	sld [smem:$0x3FB7];
	_ =	sdelay $0x3  }
0x36: {  	p1 =	seq.s32 s10, $0x1;
	s10 =	sld [smem:$0x3FB8];
	_ =	sdelay $0x3  }
0x37: {  	[smem:$0x3FB8] =	sst s10  }
0x38: {  	s10 =	sld [smem:$0x3FB9]  }
0x39: {  	_ = 	snop;
	(pc) =	sbr.ind lr, $3  }
0x3a: {  	_ = 	snop  }
0x3b: {  	_ = 	snop  }
0x3c: {  	p2 =	seq.s32 s10, $0x1;
	s10 =	sld [smem:$0x3FB8]  }
0x3d: {  	_ =	shalt  }
0x3e: {  	_ =	shalt  }
0x3f: {  	_ =	shalt  }
0x40: {  	_ =	shalt  }
0x41: {  	_ =	shalt  }
0x42: {  	_ =	shalt  }
0x43: {  	_ =	shalt  }
0x44: {  	_ =	shalt  }
0x45: {  	_ =	shalt  }
0x46: {  	_ =	shalt  }
0x47: {  	_ =	shalt  }
0x48: {  	_ =	shalt  }
0x49: {  	_ =	shalt  }
0x4a: {  	_ =	shalt  }
0x4b: {  	_ =	shalt  }
0x4c: {  	_ =	shalt  }
0x4d: {  	_ =	shalt  }
0x4e: {  	_ =	shalt  }
0x4f: {  	_ =	shalt  }
0x50: {  	_ =	shalt  }
0x51: {  	_ =	shalt  }
0x52: {  	_ =	shalt  }
0x53: {  	_ =	shalt  }
0x54: {  	_ =	shalt  }
0x55: {  	_ =	shalt  }
0x56: {  	_ =	shalt  }
0x57: {  	_ =	shalt  }
0x58: {  	_ =	shalt  }
0x59: {  	_ =	shalt  }
0x5a: {  	_ =	shalt  }
0x5b: {  	_ =	shalt  }
0x5c: {  	_ =	shalt  }
0x5d: {  	_ =	shalt  }
0x5e: {  	_ =	shalt  }
0x5f: {  	_ =	shalt  }
0x60: {  	_ =	shalt  }
0x61: {  	_ =	shalt  }
0x62: {  	_ =	shalt  }
0x63: {  	_ =	shalt  }
0x64: {  	_ =	shalt  }
0x65: {  	_ =	shalt  }
0x66: {  	_ =	shalt  }
0x67: {  	_ =	shalt  }
0x68: {  	_ =	shalt  }
0x69: {  	_ =	shalt  }
0x6a: {  	_ =	shalt  }
0x6b: {  	_ =	shalt  }
0x6c: {  	_ =	shalt  }
0x6d: {  	_ =	shalt  }
0x6e: {  	_ =	shalt  }
0x6f: {  	_ =	shalt  }
0x70: {  	_ =	shalt  }
0x71: {  	_ =	shalt  }
0x72: {  	_ =	shalt  }
0x73: {  	_ =	shalt  }
0x74: {  	_ =	shalt  }
0x75: {  	_ =	shalt  }
0x76: {  	_ =	shalt  }
0x77: {  	_ =	shalt  }
0x78: {  	_ =	shalt  }
0x79: {  	_ =	shalt  }
0x7a: {  	_ =	shalt  }
0x7b: {  	_ =	shalt  }
0x7c: {  	_ =	shalt  }
0x7d: {  	_ =	shalt  }
0x7e: {  	_ =	shalt  }
0x7f: {  	_ =	shalt  }
0x80: {  	_ =	shalt  }
0x81: {  	_ =	shalt  }
0x82: {  	_ =	shalt  }
0x83: {  	_ =	shalt  }
0x84: {  	_ =	shalt  }
0x85: {  	_ =	shalt  }
0x86: {  	_ =	shalt  }
0x87: {  	_ =	shalt  }
.Lfunc_end0:
.L_simem_size_0:
called_computation.1_lowered:
.L_overlay_start_0:
0x88: {  	s2 =	sld [smem:$0x3FD9]  }
0x89: {  	s3 =	sld [smem:$0x3FFE];
	_ =	sdelay $0x1  }
0x8a: {  	s1 =	srdreg.scid  }
0x8b: {  	s0 =	sand.u32 $0x1, s1  }
0x8c: {  	s17 =	sshll.u32 s0, $0xA;
	s2 =	sadd.s32 s3, s2  }
0x8d: {  	s2 =	sadd.s32 s2, s17  }
0x8e: {  	[smem:$0x3FC4] =	sst s2  }
0x8f: {  	_ = 	snop  }
0x90: {  	s2 =	sld [smem:$0x3FD0];
	(tm) =	ssettm $0x1  }
0x91: {  	s18 =	sld [smem:$0x3FFB];
	_ =	sdelay $0x3  }
0x92: {  	_ =	strace s18  }
0x93: {  	s3 =	sld [smem:$0x3FFC];
	_ =	sdelay $0x3  }
0x94: {  	_ =	strace s3  }
0x95: {  	s3 =	sld [smem:$0x3FFD];
	_ =	sdelay $0x3  }
0x96: {  	_ =	strace s3  }
0x97: {  	_ =	strace $0x8FFFFFFF  }
0x98: {  	s19 =	sld [smem:$0x3FDB];
	_ =	sdelay $0x1  }
0x99: {  	s4 =	simm.s32 $_scs_section_size  }
0x9a: {  	s5 =	simm.s32 $_size__tile_overlayer_lowered;
	s6 =	simm.s32 $_tile_overlayer_lowered  }
0x9b: {  	s22 =	simm.s32 $0x1BFF;
	s21 =	sshll.u32 s6, $0x1;
	s3 =	sadd.s32 s4, s19  }
0x9c: {  	s7 =	simm.s32 $0x0;
	s20 =	sshll.u32 s5, $0x1;
	s5 =	sadd.s32 s21, s3  }
0x9d: {  	[timem:s7], [sflag:s22] =	dma.local [hbm:s5], s20  }
0x9e: {  	_ =	swait.ge [sflag:s22], s20  }
0x9f: {  	s4 =	ssub.s32 $0x0, s20;
	[sflag:s22] =	ssyncset.done $0x0  }
0xa0: {  	[sflag:s22] =	ssyncadd.s32 s4;
	_ =	sdelay $0x1  }
0xa1: {  	s23 =	simm.s32 $0x1B8B  }
0xa2: {  	_ =	swait.ge [sflag:s23], $0x1  }
0xa3: {  	[sflag:s23] =	ssyncset.done $0x0  }
0xa4: {  	s25 =	simm.s32 $0x1B8E;
	s24 =	sld [smem:$0x3FFE];
	[sflag:s23] =	ssyncadd.s32 $0xFFFFFFFF  }
0xa5: {  	s26 =	simm.s32 $execute0_lowered;
	[smem:$0x3FD2] =	sst s25  }
0xa6: {  	s5 =	sshll.u32 s26, $0x1;
	_ =	strace $0x80000046;
	[dreg:$0x1] =	wrdreg $0xFFFFFFFF  }
0xa7: {  	s28 =	simm.s32 $_size_execute0_lowered;
	s3 =	sadd.s32 s3, s5;
	[dreg:$0x0] =	wrdreg $0x0  }
0xa8: {  	s5 =	sshll.u32 s28, $0x1;
	[dreg:$0x2] =	wrdreg s3  }
0xa9: {  	[dreg:$0x3] =	wrdreg s5  }
0xaa: {  	[dreg:$0x4] =	wrdreg $0xC0  }
0xab: {  	_ =	task [dreg:s7], $0x5FFFF  }
0xac: {  	[dreg:$0x1] =	wrdreg $0xFFFFFFFF  }
0xad: {  	[dreg:$0x0] =	wrdreg $0x60  }
0xae: {  	[dreg:$0x2] =	wrdreg s24  }
0xaf: {  	[dreg:$0x3] =	wrdreg s2  }
0xb0: {  	[dreg:$0x4] =	wrdreg $0x9  }
0xb1: {  	_ =	task.clear_ibuf [dreg:s7], $0x5FFFF;
	_ =	strace $0x90000046  }
0xb2: {  	s29 =	simm.s32 $0x9;
	_ =	strace $0x80000048  }
0xb3: {  	_ =	swait.ge [sflag:s29], $0x1  }
0xb4: {  	[sflag:s29] =	ssyncadd.s32 $0xFFFFFFFF  }
0xb5: {  	_ =	strace $0x90000048  }
0xb6: {  	_ =	sfence  }
0xb7: {  	s30 =	sld [smem:$0x0];
	_ =	sdelay $0x2  }
0xb8: {  	s31 =	sshll.u32 s1, $0xD;
	s1 =	sshrl.u32 s1, $0x2  }
0xb9: {  	s3 =	sand.u32 $0x4000, s31;
	s1 =	sadd.s32 s1, s30  }
0xba: {  	s0 =	sor.u32 s3, s0;
	s1 =	sshll.u32 s1, $0x11  }
0xbb: {  	s0 =	sor.u32 s1, s0  }
0xbc: {  	s0 =	sadd.s32 $0x8F2B, s0  }
0xbd: {  	[sflag:s0] =	ssyncadd.remote.s32 $0x1  }
0xbe: {  	_ =	sfence.sel $0xFFFF  }
0xbf: {  	[dreg:$0x0] =	wrdreg $0xFFFFFFFF;
	(pc) =	sbr.abs _section_cstart, $3  }
0xc0: {  	[dreg:$0x1] =	wrdreg $0xFFFFFFFF  }
0xc1: {  	_ =	task.clear_ibuf [dreg:s7], $0x2FFFF;
	_ =	strace $0x9FFFFFFF  }
0xc2: {  	(tm) =	ssettm $0x7FFFFFFF  }
0xc3: {  	_ =	shalt  }
tec
execute0_lowered:
.L_overlay_start_1:
0x0: {  	(tag) =	ssettag $0x1  }
0x1: {  	s0 =	rddreg [dreg:$0x0]  }
0x2: {  	s2 =	rddreg [dreg:$0x1]  }
0x3: {  	s1 =	srdreg.scid;
	s4 =	stileid.u32;
	s3 =	simm.s32 $0x0  }
0x4: {  	s13 =	simm.s32 $0x5;
	s14 =	simm.s32 $0x80;
	s17 =	simm.s32 $0x10400  }
0x5: {  	s18 =	simm.s32 $0x280;
	s19 =	simm.s32 $0x4400;
	s20 =	simm.s32 $0x10C00  }
0x6: {  	s21 =	simm.s32 $0x1;
	s22 =	simm.s32 $0x3;
	s23 =	simm.s32 $0x4  }
0x7: {  	s24 =	simm.s32 $0x0;
	s1 =	sand.u32 $0x1, s1;
	s4 =	sshll.u32 s4, $0x1  }
0x8: {  	[smem:$0x7FF] =	sst s3;
	s5 =	sadd.s32 $0xC00, s0;
	s10 =	sor.u32 s1, s4  }
0x9: {  	s6 =	sadd.s32 $0xF43000, s0;
	s1 =	ssub.s32 $0x2, s1;
	s4 =	smul.u32 $0x2800, s10  }
0xa: {  	s7 =	sadd.s32 $0x16E4200, s0;
	s8 =	sadd.s32 $0xAC00, s0;
	s9 =	sshrl.u32 s1, $0x1  }
0xb: {  	_ =	strace $0x80000047;
	s31 =	ssub.s32 s1, s9;
	s11 =	sshrl.u32 s4, $0x3  }
0xc: {  	s10 =	smul.u32 $0xA0000, s10;
	s9 =	sadd.s32 s5, s11;
	s11 =	smax.u32 s31, $0x1  }
.LBB2_1:
0xd: {  	s0 =	simm.s32 $0x1A400  }
0xe: {  	[tilespmem:s0], [sflag:$0x5] =	stream.linear.gather [hbm4b:s8+s3], $0x200, $0x38;
	[tilespmem:$0x1A600] =	vst v63  }
0xf: {  	_ =	swait.ge [sflag:s13], $0x200  }
0x10: {  	[sflag:s13] =	ssyncset.done $0x0  }
0x11: {  	[sflag:s13] =	ssyncadd.s32 $0xFFFFFE00  }
0x12: {  	v0 =	vld [tilespmem:$0x1A400]  }
0x13: {  	v1 =	vld [tilespmem:$0x1A410]  }
0x14: {  	v2 =	vld [tilespmem:$0x1A420]  }
0x15: {  	v3 =	vld [tilespmem:$0x1A430]  }
0x16: {  	v4 =	vld [tilespmem:$0x1A440]  }
0x17: {  	v5 =	vld [tilespmem:$0x1A450]  }
0x18: {  	v6 =	vld [tilespmem:$0x1A460]  }
0x19: {  	v7 =	vld [tilespmem:$0x1A470]  }
0x1a: {  	v8 =	vld [tilespmem:$0x1A480]  }
0x1b: {  	v9 =	vld [tilespmem:$0x1A490]  }
0x1c: {  	v10 =	vld [tilespmem:$0x1A4A0]  }
0x1d: {  	v11 =	vld [tilespmem:$0x1A4B0]  }
0x1e: {  	v12 =	vld [tilespmem:$0x1A4C0]  }
0x1f: {  	v13 =	vld [tilespmem:$0x1A4D0]  }
0x20: {  	v14 =	vld [tilespmem:$0x1A4E0]  }
0x21: {  	v15 =	vld [tilespmem:$0x1A4F0]  }
0x22: {  	v16 =	vld [tilespmem:$0x1A500]  }
0x23: {  	v17 =	vld [tilespmem:$0x1A510]  }
0x24: {  	v18 =	vld [tilespmem:$0x1A520]  }
0x25: {  	v19 =	vld [tilespmem:$0x1A530]  }
0x26: {  	v20 =	vld [tilespmem:$0x1A540]  }
0x27: {  	v21 =	vld [tilespmem:$0x1A550]  }
0x28: {  	v22 =	vld [tilespmem:$0x1A560]  }
0x29: {  	v23 =	vld [tilespmem:$0x1A570]  }
0x2a: {  	v24 =	vld [tilespmem:$0x1A580]  }
0x2b: {  	v25 =	vld [tilespmem:$0x1A590]  }
0x2c: {  	v26 =	vld [tilespmem:$0x1A5A0]  }
0x2d: {  	v27 =	vld [tilespmem:$0x1A5B0]  }
0x2e: {  	v28 =	vld [tilespmem:$0x1A5C0]  }
0x2f: {  	v29 =	vld [tilespmem:$0x1A5D0]  }
0x30: {  	v30 =	vld [tilespmem:$0x1A5E0]  }
0x31: {  	v31 =	vld [tilespmem:$0x1A5F0];
	[tilespmem:s3], [sflag:$0x5] =	stream.linear.gather [hbm4b:s9+s3], $0x100, $0x38  }
0x32: {  	_ =	swait.ge [sflag:s13], $0x100  }
0x33: {  	[sflag:s13] =	ssyncset.done $0x0  }
0x34: {  	[sflag:s13] =	ssyncadd.s32 $0xFFFFFF00  }
0x35: {  	v32 =	vld [tilespmem:$0x0]  }
0x36: {  	v33 =	vld [tilespmem:$0x10]  }
0x37: {  	v34 =	vld [tilespmem:$0x20]  }
0x38: {  	v35 =	vld [tilespmem:$0x30]  }
0x39: {  	v36 =	vld [tilespmem:$0x40]  }
0x3a: {  	v37 =	vld [tilespmem:$0x50];
	v32 =	vshra.s32 v32, $0x1  }
0x3b: {  	v40 =	vld [tilespmem:$0x60];
	v39 =	vshra.s32 v33, $0x1;
	[tilespmem:$0x200] =	vst v32  }
0x3c: {  	v42 =	vld [tilespmem:$0x70];
	v41 =	vshra.s32 v34, $0x1;
	[tilespmem:$0x210] =	vst v39  }
0x3d: {  	v44 =	vld [tilespmem:$0x80];
	v43 =	vshra.s32 v35, $0x1;
	[tilespmem:$0x220] =	vst v41  }
0x3e: {  	v46 =	vld [tilespmem:$0x90];
	v45 =	vshra.s32 v36, $0x1;
	[tilespmem:$0x230] =	vst v43  }
0x3f: {  	v48 =	vld [tilespmem:$0xA0];
	v47 =	vshra.s32 v37, $0x1;
	[tilespmem:$0x240] =	vst v45  }
0x40: {  	v50 =	vld [tilespmem:$0xB0];
	v49 =	vshra.s32 v40, $0x1;
	[tilespmem:$0x250] =	vst v47  }
0x41: {  	v52 =	vld [tilespmem:$0xC0];
	v51 =	vshra.s32 v42, $0x1;
	[tilespmem:$0x260] =	vst v49  }
0x42: {  	v54 =	vld [tilespmem:$0xD0];
	v53 =	vshra.s32 v44, $0x1;
	[tilespmem:$0x270] =	vst v51  }
0x43: {  	v56 =	vld [tilespmem:$0xE0];
	v55 =	vshra.s32 v46, $0x1;
	[tilespmem:$0x280] =	vst v53  }
0x44: {  	v58 =	vld [tilespmem:$0xF0];
	v57 =	vshra.s32 v48, $0x1;
	[tilespmem:$0x290] =	vst v55  }
0x45: {  	v59 =	vshra.s32 v50, $0x1;
	[tilespmem:$0x2A0] =	vst v57  }
0x46: {  	v60 =	vshra.s32 v52, $0x1;
	[tilespmem:$0x2B0] =	vst v59  }
0x47: {  	v61 =	vshra.s32 v54, $0x1;
	[tilespmem:$0x2C0] =	vst v60  }
0x48: {  	v62 =	vshra.s32 v56, $0x1;
	[tilespmem:$0x2D0] =	vst v61  }
0x49: {  	v63 =	vshra.s32 v58, $0x1;
	[tilespmem:$0x2E0] =	vst v62  }
0x4a: {  	s31 =	simm.s32 $0x200;
	s1 =	simm.s32 $0x400;
	[tilespmem:$0x2F0] =	vst v63  }
0x4b: {  	[tilespmem:s1], [sflag:$0x1] =	stream.indirect.gather [hbm4b:s6+s14], $0x80, s31, s14, $0xb8;
	[tilespmem:$0x1A600] =	vst v63  }
0x4c: {  	_ = 	snop  }
0x4d: {  	[tilespmem:s17], [sflag:$0x1] =	stream.indirect.gather [hbm4b:s7+s14], $0x10, s3, s14, $0xb8;
	[tilespmem:$0x1A600] =	vst v63  }
0x4e: {  	_ = 	snop  }
0x4f: {  	[tilespmem:s19], [sflag:$0x1] =	stream.indirect.gather [hbm4b:s6+s14], $0x80, s18, s14, $0xb8;
	[tilespmem:$0x1A600] =	vst v63  }
0x50: {  	p0 =	por $0x0, $0x0;
	s26 =	simm.s32 $0x0  }
0x51: {  	[tilespmem:s20], [sflag:$0x1] =	stream.indirect.gather [hbm4b:s7+s14], $0x10, s14, s14, $0xb8;
	[tilespmem:$0x1A600] =	vst v63  }
.LBB2_2:
0x52: {  	s25 =	sadd.s32 $0x1, s26  }
0x53: {  	s0 =	smin.u32 s25, $0x27  }
0x54: {  	s0 =	sshll.u32 s0, $0x8  }
0x55: {  	s28 =	sand.u32 $0x1, s26;
	s0 =	sadd.s32 s4, s0  }
0x56: {  	s1 =	sxor.u32 $0x1, s28;
	s12 =	sshrl.u32 s0, $0x3  }
0x57: {  	s16 =	sshll.u32 s1, $0x8;
	s12 =	sadd.s32 s5, s12  }
0x58: {  	[tilespmem:s16], [sflag:$0x5] =	stream.linear.gather [hbm4b:s12+s3], $0x100, $0x38;
	[tilespmem:$0x1A600] =	vst v63  }
0x59: {  	_ =	swait.ge [sflag:s13], $0x100  }
0x5a: {  	[sflag:s13] =	ssyncset.done $0x0  }
0x5b: {  	[sflag:s13] =	ssyncadd.s32 $0xFFFFFF00  }
0x5c: {  	v32 =	vld [tilespmem:s16+$0x0]  }
0x5d: {  	v33 =	vld [tilespmem:s16+$0x10]  }
0x5e: {  	v34 =	vld [tilespmem:s16+$0x20]  }
0x5f: {  	v35 =	vld [tilespmem:s16+$0x30]  }
0x60: {  	v36 =	vld [tilespmem:s16+$0x40]  }
0x61: {  	v37 =	vld [tilespmem:s16+$0x50];
	v32 =	vshra.s32 v32, $0x1  }
0x62: {  	v40 =	vld [tilespmem:s16+$0x60];
	v39 =	vshra.s32 v33, $0x1;
	[tilespmem:s16+$0x200] =	vst v32  }
0x63: {  	v42 =	vld [tilespmem:s16+$0x70];
	v41 =	vshra.s32 v34, $0x1;
	[tilespmem:s16+$0x210] =	vst v39  }
0x64: {  	v44 =	vld [tilespmem:s16+$0x80];
	v43 =	vshra.s32 v35, $0x1;
	[tilespmem:s16+$0x220] =	vst v41  }
0x65: {  	v46 =	vld [tilespmem:s16+$0x90];
	v45 =	vshra.s32 v36, $0x1;
	[tilespmem:s16+$0x230] =	vst v43  }
0x66: {  	v48 =	vld [tilespmem:s16+$0xA0];
	v47 =	vshra.s32 v37, $0x1;
	[tilespmem:s16+$0x240] =	vst v45  }
0x67: {  	v50 =	vld [tilespmem:s16+$0xB0];
	v49 =	vshra.s32 v40, $0x1;
	[tilespmem:s16+$0x250] =	vst v47  }
0x68: {  	v52 =	vld [tilespmem:s16+$0xC0];
	v51 =	vshra.s32 v42, $0x1;
	[tilespmem:s16+$0x260] =	vst v49  }
0x69: {  	v54 =	vld [tilespmem:s16+$0xD0];
	v53 =	vshra.s32 v44, $0x1;
	[tilespmem:s16+$0x270] =	vst v51  }
0x6a: {  	v56 =	vld [tilespmem:s16+$0xE0];
	v55 =	vshra.s32 v46, $0x1;
	[tilespmem:s16+$0x280] =	vst v53  }
0x6b: {  	v58 =	vld [tilespmem:s16+$0xF0];
	v57 =	vshra.s32 v48, $0x1;
	[tilespmem:s16+$0x290] =	vst v55  }
0x6c: {  	v59 =	vshra.s32 v50, $0x1;
	[tilespmem:s16+$0x2A0] =	vst v57  }
0x6d: {  	v60 =	vshra.s32 v52, $0x1;
	[tilespmem:s16+$0x2B0] =	vst v59  }
0x6e: {  	v61 =	vshra.s32 v54, $0x1;
	[tilespmem:s16+$0x2C0] =	vst v60  }
0x6f: {  	v62 =	vshra.s32 v56, $0x1;
	[tilespmem:s16+$0x2D0] =	vst v61  }
0x70: {  	s15 =	sshll.u32 s1, $0xF;
	s31 =	sadd.s32 $0x1, s1;
	v63 =	vshra.s32 v58, $0x1;
	[tilespmem:s16+$0x2E0] =	vst v62  }
0x71: {  	s1 =	sshll.u32 s1, $0xC;
	s29 =	sor.u32 $0x200, s16;
	s30 =	sor.u32 $0x400, s15;
	[tilespmem:s16+$0x2F0] =	vst v63  }
0x72: {  	[tilespmem:s30], [sflag:s31] =	stream.indirect.gather [hbm4b:s6+s14], $0x80, s29, s14, $0xb8;
	[tilespmem:$0x1A600] =	vst v63  }
0x73: {  	s29 =	sor.u32 $0x10400, s1  }
0x74: {  	[tilespmem:s29], [sflag:s31] =	stream.indirect.gather [hbm4b:s7+s14], $0x10, s16, s14, $0xb8;
	[tilespmem:$0x1A600] =	vst v63  }
0x75: {  	s12 =	sor.u32 $0x4400, s15;
	s29 =	sor.u32 $0x280, s16  }
0x76: {  	[tilespmem:s12], [sflag:s31] =	stream.indirect.gather [hbm4b:s6+s14], $0x80, s29, s14, $0xb8;
	[tilespmem:$0x1A600] =	vst v63  }
0x77: {  	s0 =	sor.u32 $0x80, s16;
	s1 =	sor.u32 $0x10C00, s1;
	s16 =	sadd.s32 $0x1, s28  }
0x78: {  	[tilespmem:s1], [sflag:s31] =	stream.indirect.gather [hbm4b:s7+s14], $0x10, s0, s14, $0xb8;
	[tilespmem:$0x1A600] =	vst v63  }
0x79: {  	_ =	swait.ge [sflag:s16], $0x4000  }
0x7a: {  	[sflag:s16] =	ssyncset.done $0x0  }
0x7b: {  	[sflag:s16] =	ssyncadd.s32 $0xFFFFC000  }
0x7c: {  	_ =	swait.ge [sflag:s16], $0x800  }
0x7d: {  	[sflag:s16] =	ssyncset.done $0x0  }
0x7e: {  	[sflag:s16] =	ssyncadd.s32 $0xFFFFF800  }
0x7f: {  	_ =	swait.ge [sflag:s16], $0x4000  }
0x80: {  	[sflag:s16] =	ssyncset.done $0x0  }
0x81: {  	s1 =	simm.s32 $0x1;
	[sflag:s16] =	ssyncadd.s32 $0xFFFFC000  }
0x82: {  	s1 =	simm.s32 @!p0 $0x0;
	_ =	swait.ge [sflag:s16], $0x800  }
0x83: {  	p1 =	slt.u32 s26, $0x2;
	s12 =	sshll.u32 s1, $0xF;
	[sflag:s16] =	ssyncset.done $0x0  }
0x84: {  	s15 =	sshll.u32 s1, $0xE;
	[sflag:s16] =	ssyncadd.s32 $0xFFFFF800;
	s16 =	sadd.s32 @!p1 $0x3, s28  }
0x85: {  	s30 =	sshll.u32 s1, $0x8;
	s1 =	simm.s32 $0x0;
	_ =	swait.ge @!p1 [sflag:s16], $0x4000  }
0x86: {  	s29 =	sor.u32 $0x400, s12;
	s12 =	sshrl.u32 s15, $0x2;
	[sflag:s16] =	ssyncset.done @!p1 $0x0  }
0x87: {  	s0 =	sor.u32 $0x12600, s15;
	s31 =	sor.u32 $0x10480, s12;
	[sflag:s16] =	ssyncadd.s32 @!p1 $0xFFFFC000  }
.LBB2_3:
0x88: {  	v33 =	vld [tilespmem:s31+$0xFFFFFF80];
	_ =	sdelay $0x4  }
0x89: {  	v32 =	vbroadcast v33, $0x0;
	v34 =	vbroadcast v33, $0x1;
	_ =	sdelay $0x1  }
0x8a: {  	v35 =	vld [tilespmem:s30+$0x0];
	v36 =	vbroadcast v33, $0x2;
	v32 =	vpack.i.f32.bf16 v32, v32;
	v34 =	vpack.i.f32.bf16 v34, v34  }
0x8b: {  	v37 =	vmul.bf16 v32, v0;
	v38 =	vmul.bf16 v34, v2  }
0x8c: {  	v39 =	vbroadcast v33, $0x3;
	v36 =	vpack.i.f32.bf16 v36, v36  }
0x8d: {  	v48 =	vmul.bf16 v36, v4;
	v37 =	vadd.bf16 v38, v37  }
0x8e: {  	v40 =	vbroadcast v33, $0x4;
	v39 =	vpack.i.f32.bf16 v39, v39  }
0x8f: {  	v35 =	vshll.u32 v35, $0x6;
	v49 =	vmul.bf16 v39, v6;
	v37 =	vadd.bf16 v48, v37  }
0x90: {  	v41 =	vbroadcast v33, $0x5;
	v42 =	vbroadcast v33, $0x6;
	v40 =	vpack.i.f32.bf16 v40, v40  }
0x91: {  	v35 =	vand.u32 $0x40, v35;
	v50 =	vmul.bf16 v40, v8;
	v37 =	vadd.bf16 v49, v37  }
0x92: {  	v41 =	vpack.i.f32.bf16 v41, v41;
	v53 =	vpack.i.f32.bf16 v42, v42;
	v32 =	vmul.bf16 v32, v1  }
0x93: {  	v34 =	vmul.bf16 v34, v3;
	v52 =	vmul.bf16 v41, v10;
	v51 =	vadd.bf16 v50, v37  }
0x94: {  	s12 =	sshra.s32 s1, $0x2;
	v54 =	vbroadcast v33, $0x7;
	v35 =	vadd.s32 s29, v35;
	v43 =	vmul.bf16 v53, v12  }
0x95: {  	v34 =	vadd.bf16 v34, v32;
	v32 =	vadd.s32 s12, v35;
	v37 =	vadd.bf16 v52, v51  }
0x96: {  	v55 =	vbroadcast v33, $0x8;
	v35 =	vpack.i.f32.bf16 v54, v54;
	(v2sf) =	vpush v32, $0x1  }
0x97: {  	v56 =	vmul.bf16 v35, v14;
	(v2sf) =	vpush v32, $0x0;
	v37 =	vadd.bf16 v43, v37  }
0x98: {  	v44 =	vbroadcast v33, $0x9;
	v42 =	vpack.i.f32.bf16 v55, v55  }
0x99: {  	v57 =	vmul.bf16 v42, v16;
	v37 =	vadd.bf16 v56, v37  }
0x9a: {  	v59 =	vbroadcast v33, $0xA;
	v58 =	vpack.i.f32.bf16 v44, v44  }
0x9b: {  	v60 =	vmul.bf16 v58, v18;
	v37 =	vadd.bf16 v57, v37  }
0x9c: {  	v45 =	vbroadcast v33, $0xB;
	v44 =	vpack.i.f32.bf16 v59, v59  }
0x9d: {  	v36 =	vmul.bf16 v36, v5;
	v61 =	vmul.bf16 v44, v20;
	v37 =	vadd.bf16 v60, v37  }
0x9e: {  	v63 =	vbroadcast v33, $0xC;
	v62 =	vpack.i.f32.bf16 v45, v45;
	v39 =	vmul.bf16 v39, v7  }
0x9f: {  	v34 =	vadd.bf16 v36, v34;
	v48 =	vmul.bf16 v62, v22;
	v37 =	vadd.bf16 v61, v37  }
0xa0: {  	v40 =	vmul.bf16 v40, v9;
	v49 =	vpack.i.f32.bf16 v63, v63;
	v50 =	vbroadcast v33, $0xD  }
0xa1: {  	v34 =	vadd.bf16 v39, v34;
	v51 =	vmul.bf16 v49, v24;
	v37 =	vadd.bf16 v48, v37  }
0xa2: {  	v46 =	vbroadcast v33, $0xE;
	v41 =	vmul.bf16 v41, v11;
	v45 =	vpack.i.f32.bf16 v50, v50  }
0xa3: {  	v34 =	vadd.bf16 v40, v34;
	v52 =	vmul.bf16 v45, v26;
	v37 =	vadd.bf16 v51, v37  }
0xa4: {  	v38 =	vmul.bf16 v53, v13;
	v53 =	vpack.i.f32.bf16 v46, v46;
	v33 =	vbroadcast v33, $0xF  }
0xa5: {  	v54 =	vmul.bf16 v53, v28;
	v34 =	vadd.bf16 v41, v34;
	s16 =	spop (v2sf);
	v37 =	vadd.bf16 v52, v37  }
0xa6: {  	v35 =	vmul.bf16 v35, v15;
	v33 =	vpack.i.f32.bf16 v33, v33;
	s15 =	spop (v2sf)  }
0xa7: {  	v55 =	vmul.bf16 v33, v30;
	v34 =	vadd.bf16 v38, v34;
	v56 =	vld [tilespmem:s15+$0x0];
	v37 =	vadd.bf16 v54, v37;
	_ =	sdelay $0x1  }
0xa8: {  	v34 =	vadd.bf16 v35, v34;
	v57 =	vmul.bf16 v42, v17;
	v37 =	vadd.bf16 v55, v37;
	_ =	sdelay $0x1  }
0xa9: {  	v58 =	vmul.bf16 v58, v19;
	v34 =	vadd.bf16 v57, v34;
	v59 =	vunpack.i.l.bf16.f32 v37  }
0xaa: {  	v36 =	vadd.f32 v56, v59  }
0xab: {  	v60 =	vmul.bf16 v44, v21;
	v34 =	vadd.bf16 v58, v34  }
0xac: {  	[tilespmem:s0+$0xFFFFFE00] =	vst v36  }
0xad: {  	v61 =	vmul.bf16 v62, v23;
	v34 =	vadd.bf16 v60, v34;
	v36 =	vld [tilespmem:s15+$0x10];
	_ =	sdelay $0x1  }
0xae: {  	v62 =	vmul.bf16 v49, v25;
	v34 =	vadd.bf16 v61, v34;
	_ =	sdelay $0x1  }
0xaf: {  	v63 =	vmul.bf16 v45, v27;
	v34 =	vadd.bf16 v62, v34;
	v37 =	vunpack.i.u.bf16.f32 v37  }
0xb0: {  	v36 =	vadd.f32 v36, v37  }
0xb1: {  	v38 =	vmul.bf16 v53, v29;
	v34 =	vadd.bf16 v63, v34  }
0xb2: {  	[tilespmem:s0+$0xFFFFFE10] =	vst v36  }
0xb3: {  	v33 =	vmul.bf16 v33, v31;
	v34 =	vadd.bf16 v38, v34;
	v39 =	vld [tilespmem:s15+$0x20];
	_ =	sdelay $0x1  }
0xb4: {  	v33 =	vadd.bf16 v33, v34;
	_ =	sdelay $0x1  }
0xb5: {  	v34 =	vunpack.i.l.bf16.f32 v33  }
0xb6: {  	v34 =	vadd.f32 v39, v34;
	_ =	sdelay $0x1  }
0xb7: {  	[tilespmem:s0+$0xFFFFFE20] =	vst v34  }
0xb8: {  	v34 =	vld [tilespmem:s15+$0x30];
	_ =	sdelay $0x3  }
0xb9: {  	v33 =	vunpack.i.u.bf16.f32 v33  }
0xba: {  	v33 =	vadd.f32 v34, v33;
	_ =	sdelay $0x1  }
0xbb: {  	[tilespmem:s0+$0xFFFFFE30] =	vst v33  }
0xbc: {  	v33 =	vld [tilespmem:s31+$0xFFFFFF90];
	_ =	sdelay $0x4  }
0xbd: {  	v40 =	vbroadcast v33, $0x0;
	v41 =	vbroadcast v33, $0x1;
	_ =	sdelay $0x1  }
0xbe: {  	v42 =	vbroadcast v33, $0x2;
	v34 =	vpack.i.f32.bf16 v40, v40;
	v35 =	vpack.i.f32.bf16 v41, v41  }
0xbf: {  	v43 =	vmul.bf16 v34, v0;
	v44 =	vmul.bf16 v35, v2  }
0xc0: {  	v45 =	vbroadcast v33, $0x3;
	v36 =	vpack.i.f32.bf16 v42, v42  }
0xc1: {  	v46 =	vmul.bf16 v36, v4;
	v37 =	vadd.bf16 v44, v43  }
0xc2: {  	v47 =	vbroadcast v33, $0x4;
	v39 =	vpack.i.f32.bf16 v45, v45  }
0xc3: {  	v48 =	vmul.bf16 v39, v6;
	v37 =	vadd.bf16 v46, v37  }
0xc4: {  	v49 =	vbroadcast v33, $0x5;
	v40 =	vpack.i.f32.bf16 v47, v47  }
0xc5: {  	v50 =	vmul.bf16 v40, v8;
	v37 =	vadd.bf16 v48, v37  }
0xc6: {  	v51 =	vbroadcast v33, $0x6;
	v41 =	vpack.i.f32.bf16 v49, v49  }
0xc7: {  	v52 =	vmul.bf16 v41, v10;
	v37 =	vadd.bf16 v50, v37  }
0xc8: {  	v53 =	vbroadcast v33, $0x7;
	v42 =	vpack.i.f32.bf16 v51, v51  }
0xc9: {  	v55 =	vbroadcast v33, $0x8;
	v54 =	vmul.bf16 v42, v12;
	v37 =	vadd.bf16 v52, v37  }
0xca: {  	v34 =	vmul.bf16 v34, v1;
	v35 =	vmul.bf16 v35, v3;
	v43 =	vpack.i.f32.bf16 v53, v53  }
0xcb: {  	v58 =	vbroadcast v33, $0x9;
	v57 =	vmul.bf16 v43, v14;
	v56 =	vadd.bf16 v54, v37  }
0xcc: {  	v38 =	vpack.i.f32.bf16 v55, v55;
	v36 =	vmul.bf16 v36, v5;
	v34 =	vadd.bf16 v35, v34  }
0xcd: {  	v59 =	vmul.bf16 v38, v16;
	v35 =	vadd.bf16 v57, v56  }
0xce: {  	v60 =	vbroadcast v33, $0xA;
	v34 =	vadd.bf16 v36, v34;
	v36 =	vpack.i.f32.bf16 v58, v58  }
0xcf: {  	v61 =	vmul.bf16 v36, v18;
	v35 =	vadd.bf16 v59, v35  }
0xd0: {  	v62 =	vbroadcast v33, $0xB;
	v44 =	vpack.i.f32.bf16 v60, v60  }
0xd1: {  	v63 =	vmul.bf16 v44, v20;
	v35 =	vadd.bf16 v61, v35  }
0xd2: {  	v49 =	vpack.i.f32.bf16 v62, v62;
	v39 =	vmul.bf16 v39, v7;
	v50 =	vbroadcast v33, $0xC  }
0xd3: {  	v51 =	vmul.bf16 v49, v22;
	v53 =	vbroadcast v33, $0xD;
	v35 =	vadd.bf16 v63, v35  }
0xd4: {  	v34 =	vadd.bf16 v39, v34;
	v48 =	vmul.bf16 v40, v9;
	v52 =	vpack.i.f32.bf16 v50, v50  }
0xd5: {  	v55 =	vbroadcast v33, $0xE;
	v54 =	vmul.bf16 v52, v24;
	v35 =	vadd.bf16 v51, v35  }
0xd6: {  	v41 =	vmul.bf16 v41, v11;
	v45 =	vpack.i.f32.bf16 v53, v53;
	v34 =	vadd.bf16 v48, v34  }
0xd7: {  	v56 =	vmul.bf16 v45, v26;
	v35 =	vadd.bf16 v54, v35  }
0xd8: {  	v58 =	vpack.i.f32.bf16 v55, v55;
	v33 =	vbroadcast v33, $0xF;
	v34 =	vadd.bf16 v41, v34  }
0xd9: {  	v57 =	vmul.bf16 v42, v13;
	v59 =	vmul.bf16 v58, v28;
	v35 =	vadd.bf16 v56, v35  }
0xda: {  	v60 =	vmul.bf16 v43, v15;
	v33 =	vpack.i.f32.bf16 v33, v33  }
0xdb: {  	v62 =	vld [tilespmem:s16+$0x80];
	v34 =	vadd.bf16 v57, v34;
	v61 =	vmul.bf16 v33, v30;
	v35 =	vadd.bf16 v59, v35;
	_ =	sdelay $0x1  }
0xdc: {  	v38 =	vmul.bf16 v38, v17;
	v34 =	vadd.bf16 v60, v34;
	v35 =	vadd.bf16 v61, v35;
	_ =	sdelay $0x1  }
0xdd: {  	v36 =	vmul.bf16 v36, v19;
	v34 =	vadd.bf16 v38, v34;
	v37 =	vunpack.i.l.bf16.f32 v35  }
0xde: {  	v37 =	vadd.f32 v62, v37  }
0xdf: {  	v63 =	vmul.bf16 v44, v21;
	v34 =	vadd.bf16 v36, v34  }
0xe0: {  	[tilespmem:s0+$0xFFFFFE40] =	vst v37  }
0xe1: {  	v41 =	vmul.bf16 v49, v23;
	v34 =	vadd.bf16 v63, v34;
	v37 =	vld [tilespmem:s16+$0x90];
	_ =	sdelay $0x1  }
0xe2: {  	v43 =	vmul.bf16 v52, v25;
	v34 =	vadd.bf16 v41, v34;
	_ =	sdelay $0x1  }
0xe3: {  	v44 =	vmul.bf16 v45, v27;
	v34 =	vadd.bf16 v43, v34;
	v35 =	vunpack.i.u.bf16.f32 v35  }
0xe4: {  	v35 =	vadd.f32 v37, v35  }
0xe5: {  	v45 =	vmul.bf16 v58, v29;
	v34 =	vadd.bf16 v44, v34  }
0xe6: {  	[tilespmem:s0+$0xFFFFFE50] =	vst v35  }
0xe7: {  	v33 =	vmul.bf16 v33, v31;
	v34 =	vadd.bf16 v45, v34;
	v35 =	vld [tilespmem:s16+$0xA0];
	_ =	sdelay $0x1  }
0xe8: {  	v33 =	vadd.bf16 v33, v34;
	_ =	sdelay $0x1  }
0xe9: {  	v34 =	vunpack.i.l.bf16.f32 v33  }
0xea: {  	v34 =	vadd.f32 v35, v34;
	_ =	sdelay $0x1  }
0xeb: {  	[tilespmem:s0+$0xFFFFFE60] =	vst v34  }
0xec: {  	v34 =	vld [tilespmem:s16+$0xB0];
	_ =	sdelay $0x3  }
0xed: {  	v33 =	vunpack.i.u.bf16.f32 v33  }
0xee: {  	v33 =	vadd.f32 v34, v33;
	_ =	sdelay $0x1  }
0xef: {  	[tilespmem:s0+$0xFFFFFE70] =	vst v33  }
0xf0: {  	v33 =	vld [tilespmem:s31+$0xFFFFFFA0];
	_ =	sdelay $0x4  }
0xf1: {  	v46 =	vbroadcast v33, $0x0;
	v47 =	vbroadcast v33, $0x1;
	_ =	sdelay $0x1  }
0xf2: {  	v48 =	vbroadcast v33, $0x2;
	v34 =	vpack.i.f32.bf16 v46, v46;
	v35 =	vpack.i.f32.bf16 v47, v47  }
0xf3: {  	v49 =	vmul.bf16 v34, v0;
	v50 =	vmul.bf16 v35, v2  }
0xf4: {  	v51 =	vbroadcast v33, $0x3;
	v36 =	vpack.i.f32.bf16 v48, v48  }
0xf5: {  	v52 =	vmul.bf16 v36, v4;
	v37 =	vadd.bf16 v50, v49  }
0xf6: {  	v53 =	vbroadcast v33, $0x4;
	v39 =	vpack.i.f32.bf16 v51, v51  }
0xf7: {  	v54 =	vmul.bf16 v39, v6;
	v37 =	vadd.bf16 v52, v37  }
0xf8: {  	v55 =	vbroadcast v33, $0x5;
	v40 =	vpack.i.f32.bf16 v53, v53  }
0xf9: {  	v56 =	vmul.bf16 v40, v8;
	v37 =	vadd.bf16 v54, v37  }
0xfa: {  	v57 =	vbroadcast v33, $0x6;
	v41 =	vpack.i.f32.bf16 v55, v55  }
0xfb: {  	(v2sf) =	vpush v32, $0x3;
	v58 =	vmul.bf16 v41, v10;
	v37 =	vadd.bf16 v56, v37  }
0xfc: {  	v59 =	vbroadcast v33, $0x7;
	v42 =	vpack.i.f32.bf16 v57, v57;
	v34 =	vmul.bf16 v34, v1  }
0xfd: {  	v35 =	vmul.bf16 v35, v3;
	v61 =	vmul.bf16 v42, v12;
	v60 =	vadd.bf16 v58, v37  }
0xfe: {  	(v2sf) =	vpush v32, $0x2;
	v62 =	vbroadcast v33, $0x8;
	v38 =	vpack.i.f32.bf16 v59, v59  }
0xff: {  	v63 =	vmul.bf16 v38, v14;
	v34 =	vadd.bf16 v35, v34;
	v35 =	vadd.bf16 v61, v60  }
0x100: {  	v43 =	vpack.i.f32.bf16 v62, v62;
	v48 =	vbroadcast v33, $0x9;
	v36 =	vmul.bf16 v36, v5  }
0x101: {  	v49 =	vmul.bf16 v43, v16;
	v35 =	vadd.bf16 v63, v35  }
0x102: {  	v50 =	vbroadcast v33, $0xA;
	v34 =	vadd.bf16 v36, v34;
	v36 =	vpack.i.f32.bf16 v48, v48  }
0x103: {  	v51 =	vmul.bf16 v36, v18;
	v35 =	vadd.bf16 v49, v35  }
0x104: {  	v44 =	vpack.i.f32.bf16 v50, v50;
	v52 =	vbroadcast v33, $0xB  }
0x105: {  	v53 =	vmul.bf16 v44, v20;
	v35 =	vadd.bf16 v51, v35  }
0x106: {  	v39 =	vmul.bf16 v39, v7;
	v55 =	vpack.i.f32.bf16 v52, v52;
	v56 =	vbroadcast v33, $0xC  }
0x107: {  	v59 =	vbroadcast v33, $0xD;
	v57 =	vmul.bf16 v55, v22;
	v35 =	vadd.bf16 v53, v35  }
0x108: {  	v34 =	vadd.bf16 v39, v34;
	v54 =	vmul.bf16 v40, v9;
	v58 =	vpack.i.f32.bf16 v56, v56  }
0x109: {  	v41 =	vmul.bf16 v41, v11;
	v60 =	vmul.bf16 v58, v24;
	v35 =	vadd.bf16 v57, v35  }
0x10a: {  	v45 =	vpack.i.f32.bf16 v59, v59;
	v34 =	vadd.bf16 v54, v34;
	v61 =	vbroadcast v33, $0xE  }
0x10b: {  	v62 =	vmul.bf16 v45, v26;
	v35 =	vadd.bf16 v60, v35  }
0x10c: {  	v34 =	vadd.bf16 v41, v34;
	v33 =	vbroadcast v33, $0xF;
	v46 =	vpack.i.f32.bf16 v61, v61  }
0x10d: {  	s12 =	spop (v2sf);
	v63 =	vmul.bf16 v42, v13;
	v47 =	vmul.bf16 v46, v28;
	v35 =	vadd.bf16 v62, v35  }
0x10e: {  	s16 =	spop (v2sf);
	v38 =	vmul.bf16 v38, v15;
	v33 =	vpack.i.f32.bf16 v33, v33  }
0x10f: {  	v48 =	vmul.bf16 v33, v30;
	v34 =	vadd.bf16 v63, v34;
	v49 =	vld [tilespmem:s16+$0x100];
	v35 =	vadd.bf16 v47, v35;
	_ =	sdelay $0x1  }
0x110: {  	v50 =	vmul.bf16 v43, v17;
	v34 =	vadd.bf16 v38, v34;
	v35 =	vadd.bf16 v48, v35;
	_ =	sdelay $0x1  }
0x111: {  	v36 =	vmul.bf16 v36, v19;
	v34 =	vadd.bf16 v50, v34;
	v37 =	vunpack.i.l.bf16.f32 v35  }
0x112: {  	v37 =	vadd.f32 v49, v37  }
0x113: {  	v51 =	vmul.bf16 v44, v21;
	v34 =	vadd.bf16 v36, v34  }
0x114: {  	[tilespmem:s0+$0xFFFFFE80] =	vst v37  }
0x115: {  	v52 =	vmul.bf16 v55, v23;
	v34 =	vadd.bf16 v51, v34;
	v37 =	vld [tilespmem:s16+$0x110];
	_ =	sdelay $0x1  }
0x116: {  	v53 =	vmul.bf16 v58, v25;
	v34 =	vadd.bf16 v52, v34;
	_ =	sdelay $0x1  }
0x117: {  	v54 =	vmul.bf16 v45, v27;
	v34 =	vadd.bf16 v53, v34;
	v35 =	vunpack.i.u.bf16.f32 v35  }
0x118: {  	v35 =	vadd.f32 v37, v35  }
0x119: {  	v55 =	vmul.bf16 v46, v29;
	v34 =	vadd.bf16 v54, v34  }
0x11a: {  	[tilespmem:s0+$0xFFFFFE90] =	vst v35  }
0x11b: {  	v33 =	vmul.bf16 v33, v31;
	v34 =	vadd.bf16 v55, v34;
	v35 =	vld [tilespmem:s16+$0x120];
	_ =	sdelay $0x1  }
0x11c: {  	v33 =	vadd.bf16 v33, v34;
	_ =	sdelay $0x1  }
0x11d: {  	v34 =	vunpack.i.l.bf16.f32 v33  }
0x11e: {  	v34 =	vadd.f32 v35, v34;
	_ =	sdelay $0x1  }
0x11f: {  	[tilespmem:s0+$0xFFFFFEA0] =	vst v34  }
0x120: {  	v34 =	vld [tilespmem:s16+$0x130];
	_ =	sdelay $0x3  }
0x121: {  	v33 =	vunpack.i.u.bf16.f32 v33  }
0x122: {  	v33 =	vadd.f32 v34, v33;
	_ =	sdelay $0x1  }
0x123: {  	[tilespmem:s0+$0xFFFFFEB0] =	vst v33  }
0x124: {  	v33 =	vld [tilespmem:s31+$0xFFFFFFB0];
	_ =	sdelay $0x4  }
0x125: {  	v56 =	vbroadcast v33, $0x0;
	v57 =	vbroadcast v33, $0x1;
	_ =	sdelay $0x1  }
0x126: {  	v58 =	vbroadcast v33, $0x2;
	v34 =	vpack.i.f32.bf16 v56, v56;
	v35 =	vpack.i.f32.bf16 v57, v57  }
0x127: {  	v59 =	vmul.bf16 v34, v0;
	v60 =	vmul.bf16 v35, v2  }
0x128: {  	v61 =	vbroadcast v33, $0x3;
	v36 =	vpack.i.f32.bf16 v58, v58  }
0x129: {  	v62 =	vmul.bf16 v36, v4;
	v37 =	vadd.bf16 v60, v59  }
0x12a: {  	v63 =	vbroadcast v33, $0x4;
	v39 =	vpack.i.f32.bf16 v61, v61  }
0x12b: {  	v44 =	vmul.bf16 v39, v6;
	v37 =	vadd.bf16 v62, v37  }
0x12c: {  	v45 =	vbroadcast v33, $0x5;
	v40 =	vpack.i.f32.bf16 v63, v63  }
0x12d: {  	v46 =	vmul.bf16 v40, v8;
	v37 =	vadd.bf16 v44, v37  }
0x12e: {  	v47 =	vbroadcast v33, $0x6;
	v41 =	vpack.i.f32.bf16 v45, v45  }
0x12f: {  	v48 =	vmul.bf16 v41, v10;
	v37 =	vadd.bf16 v46, v37  }
0x130: {  	v49 =	vbroadcast v33, $0x7;
	v42 =	vpack.i.f32.bf16 v47, v47  }
0x131: {  	v51 =	vbroadcast v33, $0x8;
	v50 =	vmul.bf16 v42, v12;
	v37 =	vadd.bf16 v48, v37  }
0x132: {  	v43 =	vpack.i.f32.bf16 v49, v49;
	v34 =	vmul.bf16 v34, v1;
	v35 =	vmul.bf16 v35, v3  }
0x133: {  	v54 =	vbroadcast v33, $0x9;
	v53 =	vmul.bf16 v43, v14;
	v52 =	vadd.bf16 v50, v37  }
0x134: {  	v38 =	vpack.i.f32.bf16 v51, v51;
	v36 =	vmul.bf16 v36, v5;
	v34 =	vadd.bf16 v35, v34  }
0x135: {  	v55 =	vmul.bf16 v38, v16;
	v35 =	vadd.bf16 v53, v52  }
0x136: {  	v56 =	vbroadcast v33, $0xA;
	v34 =	vadd.bf16 v36, v34;
	v36 =	vpack.i.f32.bf16 v54, v54  }
0x137: {  	v57 =	vmul.bf16 v36, v18;
	v35 =	vadd.bf16 v55, v35  }
0x138: {  	v58 =	vbroadcast v33, $0xB;
	v44 =	vpack.i.f32.bf16 v56, v56  }
0x139: {  	v59 =	vmul.bf16 v44, v20;
	v35 =	vadd.bf16 v57, v35  }
0x13a: {  	v39 =	vmul.bf16 v39, v7;
	v61 =	vpack.i.f32.bf16 v58, v58;
	v62 =	vbroadcast v33, $0xC  }
0x13b: {  	v49 =	vbroadcast v33, $0xD;
	v63 =	vmul.bf16 v61, v22;
	v35 =	vadd.bf16 v59, v35  }
0x13c: {  	v60 =	vmul.bf16 v40, v9;
	v34 =	vadd.bf16 v39, v34;
	v48 =	vpack.i.f32.bf16 v62, v62  }
0x13d: {  	v51 =	vbroadcast v33, $0xE;
	v50 =	vmul.bf16 v48, v24;
	v35 =	vadd.bf16 v63, v35  }
0x13e: {  	v41 =	vmul.bf16 v41, v11;
	v45 =	vpack.i.f32.bf16 v49, v49;
	v34 =	vadd.bf16 v60, v34  }
0x13f: {  	v52 =	vmul.bf16 v45, v26;
	v35 =	vadd.bf16 v50, v35  }
0x140: {  	v54 =	vpack.i.f32.bf16 v51, v51;
	v33 =	vbroadcast v33, $0xF;
	v34 =	vadd.bf16 v41, v34  }
0x141: {  	v53 =	vmul.bf16 v42, v13;
	v55 =	vmul.bf16 v54, v28;
	v35 =	vadd.bf16 v52, v35  }
0x142: {  	v33 =	vpack.i.f32.bf16 v33, v33;
	v56 =	vmul.bf16 v43, v15  }
0x143: {  	v58 =	vld [tilespmem:s12+$0x180];
	v34 =	vadd.bf16 v53, v34;
	v57 =	vmul.bf16 v33, v30;
	v35 =	vadd.bf16 v55, v35;
	_ =	sdelay $0x1  }
0x144: {  	v38 =	vmul.bf16 v38, v17;
	v34 =	vadd.bf16 v56, v34;
	v35 =	vadd.bf16 v57, v35;
	_ =	sdelay $0x1  }
0x145: {  	v36 =	vmul.bf16 v36, v19;
	v34 =	vadd.bf16 v38, v34;
	v37 =	vunpack.i.l.bf16.f32 v35  }
0x146: {  	v37 =	vadd.f32 v58, v37  }
0x147: {  	v59 =	vmul.bf16 v44, v21;
	v34 =	vadd.bf16 v36, v34  }
0x148: {  	[tilespmem:s0+$0xFFFFFEC0] =	vst v37  }
0x149: {  	v60 =	vmul.bf16 v61, v23;
	v34 =	vadd.bf16 v59, v34;
	v37 =	vld [tilespmem:s12+$0x190];
	_ =	sdelay $0x1  }
0x14a: {  	v61 =	vmul.bf16 v48, v25;
	v34 =	vadd.bf16 v60, v34;
	_ =	sdelay $0x1  }
0x14b: {  	v62 =	vmul.bf16 v45, v27;
	v34 =	vadd.bf16 v61, v34;
	v35 =	vunpack.i.u.bf16.f32 v35  }
0x14c: {  	v35 =	vadd.f32 v37, v35  }
0x14d: {  	v63 =	vmul.bf16 v54, v29;
	v34 =	vadd.bf16 v62, v34  }
0x14e: {  	[tilespmem:s0+$0xFFFFFED0] =	vst v35  }
0x14f: {  	v33 =	vmul.bf16 v33, v31;
	v34 =	vadd.bf16 v63, v34;
	v35 =	vld [tilespmem:s12+$0x1A0];
	_ =	sdelay $0x1  }
0x150: {  	v33 =	vadd.bf16 v33, v34;
	_ =	sdelay $0x1  }
0x151: {  	v34 =	vunpack.i.l.bf16.f32 v33  }
0x152: {  	v34 =	vadd.f32 v35, v34;
	_ =	sdelay $0x1  }
0x153: {  	[tilespmem:s0+$0xFFFFFEE0] =	vst v34  }
0x154: {  	v34 =	vld [tilespmem:s12+$0x1B0];
	_ =	sdelay $0x3  }
0x155: {  	v33 =	vunpack.i.u.bf16.f32 v33  }
0x156: {  	v33 =	vadd.f32 v34, v33;
	_ =	sdelay $0x1  }
0x157: {  	[tilespmem:s0+$0xFFFFFEF0] =	vst v33  }
0x158: {  	v33 =	vld [tilespmem:s31+$0xFFFFFFC0];
	_ =	sdelay $0x4  }
0x159: {  	v40 =	vbroadcast v33, $0x0;
	v41 =	vbroadcast v33, $0x1;
	_ =	sdelay $0x1  }
0x15a: {  	v42 =	vbroadcast v33, $0x2;
	v34 =	vpack.i.f32.bf16 v40, v40;
	v35 =	vpack.i.f32.bf16 v41, v41  }
0x15b: {  	v43 =	vmul.bf16 v34, v0;
	v44 =	vmul.bf16 v35, v2  }
0x15c: {  	v45 =	vbroadcast v33, $0x3;
	v36 =	vpack.i.f32.bf16 v42, v42  }
0x15d: {  	v46 =	vmul.bf16 v36, v4;
	v37 =	vadd.bf16 v44, v43  }
0x15e: {  	v47 =	vbroadcast v33, $0x4;
	v39 =	vpack.i.f32.bf16 v45, v45  }
0x15f: {  	v48 =	vmul.bf16 v39, v6;
	v37 =	vadd.bf16 v46, v37  }
0x160: {  	v49 =	vbroadcast v33, $0x5;
	v40 =	vpack.i.f32.bf16 v47, v47  }
0x161: {  	v50 =	vmul.bf16 v40, v8;
	v37 =	vadd.bf16 v48, v37  }
0x162: {  	v51 =	vbroadcast v33, $0x6;
	v41 =	vpack.i.f32.bf16 v49, v49  }
0x163: {  	(v2sf) =	vpush v32, $0x5;
	v52 =	vmul.bf16 v41, v10;
	v37 =	vadd.bf16 v50, v37  }
0x164: {  	v53 =	vbroadcast v33, $0x7;
	v42 =	vpack.i.f32.bf16 v51, v51;
	v34 =	vmul.bf16 v34, v1  }
0x165: {  	v35 =	vmul.bf16 v35, v3;
	v55 =	vmul.bf16 v42, v12;
	v54 =	vadd.bf16 v52, v37  }
0x166: {  	(v2sf) =	vpush v32, $0x4;
	v56 =	vbroadcast v33, $0x8;
	v38 =	vpack.i.f32.bf16 v53, v53  }
0x167: {  	v57 =	vmul.bf16 v38, v14;
	v34 =	vadd.bf16 v35, v34;
	v35 =	vadd.bf16 v55, v54  }
0x168: {  	v58 =	vbroadcast v33, $0x9;
	v36 =	vmul.bf16 v36, v5;
	v43 =	vpack.i.f32.bf16 v56, v56  }
0x169: {  	v59 =	vmul.bf16 v43, v16;
	v35 =	vadd.bf16 v57, v35  }
0x16a: {  	v60 =	vbroadcast v33, $0xA;
	v34 =	vadd.bf16 v36, v34;
	v36 =	vpack.i.f32.bf16 v58, v58  }
0x16b: {  	v61 =	vmul.bf16 v36, v18;
	v35 =	vadd.bf16 v59, v35  }
0x16c: {  	v62 =	vbroadcast v33, $0xB;
	v44 =	vpack.i.f32.bf16 v60, v60  }
0x16d: {  	v63 =	vmul.bf16 v44, v20;
	v35 =	vadd.bf16 v61, v35  }
0x16e: {  	v49 =	vpack.i.f32.bf16 v62, v62;
	v39 =	vmul.bf16 v39, v7;
	v50 =	vbroadcast v33, $0xC  }
0x16f: {  	v53 =	vbroadcast v33, $0xD;
	v51 =	vmul.bf16 v49, v22;
	v35 =	vadd.bf16 v63, v35  }
0x170: {  	v34 =	vadd.bf16 v39, v34;
	v48 =	vmul.bf16 v40, v9;
	v52 =	vpack.i.f32.bf16 v50, v50  }
0x171: {  	v41 =	vmul.bf16 v41, v11;
	v54 =	vmul.bf16 v52, v24;
	v35 =	vadd.bf16 v51, v35  }
0x172: {  	v45 =	vpack.i.f32.bf16 v53, v53;
	v34 =	vadd.bf16 v48, v34;
	v55 =	vbroadcast v33, $0xE  }
0x173: {  	v56 =	vmul.bf16 v45, v26;
	v35 =	vadd.bf16 v54, v35  }
0x174: {  	v34 =	vadd.bf16 v41, v34;
	v33 =	vbroadcast v33, $0xF;
	v58 =	vpack.i.f32.bf16 v55, v55  }
0x175: {  	s12 =	spop (v2sf);
	v57 =	vmul.bf16 v42, v13;
	v59 =	vmul.bf16 v58, v28;
	v35 =	vadd.bf16 v56, v35  }
0x176: {  	s16 =	spop (v2sf);
	v38 =	vmul.bf16 v38, v15;
	v33 =	vpack.i.f32.bf16 v33, v33  }
0x177: {  	v60 =	vmul.bf16 v33, v30;
	v34 =	vadd.bf16 v57, v34;
	v61 =	vld [tilespmem:s16+$0x200];
	v35 =	vadd.bf16 v59, v35;
	_ =	sdelay $0x1  }
0x178: {  	v62 =	vmul.bf16 v43, v17;
	v34 =	vadd.bf16 v38, v34;
	v35 =	vadd.bf16 v60, v35;
	_ =	sdelay $0x1  }
0x179: {  	v36 =	vmul.bf16 v36, v19;
	v34 =	vadd.bf16 v62, v34;
	v37 =	vunpack.i.l.bf16.f32 v35  }
0x17a: {  	v37 =	vadd.f32 v61, v37  }
0x17b: {  	v63 =	vmul.bf16 v44, v21;
	v34 =	vadd.bf16 v36, v34  }
0x17c: {  	[tilespmem:s0+$0xFFFFFF00] =	vst v37  }
0x17d: {  	v41 =	vmul.bf16 v49, v23;
	v34 =	vadd.bf16 v63, v34;
	v37 =	vld [tilespmem:s16+$0x210];
	_ =	sdelay $0x1  }
0x17e: {  	v43 =	vmul.bf16 v52, v25;
	v34 =	vadd.bf16 v41, v34;
	_ =	sdelay $0x1  }
0x17f: {  	v44 =	vmul.bf16 v45, v27;
	v34 =	vadd.bf16 v43, v34;
	v35 =	vunpack.i.u.bf16.f32 v35  }
0x180: {  	v35 =	vadd.f32 v37, v35  }
0x181: {  	v45 =	vmul.bf16 v58, v29;
	v34 =	vadd.bf16 v44, v34  }
0x182: {  	[tilespmem:s0+$0xFFFFFF10] =	vst v35  }
0x183: {  	v33 =	vmul.bf16 v33, v31;
	v34 =	vadd.bf16 v45, v34;
	v35 =	vld [tilespmem:s16+$0x220];
	_ =	sdelay $0x1  }
0x184: {  	v33 =	vadd.bf16 v33, v34;
	_ =	sdelay $0x1  }
0x185: {  	v34 =	vunpack.i.l.bf16.f32 v33  }
0x186: {  	v34 =	vadd.f32 v35, v34;
	_ =	sdelay $0x1  }
0x187: {  	[tilespmem:s0+$0xFFFFFF20] =	vst v34  }
0x188: {  	v34 =	vld [tilespmem:s16+$0x230];
	_ =	sdelay $0x3  }
0x189: {  	v33 =	vunpack.i.u.bf16.f32 v33  }
0x18a: {  	v33 =	vadd.f32 v34, v33;
	_ =	sdelay $0x1  }
0x18b: {  	[tilespmem:s0+$0xFFFFFF30] =	vst v33  }
0x18c: {  	v33 =	vld [tilespmem:s31+$0xFFFFFFD0];
	_ =	sdelay $0x4  }
0x18d: {  	v46 =	vbroadcast v33, $0x0;
	v47 =	vbroadcast v33, $0x1;
	_ =	sdelay $0x1  }
0x18e: {  	v48 =	vbroadcast v33, $0x2;
	v34 =	vpack.i.f32.bf16 v46, v46;
	v35 =	vpack.i.f32.bf16 v47, v47  }
0x18f: {  	v49 =	vmul.bf16 v34, v0;
	v50 =	vmul.bf16 v35, v2  }
0x190: {  	v51 =	vbroadcast v33, $0x3;
	v36 =	vpack.i.f32.bf16 v48, v48  }
0x191: {  	v52 =	vmul.bf16 v36, v4;
	v37 =	vadd.bf16 v50, v49  }
0x192: {  	v53 =	vbroadcast v33, $0x4;
	v39 =	vpack.i.f32.bf16 v51, v51  }
0x193: {  	v54 =	vmul.bf16 v39, v6;
	v37 =	vadd.bf16 v52, v37  }
0x194: {  	v55 =	vbroadcast v33, $0x5;
	v40 =	vpack.i.f32.bf16 v53, v53  }
0x195: {  	v56 =	vmul.bf16 v40, v8;
	v37 =	vadd.bf16 v54, v37  }
0x196: {  	v57 =	vbroadcast v33, $0x6;
	v41 =	vpack.i.f32.bf16 v55, v55  }
0x197: {  	v58 =	vmul.bf16 v41, v10;
	v37 =	vadd.bf16 v56, v37  }
0x198: {  	v59 =	vbroadcast v33, $0x7;
	v42 =	vpack.i.f32.bf16 v57, v57  }
0x199: {  	v61 =	vbroadcast v33, $0x8;
	v60 =	vmul.bf16 v42, v12;
	v37 =	vadd.bf16 v58, v37  }
0x19a: {  	v43 =	vpack.i.f32.bf16 v59, v59;
	v34 =	vmul.bf16 v34, v1;
	v35 =	vmul.bf16 v35, v3  }
0x19b: {  	v38 =	vpack.i.f32.bf16 v61, v61;
	v63 =	vmul.bf16 v43, v14;
	v62 =	vadd.bf16 v60, v37  }
0x19c: {  	v48 =	vbroadcast v33, $0x9;
	v36 =	vmul.bf16 v36, v5;
	v34 =	vadd.bf16 v35, v34  }
0x19d: {  	v49 =	vmul.bf16 v38, v16;
	v35 =	vadd.bf16 v63, v62  }
0x19e: {  	v50 =	vbroadcast v33, $0xA;
	v34 =	vadd.bf16 v36, v34;
	v36 =	vpack.i.f32.bf16 v48, v48  }
0x19f: {  	v51 =	vmul.bf16 v36, v18;
	v35 =	vadd.bf16 v49, v35  }
0x1a0: {  	v44 =	vpack.i.f32.bf16 v50, v50;
	v52 =	vbroadcast v33, $0xB  }
0x1a1: {  	v53 =	vmul.bf16 v44, v20;
	v35 =	vadd.bf16 v51, v35  }
0x1a2: {  	v39 =	vmul.bf16 v39, v7;
	v55 =	vpack.i.f32.bf16 v52, v52;
	v56 =	vbroadcast v33, $0xC  }
0x1a3: {  	v59 =	vbroadcast v33, $0xD;
	v57 =	vmul.bf16 v55, v22;
	v35 =	vadd.bf16 v53, v35  }
0x1a4: {  	v61 =	vbroadcast v33, $0xE;
	v34 =	vadd.bf16 v39, v34;
	v58 =	vpack.i.f32.bf16 v56, v56  }
0x1a5: {  	v54 =	vmul.bf16 v40, v9;
	v60 =	vmul.bf16 v58, v24;
	v35 =	vadd.bf16 v57, v35  }
0x1a6: {  	v41 =	vmul.bf16 v41, v11;
	v45 =	vpack.i.f32.bf16 v59, v59;
	v46 =	vpack.i.f32.bf16 v61, v61  }
0x1a7: {  	v34 =	vadd.bf16 v54, v34;
	v62 =	vmul.bf16 v45, v26;
	v35 =	vadd.bf16 v60, v35  }
0x1a8: {  	v47 =	vmul.bf16 v46, v28;
	v33 =	vbroadcast v33, $0xF  }
0x1a9: {  	v34 =	vadd.bf16 v41, v34;
	v63 =	vmul.bf16 v42, v13;
	v35 =	vadd.bf16 v62, v35  }
0x1aa: {  	v48 =	vmul.bf16 v43, v15;
	v33 =	vpack.i.f32.bf16 v33, v33  }
0x1ab: {  	v50 =	vld [tilespmem:s12+$0x280];
	v34 =	vadd.bf16 v63, v34;
	v49 =	vmul.bf16 v33, v30;
	v35 =	vadd.bf16 v47, v35;
	_ =	sdelay $0x1  }
0x1ac: {  	v38 =	vmul.bf16 v38, v17;
	v34 =	vadd.bf16 v48, v34;
	v35 =	vadd.bf16 v49, v35;
	_ =	sdelay $0x1  }
0x1ad: {  	v36 =	vmul.bf16 v36, v19;
	v34 =	vadd.bf16 v38, v34;
	v37 =	vunpack.i.l.bf16.f32 v35  }
0x1ae: {  	v37 =	vadd.f32 v50, v37  }
0x1af: {  	v51 =	vmul.bf16 v44, v21;
	v34 =	vadd.bf16 v36, v34  }
0x1b0: {  	[tilespmem:s0+$0xFFFFFF40] =	vst v37  }
0x1b1: {  	v52 =	vmul.bf16 v55, v23;
	v34 =	vadd.bf16 v51, v34;
	v37 =	vld [tilespmem:s12+$0x290];
	_ =	sdelay $0x1  }
0x1b2: {  	v53 =	vmul.bf16 v58, v25;
	v34 =	vadd.bf16 v52, v34;
	_ =	sdelay $0x1  }
0x1b3: {  	v54 =	vmul.bf16 v45, v27;
	v34 =	vadd.bf16 v53, v34;
	v35 =	vunpack.i.u.bf16.f32 v35  }
0x1b4: {  	v35 =	vadd.f32 v37, v35  }
0x1b5: {  	v55 =	vmul.bf16 v46, v29;
	v34 =	vadd.bf16 v54, v34  }
0x1b6: {  	[tilespmem:s0+$0xFFFFFF50] =	vst v35  }
0x1b7: {  	v33 =	vmul.bf16 v33, v31;
	v34 =	vadd.bf16 v55, v34;
	v35 =	vld [tilespmem:s12+$0x2A0];
	_ =	sdelay $0x1  }
0x1b8: {  	v33 =	vadd.bf16 v33, v34;
	_ =	sdelay $0x1  }
0x1b9: {  	v34 =	vunpack.i.l.bf16.f32 v33  }
0x1ba: {  	v34 =	vadd.f32 v35, v34;
	_ =	sdelay $0x1  }
0x1bb: {  	[tilespmem:s0+$0xFFFFFF60] =	vst v34  }
0x1bc: {  	v34 =	vld [tilespmem:s12+$0x2B0];
	_ =	sdelay $0x3  }
0x1bd: {  	v33 =	vunpack.i.u.bf16.f32 v33  }
0x1be: {  	v33 =	vadd.f32 v34, v33;
	_ =	sdelay $0x1  }
0x1bf: {  	[tilespmem:s0+$0xFFFFFF70] =	vst v33  }
0x1c0: {  	v33 =	vld [tilespmem:s31+$0xFFFFFFE0];
	_ =	sdelay $0x4  }
0x1c1: {  	v56 =	vbroadcast v33, $0x0;
	v57 =	vbroadcast v33, $0x1;
	_ =	sdelay $0x1  }
0x1c2: {  	v58 =	vbroadcast v33, $0x2;
	v34 =	vpack.i.f32.bf16 v56, v56;
	v35 =	vpack.i.f32.bf16 v57, v57  }
0x1c3: {  	v59 =	vmul.bf16 v34, v0;
	v60 =	vmul.bf16 v35, v2  }
0x1c4: {  	v61 =	vbroadcast v33, $0x3;
	v36 =	vpack.i.f32.bf16 v58, v58  }
0x1c5: {  	v62 =	vmul.bf16 v36, v4;
	v37 =	vadd.bf16 v60, v59  }
0x1c6: {  	v63 =	vbroadcast v33, $0x4;
	v39 =	vpack.i.f32.bf16 v61, v61  }
0x1c7: {  	v44 =	vmul.bf16 v39, v6;
	v37 =	vadd.bf16 v62, v37  }
0x1c8: {  	v45 =	vbroadcast v33, $0x5;
	v40 =	vpack.i.f32.bf16 v63, v63  }
0x1c9: {  	v46 =	vmul.bf16 v40, v8;
	v37 =	vadd.bf16 v44, v37  }
0x1ca: {  	v47 =	vbroadcast v33, $0x6;
	v41 =	vpack.i.f32.bf16 v45, v45  }
0x1cb: {  	(v2sf) =	vpush v32, $0x7;
	v48 =	vmul.bf16 v41, v10;
	v37 =	vadd.bf16 v46, v37  }
0x1cc: {  	v49 =	vbroadcast v33, $0x7;
	v42 =	vpack.i.f32.bf16 v47, v47;
	v34 =	vmul.bf16 v34, v1  }
0x1cd: {  	v35 =	vmul.bf16 v35, v3;
	v51 =	vmul.bf16 v42, v12;
	v50 =	vadd.bf16 v48, v37  }
0x1ce: {  	(v2sf) =	vpush v32, $0x6;
	v52 =	vbroadcast v33, $0x8;
	v38 =	vpack.i.f32.bf16 v49, v49  }
0x1cf: {  	v53 =	vmul.bf16 v38, v14;
	v34 =	vadd.bf16 v35, v34;
	v35 =	vadd.bf16 v51, v50  }
0x1d0: {  	v54 =	vbroadcast v33, $0x9;
	v43 =	vpack.i.f32.bf16 v52, v52;
	v36 =	vmul.bf16 v36, v5  }
0x1d1: {  	v55 =	vmul.bf16 v43, v16;
	v35 =	vadd.bf16 v53, v35  }
0x1d2: {  	v56 =	vbroadcast v33, $0xA;
	v34 =	vadd.bf16 v36, v34;
	v36 =	vpack.i.f32.bf16 v54, v54  }
0x1d3: {  	v57 =	vmul.bf16 v36, v18;
	v35 =	vadd.bf16 v55, v35  }
0x1d4: {  	v58 =	vbroadcast v33, $0xB;
	v44 =	vpack.i.f32.bf16 v56, v56  }
0x1d5: {  	v59 =	vmul.bf16 v44, v20;
	v35 =	vadd.bf16 v57, v35  }
0x1d6: {  	v39 =	vmul.bf16 v39, v7;
	v61 =	vpack.i.f32.bf16 v58, v58;
	v62 =	vbroadcast v33, $0xC  }
0x1d7: {  	v49 =	vbroadcast v33, $0xD;
	v63 =	vmul.bf16 v61, v22;
	v35 =	vadd.bf16 v59, v35  }
0x1d8: {  	v60 =	vmul.bf16 v40, v9;
	v34 =	vadd.bf16 v39, v34;
	v48 =	vpack.i.f32.bf16 v62, v62  }
0x1d9: {  	v41 =	vmul.bf16 v41, v11;
	v50 =	vmul.bf16 v48, v24;
	v35 =	vadd.bf16 v63, v35  }
0x1da: {  	v45 =	vpack.i.f32.bf16 v49, v49;
	v34 =	vadd.bf16 v60, v34;
	v51 =	vbroadcast v33, $0xE  }
0x1db: {  	v52 =	vmul.bf16 v45, v26;
	v35 =	vadd.bf16 v50, v35  }
0x1dc: {  	v34 =	vadd.bf16 v41, v34;
	v33 =	vbroadcast v33, $0xF;
	v54 =	vpack.i.f32.bf16 v51, v51  }
0x1dd: {  	s12 =	spop (v2sf);
	v53 =	vmul.bf16 v42, v13;
	v55 =	vmul.bf16 v54, v28;
	v35 =	vadd.bf16 v52, v35  }
0x1de: {  	s16 =	spop (v2sf);
	v38 =	vmul.bf16 v38, v15;
	v33 =	vpack.i.f32.bf16 v33, v33  }
0x1df: {  	v56 =	vmul.bf16 v33, v30;
	v34 =	vadd.bf16 v53, v34;
	v57 =	vld [tilespmem:s16+$0x300];
	v35 =	vadd.bf16 v55, v35;
	_ =	sdelay $0x1  }
0x1e0: {  	v58 =	vmul.bf16 v43, v17;
	v34 =	vadd.bf16 v38, v34;
	v35 =	vadd.bf16 v56, v35;
	_ =	sdelay $0x1  }
0x1e1: {  	v36 =	vmul.bf16 v36, v19;
	v34 =	vadd.bf16 v58, v34;
	v37 =	vunpack.i.l.bf16.f32 v35  }
0x1e2: {  	v37 =	vadd.f32 v57, v37  }
0x1e3: {  	v59 =	vmul.bf16 v44, v21;
	v34 =	vadd.bf16 v36, v34  }
0x1e4: {  	[tilespmem:s0+$0xFFFFFF80] =	vst v37  }
0x1e5: {  	v60 =	vmul.bf16 v61, v23;
	v34 =	vadd.bf16 v59, v34;
	v37 =	vld [tilespmem:s16+$0x310];
	_ =	sdelay $0x1  }
0x1e6: {  	v61 =	vmul.bf16 v48, v25;
	v34 =	vadd.bf16 v60, v34;
	_ =	sdelay $0x1  }
0x1e7: {  	v62 =	vmul.bf16 v45, v27;
	v34 =	vadd.bf16 v61, v34;
	v35 =	vunpack.i.u.bf16.f32 v35  }
0x1e8: {  	v35 =	vadd.f32 v37, v35  }
0x1e9: {  	v63 =	vmul.bf16 v54, v29;
	v34 =	vadd.bf16 v62, v34  }
0x1ea: {  	[tilespmem:s0+$0xFFFFFF90] =	vst v35  }
0x1eb: {  	v33 =	vmul.bf16 v33, v31;
	v34 =	vadd.bf16 v63, v34;
	v35 =	vld [tilespmem:s16+$0x320];
	_ =	sdelay $0x1  }
0x1ec: {  	v33 =	vadd.bf16 v33, v34;
	_ =	sdelay $0x1  }
0x1ed: {  	v34 =	vunpack.i.l.bf16.f32 v33  }
0x1ee: {  	v34 =	vadd.f32 v35, v34;
	_ =	sdelay $0x1  }
0x1ef: {  	[tilespmem:s0+$0xFFFFFFA0] =	vst v34  }
0x1f0: {  	v34 =	vld [tilespmem:s16+$0x330];
	_ =	sdelay $0x3  }
0x1f1: {  	v33 =	vunpack.i.u.bf16.f32 v33  }
0x1f2: {  	v33 =	vadd.f32 v34, v33;
	_ =	sdelay $0x1  }
0x1f3: {  	[tilespmem:s0+$0xFFFFFFB0] =	vst v33  }
0x1f4: {  	v33 =	vld [tilespmem:s31+$0xFFFFFFF0];
	_ =	sdelay $0x4  }
0x1f5: {  	v40 =	vbroadcast v33, $0x0;
	v41 =	vbroadcast v33, $0x1;
	_ =	sdelay $0x1  }
0x1f6: {  	v42 =	vbroadcast v33, $0x2;
	v34 =	vpack.i.f32.bf16 v40, v40;
	v35 =	vpack.i.f32.bf16 v41, v41  }
0x1f7: {  	v43 =	vmul.bf16 v34, v0;
	v44 =	vmul.bf16 v35, v2  }
0x1f8: {  	v45 =	vbroadcast v33, $0x3;
	v36 =	vpack.i.f32.bf16 v42, v42  }
0x1f9: {  	v46 =	vmul.bf16 v36, v4;
	v37 =	vadd.bf16 v44, v43  }
0x1fa: {  	v47 =	vbroadcast v33, $0x4;
	v39 =	vpack.i.f32.bf16 v45, v45  }
0x1fb: {  	v48 =	vmul.bf16 v39, v6;
	v37 =	vadd.bf16 v46, v37  }
0x1fc: {  	v49 =	vbroadcast v33, $0x5;
	v40 =	vpack.i.f32.bf16 v47, v47  }
0x1fd: {  	v50 =	vmul.bf16 v40, v8;
	v37 =	vadd.bf16 v48, v37  }
0x1fe: {  	v51 =	vbroadcast v33, $0x6;
	v41 =	vpack.i.f32.bf16 v49, v49  }
0x1ff: {  	v52 =	vmul.bf16 v41, v10;
	v37 =	vadd.bf16 v50, v37  }
0x200: {  	v53 =	vbroadcast v33, $0x7;
	v42 =	vpack.i.f32.bf16 v51, v51  }
0x201: {  	v55 =	vbroadcast v33, $0x8;
	v54 =	vmul.bf16 v42, v12;
	v37 =	vadd.bf16 v52, v37  }
0x202: {  	v34 =	vmul.bf16 v34, v1;
	v35 =	vmul.bf16 v35, v3;
	v43 =	vpack.i.f32.bf16 v53, v53  }
0x203: {  	v58 =	vbroadcast v33, $0x9;
	v57 =	vmul.bf16 v43, v14;
	v56 =	vadd.bf16 v54, v37  }
0x204: {  	v38 =	vpack.i.f32.bf16 v55, v55;
	v36 =	vmul.bf16 v36, v5;
	v34 =	vadd.bf16 v35, v34  }
0x205: {  	v59 =	vmul.bf16 v38, v16;
	v35 =	vadd.bf16 v57, v56  }
0x206: {  	v60 =	vbroadcast v33, $0xA;
	v34 =	vadd.bf16 v36, v34;
	v36 =	vpack.i.f32.bf16 v58, v58  }
0x207: {  	v61 =	vmul.bf16 v36, v18;
	v35 =	vadd.bf16 v59, v35  }
0x208: {  	v62 =	vbroadcast v33, $0xB;
	v44 =	vpack.i.f32.bf16 v60, v60  }
0x209: {  	v63 =	vmul.bf16 v44, v20;
	v35 =	vadd.bf16 v61, v35  }
0x20a: {  	v49 =	vpack.i.f32.bf16 v62, v62;
	v39 =	vmul.bf16 v39, v7;
	v50 =	vbroadcast v33, $0xC  }
0x20b: {  	v51 =	vmul.bf16 v49, v22;
	v53 =	vbroadcast v33, $0xD;
	v35 =	vadd.bf16 v63, v35  }
0x20c: {  	v34 =	vadd.bf16 v39, v34;
	v48 =	vmul.bf16 v40, v9;
	v52 =	vpack.i.f32.bf16 v50, v50  }
0x20d: {  	v55 =	vbroadcast v33, $0xE;
	v54 =	vmul.bf16 v52, v24;
	v35 =	vadd.bf16 v51, v35  }
0x20e: {  	v41 =	vmul.bf16 v41, v11;
	v45 =	vpack.i.f32.bf16 v53, v53;
	v34 =	vadd.bf16 v48, v34  }
0x20f: {  	v56 =	vmul.bf16 v45, v26;
	v35 =	vadd.bf16 v54, v35  }
0x210: {  	v58 =	vpack.i.f32.bf16 v55, v55;
	v33 =	vbroadcast v33, $0xF;
	v34 =	vadd.bf16 v41, v34  }
0x211: {  	v57 =	vmul.bf16 v42, v13;
	v59 =	vmul.bf16 v58, v28;
	v35 =	vadd.bf16 v56, v35  }
0x212: {  	v60 =	vmul.bf16 v43, v15;
	v33 =	vpack.i.f32.bf16 v33, v33  }
0x213: {  	v62 =	vld [tilespmem:s12+$0x380];
	v34 =	vadd.bf16 v57, v34;
	v61 =	vmul.bf16 v33, v30;
	v35 =	vadd.bf16 v59, v35;
	_ =	sdelay $0x1  }
0x214: {  	v38 =	vmul.bf16 v38, v17;
	v34 =	vadd.bf16 v60, v34;
	v35 =	vadd.bf16 v61, v35;
	_ =	sdelay $0x1  }
0x215: {  	v36 =	vmul.bf16 v36, v19;
	v34 =	vadd.bf16 v38, v34;
	v37 =	vunpack.i.l.bf16.f32 v35  }
0x216: {  	v37 =	vadd.f32 v62, v37  }
0x217: {  	v63 =	vmul.bf16 v44, v21;
	v34 =	vadd.bf16 v36, v34  }
0x218: {  	[tilespmem:s0+$0xFFFFFFC0] =	vst v37  }
0x219: {  	v41 =	vmul.bf16 v49, v23;
	v34 =	vadd.bf16 v63, v34;
	v37 =	vld [tilespmem:s12+$0x390];
	_ =	sdelay $0x1  }
0x21a: {  	v43 =	vmul.bf16 v52, v25;
	v34 =	vadd.bf16 v41, v34;
	_ =	sdelay $0x1  }
0x21b: {  	v44 =	vmul.bf16 v45, v27;
	v34 =	vadd.bf16 v43, v34;
	v35 =	vunpack.i.u.bf16.f32 v35  }
0x21c: {  	v35 =	vadd.f32 v37, v35  }
0x21d: {  	v45 =	vmul.bf16 v58, v29;
	v34 =	vadd.bf16 v44, v34  }
0x21e: {  	[tilespmem:s0+$0xFFFFFFD0] =	vst v35  }
0x21f: {  	v33 =	vmul.bf16 v33, v31;
	v34 =	vadd.bf16 v45, v34;
	v35 =	vld [tilespmem:s12+$0x3A0];
	_ =	sdelay $0x1  }
0x220: {  	v33 =	vadd.bf16 v33, v34;
	_ =	sdelay $0x1  }
0x221: {  	v34 =	vunpack.i.l.bf16.f32 v33  }
0x222: {  	v34 =	vadd.f32 v35, v34;
	_ =	sdelay $0x1  }
0x223: {  	[tilespmem:s0+$0xFFFFFFE0] =	vst v34  }
0x224: {  	v34 =	vld [tilespmem:s12+$0x3B0];
	_ =	sdelay $0x3  }
0x225: {  	v33 =	vunpack.i.u.bf16.f32 v33  }
0x226: {  	v33 =	vadd.f32 v34, v33;
	_ =	sdelay $0x1  }
0x227: {  	[tilespmem:s0+$0xFFFFFFF0] =	vst v33  }
0x228: {  	v33 =	vld [tilespmem:s31+$0x0];
	_ =	sdelay $0x4  }
0x229: {  	v46 =	vbroadcast v33, $0x0;
	v47 =	vbroadcast v33, $0x1;
	_ =	sdelay $0x1  }
0x22a: {  	v48 =	vbroadcast v33, $0x2;
	v34 =	vpack.i.f32.bf16 v46, v46;
	v35 =	vpack.i.f32.bf16 v47, v47  }
0x22b: {  	v49 =	vmul.bf16 v34, v0;
	v50 =	vmul.bf16 v35, v2  }
0x22c: {  	v51 =	vbroadcast v33, $0x3;
	v36 =	vpack.i.f32.bf16 v48, v48  }
0x22d: {  	v52 =	vmul.bf16 v36, v4;
	v37 =	vadd.bf16 v50, v49  }
0x22e: {  	v53 =	vbroadcast v33, $0x4;
	v39 =	vpack.i.f32.bf16 v51, v51  }
0x22f: {  	v54 =	vmul.bf16 v39, v6;
	v37 =	vadd.bf16 v52, v37  }
0x230: {  	v55 =	vbroadcast v33, $0x5;
	v40 =	vpack.i.f32.bf16 v53, v53  }
0x231: {  	v56 =	vmul.bf16 v40, v8;
	v37 =	vadd.bf16 v54, v37  }
0x232: {  	v57 =	vbroadcast v33, $0x6;
	v41 =	vpack.i.f32.bf16 v55, v55  }
0x233: {  	(v2sf) =	vpush v32, $0x9;
	v58 =	vmul.bf16 v41, v10;
	v37 =	vadd.bf16 v56, v37  }
0x234: {  	v59 =	vbroadcast v33, $0x7;
	v42 =	vpack.i.f32.bf16 v57, v57;
	v34 =	vmul.bf16 v34, v1  }
0x235: {  	v35 =	vmul.bf16 v35, v3;
	v61 =	vmul.bf16 v42, v12;
	v60 =	vadd.bf16 v58, v37  }
0x236: {  	(v2sf) =	vpush v32, $0x8;
	v62 =	vbroadcast v33, $0x8;
	v38 =	vpack.i.f32.bf16 v59, v59  }
0x237: {  	v63 =	vmul.bf16 v38, v14;
	v34 =	vadd.bf16 v35, v34;
	v35 =	vadd.bf16 v61, v60  }
0x238: {  	v43 =	vpack.i.f32.bf16 v62, v62;
	v48 =	vbroadcast v33, $0x9;
	v36 =	vmul.bf16 v36, v5  }
0x239: {  	v49 =	vmul.bf16 v43, v16;
	v35 =	vadd.bf16 v63, v35  }
0x23a: {  	v50 =	vbroadcast v33, $0xA;
	v34 =	vadd.bf16 v36, v34;
	v36 =	vpack.i.f32.bf16 v48, v48  }
0x23b: {  	v51 =	vmul.bf16 v36, v18;
	v35 =	vadd.bf16 v49, v35  }
0x23c: {  	v44 =	vpack.i.f32.bf16 v50, v50;
	v52 =	vbroadcast v33, $0xB  }
0x23d: {  	v53 =	vmul.bf16 v44, v20;
	v35 =	vadd.bf16 v51, v35  }
0x23e: {  	v39 =	vmul.bf16 v39, v7;
	v55 =	vpack.i.f32.bf16 v52, v52;
	v56 =	vbroadcast v33, $0xC  }
0x23f: {  	v59 =	vbroadcast v33, $0xD;
	v57 =	vmul.bf16 v55, v22;
	v35 =	vadd.bf16 v53, v35  }
0x240: {  	v34 =	vadd.bf16 v39, v34;
	v54 =	vmul.bf16 v40, v9;
	v58 =	vpack.i.f32.bf16 v56, v56  }
0x241: {  	v41 =	vmul.bf16 v41, v11;
	v60 =	vmul.bf16 v58, v24;
	v35 =	vadd.bf16 v57, v35  }
0x242: {  	v45 =	vpack.i.f32.bf16 v59, v59;
	v34 =	vadd.bf16 v54, v34;
	v61 =	vbroadcast v33, $0xE  }
0x243: {  	v62 =	vmul.bf16 v45, v26;
	v35 =	vadd.bf16 v60, v35  }
0x244: {  	v34 =	vadd.bf16 v41, v34;
	v33 =	vbroadcast v33, $0xF;
	v46 =	vpack.i.f32.bf16 v61, v61  }
0x245: {  	s12 =	spop (v2sf);
	v63 =	vmul.bf16 v42, v13;
	v47 =	vmul.bf16 v46, v28;
	v35 =	vadd.bf16 v62, v35  }
0x246: {  	s16 =	spop (v2sf);
	v38 =	vmul.bf16 v38, v15;
	v33 =	vpack.i.f32.bf16 v33, v33  }
0x247: {  	v48 =	vmul.bf16 v33, v30;
	v34 =	vadd.bf16 v63, v34;
	v49 =	vld [tilespmem:s16+$0x400];
	v35 =	vadd.bf16 v47, v35;
	_ =	sdelay $0x1  }
0x248: {  	v50 =	vmul.bf16 v43, v17;
	v34 =	vadd.bf16 v38, v34;
	v35 =	vadd.bf16 v48, v35;
	_ =	sdelay $0x1  }
0x249: {  	v36 =	vmul.bf16 v36, v19;
	v34 =	vadd.bf16 v50, v34;
	v37 =	vunpack.i.l.bf16.f32 v35  }
0x24a: {  	v37 =	vadd.f32 v49, v37  }
0x24b: {  	v51 =	vmul.bf16 v44, v21;
	v34 =	vadd.bf16 v36, v34  }
0x24c: {  	[tilespmem:s0+$0x0] =	vst v37  }
0x24d: {  	v52 =	vmul.bf16 v55, v23;
	v34 =	vadd.bf16 v51, v34;
	v37 =	vld [tilespmem:s16+$0x410];
	_ =	sdelay $0x1  }
0x24e: {  	v53 =	vmul.bf16 v58, v25;
	v34 =	vadd.bf16 v52, v34;
	_ =	sdelay $0x1  }
0x24f: {  	v54 =	vmul.bf16 v45, v27;
	v34 =	vadd.bf16 v53, v34;
	v35 =	vunpack.i.u.bf16.f32 v35  }
0x250: {  	v35 =	vadd.f32 v37, v35  }
0x251: {  	v55 =	vmul.bf16 v46, v29;
	v34 =	vadd.bf16 v54, v34  }
0x252: {  	[tilespmem:s0+$0x10] =	vst v35  }
0x253: {  	v33 =	vmul.bf16 v33, v31;
	v34 =	vadd.bf16 v55, v34;
	v35 =	vld [tilespmem:s16+$0x420];
	_ =	sdelay $0x1  }
0x254: {  	v33 =	vadd.bf16 v33, v34;
	_ =	sdelay $0x1  }
0x255: {  	v34 =	vunpack.i.l.bf16.f32 v33  }
0x256: {  	v34 =	vadd.f32 v35, v34;
	_ =	sdelay $0x1  }
0x257: {  	[tilespmem:s0+$0x20] =	vst v34  }
0x258: {  	v34 =	vld [tilespmem:s16+$0x430];
	_ =	sdelay $0x3  }
0x259: {  	v33 =	vunpack.i.u.bf16.f32 v33  }
0x25a: {  	v33 =	vadd.f32 v34, v33;
	_ =	sdelay $0x1  }
0x25b: {  	[tilespmem:s0+$0x30] =	vst v33  }
0x25c: {  	v33 =	vld [tilespmem:s31+$0x10];
	_ =	sdelay $0x4  }
0x25d: {  	v56 =	vbroadcast v33, $0x0;
	v57 =	vbroadcast v33, $0x1;
	_ =	sdelay $0x1  }
0x25e: {  	v58 =	vbroadcast v33, $0x2;
	v34 =	vpack.i.f32.bf16 v56, v56;
	v35 =	vpack.i.f32.bf16 v57, v57  }
0x25f: {  	v59 =	vmul.bf16 v34, v0;
	v60 =	vmul.bf16 v35, v2  }
0x260: {  	v61 =	vbroadcast v33, $0x3;
	v36 =	vpack.i.f32.bf16 v58, v58  }
0x261: {  	v62 =	vmul.bf16 v36, v4;
	v37 =	vadd.bf16 v60, v59  }
0x262: {  	v63 =	vbroadcast v33, $0x4;
	v39 =	vpack.i.f32.bf16 v61, v61  }
0x263: {  	v44 =	vmul.bf16 v39, v6;
	v37 =	vadd.bf16 v62, v37  }
0x264: {  	v45 =	vbroadcast v33, $0x5;
	v40 =	vpack.i.f32.bf16 v63, v63  }
0x265: {  	v46 =	vmul.bf16 v40, v8;
	v37 =	vadd.bf16 v44, v37  }
0x266: {  	v47 =	vbroadcast v33, $0x6;
	v41 =	vpack.i.f32.bf16 v45, v45  }
0x267: {  	v48 =	vmul.bf16 v41, v10;
	v37 =	vadd.bf16 v46, v37  }
0x268: {  	v49 =	vbroadcast v33, $0x7;
	v42 =	vpack.i.f32.bf16 v47, v47  }
0x269: {  	v51 =	vbroadcast v33, $0x8;
	v50 =	vmul.bf16 v42, v12;
	v37 =	vadd.bf16 v48, v37  }
0x26a: {  	v43 =	vpack.i.f32.bf16 v49, v49;
	v34 =	vmul.bf16 v34, v1;
	v35 =	vmul.bf16 v35, v3  }
0x26b: {  	v54 =	vbroadcast v33, $0x9;
	v53 =	vmul.bf16 v43, v14;
	v52 =	vadd.bf16 v50, v37  }
0x26c: {  	v38 =	vpack.i.f32.bf16 v51, v51;
	v36 =	vmul.bf16 v36, v5;
	v34 =	vadd.bf16 v35, v34  }
0x26d: {  	v55 =	vmul.bf16 v38, v16;
	v35 =	vadd.bf16 v53, v52  }
0x26e: {  	v56 =	vbroadcast v33, $0xA;
	v34 =	vadd.bf16 v36, v34;
	v36 =	vpack.i.f32.bf16 v54, v54  }
0x26f: {  	v57 =	vmul.bf16 v36, v18;
	v35 =	vadd.bf16 v55, v35  }
0x270: {  	v58 =	vbroadcast v33, $0xB;
	v44 =	vpack.i.f32.bf16 v56, v56  }
0x271: {  	v59 =	vmul.bf16 v44, v20;
	v35 =	vadd.bf16 v57, v35  }
0x272: {  	v39 =	vmul.bf16 v39, v7;
	v61 =	vpack.i.f32.bf16 v58, v58;
	v62 =	vbroadcast v33, $0xC  }
0x273: {  	v49 =	vbroadcast v33, $0xD;
	v63 =	vmul.bf16 v61, v22;
	v35 =	vadd.bf16 v59, v35  }
0x274: {  	v60 =	vmul.bf16 v40, v9;
	v34 =	vadd.bf16 v39, v34;
	v48 =	vpack.i.f32.bf16 v62, v62  }
0x275: {  	v51 =	vbroadcast v33, $0xE;
	v50 =	vmul.bf16 v48, v24;
	v35 =	vadd.bf16 v63, v35  }
0x276: {  	v41 =	vmul.bf16 v41, v11;
	v45 =	vpack.i.f32.bf16 v49, v49;
	v34 =	vadd.bf16 v60, v34  }
0x277: {  	v52 =	vmul.bf16 v45, v26;
	v35 =	vadd.bf16 v50, v35  }
0x278: {  	v54 =	vpack.i.f32.bf16 v51, v51;
	v33 =	vbroadcast v33, $0xF;
	v34 =	vadd.bf16 v41, v34  }
0x279: {  	v53 =	vmul.bf16 v42, v13;
	v55 =	vmul.bf16 v54, v28;
	v35 =	vadd.bf16 v52, v35  }
0x27a: {  	v33 =	vpack.i.f32.bf16 v33, v33;
	v56 =	vmul.bf16 v43, v15  }
0x27b: {  	v58 =	vld [tilespmem:s12+$0x480];
	v34 =	vadd.bf16 v53, v34;
	v57 =	vmul.bf16 v33, v30;
	v35 =	vadd.bf16 v55, v35;
	_ =	sdelay $0x1  }
0x27c: {  	v38 =	vmul.bf16 v38, v17;
	v34 =	vadd.bf16 v56, v34;
	v35 =	vadd.bf16 v57, v35;
	_ =	sdelay $0x1  }
0x27d: {  	v36 =	vmul.bf16 v36, v19;
	v34 =	vadd.bf16 v38, v34;
	v37 =	vunpack.i.l.bf16.f32 v35  }
0x27e: {  	v37 =	vadd.f32 v58, v37  }
0x27f: {  	v59 =	vmul.bf16 v44, v21;
	v34 =	vadd.bf16 v36, v34  }
0x280: {  	[tilespmem:s0+$0x40] =	vst v37  }
0x281: {  	v60 =	vmul.bf16 v61, v23;
	v34 =	vadd.bf16 v59, v34;
	v37 =	vld [tilespmem:s12+$0x490];
	_ =	sdelay $0x1  }
0x282: {  	v61 =	vmul.bf16 v48, v25;
	v34 =	vadd.bf16 v60, v34;
	_ =	sdelay $0x1  }
0x283: {  	v62 =	vmul.bf16 v45, v27;
	v34 =	vadd.bf16 v61, v34;
	v35 =	vunpack.i.u.bf16.f32 v35  }
0x284: {  	v35 =	vadd.f32 v37, v35  }
0x285: {  	v63 =	vmul.bf16 v54, v29;
	v34 =	vadd.bf16 v62, v34  }
0x286: {  	[tilespmem:s0+$0x50] =	vst v35  }
0x287: {  	v33 =	vmul.bf16 v33, v31;
	v34 =	vadd.bf16 v63, v34;
	v35 =	vld [tilespmem:s12+$0x4A0];
	_ =	sdelay $0x1  }
0x288: {  	v33 =	vadd.bf16 v33, v34;
	_ =	sdelay $0x1  }
0x289: {  	v34 =	vunpack.i.l.bf16.f32 v33  }
0x28a: {  	v34 =	vadd.f32 v35, v34;
	_ =	sdelay $0x1  }
0x28b: {  	[tilespmem:s0+$0x60] =	vst v34  }
0x28c: {  	v34 =	vld [tilespmem:s12+$0x4B0];
	_ =	sdelay $0x3  }
0x28d: {  	v33 =	vunpack.i.u.bf16.f32 v33  }
0x28e: {  	v33 =	vadd.f32 v34, v33;
	_ =	sdelay $0x1  }
0x28f: {  	[tilespmem:s0+$0x70] =	vst v33  }
0x290: {  	v33 =	vld [tilespmem:s31+$0x20];
	_ =	sdelay $0x4  }
0x291: {  	v40 =	vbroadcast v33, $0x0;
	v41 =	vbroadcast v33, $0x1;
	_ =	sdelay $0x1  }
0x292: {  	v42 =	vbroadcast v33, $0x2;
	v34 =	vpack.i.f32.bf16 v40, v40;
	v35 =	vpack.i.f32.bf16 v41, v41  }
0x293: {  	v43 =	vmul.bf16 v34, v0;
	v44 =	vmul.bf16 v35, v2  }
0x294: {  	v45 =	vbroadcast v33, $0x3;
	v36 =	vpack.i.f32.bf16 v42, v42  }
0x295: {  	v46 =	vmul.bf16 v36, v4;
	v37 =	vadd.bf16 v44, v43  }
0x296: {  	v47 =	vbroadcast v33, $0x4;
	v39 =	vpack.i.f32.bf16 v45, v45  }
0x297: {  	v48 =	vmul.bf16 v39, v6;
	v37 =	vadd.bf16 v46, v37  }
0x298: {  	v49 =	vbroadcast v33, $0x5;
	v40 =	vpack.i.f32.bf16 v47, v47  }
0x299: {  	v50 =	vmul.bf16 v40, v8;
	v37 =	vadd.bf16 v48, v37  }
0x29a: {  	v51 =	vbroadcast v33, $0x6;
	v41 =	vpack.i.f32.bf16 v49, v49  }
0x29b: {  	(v2sf) =	vpush v32, $0xB;
	v52 =	vmul.bf16 v41, v10;
	v37 =	vadd.bf16 v50, v37  }
0x29c: {  	v53 =	vbroadcast v33, $0x7;
	v42 =	vpack.i.f32.bf16 v51, v51;
	v34 =	vmul.bf16 v34, v1  }
0x29d: {  	v35 =	vmul.bf16 v35, v3;
	v55 =	vmul.bf16 v42, v12;
	v54 =	vadd.bf16 v52, v37  }
0x29e: {  	(v2sf) =	vpush v32, $0xA;
	v56 =	vbroadcast v33, $0x8;
	v38 =	vpack.i.f32.bf16 v53, v53  }
0x29f: {  	v57 =	vmul.bf16 v38, v14;
	v34 =	vadd.bf16 v35, v34;
	v35 =	vadd.bf16 v55, v54  }
0x2a0: {  	v58 =	vbroadcast v33, $0x9;
	v36 =	vmul.bf16 v36, v5;
	v43 =	vpack.i.f32.bf16 v56, v56  }
0x2a1: {  	v59 =	vmul.bf16 v43, v16;
	v35 =	vadd.bf16 v57, v35  }
0x2a2: {  	v60 =	vbroadcast v33, $0xA;
	v34 =	vadd.bf16 v36, v34;
	v36 =	vpack.i.f32.bf16 v58, v58  }
0x2a3: {  	v61 =	vmul.bf16 v36, v18;
	v35 =	vadd.bf16 v59, v35  }
0x2a4: {  	v62 =	vbroadcast v33, $0xB;
	v44 =	vpack.i.f32.bf16 v60, v60  }
0x2a5: {  	v63 =	vmul.bf16 v44, v20;
	v35 =	vadd.bf16 v61, v35  }
0x2a6: {  	v49 =	vpack.i.f32.bf16 v62, v62;
	v39 =	vmul.bf16 v39, v7;
	v50 =	vbroadcast v33, $0xC  }
0x2a7: {  	v53 =	vbroadcast v33, $0xD;
	v51 =	vmul.bf16 v49, v22;
	v35 =	vadd.bf16 v63, v35  }
0x2a8: {  	v34 =	vadd.bf16 v39, v34;
	v48 =	vmul.bf16 v40, v9;
	v52 =	vpack.i.f32.bf16 v50, v50  }
0x2a9: {  	v41 =	vmul.bf16 v41, v11;
	v54 =	vmul.bf16 v52, v24;
	v35 =	vadd.bf16 v51, v35  }
0x2aa: {  	v45 =	vpack.i.f32.bf16 v53, v53;
	v34 =	vadd.bf16 v48, v34;
	v55 =	vbroadcast v33, $0xE  }
0x2ab: {  	v56 =	vmul.bf16 v45, v26;
	v35 =	vadd.bf16 v54, v35  }
0x2ac: {  	v34 =	vadd.bf16 v41, v34;
	v33 =	vbroadcast v33, $0xF;
	v58 =	vpack.i.f32.bf16 v55, v55  }
0x2ad: {  	s12 =	spop (v2sf);
	v57 =	vmul.bf16 v42, v13;
	v59 =	vmul.bf16 v58, v28;
	v35 =	vadd.bf16 v56, v35  }
0x2ae: {  	s16 =	spop (v2sf);
	v38 =	vmul.bf16 v38, v15;
	v33 =	vpack.i.f32.bf16 v33, v33  }
0x2af: {  	v60 =	vmul.bf16 v33, v30;
	v34 =	vadd.bf16 v57, v34;
	v61 =	vld [tilespmem:s16+$0x500];
	v35 =	vadd.bf16 v59, v35;
	_ =	sdelay $0x1  }
0x2b0: {  	v62 =	vmul.bf16 v43, v17;
	v34 =	vadd.bf16 v38, v34;
	v35 =	vadd.bf16 v60, v35;
	_ =	sdelay $0x1  }
0x2b1: {  	v36 =	vmul.bf16 v36, v19;
	v34 =	vadd.bf16 v62, v34;
	v37 =	vunpack.i.l.bf16.f32 v35  }
0x2b2: {  	v37 =	vadd.f32 v61, v37  }
0x2b3: {  	v63 =	vmul.bf16 v44, v21;
	v34 =	vadd.bf16 v36, v34  }
0x2b4: {  	[tilespmem:s0+$0x80] =	vst v37  }
0x2b5: {  	v41 =	vmul.bf16 v49, v23;
	v34 =	vadd.bf16 v63, v34;
	v37 =	vld [tilespmem:s16+$0x510];
	_ =	sdelay $0x1  }
0x2b6: {  	v43 =	vmul.bf16 v52, v25;
	v34 =	vadd.bf16 v41, v34;
	_ =	sdelay $0x1  }
0x2b7: {  	v44 =	vmul.bf16 v45, v27;
	v34 =	vadd.bf16 v43, v34;
	v35 =	vunpack.i.u.bf16.f32 v35  }
0x2b8: {  	v35 =	vadd.f32 v37, v35  }
0x2b9: {  	v45 =	vmul.bf16 v58, v29;
	v34 =	vadd.bf16 v44, v34  }
0x2ba: {  	[tilespmem:s0+$0x90] =	vst v35  }
0x2bb: {  	v33 =	vmul.bf16 v33, v31;
	v34 =	vadd.bf16 v45, v34;
	v35 =	vld [tilespmem:s16+$0x520];
	_ =	sdelay $0x1  }
0x2bc: {  	v33 =	vadd.bf16 v33, v34;
	_ =	sdelay $0x1  }
0x2bd: {  	v34 =	vunpack.i.l.bf16.f32 v33  }
0x2be: {  	v34 =	vadd.f32 v35, v34;
	_ =	sdelay $0x1  }
0x2bf: {  	[tilespmem:s0+$0xA0] =	vst v34  }
0x2c0: {  	v34 =	vld [tilespmem:s16+$0x530];
	_ =	sdelay $0x3  }
0x2c1: {  	v33 =	vunpack.i.u.bf16.f32 v33  }
0x2c2: {  	v33 =	vadd.f32 v34, v33;
	_ =	sdelay $0x1  }
0x2c3: {  	[tilespmem:s0+$0xB0] =	vst v33  }
0x2c4: {  	v33 =	vld [tilespmem:s31+$0x30];
	_ =	sdelay $0x4  }
0x2c5: {  	v46 =	vbroadcast v33, $0x0;
	v47 =	vbroadcast v33, $0x1;
	_ =	sdelay $0x1  }
0x2c6: {  	v48 =	vbroadcast v33, $0x2;
	v34 =	vpack.i.f32.bf16 v46, v46;
	v35 =	vpack.i.f32.bf16 v47, v47  }
0x2c7: {  	v49 =	vmul.bf16 v34, v0;
	v50 =	vmul.bf16 v35, v2  }
0x2c8: {  	v51 =	vbroadcast v33, $0x3;
	v36 =	vpack.i.f32.bf16 v48, v48  }
0x2c9: {  	v52 =	vmul.bf16 v36, v4;
	v37 =	vadd.bf16 v50, v49  }
0x2ca: {  	v53 =	vbroadcast v33, $0x4;
	v39 =	vpack.i.f32.bf16 v51, v51  }
0x2cb: {  	v54 =	vmul.bf16 v39, v6;
	v37 =	vadd.bf16 v52, v37  }
0x2cc: {  	v55 =	vbroadcast v33, $0x5;
	v40 =	vpack.i.f32.bf16 v53, v53  }
0x2cd: {  	v56 =	vmul.bf16 v40, v8;
	v37 =	vadd.bf16 v54, v37  }
0x2ce: {  	v57 =	vbroadcast v33, $0x6;
	v41 =	vpack.i.f32.bf16 v55, v55  }
0x2cf: {  	v58 =	vmul.bf16 v41, v10;
	v37 =	vadd.bf16 v56, v37  }
0x2d0: {  	v59 =	vbroadcast v33, $0x7;
	v42 =	vpack.i.f32.bf16 v57, v57  }
0x2d1: {  	v61 =	vbroadcast v33, $0x8;
	v60 =	vmul.bf16 v42, v12;
	v37 =	vadd.bf16 v58, v37  }
0x2d2: {  	v43 =	vpack.i.f32.bf16 v59, v59;
	v34 =	vmul.bf16 v34, v1;
	v35 =	vmul.bf16 v35, v3  }
0x2d3: {  	v38 =	vpack.i.f32.bf16 v61, v61;
	v63 =	vmul.bf16 v43, v14;
	v62 =	vadd.bf16 v60, v37  }
0x2d4: {  	v48 =	vbroadcast v33, $0x9;
	v36 =	vmul.bf16 v36, v5;
	v34 =	vadd.bf16 v35, v34  }
0x2d5: {  	v49 =	vmul.bf16 v38, v16;
	v35 =	vadd.bf16 v63, v62  }
0x2d6: {  	v50 =	vbroadcast v33, $0xA;
	v34 =	vadd.bf16 v36, v34;
	v36 =	vpack.i.f32.bf16 v48, v48  }
0x2d7: {  	v51 =	vmul.bf16 v36, v18;
	v35 =	vadd.bf16 v49, v35  }
0x2d8: {  	v44 =	vpack.i.f32.bf16 v50, v50;
	v52 =	vbroadcast v33, $0xB  }
0x2d9: {  	v53 =	vmul.bf16 v44, v20;
	v35 =	vadd.bf16 v51, v35  }
0x2da: {  	v39 =	vmul.bf16 v39, v7;
	v55 =	vpack.i.f32.bf16 v52, v52;
	v56 =	vbroadcast v33, $0xC  }
0x2db: {  	v59 =	vbroadcast v33, $0xD;
	v57 =	vmul.bf16 v55, v22;
	v35 =	vadd.bf16 v53, v35  }
0x2dc: {  	v61 =	vbroadcast v33, $0xE;
	v34 =	vadd.bf16 v39, v34;
	v58 =	vpack.i.f32.bf16 v56, v56  }
0x2dd: {  	v54 =	vmul.bf16 v40, v9;
	v60 =	vmul.bf16 v58, v24;
	v35 =	vadd.bf16 v57, v35  }
0x2de: {  	v41 =	vmul.bf16 v41, v11;
	v45 =	vpack.i.f32.bf16 v59, v59;
	v46 =	vpack.i.f32.bf16 v61, v61  }
0x2df: {  	v34 =	vadd.bf16 v54, v34;
	v62 =	vmul.bf16 v45, v26;
	v35 =	vadd.bf16 v60, v35  }
0x2e0: {  	v47 =	vmul.bf16 v46, v28;
	v33 =	vbroadcast v33, $0xF  }
0x2e1: {  	v34 =	vadd.bf16 v41, v34;
	v63 =	vmul.bf16 v42, v13;
	v35 =	vadd.bf16 v62, v35  }
0x2e2: {  	v48 =	vmul.bf16 v43, v15;
	v33 =	vpack.i.f32.bf16 v33, v33  }
0x2e3: {  	v50 =	vld [tilespmem:s12+$0x580];
	v34 =	vadd.bf16 v63, v34;
	v49 =	vmul.bf16 v33, v30;
	v35 =	vadd.bf16 v47, v35;
	_ =	sdelay $0x1  }
0x2e4: {  	v38 =	vmul.bf16 v38, v17;
	v34 =	vadd.bf16 v48, v34;
	v35 =	vadd.bf16 v49, v35;
	_ =	sdelay $0x1  }
0x2e5: {  	v36 =	vmul.bf16 v36, v19;
	v34 =	vadd.bf16 v38, v34;
	v37 =	vunpack.i.l.bf16.f32 v35  }
0x2e6: {  	v37 =	vadd.f32 v50, v37  }
0x2e7: {  	v51 =	vmul.bf16 v44, v21;
	v34 =	vadd.bf16 v36, v34  }
0x2e8: {  	[tilespmem:s0+$0xC0] =	vst v37  }
0x2e9: {  	v52 =	vmul.bf16 v55, v23;
	v34 =	vadd.bf16 v51, v34;
	v37 =	vld [tilespmem:s12+$0x590];
	_ =	sdelay $0x1  }
0x2ea: {  	v53 =	vmul.bf16 v58, v25;
	v34 =	vadd.bf16 v52, v34;
	_ =	sdelay $0x1  }
0x2eb: {  	v54 =	vmul.bf16 v45, v27;
	v34 =	vadd.bf16 v53, v34;
	v35 =	vunpack.i.u.bf16.f32 v35  }
0x2ec: {  	v35 =	vadd.f32 v37, v35  }
0x2ed: {  	v55 =	vmul.bf16 v46, v29;
	v34 =	vadd.bf16 v54, v34  }
0x2ee: {  	[tilespmem:s0+$0xD0] =	vst v35  }
0x2ef: {  	v33 =	vmul.bf16 v33, v31;
	v34 =	vadd.bf16 v55, v34;
	v35 =	vld [tilespmem:s12+$0x5A0];
	_ =	sdelay $0x1  }
0x2f0: {  	v33 =	vadd.bf16 v33, v34;
	_ =	sdelay $0x1  }
0x2f1: {  	v34 =	vunpack.i.l.bf16.f32 v33  }
0x2f2: {  	v34 =	vadd.f32 v35, v34;
	_ =	sdelay $0x1  }
0x2f3: {  	[tilespmem:s0+$0xE0] =	vst v34  }
0x2f4: {  	v34 =	vld [tilespmem:s12+$0x5B0];
	_ =	sdelay $0x3  }
0x2f5: {  	v33 =	vunpack.i.u.bf16.f32 v33  }
0x2f6: {  	v33 =	vadd.f32 v34, v33;
	_ =	sdelay $0x1  }
0x2f7: {  	[tilespmem:s0+$0xF0] =	vst v33  }
0x2f8: {  	v33 =	vld [tilespmem:s31+$0x40];
	_ =	sdelay $0x4  }
0x2f9: {  	v56 =	vbroadcast v33, $0x0;
	v57 =	vbroadcast v33, $0x1;
	_ =	sdelay $0x1  }
0x2fa: {  	v58 =	vbroadcast v33, $0x2;
	v34 =	vpack.i.f32.bf16 v56, v56;
	v35 =	vpack.i.f32.bf16 v57, v57  }
0x2fb: {  	v59 =	vmul.bf16 v34, v0;
	v60 =	vmul.bf16 v35, v2  }
0x2fc: {  	v61 =	vbroadcast v33, $0x3;
	v36 =	vpack.i.f32.bf16 v58, v58  }
0x2fd: {  	v62 =	vmul.bf16 v36, v4;
	v37 =	vadd.bf16 v60, v59  }
0x2fe: {  	v63 =	vbroadcast v33, $0x4;
	v39 =	vpack.i.f32.bf16 v61, v61  }
0x2ff: {  	v44 =	vmul.bf16 v39, v6;
	v37 =	vadd.bf16 v62, v37  }
0x300: {  	v45 =	vbroadcast v33, $0x5;
	v40 =	vpack.i.f32.bf16 v63, v63  }
0x301: {  	v46 =	vmul.bf16 v40, v8;
	v37 =	vadd.bf16 v44, v37  }
0x302: {  	v47 =	vbroadcast v33, $0x6;
	v41 =	vpack.i.f32.bf16 v45, v45  }
0x303: {  	(v2sf) =	vpush v32, $0xD;
	v48 =	vmul.bf16 v41, v10;
	v37 =	vadd.bf16 v46, v37  }
0x304: {  	v49 =	vbroadcast v33, $0x7;
	v42 =	vpack.i.f32.bf16 v47, v47;
	v34 =	vmul.bf16 v34, v1  }
0x305: {  	v35 =	vmul.bf16 v35, v3;
	v51 =	vmul.bf16 v42, v12;
	v50 =	vadd.bf16 v48, v37  }
0x306: {  	(v2sf) =	vpush v32, $0xC;
	v52 =	vbroadcast v33, $0x8;
	v38 =	vpack.i.f32.bf16 v49, v49  }
0x307: {  	v53 =	vmul.bf16 v38, v14;
	v34 =	vadd.bf16 v35, v34;
	v35 =	vadd.bf16 v51, v50  }
0x308: {  	v54 =	vbroadcast v33, $0x9;
	v43 =	vpack.i.f32.bf16 v52, v52;
	v36 =	vmul.bf16 v36, v5  }
0x309: {  	v55 =	vmul.bf16 v43, v16;
	v35 =	vadd.bf16 v53, v35  }
0x30a: {  	v56 =	vbroadcast v33, $0xA;
	v34 =	vadd.bf16 v36, v34;
	v36 =	vpack.i.f32.bf16 v54, v54  }
0x30b: {  	v57 =	vmul.bf16 v36, v18;
	v35 =	vadd.bf16 v55, v35  }
0x30c: {  	v58 =	vbroadcast v33, $0xB;
	v44 =	vpack.i.f32.bf16 v56, v56  }
0x30d: {  	v59 =	vmul.bf16 v44, v20;
	v35 =	vadd.bf16 v57, v35  }
0x30e: {  	v39 =	vmul.bf16 v39, v7;
	v61 =	vpack.i.f32.bf16 v58, v58;
	v62 =	vbroadcast v33, $0xC  }
0x30f: {  	v49 =	vbroadcast v33, $0xD;
	v63 =	vmul.bf16 v61, v22;
	v35 =	vadd.bf16 v59, v35  }
0x310: {  	v60 =	vmul.bf16 v40, v9;
	v34 =	vadd.bf16 v39, v34;
	v48 =	vpack.i.f32.bf16 v62, v62  }
0x311: {  	v41 =	vmul.bf16 v41, v11;
	v50 =	vmul.bf16 v48, v24;
	v35 =	vadd.bf16 v63, v35  }
0x312: {  	v45 =	vpack.i.f32.bf16 v49, v49;
	v34 =	vadd.bf16 v60, v34;
	v51 =	vbroadcast v33, $0xE  }
0x313: {  	v52 =	vmul.bf16 v45, v26;
	v35 =	vadd.bf16 v50, v35  }
0x314: {  	v34 =	vadd.bf16 v41, v34;
	v33 =	vbroadcast v33, $0xF;
	v54 =	vpack.i.f32.bf16 v51, v51  }
0x315: {  	s12 =	spop (v2sf);
	v53 =	vmul.bf16 v42, v13;
	v55 =	vmul.bf16 v54, v28;
	v35 =	vadd.bf16 v52, v35  }
0x316: {  	s16 =	spop (v2sf);
	v38 =	vmul.bf16 v38, v15;
	v33 =	vpack.i.f32.bf16 v33, v33  }
0x317: {  	v56 =	vmul.bf16 v33, v30;
	v34 =	vadd.bf16 v53, v34;
	v57 =	vld [tilespmem:s16+$0x600];
	v35 =	vadd.bf16 v55, v35;
	_ =	sdelay $0x1  }
0x318: {  	v58 =	vmul.bf16 v43, v17;
	v34 =	vadd.bf16 v38, v34;
	v35 =	vadd.bf16 v56, v35;
	_ =	sdelay $0x1  }
0x319: {  	v36 =	vmul.bf16 v36, v19;
	v34 =	vadd.bf16 v58, v34;
	v37 =	vunpack.i.l.bf16.f32 v35  }
0x31a: {  	v37 =	vadd.f32 v57, v37  }
0x31b: {  	v59 =	vmul.bf16 v44, v21;
	v34 =	vadd.bf16 v36, v34  }
0x31c: {  	[tilespmem:s0+$0x100] =	vst v37  }
0x31d: {  	v60 =	vmul.bf16 v61, v23;
	v34 =	vadd.bf16 v59, v34;
	v37 =	vld [tilespmem:s16+$0x610];
	_ =	sdelay $0x1  }
0x31e: {  	v61 =	vmul.bf16 v48, v25;
	v34 =	vadd.bf16 v60, v34;
	_ =	sdelay $0x1  }
0x31f: {  	v62 =	vmul.bf16 v45, v27;
	v34 =	vadd.bf16 v61, v34;
	v35 =	vunpack.i.u.bf16.f32 v35  }
0x320: {  	v35 =	vadd.f32 v37, v35  }
0x321: {  	v63 =	vmul.bf16 v54, v29;
	v34 =	vadd.bf16 v62, v34  }
0x322: {  	[tilespmem:s0+$0x110] =	vst v35  }
0x323: {  	v33 =	vmul.bf16 v33, v31;
	v34 =	vadd.bf16 v63, v34;
	v35 =	vld [tilespmem:s16+$0x620];
	_ =	sdelay $0x1  }
0x324: {  	v33 =	vadd.bf16 v33, v34;
	_ =	sdelay $0x1  }
0x325: {  	v34 =	vunpack.i.l.bf16.f32 v33  }
0x326: {  	v34 =	vadd.f32 v35, v34;
	_ =	sdelay $0x1  }
0x327: {  	[tilespmem:s0+$0x120] =	vst v34  }
0x328: {  	v34 =	vld [tilespmem:s16+$0x630];
	_ =	sdelay $0x3  }
0x329: {  	v33 =	vunpack.i.u.bf16.f32 v33  }
0x32a: {  	v33 =	vadd.f32 v34, v33;
	_ =	sdelay $0x1  }
0x32b: {  	[tilespmem:s0+$0x130] =	vst v33  }
0x32c: {  	v33 =	vld [tilespmem:s31+$0x50];
	_ =	sdelay $0x4  }
0x32d: {  	v40 =	vbroadcast v33, $0x0;
	v41 =	vbroadcast v33, $0x1;
	_ =	sdelay $0x1  }
0x32e: {  	v42 =	vbroadcast v33, $0x2;
	v34 =	vpack.i.f32.bf16 v40, v40;
	v35 =	vpack.i.f32.bf16 v41, v41  }
0x32f: {  	v43 =	vmul.bf16 v34, v0;
	v44 =	vmul.bf16 v35, v2  }
0x330: {  	v45 =	vbroadcast v33, $0x3;
	v36 =	vpack.i.f32.bf16 v42, v42  }
0x331: {  	v46 =	vmul.bf16 v36, v4;
	v37 =	vadd.bf16 v44, v43  }
0x332: {  	v47 =	vbroadcast v33, $0x4;
	v39 =	vpack.i.f32.bf16 v45, v45  }
0x333: {  	v48 =	vmul.bf16 v39, v6;
	v37 =	vadd.bf16 v46, v37  }
0x334: {  	v49 =	vbroadcast v33, $0x5;
	v40 =	vpack.i.f32.bf16 v47, v47  }
0x335: {  	v50 =	vmul.bf16 v40, v8;
	v37 =	vadd.bf16 v48, v37  }
0x336: {  	v51 =	vbroadcast v33, $0x6;
	v41 =	vpack.i.f32.bf16 v49, v49  }
0x337: {  	v52 =	vmul.bf16 v41, v10;
	v37 =	vadd.bf16 v50, v37  }
0x338: {  	v53 =	vbroadcast v33, $0x7;
	v42 =	vpack.i.f32.bf16 v51, v51  }
0x339: {  	v55 =	vbroadcast v33, $0x8;
	v54 =	vmul.bf16 v42, v12;
	v37 =	vadd.bf16 v52, v37  }
0x33a: {  	v34 =	vmul.bf16 v34, v1;
	v35 =	vmul.bf16 v35, v3;
	v43 =	vpack.i.f32.bf16 v53, v53  }
0x33b: {  	v58 =	vbroadcast v33, $0x9;
	v57 =	vmul.bf16 v43, v14;
	v56 =	vadd.bf16 v54, v37  }
0x33c: {  	v38 =	vpack.i.f32.bf16 v55, v55;
	v36 =	vmul.bf16 v36, v5;
	v34 =	vadd.bf16 v35, v34  }
0x33d: {  	v59 =	vmul.bf16 v38, v16;
	v35 =	vadd.bf16 v57, v56  }
0x33e: {  	v60 =	vbroadcast v33, $0xA;
	v34 =	vadd.bf16 v36, v34;
	v36 =	vpack.i.f32.bf16 v58, v58  }
0x33f: {  	v61 =	vmul.bf16 v36, v18;
	v35 =	vadd.bf16 v59, v35  }
0x340: {  	v62 =	vbroadcast v33, $0xB;
	v44 =	vpack.i.f32.bf16 v60, v60  }
0x341: {  	v63 =	vmul.bf16 v44, v20;
	v35 =	vadd.bf16 v61, v35  }
0x342: {  	v49 =	vpack.i.f32.bf16 v62, v62;
	v39 =	vmul.bf16 v39, v7;
	v50 =	vbroadcast v33, $0xC  }
0x343: {  	v51 =	vmul.bf16 v49, v22;
	v53 =	vbroadcast v33, $0xD;
	v35 =	vadd.bf16 v63, v35  }
0x344: {  	v34 =	vadd.bf16 v39, v34;
	v48 =	vmul.bf16 v40, v9;
	v52 =	vpack.i.f32.bf16 v50, v50  }
0x345: {  	v55 =	vbroadcast v33, $0xE;
	v54 =	vmul.bf16 v52, v24;
	v35 =	vadd.bf16 v51, v35  }
0x346: {  	v41 =	vmul.bf16 v41, v11;
	v45 =	vpack.i.f32.bf16 v53, v53;
	v34 =	vadd.bf16 v48, v34  }
0x347: {  	v56 =	vmul.bf16 v45, v26;
	v35 =	vadd.bf16 v54, v35  }
0x348: {  	v58 =	vpack.i.f32.bf16 v55, v55;
	v33 =	vbroadcast v33, $0xF;
	v34 =	vadd.bf16 v41, v34  }
0x349: {  	v57 =	vmul.bf16 v42, v13;
	v59 =	vmul.bf16 v58, v28;
	v35 =	vadd.bf16 v56, v35  }
0x34a: {  	v60 =	vmul.bf16 v43, v15;
	v33 =	vpack.i.f32.bf16 v33, v33  }
0x34b: {  	v62 =	vld [tilespmem:s12+$0x680];
	v34 =	vadd.bf16 v57, v34;
	v61 =	vmul.bf16 v33, v30;
	v35 =	vadd.bf16 v59, v35;
	_ =	sdelay $0x1  }
0x34c: {  	v38 =	vmul.bf16 v38, v17;
	v34 =	vadd.bf16 v60, v34;
	v35 =	vadd.bf16 v61, v35;
	_ =	sdelay $0x1  }
0x34d: {  	v36 =	vmul.bf16 v36, v19;
	v34 =	vadd.bf16 v38, v34;
	v37 =	vunpack.i.l.bf16.f32 v35  }
0x34e: {  	v37 =	vadd.f32 v62, v37  }
0x34f: {  	v63 =	vmul.bf16 v44, v21;
	v34 =	vadd.bf16 v36, v34  }
0x350: {  	[tilespmem:s0+$0x140] =	vst v37  }
0x351: {  	v41 =	vmul.bf16 v49, v23;
	v34 =	vadd.bf16 v63, v34;
	v37 =	vld [tilespmem:s12+$0x690];
	_ =	sdelay $0x1  }
0x352: {  	v43 =	vmul.bf16 v52, v25;
	v34 =	vadd.bf16 v41, v34;
	_ =	sdelay $0x1  }
0x353: {  	v44 =	vmul.bf16 v45, v27;
	v34 =	vadd.bf16 v43, v34;
	v35 =	vunpack.i.u.bf16.f32 v35  }
0x354: {  	v35 =	vadd.f32 v37, v35  }
0x355: {  	v45 =	vmul.bf16 v58, v29;
	v34 =	vadd.bf16 v44, v34  }
0x356: {  	[tilespmem:s0+$0x150] =	vst v35  }
0x357: {  	v33 =	vmul.bf16 v33, v31;
	v34 =	vadd.bf16 v45, v34;
	v35 =	vld [tilespmem:s12+$0x6A0];
	_ =	sdelay $0x1  }
0x358: {  	v33 =	vadd.bf16 v33, v34;
	_ =	sdelay $0x1  }
0x359: {  	v34 =	vunpack.i.l.bf16.f32 v33  }
0x35a: {  	v34 =	vadd.f32 v35, v34;
	_ =	sdelay $0x1  }
0x35b: {  	[tilespmem:s0+$0x160] =	vst v34  }
0x35c: {  	v34 =	vld [tilespmem:s12+$0x6B0];
	_ =	sdelay $0x3  }
0x35d: {  	v33 =	vunpack.i.u.bf16.f32 v33  }
0x35e: {  	v33 =	vadd.f32 v34, v33;
	_ =	sdelay $0x1  }
0x35f: {  	[tilespmem:s0+$0x170] =	vst v33  }
0x360: {  	v33 =	vld [tilespmem:s31+$0x60];
	_ =	sdelay $0x4  }
0x361: {  	v46 =	vbroadcast v33, $0x0;
	v47 =	vbroadcast v33, $0x1;
	_ =	sdelay $0x1  }
0x362: {  	v48 =	vbroadcast v33, $0x2;
	v34 =	vpack.i.f32.bf16 v46, v46;
	v35 =	vpack.i.f32.bf16 v47, v47  }
0x363: {  	v49 =	vmul.bf16 v34, v0;
	v50 =	vmul.bf16 v35, v2  }
0x364: {  	v51 =	vbroadcast v33, $0x3;
	v36 =	vpack.i.f32.bf16 v48, v48  }
0x365: {  	v52 =	vmul.bf16 v36, v4;
	v37 =	vadd.bf16 v50, v49  }
0x366: {  	v53 =	vbroadcast v33, $0x4;
	v39 =	vpack.i.f32.bf16 v51, v51  }
0x367: {  	v54 =	vmul.bf16 v39, v6;
	v37 =	vadd.bf16 v52, v37  }
0x368: {  	v55 =	vbroadcast v33, $0x5;
	v40 =	vpack.i.f32.bf16 v53, v53  }
0x369: {  	v56 =	vmul.bf16 v40, v8;
	v37 =	vadd.bf16 v54, v37  }
0x36a: {  	v57 =	vbroadcast v33, $0x6;
	v41 =	vpack.i.f32.bf16 v55, v55  }
0x36b: {  	(v2sf) =	vpush v32, $0xF;
	v58 =	vmul.bf16 v41, v10;
	v37 =	vadd.bf16 v56, v37  }
0x36c: {  	v59 =	vbroadcast v33, $0x7;
	v42 =	vpack.i.f32.bf16 v57, v57;
	v34 =	vmul.bf16 v34, v1  }
0x36d: {  	v35 =	vmul.bf16 v35, v3;
	v61 =	vmul.bf16 v42, v12;
	v60 =	vadd.bf16 v58, v37  }
0x36e: {  	(v2sf) =	vpush v32, $0xE;
	v62 =	vbroadcast v33, $0x8;
	v38 =	vpack.i.f32.bf16 v59, v59  }
0x36f: {  	v63 =	vmul.bf16 v38, v14;
	v34 =	vadd.bf16 v35, v34;
	v35 =	vadd.bf16 v61, v60  }
0x370: {  	v46 =	vbroadcast v33, $0x9;
	v45 =	vmul.bf16 v36, v5;
	v36 =	vpack.i.f32.bf16 v62, v62  }
0x371: {  	v47 =	vmul.bf16 v36, v16;
	v35 =	vadd.bf16 v63, v35  }
0x372: {  	v48 =	vpack.i.f32.bf16 v46, v46;
	v49 =	vbroadcast v33, $0xA  }
0x373: {  	v50 =	vmul.bf16 v48, v18;
	v35 =	vadd.bf16 v47, v35  }
0x374: {  	v51 =	vbroadcast v33, $0xB;
	v43 =	vpack.i.f32.bf16 v49, v49  }
0x375: {  	v52 =	vmul.bf16 v43, v20;
	v35 =	vadd.bf16 v50, v35  }
0x376: {  	v55 =	vbroadcast v33, $0xC;
	v39 =	vmul.bf16 v39, v7;
	v54 =	vpack.i.f32.bf16 v51, v51  }
0x377: {  	v32 =	vadd.bf16 v45, v34;
	v56 =	vmul.bf16 v54, v22;
	v35 =	vadd.bf16 v52, v35  }
0x378: {  	v53 =	vmul.bf16 v40, v9;
	v57 =	vpack.i.f32.bf16 v55, v55;
	v58 =	vbroadcast v33, $0xD  }
0x379: {  	v59 =	vmul.bf16 v57, v24;
	v32 =	vadd.bf16 v39, v32;
	v35 =	vadd.bf16 v56, v35  }
0x37a: {  	v41 =	vmul.bf16 v41, v11;
	v44 =	vpack.i.f32.bf16 v58, v58;
	v60 =	vbroadcast v33, $0xE  }
0x37b: {  	v32 =	vadd.bf16 v53, v32;
	v61 =	vmul.bf16 v44, v26;
	v35 =	vadd.bf16 v59, v35  }
0x37c: {  	v62 =	vmul.bf16 v42, v13;
	v33 =	vbroadcast v33, $0xF;
	v63 =	vpack.i.f32.bf16 v60, v60  }
0x37d: {  	s12 =	spop (v2sf);
	v32 =	vadd.bf16 v41, v32;
	v45 =	vmul.bf16 v63, v28;
	v35 =	vadd.bf16 v61, v35  }
0x37e: {  	s16 =	spop (v2sf);
	v38 =	vmul.bf16 v38, v15;
	v33 =	vpack.i.f32.bf16 v33, v33  }
0x37f: {  	v32 =	vadd.bf16 v62, v32;
	v46 =	vmul.bf16 v33, v30;
	v47 =	vld [tilespmem:s16+$0x700];
	v35 =	vadd.bf16 v45, v35;
	_ =	sdelay $0x1  }
0x380: {  	v36 =	vmul.bf16 v36, v17;
	v32 =	vadd.bf16 v38, v32;
	v35 =	vadd.bf16 v46, v35;
	_ =	sdelay $0x1  }
0x381: {  	v34 =	vmul.bf16 v48, v19;
	v32 =	vadd.bf16 v36, v32;
	v48 =	vunpack.i.l.bf16.f32 v35  }
0x382: {  	v36 =	vadd.f32 v47, v48  }
0x383: {  	v49 =	vmul.bf16 v43, v21;
	v32 =	vadd.bf16 v34, v32  }
0x384: {  	[tilespmem:s0+$0x180] =	vst v36  }
0x385: {  	v50 =	vmul.bf16 v54, v23;
	v32 =	vadd.bf16 v49, v32;
	v36 =	vld [tilespmem:s16+$0x710];
	_ =	sdelay $0x1  }
0x386: {  	v51 =	vmul.bf16 v57, v25;
	v32 =	vadd.bf16 v50, v32;
	_ =	sdelay $0x1  }
0x387: {  	v52 =	vmul.bf16 v44, v27;
	v32 =	vadd.bf16 v51, v32;
	v35 =	vunpack.i.u.bf16.f32 v35  }
0x388: {  	v35 =	vadd.f32 v36, v35  }
0x389: {  	v53 =	vmul.bf16 v63, v29;
	v32 =	vadd.bf16 v52, v32  }
0x38a: {  	[tilespmem:s0+$0x190] =	vst v35  }
0x38b: {  	v33 =	vmul.bf16 v33, v31;
	v32 =	vadd.bf16 v53, v32;
	v54 =	vld [tilespmem:s16+$0x720];
	_ =	sdelay $0x1  }
0x38c: {  	v32 =	vadd.bf16 v33, v32;
	_ =	sdelay $0x1  }
0x38d: {  	v33 =	vunpack.i.l.bf16.f32 v32  }
0x38e: {  	v33 =	vadd.f32 v54, v33;
	_ =	sdelay $0x1  }
0x38f: {  	[tilespmem:s0+$0x1A0] =	vst v33  }
0x390: {  	v33 =	vld [tilespmem:s16+$0x730];
	_ =	sdelay $0x3  }
0x391: {  	v32 =	vunpack.i.u.bf16.f32 v32  }
0x392: {  	v32 =	vadd.f32 v33, v32;
	_ =	sdelay $0x1  }
0x393: {  	[tilespmem:s0+$0x1B0] =	vst v32  }
0x394: {  	v32 =	vld [tilespmem:s31+$0x70];
	_ =	sdelay $0x4  }
0x395: {  	v55 =	vbroadcast v32, $0x0;
	v56 =	vbroadcast v32, $0x1;
	_ =	sdelay $0x1  }
0x396: {  	v57 =	vbroadcast v32, $0x2;
	v33 =	vpack.i.f32.bf16 v55, v55;
	v34 =	vpack.i.f32.bf16 v56, v56  }
0x397: {  	v58 =	vmul.bf16 v33, v0;
	v59 =	vmul.bf16 v34, v2  }
0x398: {  	v60 =	vbroadcast v32, $0x3;
	v35 =	vpack.i.f32.bf16 v57, v57  }
0x399: {  	v61 =	vmul.bf16 v35, v4;
	v36 =	vadd.bf16 v59, v58  }
0x39a: {  	v62 =	vbroadcast v32, $0x4;
	v38 =	vpack.i.f32.bf16 v60, v60  }
0x39b: {  	v63 =	vmul.bf16 v38, v6;
	v36 =	vadd.bf16 v61, v36  }
0x39c: {  	v44 =	vbroadcast v32, $0x5;
	v39 =	vpack.i.f32.bf16 v62, v62  }
0x39d: {  	v45 =	vmul.bf16 v39, v8;
	v36 =	vadd.bf16 v63, v36  }
0x39e: {  	v46 =	vbroadcast v32, $0x6;
	v40 =	vpack.i.f32.bf16 v44, v44  }
0x39f: {  	v47 =	vmul.bf16 v40, v10;
	v36 =	vadd.bf16 v45, v36  }
0x3a0: {  	v48 =	vbroadcast v32, $0x7;
	v41 =	vpack.i.f32.bf16 v46, v46  }
0x3a1: {  	v50 =	vbroadcast v32, $0x8;
	v49 =	vmul.bf16 v41, v12;
	v36 =	vadd.bf16 v47, v36  }
0x3a2: {  	v42 =	vpack.i.f32.bf16 v48, v48;
	v33 =	vmul.bf16 v33, v1;
	v34 =	vmul.bf16 v34, v3  }
0x3a3: {  	v53 =	vbroadcast v32, $0x9;
	v52 =	vmul.bf16 v42, v14;
	v51 =	vadd.bf16 v49, v36  }
0x3a4: {  	v37 =	vpack.i.f32.bf16 v50, v50;
	v35 =	vmul.bf16 v35, v5;
	v33 =	vadd.bf16 v34, v33  }
0x3a5: {  	v54 =	vmul.bf16 v37, v16;
	v34 =	vadd.bf16 v52, v51  }
0x3a6: {  	v55 =	vbroadcast v32, $0xA;
	v33 =	vadd.bf16 v35, v33;
	v35 =	vpack.i.f32.bf16 v53, v53  }
0x3a7: {  	v56 =	vmul.bf16 v35, v18;
	v34 =	vadd.bf16 v54, v34  }
0x3a8: {  	v57 =	vbroadcast v32, $0xB;
	v43 =	vpack.i.f32.bf16 v55, v55  }
0x3a9: {  	v60 =	vbroadcast v32, $0xC;
	v58 =	vmul.bf16 v43, v20;
	v34 =	vadd.bf16 v56, v34  }
0x3aa: {  	v38 =	vmul.bf16 v38, v7;
	v59 =	vmul.bf16 v39, v9;
	v39 =	vpack.i.f32.bf16 v57, v57  }
0x3ab: {  	v61 =	vmul.bf16 v39, v22;
	v34 =	vadd.bf16 v58, v34  }
0x3ac: {  	v62 =	vpack.i.f32.bf16 v60, v60;
	v33 =	vadd.bf16 v38, v33;
	v63 =	vbroadcast v32, $0xD  }
0x3ad: {  	v40 =	vmul.bf16 v40, v11;
	v48 =	vmul.bf16 v62, v24;
	v34 =	vadd.bf16 v61, v34  }
0x3ae: {  	v33 =	vadd.bf16 v59, v33;
	v44 =	vpack.i.f32.bf16 v63, v63;
	v49 =	vbroadcast v32, $0xE  }
0x3af: {  	v50 =	vmul.bf16 v44, v26;
	v32 =	vbroadcast v32, $0xF;
	v34 =	vadd.bf16 v48, v34  }
0x3b0: {  	v33 =	vadd.bf16 v40, v33;
	v51 =	vmul.bf16 v41, v13;
	v52 =	vpack.i.f32.bf16 v49, v49  }
0x3b1: {  	v32 =	vpack.i.f32.bf16 v32, v32;
	v53 =	vmul.bf16 v52, v28;
	v34 =	vadd.bf16 v50, v34  }
0x3b2: {  	v55 =	vmul.bf16 v32, v30  }
0x3b3: {  	v33 =	vadd.bf16 v51, v33;
	v54 =	vmul.bf16 v42, v15;
	v56 =	vld [tilespmem:s12+$0x780];
	v34 =	vadd.bf16 v53, v34;
	_ =	sdelay $0x1  }
0x3b4: {  	v57 =	vmul.bf16 v37, v17;
	v33 =	vadd.bf16 v54, v33;
	v34 =	vadd.bf16 v55, v34;
	_ =	sdelay $0x1  }
0x3b5: {  	v35 =	vmul.bf16 v35, v19;
	v33 =	vadd.bf16 v57, v33;
	v58 =	vunpack.i.l.bf16.f32 v34  }
0x3b6: {  	v36 =	vadd.f32 v56, v58  }
0x3b7: {  	v59 =	vmul.bf16 v43, v21;
	v33 =	vadd.bf16 v35, v33  }
0x3b8: {  	[tilespmem:s0+$0x1C0] =	vst v36  }
0x3b9: {  	v60 =	vmul.bf16 v39, v23;
	v33 =	vadd.bf16 v59, v33;
	v36 =	vld [tilespmem:s12+$0x790];
	_ =	sdelay $0x1  }
0x3ba: {  	v61 =	vmul.bf16 v62, v25;
	v33 =	vadd.bf16 v60, v33;
	_ =	sdelay $0x1  }
0x3bb: {  	v62 =	vmul.bf16 v44, v27;
	v33 =	vadd.bf16 v61, v33;
	v34 =	vunpack.i.u.bf16.f32 v34  }
0x3bc: {  	v34 =	vadd.f32 v36, v34  }
0x3bd: {  	v63 =	vmul.bf16 v52, v29;
	v33 =	vadd.bf16 v62, v33  }
0x3be: {  	[tilespmem:s0+$0x1D0] =	vst v34  }
0x3bf: {  	v32 =	vmul.bf16 v32, v31;
	v33 =	vadd.bf16 v63, v33;
	v34 =	vld [tilespmem:s12+$0x7A0];
	_ =	sdelay $0x1  }
0x3c0: {  	v32 =	vadd.bf16 v32, v33;
	_ =	sdelay $0x1  }
0x3c1: {  	v33 =	vunpack.i.l.bf16.f32 v32  }
0x3c2: {  	v33 =	vadd.f32 v34, v33;
	_ =	sdelay $0x1  }
0x3c3: {  	[tilespmem:s0+$0x1E0] =	vst v33  }
0x3c4: {  	v33 =	vld [tilespmem:s12+$0x7B0];
	_ =	sdelay $0x1  }
0x3c5: {  	p1 =	sne.s32 s1, $0x1E000  }
.Ltmp0:
0x3c6: {  	_ = 	snop;
	(pc) =	sbr.rel @p1 .LBB2_3-.Ltmp0, $4  }
0x3c7: {  	v32 =	vunpack.i.u.bf16.f32 v32  }
0x3c8: {  	v32 =	vadd.f32 v33, v32  }
0x3c9: {  	s30 =	sadd.s32 $0x10, s30  }
0x3ca: {  	s1 =	sadd.s32 $0x2000, s1;
	s31 =	sadd.s32 $0x100, s31;
	[tilespmem:s0+$0x1F0] =	vst v32;
	s0 =	sadd.s32 $0x400, s0  }
0x3cb: {  	p1 =	sne.s32 s25, $0x28  }
.Ltmp1:
0x3cc: {  	s0 =	sshll.u32 s26, $0xE;
	(pc) =	sbr.rel @p1 .LBB2_2-.Ltmp1, $4  }
0x3cd: {  	s1 =	sshll.u32 s28, $0xE;
	s0 =	sadd.s32 s10, s0  }
0x3ce: {  	s12 =	sadd.s32 $0x3, s28;
	p0 =	por !p0, !p0;
	s0 =	sshrl.u32 s0, $0x3  }
0x3cf: {  	s26 =	smov.u32 s25;
	s1 =	sor.u32 $0x12400, s1;
	s0 =	sadd.s32 s2, s0  }
0x3d0: {  	[hbm4b:s0+s3] =	stream.linear.scatter [tilespmem:s1], [sflag:s12], $0x4000, $0x38;
	[tilespmem:$0x1A600] =	vst v63  }
0x3d1: {  	_ =	swait.ge [sflag:s21], $0x4000  }
0x3d2: {  	[sflag:s21] =	ssyncset.done $0x0  }
0x3d3: {  	[sflag:s21] =	ssyncadd.s32 $0xFFFFC000  }
0x3d4: {  	_ =	swait.ge [sflag:s21], $0x800  }
0x3d5: {  	[sflag:s21] =	ssyncset.done $0x0  }
0x3d6: {  	[sflag:s21] =	ssyncadd.s32 $0xFFFFF800  }
0x3d7: {  	_ =	swait.ge [sflag:s21], $0x4000  }
0x3d8: {  	[sflag:s21] =	ssyncset.done $0x0  }
0x3d9: {  	[sflag:s21] =	ssyncadd.s32 $0xFFFFC000  }
0x3da: {  	_ =	swait.ge [sflag:s21], $0x800  }
0x3db: {  	[sflag:s21] =	ssyncset.done $0x0  }
0x3dc: {  	s24 =	sadd.s32 $0x1, s24;
	[sflag:s21] =	ssyncadd.s32 $0xFFFFF800  }
0x3dd: {  	p0 =	sne.s32 s24, s11;
	_ =	swait.ge [sflag:s22], $0x4000  }
.Ltmp2:
0x3de: {  	[sflag:s22] =	ssyncset.done $0x0;
	(pc) =	sbr.rel @p0 .LBB2_1-.Ltmp2, $4  }
0x3df: {  	[sflag:s22] =	ssyncadd.s32 $0xFFFFC000  }
0x3e0: {  	_ =	swait.ge [sflag:s23], $0x4000  }
0x3e1: {  	[sflag:s23] =	ssyncset.done $0x0  }
0x3e2: {  	[sflag:s23] =	ssyncadd.s32 $0xFFFFC000  }
0x3e3: {  	_ =	sfence.sel $0x180000  }
0x3e4: {  	[bflag:$0x0] =	sbarrier.arrive $0xFFFF  }
0x3e5: {  	_ =	strace $0x90000047  }
0x3e6: {  	s0 =	stileid.u32;
	[bflag:$0x2] =	sbarrier.arrive $0xFFFF  }
0x3e7: {  	p0 =	sne.s32 s0, $0x0;
	s0 =	rddreg [dreg:$0x2]  }
0x3e8: {  	s0 =	sadd.s32 @!p0 $0x100000, s0  }
0x3e9: {  	[sflag:s0] =	ssyncadd.tile.s32 @!p0 $0x1;
	_ =	shalt  }
.Lfunc_end2:
_tile_overlayer_lowered:
.L_overlay_start_2:
0x3ea: {  	(tag) =	ssettag $0x2  }
0x3eb: {  	s0 =	rddreg [dreg:$0x0];
	s2 =	stileid.u32  }
0x3ec: {  	s1 =	rddreg [dreg:$0x1];
	p0 =	sne.s32 s2, $0x0  }
0x3ed: {  	s3 =	rddreg [dreg:$0x2];
	[bflag:$0x3] =	sbarrier.arrive $0xFFFF;
	s2 =	simm.s32 @!p0 $0x1C05  }
0x3ee: {  	[timem:s3], [sflag:s2] =	dma.local @!p0 [hbm:s0], s1  }
0x3ef: {  	s0 =	simm.s32 @!p0 $0x5  }
0x3f0: {  	_ =	swait.ge @!p0 [sflag:s0], s1  }
0x3f1: {  	s1 =	ssub.s32 @!p0 $0x0, s1;
	[sflag:s0] =	ssyncset.done @!p0 $0x0  }
0x3f2: {  	[sflag:s0] =	ssyncadd.s32 @!p0 s1  }
0x3f3: {  	[bflag:$0x3] =	sbarrier.arrive $0xFFFF  }
0x3f4: {  	_ =	shalt  }

// kernel: sparse-core-data-format-call.cloned.1.call-start
scs
called_computation_lowered:
.L_overlay_start_0:
0x0: {  	s2 =	sld [smem:$0x3FD9]  }
0x1: {  	s3 =	sld [smem:$0x3FFE];
	_ =	sdelay $0x1  }
0x2: {  	s1 =	srdreg.scid  }
0x3: {  	s0 =	sand.u32 $0x1, s1  }
0x4: {  	s18 =	sshll.u32 s0, $0xA;
	s2 =	sadd.s32 s3, s2  }
0x5: {  	s2 =	sadd.s32 s2, s18  }
0x6: {  	[smem:$0x3FC4] =	sst s2  }
0x7: {  	_ = 	snop  }
0x8: {  	s2 =	sld [smem:$0x3FD0];
	(tm) =	ssettm $0x1  }
0x9: {  	s19 =	sld [smem:$0x3FFB];
	_ =	sdelay $0x3  }
0xa: {  	_ =	strace s19  }
0xb: {  	s3 =	sld [smem:$0x3FFC];
	_ =	sdelay $0x3  }
0xc: {  	_ =	strace s3  }
0xd: {  	s3 =	sld [smem:$0x3FFD];
	_ =	sdelay $0x3  }
0xe: {  	_ =	strace s3  }
0xf: {  	_ =	strace $0x8FFFFFFF  }
0x10: {  	s20 =	sld [smem:$0x3FDB];
	_ =	sdelay $0x1  }
0x11: {  	s4 =	simm.s32 $_scs_section_size  }
0x12: {  	s5 =	simm.s32 $_size__tile_overlayer_lowered;
	s6 =	simm.s32 $_tile_overlayer_lowered  }
0x13: {  	s23 =	simm.s32 $0x1BFF;
	s22 =	sshll.u32 s6, $0x1;
	s3 =	sadd.s32 s4, s20  }
0x14: {  	s7 =	simm.s32 $0x0;
	s21 =	sshll.u32 s5, $0x1;
	s5 =	sadd.s32 s22, s3  }
0x15: {  	[timem:s7], [sflag:s23] =	dma.local [hbm:s5], s21  }
0x16: {  	_ =	swait.ge [sflag:s23], s21  }
0x17: {  	s4 =	ssub.s32 $0x0, s21;
	[sflag:s23] =	ssyncset.done $0x0  }
0x18: {  	[sflag:s23] =	ssyncadd.s32 s4;
	_ =	sdelay $0x1  }
0x19: {  	s24 =	simm.s32 $0x1B8B  }
0x1a: {  	_ =	swait.ge [sflag:s24], $0x1  }
0x1b: {  	[sflag:s24] =	ssyncset.done $0x0  }
0x1c: {  	s26 =	simm.s32 $0x1B8E;
	s25 =	sld [smem:$0x3FFE];
	[sflag:s24] =	ssyncadd.s32 $0xFFFFFFFF  }
0x1d: {  	s27 =	simm.s32 $execute0_lowered;
	[smem:$0x3FD2] =	sst s26  }
0x1e: {  	s5 =	sshll.u32 s27, $0x1;
	_ =	strace $0x80000049;
	[dreg:$0x1] =	wrdreg $0xFFFFFFFF  }
0x1f: {  	s28 =	simm.s32 $_size_execute0_lowered;
	s3 =	sadd.s32 s3, s5;
	[dreg:$0x0] =	wrdreg $0x0  }
0x20: {  	s5 =	sshll.u32 s28, $0x1;
	[dreg:$0x2] =	wrdreg s3  }
0x21: {  	[dreg:$0x3] =	wrdreg s5  }
0x22: {  	[dreg:$0x4] =	wrdreg $0xC0  }
0x23: {  	_ =	task [dreg:s7], $0x5FFFF  }
0x24: {  	[dreg:$0x1] =	wrdreg $0xFFFFFFFF  }
0x25: {  	[dreg:$0x0] =	wrdreg $0x60  }
0x26: {  	[dreg:$0x2] =	wrdreg s25  }
0x27: {  	[dreg:$0x3] =	wrdreg s2  }
0x28: {  	[dreg:$0x4] =	wrdreg $0x9  }
0x29: {  	_ =	task.clear_ibuf [dreg:s7], $0x5FFFF;
	_ =	strace $0x90000049  }
0x2a: {  	s29 =	simm.s32 $0x9;
	_ =	strace $0x8000004B  }
0x2b: {  	_ =	swait.ge [sflag:s29], $0x1  }
0x2c: {  	[sflag:s29] =	ssyncadd.s32 $0xFFFFFFFF  }
0x2d: {  	_ =	strace $0x9000004B  }
0x2e: {  	_ =	sfence  }
0x2f: {  	s30 =	sld [smem:$0x0];
	_ =	sdelay $0x2  }
0x30: {  	s31 =	sshll.u32 s1, $0xD;
	s1 =	sshrl.u32 s1, $0x2  }
0x31: {  	s3 =	sand.u32 $0x4000, s31;
	s1 =	sadd.s32 s1, s30  }
0x32: {  	s0 =	sor.u32 s3, s0;
	s1 =	sshll.u32 s1, $0x11  }
0x33: {  	s0 =	sor.u32 s1, s0  }
0x34: {  	s0 =	sadd.s32 $0x8F2B, s0  }
0x35: {  	[sflag:s0] =	ssyncadd.remote.s32 $0x1  }
0x36: {  	_ =	sfence.sel $0xFFFF  }
0x37: {  	[dreg:$0x0] =	wrdreg $0xFFFFFFFF;
	(pc) =	sbr.abs _section_cstart, $3  }
0x38: {  	[dreg:$0x1] =	wrdreg $0xFFFFFFFF  }
0x39: {  	_ =	task.clear_ibuf [dreg:s7], $0x2FFFF;
	_ =	strace $0x9FFFFFFF  }
0x3a: {  	(tm) =	ssettm $0x7FFFFFFF  }
0x3b: {  	_ =	shalt  }
tec
execute0_lowered:
.L_overlay_start_1:
0x0: {  	(tag) =	ssettag $0x1  }
0x1: {  	s0 =	srdreg.scid  }
0x2: {  	s1 =	sshll.u32 s0, $0x4  }
0x3: {  	s0 =	stileid.u32;
	s1 =	sand.u32 $0x10, s1  }
0x4: {  	s1 =	sor.u32 s0, s1  }
0x5: {  	s6 =	rddreg [dreg:$0x0];
	s4 =	simm.s32 $0x1;
	s2 =	sshll.u32 s1, $0x7  }
0x6: {  	s7 =	simm.s32 $0x2;
	s12 =	simm.s32 $0x0;
	s1 =	ssub.s32 $0x4000, s2  }
0x7: {  	s8 =	simm.s32 $0x20000;
	s13 =	simm.s32 $0x0;
	s3 =	sand.u32 $0xF80, s1  }
0x8: {  	s9 =	simm.s32 $0x0;
	s5 =	sshrl.u32 s1, $0xC;
	p0 =	sne.s32 s3, $0x0  }
.Ltmp0:
0x9: {  	s1 =	rddreg [dreg:$0x2];
	s4 =	simm.s32 @!p0 $0x0;
	(pc) =	sbr.rel .LBB1_1-.Ltmp0, $4  }
0xa: {  	s11 =	simm.s32 $0x0;
	s3 =	rddreg [dreg:$0x1];
	s5 =	sadd.s32 s4, s5  }
0xb: {  	_ =	strace $0x8000004A;
	s4 =	simm.s32 $0x1;
	s5 =	smul.u32 $0x14, s5  }
0xc: {  	s6 =	sadd.s32 $0xC00, s6;
	s10 =	smov.u32 s2;
	[sflag:s4] =	ssyncpa.u1 $0x0  }
0xd: {  	p0 =	por $0x0, $0x0;
	[sflag:s7] =	ssyncpa.u1 $0x0;
	s7 =	sor.u32 $0x1, s5  }
.LBB1_4:
0xe: {  	s16 =	sshll.u32 s13, $0x3;
	s17 =	sand.u32 $0x78, s13  }
0xf: {  	s30 =	sand.u32 $0x1F800, s13;
	s12 =	sshll.u32 s12, $0x11;
	s16 =	sand.u32 $0x3C00, s16  }
0x10: {  	[tilespmem:s15+$0x810 ss:$0x81] =	vst.msk $0xffff, v2;
	s31 =	sand.u32 $0x7, s13;
	s16 =	sor.u32 s17, s16;
	s17 =	sadd.s32 s3, s30  }
0x11: {  	[tilespmem:s15+$0x1020 ss:$0x81] =	vst.msk $0xffff, v0;
	s13 =	sshll.u32 s31, $0x12;
	s12 =	sadd.s32 s12, s17;
	s16 =	sshrl.u32 s16, $0x3  }
0x12: {  	[tilespmem:s15+$0x0 ss:$0x81] =	vst.msk $0xffff, v1;
	s13 =	sor.u32 $0x400, s13;
	s12 =	sadd.s32 s16, s12  }
0x13: {  	[hbm4b:s12+s13] =	stream.strided.scatter [tilespmem:s14], [sflag:$0x2], $0x2000, s8, s13, $0x20;
	[tilespmem:$0x8080] =	vst v63  }
.LBB1_5:
0x14: {  	s14 =	sadd.s32 $0x1, s9  }
0x15: {  	s12 =	sadd.s32 $0x1000, s10;
	s16 =	smov.u32 s10;
	p2 =	sgt.s32 s14, $0x13  }
0x16: {  	s16 =	smov.u32 @p2 s12  }
0x17: {  	s14 =	simm.s32 @p2 $0x0;
	p2 =	sgt.s32 s16, $0x3FFF  }
0x18: {  	s16 =	smov.u32 @p2 s2;
	p2 =	sne.s32 s11, s7  }
.Ltmp1:
0x19: {  	p1 =	slt.u32 s11, $0x2;
	(pc) =	sbr.rel @!p2 .LBB1_6-.Ltmp1, $4  }
0x1a: {  	s15 =	simm.s32 @!p1 $0x2  }
0x1b: {  	s13 =	smov.u32 s10;
	p0 =	por !p0, !p0;
	_ =	swait.ge @!p1 [sflag:s15], $0x2000  }
0x1c: {  	s12 =	smov.u32 s9;
	[sflag:s15] =	ssyncset.done @!p1 $0x0;
	s9 =	smov.u32 s14  }
0x1d: {  	s11 =	sadd.s32 $0x1, s11;
	[sflag:s15] =	ssyncadd.s32 @!p1 $0xFFFFE000;
	s10 =	smov.u32 s16  }
.LBB1_1:
0x1e: {  	p1 =	sge.u32 s11, s5  }
0x1f: {  	s14 =	sand.u32 @!p1 $0x1FFFFFF, s9  }
0x20: {  	s15 =	smulhi.u32 @!p1 $0xAAAAAAB, s14;
	_ =	sdelay $0x1  }
0x21: {  	s15 =	smul.u32 @!p1 $0x18, s15  }
0x22: {  	s16 =	sxor.u32 @!p1 $0xFFFFFFFF, s11;
	s17 =	smul.u32 @!p1 $0x180, s10  }
0x23: {  	s31 =	sadd.s32 $0xFFFFFFFF, s11;
	s16 =	sshll.u32 @!p1 s16, $0xD;
	s14 =	ssub.s32 @!p1 s14, s15  }
0x24: {  	s15 =	sand.u32 @!p1 $0x2000, s16;
	s16 =	sadd.s32 @!p1 s6, s17;
	s14 =	sshll.u32 @!p1 s14, $0x4  }
0x25: {  	s17 =	simm.s32 @!p1 $0xC00;
	s14 =	sadd.s32 @!p1 s14, s16;
	s16 =	simm.s32 @!p1 $0x40  }
0x26: {  	[tilespmem:s15], [sflag:$0x1] =	stream.strided.gather @!p1 [hbm4b:s14+s16], $0x2000, s17, s16, $0x38;
	[tilespmem:$0x8080] =	vst v63  }
0x27: {  	p1 =	sge.u32 s31, s5  }
.Ltmp2:
0x28: {  	_ = 	snop;
	(pc) =	sbr.rel @p1 .LBB1_5-.Ltmp2, $1  }
0x29: {  	_ =	sdelay $0x3  }
0x2a: {  	s14 =	simm.s32 $0x1  }
0x2b: {  	_ =	swait.ge [sflag:s4], $0x2000;
	s14 =	simm.s32 @!p0 $0x0  }
0x2c: {  	[sflag:s4] =	ssyncset.done $0x0;
	s15 =	sshll.u32 s14, $0xD  }
0x2d: {  	[sflag:s4] =	ssyncadd.s32 $0xFFFFE000;
	s18 =	sor.u32 $0x20, s15  }
0x2e: {  	s14 =	smul.u32 $0x8100, s14;
	v3 =	vld [tilespmem:s18+$0x10]  }
0x2f: {  	s30 =	sand.u32 $0x1, s11;
	v2 =	vld [tilespmem:s18+$0xFFFFFFF0]  }
0x30: {  	s15 =	smul.u32 $0x8100, s30;
	s14 =	sshrl.u32 s14, $0x2;
	v0 =	vld [tilespmem:s18+$0x0]  }
0x31: {  	v1 =	vld [tilespmem:s18+$0xFFFFFFE0];
	s16 =	sor.u32 $0x4000, s14  }
0x32: {  	s31 =	sshrl.u32 s15, $0x2;
	s15 =	sadd.s32 $0x0, s16  }
0x33: {  	s17 =	simm.s32 $0x4;
	s18 =	sadd.s32 $0x40, s18;
	s14 =	sor.u32 $0x4000, s31;
	[tilespmem:s15+$0x1830 ss:$0x81] =	vst.msk $0xffff, v3  }
.LBB1_3:
0x34: {  	v3 =	vld [tilespmem:s18+$0x10];
	p1 =	sne.s32 s17, $0x1FC;
	[tilespmem:s15+$0x810 ss:$0x81] =	vst.msk $0xffff, v2;
	s19 =	smov.u32 s17;
	s17 =	sadd.s32 $0x4, s17  }
.Ltmp3:
0x35: {  	v2 =	vld [tilespmem:s18+$0xFFFFFFF0];
	[tilespmem:s15+$0x1020 ss:$0x81] =	vst.msk $0xffff, v0;
	(pc) =	sbr.rel @p1 .LBB1_3-.Ltmp3, $4  }
0x36: {  	v0 =	vld [tilespmem:s18+$0x0];
	[tilespmem:s15+$0x0 ss:$0x81] =	vst.msk $0xffff, v1  }
0x37: {  	s15 =	sshra.s32 s19, $0x2;
	v1 =	vld [tilespmem:s18+$0xFFFFFFE0]  }
0x38: {  	s15 =	sadd.s32 s15, s16  }
0x39: {  	s18 =	sadd.s32 $0x40, s18;
	[tilespmem:s15+$0x1830 ss:$0x81] =	vst.msk $0xffff, v3  }
.Ltmp4:
0x3a: {  	_ = 	snop;
	(pc) =	sbr.rel .LBB1_4-.Ltmp4, $1  }
0x3b: {  	_ =	sdelay $0x3  }
.LBB1_6:
0x3c: {  	_ =	sfence.sel $0x180000  }
0x3d: {  	s2 =	simm.s32 $0x1;
	[bflag:$0x0] =	sbarrier.arrive $0xFFFF  }
0x3e: {  	s31 =	simm.s32 $0x2;
	[sflag:s2] =	ssyncpa.u1 $0x1  }
0x3f: {  	[sflag:s31] =	ssyncpa.u1 $0x1  }
0x40: {  	p0 =	sne.s32 s0, $0x0;
	_ =	strace $0x9000004A  }
0x41: {  	s0 =	sadd.s32 @!p0 $0x100000, s1;
	[bflag:$0x2] =	sbarrier.arrive $0xFFFF  }
0x42: {  	[sflag:s0] =	ssyncadd.tile.s32 @!p0 $0x1;
	_ =	shalt  }
.Lfunc_end1:
_tile_overlayer_lowered:
.L_overlay_start_2:
0x43: {  	(tag) =	ssettag $0x2  }
0x44: {  	s0 =	rddreg [dreg:$0x0];
	s2 =	stileid.u32  }
0x45: {  	s1 =	rddreg [dreg:$0x1];
	p0 =	sne.s32 s2, $0x0  }
0x46: {  	s3 =	rddreg [dreg:$0x2];
	[bflag:$0x3] =	sbarrier.arrive $0xFFFF;
	s2 =	simm.s32 @!p0 $0x1C01  }
0x47: {  	[timem:s3], [sflag:s2] =	dma.local @!p0 [hbm:s0], s1  }
0x48: {  	s0 =	simm.s32 @!p0 $0x1  }
0x49: {  	_ =	swait.ge @!p0 [sflag:s0], s1  }
0x4a: {  	s1 =	ssub.s32 @!p0 $0x0, s1;
	[sflag:s0] =	ssyncset.done @!p0 $0x0  }
0x4b: {  	[sflag:s0] =	ssyncadd.s32 @!p0 s1  }
0x4c: {  	[bflag:$0x3] =	sbarrier.arrive $0xFFFF  }
0x4d: {  	_ =	shalt  }

</sc_bundles>
